<compile_context>
chip_gen: v7x
topology: tpu7x:2x2x1
jax: 0.10.2.dev20260603
libtpu: 0.0.44.dev20260713+nightly
codegen_flags: <defaults>
</compile_context>

<pallas_src>
import functools

import jax
import jax.numpy as jnp
from jax import lax
from jax.experimental import pallas as pl
from jax.experimental.pallas import tpu as pltpu
from jax.experimental.pallas import tpu_sc as plsc

B = 1024
V = 100000
NC = 2
NS = 16
L = 16
NW = NC * NS
PER_W = B // NW
CH = 128


def _body(probs_hbm, lbl_hbm, out_hbm, lbl_v, lbl_s, idx_v, val_v, flat_v,
          pick_v, part_v, red_v, slots_v, shared_slots, shared_red, sem):
    c = lax.axis_index("c")
    s = lax.axis_index("s")
    wid = s * NC + c
    base = wid * PER_W

    pltpu.sync_copy(lbl_hbm.at[pl.ds(base, PER_W)], lbl_v)
    for j in range(PER_W // L):
        lbls = lbl_v[pl.ds(j * L, L)]
        for t in range(L):
            lbl_s[j * L + t] = lbls[t]

    copies = []
    for k in range(PER_W):
        coff = (lbl_s[k] // CH) * CH
        copies.append(
            pltpu.async_copy(
                probs_hbm.at[pl.ds(base + (k // 8) * 8, 8),
                             pl.ds(coff, CH)],
                val_v.at[pl.ds(k * 8, 8), :], sem))
    for cp in copies:
        cp.wait()

    fbase = s * PER_W * CH
    for k in range(PER_W):
        pltpu.sync_copy(val_v.at[k * 8 + k % 8, :],
                        flat_v.at[pl.ds(fbase + k * CH, CH)])
    lane = lax.iota(jnp.int32, L)
    for j in range(PER_W // L):
        lbls = lbl_v[pl.ds(j * L, L)]
        idx_v[pl.ds(j * L, L)] = fbase + (j * L + lane) * CH + lbls % CH
    pltpu.async_copy(flat_v.at[idx_v], pick_v, sem).wait()

    acc = pick_v[pl.ds(0, L)]
    for j in range(1, PER_W // L):
        acc = acc + pick_v[pl.ds(j * L, L)]
    part_v[...] = acc * (-1.0 / B)

    pltpu.sync_copy(part_v, shared_slots.at[pl.ds(s * L, L)])
    plsc.subcore_barrier()

    @pl.when(s == 0)
    def _finish():
        pltpu.sync_copy(shared_slots, slots_v)
        acc = slots_v[pl.ds(0, L)]
        for r in range(1, NS):
            acc = acc + slots_v[pl.ds(r * L, L)]
        red_v[...] = jnp.zeros((L,), jnp.float32)
        pltpu.sync_copy(red_v, shared_red)
        red_v[...] = acc
        pltpu.sync_copy(red_v, shared_red.at[jnp.zeros((L,), jnp.int32)],
                        add=True)
        pltpu.sync_copy(shared_red, red_v)
        pltpu.sync_copy(red_v, out_hbm.at[c])


@jax.jit
def _sc_loss(probs, labels):
    out = pl.kernel(
        _body,
        out_type=jax.ShapeDtypeStruct((NC, L), jnp.float32),
        mesh=plsc.VectorSubcoreMesh(core_axis_name="c", subcore_axis_name="s"),
        compiler_params=pltpu.CompilerParams(use_tc_tiling_on_sc=True),
        scratch_types=[
            pltpu.VMEM((PER_W,), jnp.int32),
            pltpu.SMEM((PER_W,), jnp.int32),
            pltpu.VMEM((PER_W,), jnp.int32),
            pltpu.VMEM((PER_W * 8, CH), jnp.float32),
            pltpu.VMEM_SHARED((NS * PER_W * CH,), jnp.float32),
            pltpu.VMEM((PER_W,), jnp.float32),
            pltpu.VMEM((L,), jnp.float32),
            pltpu.VMEM((L,), jnp.float32),
            pltpu.VMEM((NS * L,), jnp.float32),
            pltpu.VMEM_SHARED((NS * L,), jnp.float32),
            pltpu.VMEM_SHARED((L,), jnp.float32),
            pltpu.SemaphoreType.DMA,
        ],
    )(probs, labels)
    return out[0, 0] + out[1, 0]


def kernel(probs, true_label):
    return _sc_loss(probs, true_label.astype(jnp.int32))

# --- scband reference (transcript-rebuilt; emitter-appended) ---
"""Pipeline reference for scband-aux-loss-74835510165932 (READ-ONLY COPY).

The authoritative reference and input builder live on the scoring server;
editing this copy changes nothing except your own understanding.
"""

import jax, jax.numpy as jnp
import numpy as np


def setup_inputs(seed: int = 0) -> dict:
    key = jax.random.key(seed)
    k1, k2 = jax.random.split(key)
    probs = jax.random.normal(k1, (1024, 100000), dtype=jnp.float32)
    true_label = jax.random.randint(k2, (1024,), 0, 100000, dtype=jnp.int64 if jax.config.jax_enable_x64 else jnp.int32)
    return {"probs": probs, "true_label": true_label}


def reference(probs, true_label):
    # gather probs[i, true_label[i]] for each row, sum, negate, mean over batch
    gathered = jnp.take_along_axis(probs, true_label[:, None], axis=1)
    loss = -jnp.sum(gathered)
    return loss / probs.shape[0]

if __name__ == "__main__":
    import jax
    _d = setup_inputs()
    print(jax.jit(kernel)(*tuple(_d.values())))

</pallas_src>

<mosaic_0001>
#map = affine_map<(d0, d1) -> (0, 0)>
#map1 = affine_map<(d0, d1) -> (0)>
module attributes {stable_mosaic.version = 14 : i64} {
  func.func @_body(%arg0: i32, %arg1: i32, %arg2: memref<1024x100000xf32, #tpu.memory_space<hbm>>, %arg3: memref<1024xi32, #tpu.memory_space<hbm>>, %arg4: memref<2x16xf32, #tpu.memory_space<hbm>>, %arg5: memref<32xi32, #tpu.memory_space<vmem>>, %arg6: memref<32xi32, #tpu.memory_space<smem>>, %arg7: memref<32xi32, #tpu.memory_space<vmem>>, %arg8: memref<256x128xf32, #tpu.memory_space<vmem>>, %arg9: memref<65536xf32, #tpu.memory_space<vmem_shared>>, %arg10: memref<32xf32, #tpu.memory_space<vmem>>, %arg11: memref<16xf32, #tpu.memory_space<vmem>>, %arg12: memref<16xf32, #tpu.memory_space<vmem>>, %arg13: memref<256xf32, #tpu.memory_space<vmem>>, %arg14: memref<256xf32, #tpu.memory_space<vmem_shared>>, %arg15: memref<16xf32, #tpu.memory_space<vmem_shared>>, %arg16: memref<!tpu.dma_semaphore, #tpu.memory_space<semaphore_mem>>) attributes {dimension_semantics = [#tpu.dimension_semantics<core_parallel>, #tpu.dimension_semantics<subcore_parallel>], iteration_bounds = array<i64: 2, 16>, scalar_prefetch = 0 : i64, scratch_operands = 12 : i64, tpu.core_type = #tpu.core_type<sc_vector_subcore>, window_params = [{transform_indices = #map}, {transform_indices = #map1}, {transform_indices = #map}]} {
    %mul3A = arith.constant 2 : i32
    %mul3A_0 = arith.muli %arg1, %mul3A : i32
    %add3A = arith.addi %mul3A_0, %arg0 : i32
    %mul3A_1 = arith.constant 32 : i32
    %mul3A_2 = arith.muli %add3A, %mul3A_1 : i32
    "tpu.region"() ({
      %run_scoped3A_1855 = tpu.sem_alloc : memref<!tpu.dma_semaphore, #tpu.memory_space<semaphore_mem>>
      %dma_start3A_1856 = tpu.memref_slice %arg3[%mul3A_2] : memref<1024xi32, #tpu.memory_space<hbm>> -> memref<32xi32, #tpu.memory_space<hbm>>
      %dma_start3A_1857 = tpu.memref_slice %arg3[%mul3A_2] : memref<1024xi32, #tpu.memory_space<hbm>> -> memref<32xi32, #tpu.memory_space<hbm>>
      tpu.enqueue_dma source(%dma_start3A_1857 : memref<32xi32, #tpu.memory_space<hbm>>) target(%arg5 : memref<32xi32, #tpu.memory_space<vmem>>) target_semaphore(%run_scoped3A_1855 : memref<!tpu.dma_semaphore, #tpu.memory_space<semaphore_mem>>)
      %dma_wait3A_1858 = tpu.memref_slice %arg3[%mul3A_2] : memref<1024xi32, #tpu.memory_space<hbm>> -> memref<32xi32, #tpu.memory_space<hbm>>
      %dma_wait3A_1859 = tpu.memref_slice %arg3[%mul3A_2] : memref<1024xi32, #tpu.memory_space<hbm>> -> memref<32xi32, #tpu.memory_space<hbm>>
      tpu.wait_dma2 semaphore(%run_scoped3A_1855 : memref<!tpu.dma_semaphore, #tpu.memory_space<semaphore_mem>>) src(%dma_wait3A_1859 : memref<32xi32, #tpu.memory_space<hbm>>) dst(%arg5 : memref<32xi32, #tpu.memory_space<vmem>>)
      tpu.yield
    }) : () -> ()
    %get3A = arith.constant 0 : index
    %get3A_3 = tpu.vector_load %arg5[%get3A] {strides = array<i32>} : memref<32xi32, #tpu.memory_space<vmem>>, vector<16xi32>,
    %get3A_4 = vector.shape_cast %get3A_3 : vector<16xi32> to vector<16xi32>
    %slice3A = vector.extract_strided_slice %get3A_4 {offsets = [0], sizes = [1], strides = [1]} : vector<16xi32> to vector<1xi32>
    %squeeze3A = vector.extract %slice3A[0] : i32 from vector<1xi32>
    %swap3A = arith.constant 0 : i32
    %swap3A_5 = arith.index_cast %swap3A : i32 to index
    %swap3A_6 = memref.load %arg6[%swap3A_5] : memref<32xi32, #tpu.memory_space<smem>>
    memref.store %squeeze3A, %arg6[%swap3A_5] : memref<32xi32, #tpu.memory_space<smem>>
    %slice3A_7 = vector.extract_strided_slice %get3A_4 {offsets = [1], sizes = [1], strides = [1]} : vector<16xi32> to vector<1xi32>
    %squeeze3A_8 = vector.extract %slice3A_7[0] : i32 from vector<1xi32>
    %swap3A_9 = arith.constant 1 : i32
    %swap3A_10 = arith.index_cast %swap3A_9 : i32 to index
    %swap3A_11 = memref.load %arg6[%swap3A_10] : memref<32xi32, #tpu.memory_space<smem>>
    memref.store %squeeze3A_8, %arg6[%swap3A_10] : memref<32xi32, #tpu.memory_space<smem>>
    %slice3A_12 = vector.extract_strided_slice %get3A_4 {offsets = [2], sizes = [1], strides = [1]} : vector<16xi32> to vector<1xi32>
    %squeeze3A_13 = vector.extract %slice3A_12[0] : i32 from vector<1xi32>
    %swap3A_14 = arith.constant 2 : i32
    %swap3A_15 = arith.index_cast %swap3A_14 : i32 to index
    %swap3A_16 = memref.load %arg6[%swap3A_15] : memref<32xi32, #tpu.memory_space<smem>>
    memref.store %squeeze3A_13, %arg6[%swap3A_15] : memref<32xi32, #tpu.memory_space<smem>>
    %slice3A_17 = vector.extract_strided_slice %get3A_4 {offsets = [3], sizes = [1], strides = [1]} : vector<16xi32> to vector<1xi32>
    %squeeze3A_18 = vector.extract %slice3A_17[0] : i32 from vector<1xi32>
    %swap3A_19 = arith.constant 3 : i32
    %swap3A_20 = arith.index_cast %swap3A_19 : i32 to index
    %swap3A_21 = memref.load %arg6[%swap3A_20] : memref<32xi32, #tpu.memory_space<smem>>
    memref.store %squeeze3A_18, %arg6[%swap3A_20] : memref<32xi32, #tpu.memory_space<smem>>
    %slice3A_22 = vector.extract_strided_slice %get3A_4 {offsets = [4], sizes = [1], strides = [1]} : vector<16xi32> to vector<1xi32>
    %squeeze3A_23 = vector.extract %slice3A_22[0] : i32 from vector<1xi32>
    %swap3A_24 = arith.constant 4 : i32
    %swap3A_25 = arith.index_cast %swap3A_24 : i32 to index
    %swap3A_26 = memref.load %arg6[%swap3A_25] : memref<32xi32, #tpu.memory_space<smem>>
    memref.store %squeeze3A_23, %arg6[%swap3A_25] : memref<32xi32, #tpu.memory_space<smem>>
    %slice3A_27 = vector.extract_strided_slice %get3A_4 {offsets = [5], sizes = [1], strides = [1]} : vector<16xi32> to vector<1xi32>
    %squeeze3A_28 = vector.extract %slice3A_27[0] : i32 from vector<1xi32>
    %swap3A_29 = arith.constant 5 : i32
    %swap3A_30 = arith.index_cast %swap3A_29 : i32 to index
    %swap3A_31 = memref.load %arg6[%swap3A_30] : memref<32xi32, #tpu.memory_space<smem>>
    memref.store %squeeze3A_28, %arg6[%swap3A_30] : memref<32xi32, #tpu.memory_space<smem>>
    %slice3A_32 = vector.extract_strided_slice %get3A_4 {offsets = [6], sizes = [1], strides = [1]} : vector<16xi32> to vector<1xi32>
    %squeeze3A_33 = vector.extract %slice3A_32[0] : i32 from vector<1xi32>
    %swap3A_34 = arith.constant 6 : i32
    %swap3A_35 = arith.index_cast %swap3A_34 : i32 to index
    %swap3A_36 = memref.load %arg6[%swap3A_35] : memref<32xi32, #tpu.memory_space<smem>>
    memref.store %squeeze3A_33, %arg6[%swap3A_35] : memref<32xi32, #tpu.memory_space<smem>>
    %slice3A_37 = vector.extract_strided_slice %get3A_4 {offsets = [7], sizes = [1], strides = [1]} : vector<16xi32> to vector<1xi32>
    %squeeze3A_38 = vector.extract %slice3A_37[0] : i32 from vector<1xi32>
    %swap3A_39 = arith.constant 7 : i32
    %swap3A_40 = arith.index_cast %swap3A_39 : i32 to index
    %swap3A_41 = memref.load %arg6[%swap3A_40] : memref<32xi32, #tpu.memory_space<smem>>
    memref.store %squeeze3A_38, %arg6[%swap3A_40] : memref<32xi32, #tpu.memory_space<smem>>
    %slice3A_42 = vector.extract_strided_slice %get3A_4 {offsets = [8], sizes = [1], strides = [1]} : vector<16xi32> to vector<1xi32>
    %squeeze3A_43 = vector.extract %slice3A_42[0] : i32 from vector<1xi32>
    %swap3A_44 = arith.constant 8 : i32
    %swap3A_45 = arith.index_cast %swap3A_44 : i32 to index
    %swap3A_46 = memref.load %arg6[%swap3A_45] : memref<32xi32, #tpu.memory_space<smem>>
    memref.store %squeeze3A_43, %arg6[%swap3A_45] : memref<32xi32, #tpu.memory_space<smem>>
    %slice3A_47 = vector.extract_strided_slice %get3A_4 {offsets = [9], sizes = [1], strides = [1]} : vector<16xi32> to vector<1xi32>
    %squeeze3A_48 = vector.extract %slice3A_47[0] : i32 from vector<1xi32>
    %swap3A_49 = arith.constant 9 : i32
    %swap3A_50 = arith.index_cast %swap3A_49 : i32 to index
    %swap3A_51 = memref.load %arg6[%swap3A_50] : memref<32xi32, #tpu.memory_space<smem>>
    memref.store %squeeze3A_48, %arg6[%swap3A_50] : memref<32xi32, #tpu.memory_space<smem>>
    %slice3A_52 = vector.extract_strided_slice %get3A_4 {offsets = [10], sizes = [1], strides = [1]} : vector<16xi32> to vector<1xi32>
    %squeeze3A_53 = vector.extract %slice3A_52[0] : i32 from vector<1xi32>
    %swap3A_54 = arith.constant 10 : i32
    %swap3A_55 = arith.index_cast %swap3A_54 : i32 to index
    %swap3A_56 = memref.load %arg6[%swap3A_55] : memref<32xi32, #tpu.memory_space<smem>>
    memref.store %squeeze3A_53, %arg6[%swap3A_55] : memref<32xi32, #tpu.memory_space<smem>>
    %slice3A_57 = vector.extract_strided_slice %get3A_4 {offsets = [11], sizes = [1], strides = [1]} : vector<16xi32> to vector<1xi32>
    %squeeze3A_58 = vector.extract %slice3A_57[0] : i32 from vector<1xi32>
    %swap3A_59 = arith.constant 11 : i32
    %swap3A_60 = arith.index_cast %swap3A_59 : i32 to index
    %swap3A_61 = memref.load %arg6[%swap3A_60] : memref<32xi32, #tpu.memory_space<smem>>
    memref.store %squeeze3A_58, %arg6[%swap3A_60] : memref<32xi32, #tpu.memory_space<smem>>
    %slice3A_62 = vector.extract_strided_slice %get3A_4 {offsets = [12], sizes = [1], strides = [1]} : vector<16xi32> to vector<1xi32>
    %squeeze3A_63 = vector.extract %slice3A_62[0] : i32 from vector<1xi32>
    %swap3A_64 = arith.constant 12 : i32
    %swap3A_65 = arith.index_cast %swap3A_64 : i32 to index
    %swap3A_66 = memref.load %arg6[%swap3A_65] : memref<32xi32, #tpu.memory_space<smem>>
    memref.store %squeeze3A_63, %arg6[%swap3A_65] : memref<32xi32, #tpu.memory_space<smem>>
    %slice3A_67 = vector.extract_strided_slice %get3A_4 {offsets = [13], sizes = [1], strides = [1]} : vector<16xi32> to vector<1xi32>
    %squeeze3A_68 = vector.extract %slice3A_67[0] : i32 from vector<1xi32>
    %swap3A_69 = arith.constant 13 : i32
    %swap3A_70 = arith.index_cast %swap3A_69 : i32 to index
    %swap3A_71 = memref.load %arg6[%swap3A_70] : memref<32xi32, #tpu.memory_space<smem>>
    memref.store %squeeze3A_68, %arg6[%swap3A_70] : memref<32xi32, #tpu.memory_space<smem>>
    %slice3A_72 = vector.extract_strided_slice %get3A_4 {offsets = [14], sizes = [1], strides = [1]} : vector<16xi32> to vector<1xi32>
    %squeeze3A_73 = vector.extract %slice3A_72[0] : i32 from vector<1xi32>
    %swap3A_74 = arith.constant 14 : i32
    %swap3A_75 = arith.index_cast %swap3A_74 : i32 to index
    %swap3A_76 = memref.load %arg6[%swap3A_75] : memref<32xi32, #tpu.memory_space<smem>>
    memref.store %squeeze3A_73, %arg6[%swap3A_75] : memref<32xi32, #tpu.memory_space<smem>>
    %slice3A_77 = vector.extract_strided_slice %get3A_4 {offsets = [15], sizes = [1], strides = [1]} : vector<16xi32> to vector<1xi32>
    %squeeze3A_78 = vector.extract %slice3A_77[0] : i32 from vector<1xi32>
    %swap3A_79 = arith.constant 15 : i32
    %swap3A_80 = arith.index_cast %swap3A_79 : i32 to index
    %swap3A_81 = memref.load %arg6[%swap3A_80] : memref<32xi32, #tpu.memory_space<smem>>
    memref.store %squeeze3A_78, %arg6[%swap3A_80] : memref<32xi32, #tpu.memory_space<smem>>
    %get3A_82 = arith.constant 16 : index
    %get3A_83 = tpu.vector_load %arg5[%get3A_82] {strides = array<i32>} : memref<32xi32, #tpu.memory_space<vmem>>, vector<16xi32>,
    %get3A_84 = vector.shape_cast %get3A_83 : vector<16xi32> to vector<16xi32>
    %slice3A_85 = vector.extract_strided_slice %get3A_84 {offsets = [0], sizes = [1], strides = [1]} : vector<16xi32> to vector<1xi32>
    %squeeze3A_86 = vector.extract %slice3A_85[0] : i32 from vector<1xi32>
    %swap3A_87 = arith.constant 16 : i32
    %swap3A_88 = arith.index_cast %swap3A_87 : i32 to index
    %swap3A_89 = memref.load %arg6[%swap3A_88] : memref<32xi32, #tpu.memory_space<smem>>
    memref.store %squeeze3A_86, %arg6[%swap3A_88] : memref<32xi32, #tpu.memory_space<smem>>
    %slice3A_90 = vector.extract_strided_slice %get3A_84 {offsets = [1], sizes = [1], strides = [1]} : vector<16xi32> to vector<1xi32>
    %squeeze3A_91 = vector.extract %slice3A_90[0] : i32 from vector<1xi32>
    %swap3A_92 = arith.constant 17 : i32
    %swap3A_93 = arith.index_cast %swap3A_92 : i32 to index
    %swap3A_94 = memref.load %arg6[%swap3A_93] : memref<32xi32, #tpu.memory_space<smem>>
    memref.store %squeeze3A_91, %arg6[%swap3A_93] : memref<32xi32, #tpu.memory_space<smem>>
    %slice3A_95 = vector.extract_strided_slice %get3A_84 {offsets = [2], sizes = [1], strides = [1]} : vector<16xi32> to vector<1xi32>
    %squeeze3A_96 = vector.extract %slice3A_95[0] : i32 from vector<1xi32>
    %swap3A_97 = arith.constant 18 : i32
    %swap3A_98 = arith.index_cast %swap3A_97 : i32 to index
    %swap3A_99 = memref.load %arg6[%swap3A_98] : memref<32xi32, #tpu.memory_space<smem>>
    memref.store %squeeze3A_96, %arg6[%swap3A_98] : memref<32xi32, #tpu.memory_space<smem>>
    %slice3A_100 = vector.extract_strided_slice %get3A_84 {offsets = [3], sizes = [1], strides = [1]} : vector<16xi32> to vector<1xi32>
    %squeeze3A_101 = vector.extract %slice3A_100[0] : i32 from vector<1xi32>
    %swap3A_102 = arith.constant 19 : i32
    %swap3A_103 = arith.index_cast %swap3A_102 : i32 to index
    %swap3A_104 = memref.load %arg6[%swap3A_103] : memref<32xi32, #tpu.memory_space<smem>>
    memref.store %squeeze3A_101, %arg6[%swap3A_103] : memref<32xi32, #tpu.memory_space<smem>>
    %slice3A_105 = vector.extract_strided_slice %get3A_84 {offsets = [4], sizes = [1], strides = [1]} : vector<16xi32> to vector<1xi32>
    %squeeze3A_106 = vector.extract %slice3A_105[0] : i32 from vector<1xi32>
    %swap3A_107 = arith.constant 20 : i32
    %swap3A_108 = arith.index_cast %swap3A_107 : i32 to index
    %swap3A_109 = memref.load %arg6[%swap3A_108] : memref<32xi32, #tpu.memory_space<smem>>
    memref.store %squeeze3A_106, %arg6[%swap3A_108] : memref<32xi32, #tpu.memory_space<smem>>
    %slice3A_110 = vector.extract_strided_slice %get3A_84 {offsets = [5], sizes = [1], strides = [1]} : vector<16xi32> to vector<1xi32>
    %squeeze3A_111 = vector.extract %slice3A_110[0] : i32 from vector<1xi32>
    %swap3A_112 = arith.constant 21 : i32
    %swap3A_113 = arith.index_cast %swap3A_112 : i32 to index
    %swap3A_114 = memref.load %arg6[%swap3A_113] : memref<32xi32, #tpu.memory_space<smem>>
    memref.store %squeeze3A_111, %arg6[%swap3A_113] : memref<32xi32, #tpu.memory_space<smem>>
    %slice3A_115 = vector.extract_strided_slice %get3A_84 {offsets = [6], sizes = [1], strides = [1]} : vector<16xi32> to vector<1xi32>
    %squeeze3A_116 = vector.extract %slice3A_115[0] : i32 from vector<1xi32>
    %swap3A_117 = arith.constant 22 : i32
    %swap3A_118 = arith.index_cast %swap3A_117 : i32 to index
    %swap3A_119 = memref.load %arg6[%swap3A_118] : memref<32xi32, #tpu.memory_space<smem>>
    memref.store %squeeze3A_116, %arg6[%swap3A_118] : memref<32xi32, #tpu.memory_space<smem>>
    %slice3A_120 = vector.extract_strided_slice %get3A_84 {offsets = [7], sizes = [1], strides = [1]} : vector<16xi32> to vector<1xi32>
    %squeeze3A_121 = vector.extract %slice3A_120[0] : i32 from vector<1xi32>
    %swap3A_122 = arith.constant 23 : i32
    %swap3A_123 = arith.index_cast %swap3A_122 : i32 to index
    %swap3A_124 = memref.load %arg6[%swap3A_123] : memref<32xi32, #tpu.memory_space<smem>>
    memref.store %squeeze3A_121, %arg6[%swap3A_123] : memref<32xi32, #tpu.memory_space<smem>>
    %slice3A_125 = vector.extract_strided_slice %get3A_84 {offsets = [8], sizes = [1], strides = [1]} : vector<16xi32> to vector<1xi32>
    %squeeze3A_126 = vector.extract %slice3A_125[0] : i32 from vector<1xi32>
    %swap3A_127 = arith.constant 24 : i32
    %swap3A_128 = arith.index_cast %swap3A_127 : i32 to index
    %swap3A_129 = memref.load %arg6[%swap3A_128] : memref<32xi32, #tpu.memory_space<smem>>
    memref.store %squeeze3A_126, %arg6[%swap3A_128] : memref<32xi32, #tpu.memory_space<smem>>
    %slice3A_130 = vector.extract_strided_slice %get3A_84 {offsets = [9], sizes = [1], strides = [1]} : vector<16xi32> to vector<1xi32>
    %squeeze3A_131 = vector.extract %slice3A_130[0] : i32 from vector<1xi32>
    %swap3A_132 = arith.constant 25 : i32
    %swap3A_133 = arith.index_cast %swap3A_132 : i32 to index
    %swap3A_134 = memref.load %arg6[%swap3A_133] : memref<32xi32, #tpu.memory_space<smem>>
    memref.store %squeeze3A_131, %arg6[%swap3A_133] : memref<32xi32, #tpu.memory_space<smem>>
    %slice3A_135 = vector.extract_strided_slice %get3A_84 {offsets = [10], sizes = [1], strides = [1]} : vector<16xi32> to vector<1xi32>
    %squeeze3A_136 = vector.extract %slice3A_135[0] : i32 from vector<1xi32>
    %swap3A_137 = arith.constant 26 : i32
    %swap3A_138 = arith.index_cast %swap3A_137 : i32 to index
    %swap3A_139 = memref.load %arg6[%swap3A_138] : memref<32xi32, #tpu.memory_space<smem>>
    memref.store %squeeze3A_136, %arg6[%swap3A_138] : memref<32xi32, #tpu.memory_space<smem>>
    %slice3A_140 = vector.extract_strided_slice %get3A_84 {offsets = [11], sizes = [1], strides = [1]} : vector<16xi32> to vector<1xi32>
    %squeeze3A_141 = vector.extract %slice3A_140[0] : i32 from vector<1xi32>
    %swap3A_142 = arith.constant 27 : i32
    %swap3A_143 = arith.index_cast %swap3A_142 : i32 to index
    %swap3A_144 = memref.load %arg6[%swap3A_143] : memref<32xi32, #tpu.memory_space<smem>>
    memref.store %squeeze3A_141, %arg6[%swap3A_143] : memref<32xi32, #tpu.memory_space<smem>>
    %slice3A_145 = vector.extract_strided_slice %get3A_84 {offsets = [12], sizes = [1], strides = [1]} : vector<16xi32> to vector<1xi32>
    %squeeze3A_146 = vector.extract %slice3A_145[0] : i32 from vector<1xi32>
    %swap3A_147 = arith.constant 28 : i32
    %swap3A_148 = arith.index_cast %swap3A_147 : i32 to index
    %swap3A_149 = memref.load %arg6[%swap3A_148] : memref<32xi32, #tpu.memory_space<smem>>
    memref.store %squeeze3A_146, %arg6[%swap3A_148] : memref<32xi32, #tpu.memory_space<smem>>
    %slice3A_150 = vector.extract_strided_slice %get3A_84 {offsets = [13], sizes = [1], strides = [1]} : vector<16xi32> to vector<1xi32>
    %squeeze3A_151 = vector.extract %slice3A_150[0] : i32 from vector<1xi32>
    %swap3A_152 = arith.constant 29 : i32
    %swap3A_153 = arith.index_cast %swap3A_152 : i32 to index
    %swap3A_154 = memref.load %arg6[%swap3A_153] : memref<32xi32, #tpu.memory_space<smem>>
    memref.store %squeeze3A_151, %arg6[%swap3A_153] : memref<32xi32, #tpu.memory_space<smem>>
    %slice3A_155 = vector.extract_strided_slice %get3A_84 {offsets = [14], sizes = [1], strides = [1]} : vector<16xi32> to vector<1xi32>
    %squeeze3A_156 = vector.extract %slice3A_155[0] : i32 from vector<1xi32>
    %swap3A_157 = arith.constant 30 : i32
    %swap3A_158 = arith.index_cast %swap3A_157 : i32 to index
    %swap3A_159 = memref.load %arg6[%swap3A_158] : memref<32xi32, #tpu.memory_space<smem>>
    memref.store %squeeze3A_156, %arg6[%swap3A_158] : memref<32xi32, #tpu.memory_space<smem>>
    %slice3A_160 = vector.extract_strided_slice %get3A_84 {offsets = [15], sizes = [1], strides = [1]} : vector<16xi32> to vector<1xi32>
    %squeeze3A_161 = vector.extract %slice3A_160[0] : i32 from vector<1xi32>
    %swap3A_162 = arith.constant 31 : i32
    %swap3A_163 = arith.index_cast %swap3A_162 : i32 to index
    %swap3A_164 = memref.load %arg6[%swap3A_163] : memref<32xi32, #tpu.memory_space<smem>>
    memref.store %squeeze3A_161, %arg6[%swap3A_163] : memref<32xi32, #tpu.memory_space<smem>>
    %get3A_165 = arith.constant 0 : i32
    %get3A_166 = arith.index_cast %get3A_165 : i32 to index
    %get3A_167 = memref.load %arg6[%get3A_166] : memref<32xi32, #tpu.memory_space<smem>>
    %jit3A = arith.constant 128 : i32
    %div3A = arith.divsi %get3A_167, %jit3A : i32
    %sign3A = arith.constant 0 : i32
    %sign3A_168 = arith.cmpi sgt, %get3A_167, %sign3A : i32
    %sign3A_169 = arith.extui %sign3A_168 : i1 to i32
    %sign3A_170 = arith.constant 0 : i32
    %sign3A_171 = arith.cmpi slt, %get3A_167, %sign3A_170 : i32
    %sign3A_172 = arith.extui %sign3A_171 : i1 to i32
    %sign3A_173 = arith.subi %sign3A_169, %sign3A_172 : i32
    %sign3A_174 = arith.constant 0 : i32
    %sign3A_175 = arith.cmpi sgt, %jit3A, %sign3A_174 : i32
    %sign3A_176 = arith.extui %sign3A_175 : i1 to i32
    %sign3A_177 = arith.constant 0 : i32
    %sign3A_178 = arith.cmpi slt, %jit3A, %sign3A_177 : i32
    %sign3A_179 = arith.extui %sign3A_178 : i1 to i32
    %sign3A_180 = arith.subi %sign3A_176, %sign3A_179 : i32
    %ne3A = arith.cmpi ne, %sign3A_173, %sign3A_180 : i32
    %rem3A = arith.remsi %get3A_167, %jit3A : i32
    %ne3A_181 = arith.constant 0 : i32
    %ne3A_182 = arith.cmpi ne, %rem3A, %ne3A_181 : i32
    %and3A = arith.andi %ne3A, %ne3A_182 : i1
    %sub3A = arith.constant 1 : i32
    %sub3A_183 = arith.subi %div3A, %sub3A : i32
    %select_n3A = arith.select %and3A, %sub3A_183, %div3A : i32
    %mul3A_184 = arith.constant 128 : i32
    %mul3A_185 = arith.muli %select_n3A, %mul3A_184 : i32
    %add3A_186 = arith.constant 0 : i32
    %add3A_187 = arith.addi %mul3A_2, %add3A_186 : i32
    %dma_start3A = arith.constant 0 : i32
    %dma_start3A_188 = arith.constant 0 : i32
    %dma_start3A_189 = tpu.memref_slice %arg8[%dma_start3A, %dma_start3A_188] : memref<256x128xf32, #tpu.memory_space<vmem>> -> memref<8x128xf32, #tpu.memory_space<vmem>>
    %dma_start3A_190 = tpu.memref_slice %arg2[%add3A_187, %mul3A_185] : memref<1024x100000xf32, #tpu.memory_space<hbm>> -> memref<8x128xf32, #tpu.memory_space<hbm>>
    %dma_start3A_191 = arith.constant 0 : i32
    %dma_start3A_192 = arith.constant 0 : i32
    %dma_start3A_193 = tpu.memref_slice %arg8[%dma_start3A_191, %dma_start3A_192] : memref<256x128xf32, #tpu.memory_space<vmem>> -> memref<8x128xf32, #tpu.memory_space<vmem>>
    %dma_start3A_194 = tpu.memref_slice %arg2[%add3A_187, %mul3A_185] : memref<1024x100000xf32, #tpu.memory_space<hbm>> -> memref<8x128xf32, #tpu.memory_space<hbm>>
    tpu.enqueue_dma source(%dma_start3A_194 : memref<8x128xf32, #tpu.memory_space<hbm>>) target(%dma_start3A_193 : memref<8x128xf32, #tpu.memory_space<vmem>>) target_semaphore(%arg16 : memref<!tpu.dma_semaphore, #tpu.memory_space<semaphore_mem>>)
    %get3A_195 = arith.constant 1 : i32
    %get3A_196 = arith.index_cast %get3A_195 : i32 to index
    %get3A_197 = memref.load %arg6[%get3A_196] : memref<32xi32, #tpu.memory_space<smem>>
    %jit3A_198 = arith.constant 128 : i32
    %div3A_199 = arith.divsi %get3A_197, %jit3A_198 : i32
    %sign3A_200 = arith.constant 0 : i32
    %sign3A_201 = arith.cmpi sgt, %get3A_197, %sign3A_200 : i32
    %sign3A_202 = arith.extui %sign3A_201 : i1 to i32
    %sign3A_203 = arith.constant 0 : i32
    %sign3A_204 = arith.cmpi slt, %get3A_197, %sign3A_203 : i32
    %sign3A_205 = arith.extui %sign3A_204 : i1 to i32
    %sign3A_206 = arith.subi %sign3A_202, %sign3A_205 : i32
    %sign3A_207 = arith.constant 0 : i32
    %sign3A_208 = arith.cmpi sgt, %jit3A_198, %sign3A_207 : i32
    %sign3A_209 = arith.extui %sign3A_208 : i1 to i32
    %sign3A_210 = arith.constant 0 : i32
    %sign3A_211 = arith.cmpi slt, %jit3A_198, %sign3A_210 : i32
    %sign3A_212 = arith.extui %sign3A_211 : i1 to i32
    %sign3A_213 = arith.subi %sign3A_209, %sign3A_212 : i32
    %ne3A_214 = arith.cmpi ne, %sign3A_206, %sign3A_213 : i32
    %rem3A_215 = arith.remsi %get3A_197, %jit3A_198 : i32
    %ne3A_216 = arith.constant 0 : i32
    %ne3A_217 = arith.cmpi ne, %rem3A_215, %ne3A_216 : i32
    %and3A_218 = arith.andi %ne3A_214, %ne3A_217 : i1
    %sub3A_219 = arith.constant 1 : i32
    %sub3A_220 = arith.subi %div3A_199, %sub3A_219 : i32
    %select_n3A_221 = arith.select %and3A_218, %sub3A_220, %div3A_199 : i32
    %mul3A_222 = arith.constant 128 : i32
    %mul3A_223 = arith.muli %select_n3A_221, %mul3A_222 : i32
    %add3A_224 = arith.constant 0 : i32
    %add3A_225 = arith.addi %mul3A_2, %add3A_224 : i32
    %dma_start3A_226 = arith.constant 8 : i32
    %dma_start3A_227 = arith.constant 0 : i32
    %dma_start3A_228 = tpu.memref_slice %arg8[%dma_start3A_226, %dma_start3A_227] : memref<256x128xf32, #tpu.memory_space<vmem>> -> memref<8x128xf32, #tpu.memory_space<vmem>>
    %dma_start3A_229 = tpu.memref_slice %arg2[%add3A_225, %mul3A_223] : memref<1024x100000xf32, #tpu.memory_space<hbm>> -> memref<8x128xf32, #tpu.memory_space<hbm>>
    %dma_start3A_230 = arith.constant 8 : i32
    %dma_start3A_231 = arith.constant 0 : i32
    %dma_start3A_232 = tpu.memref_slice %arg8[%dma_start3A_230, %dma_start3A_231] : memref<256x128xf32, #tpu.memory_space<vmem>> -> memref<8x128xf32, #tpu.memory_space<vmem>>
    %dma_start3A_233 = tpu.memref_slice %arg2[%add3A_225, %mul3A_223] : memref<1024x100000xf32, #tpu.memory_space<hbm>> -> memref<8x128xf32, #tpu.memory_space<hbm>>
    tpu.enqueue_dma source(%dma_start3A_233 : memref<8x128xf32, #tpu.memory_space<hbm>>) target(%dma_start3A_232 : memref<8x128xf32, #tpu.memory_space<vmem>>) target_semaphore(%arg16 : memref<!tpu.dma_semaphore, #tpu.memory_space<semaphore_mem>>)
    %get3A_234 = arith.constant 2 : i32
    %get3A_235 = arith.index_cast %get3A_234 : i32 to index
    %get3A_236 = memref.load %arg6[%get3A_235] : memref<32xi32, #tpu.memory_space<smem>>
    %jit3A_237 = arith.constant 128 : i32
    %div3A_238 = arith.divsi %get3A_236, %jit3A_237 : i32
    %sign3A_239 = arith.constant 0 : i32
    %sign3A_240 = arith.cmpi sgt, %get3A_236, %sign3A_239 : i32
    %sign3A_241 = arith.extui %sign3A_240 : i1 to i32
    %sign3A_242 = arith.constant 0 : i32
    %sign3A_243 = arith.cmpi slt, %get3A_236, %sign3A_242 : i32
    %sign3A_244 = arith.extui %sign3A_243 : i1 to i32
    %sign3A_245 = arith.subi %sign3A_241, %sign3A_244 : i32
    %sign3A_246 = arith.constant 0 : i32
    %sign3A_247 = arith.cmpi sgt, %jit3A_237, %sign3A_246 : i32
    %sign3A_248 = arith.extui %sign3A_247 : i1 to i32
    %sign3A_249 = arith.constant 0 : i32
    %sign3A_250 = arith.cmpi slt, %jit3A_237, %sign3A_249 : i32
    %sign3A_251 = arith.extui %sign3A_250 : i1 to i32
    %sign3A_252 = arith.subi %sign3A_248, %sign3A_251 : i32
    %ne3A_253 = arith.cmpi ne, %sign3A_245, %sign3A_252 : i32
    %rem3A_254 = arith.remsi %get3A_236, %jit3A_237 : i32
    %ne3A_255 = arith.constant 0 : i32
    %ne3A_256 = arith.cmpi ne, %rem3A_254, %ne3A_255 : i32
    %and3A_257 = arith.andi %ne3A_253, %ne3A_256 : i1
    %sub3A_258 = arith.constant 1 : i32
    %sub3A_259 = arith.subi %div3A_238, %sub3A_258 : i32
    %select_n3A_260 = arith.select %and3A_257, %sub3A_259, %div3A_238 : i32
    %mul3A_261 = arith.constant 128 : i32
    %mul3A_262 = arith.muli %select_n3A_260, %mul3A_261 : i32
    %add3A_263 = arith.constant 0 : i32
    %add3A_264 = arith.addi %mul3A_2, %add3A_263 : i32
    %dma_start3A_265 = arith.constant 16 : i32
    %dma_start3A_266 = arith.constant 0 : i32
    %dma_start3A_267 = tpu.memref_slice %arg8[%dma_start3A_265, %dma_start3A_266] : memref<256x128xf32, #tpu.memory_space<vmem>> -> memref<8x128xf32, #tpu.memory_space<vmem>>
    %dma_start3A_268 = tpu.memref_slice %arg2[%add3A_264, %mul3A_262] : memref<1024x100000xf32, #tpu.memory_space<hbm>> -> memref<8x128xf32, #tpu.memory_space<hbm>>
    %dma_start3A_269 = arith.constant 16 : i32
    %dma_start3A_270 = arith.constant 0 : i32
    %dma_start3A_271 = tpu.memref_slice %arg8[%dma_start3A_269, %dma_start3A_270] : memref<256x128xf32, #tpu.memory_space<vmem>> -> memref<8x128xf32, #tpu.memory_space<vmem>>
    %dma_start3A_272 = tpu.memref_slice %arg2[%add3A_264, %mul3A_262] : memref<1024x100000xf32, #tpu.memory_space<hbm>> -> memref<8x128xf32, #tpu.memory_space<hbm>>
    tpu.enqueue_dma source(%dma_start3A_272 : memref<8x128xf32, #tpu.memory_space<hbm>>) target(%dma_start3A_271 : memref<8x128xf32, #tpu.memory_space<vmem>>) target_semaphore(%arg16 : memref<!tpu.dma_semaphore, #tpu.memory_space<semaphore_mem>>)
    %get3A_273 = arith.constant 3 : i32
    %get3A_274 = arith.index_cast %get3A_273 : i32 to index
    %get3A_275 = memref.load %arg6[%get3A_274] : memref<32xi32, #tpu.memory_space<smem>>
    %jit3A_276 = arith.constant 128 : i32
    %div3A_277 = arith.divsi %get3A_275, %jit3A_276 : i32
    %sign3A_278 = arith.constant 0 : i32
    %sign3A_279 = arith.cmpi sgt, %get3A_275, %sign3A_278 : i32
    %sign3A_280 = arith.extui %sign3A_279 : i1 to i32
    %sign3A_281 = arith.constant 0 : i32
    %sign3A_282 = arith.cmpi slt, %get3A_275, %sign3A_281 : i32
    %sign3A_283 = arith.extui %sign3A_282 : i1 to i32
    %sign3A_284 = arith.subi %sign3A_280, %sign3A_283 : i32
    %sign3A_285 = arith.constant 0 : i32
    %sign3A_286 = arith.cmpi sgt, %jit3A_276, %sign3A_285 : i32
    %sign3A_287 = arith.extui %sign3A_286 : i1 to i32
    %sign3A_288 = arith.constant 0 : i32
    %sign3A_289 = arith.cmpi slt, %jit3A_276, %sign3A_288 : i32
    %sign3A_290 = arith.extui %sign3A_289 : i1 to i32
    %sign3A_291 = arith.subi %sign3A_287, %sign3A_290 : i32
    %ne3A_292 = arith.cmpi ne, %sign3A_284, %sign3A_291 : i32
    %rem3A_293 = arith.remsi %get3A_275, %jit3A_276 : i32
    %ne3A_294 = arith.constant 0 : i32
    %ne3A_295 = arith.cmpi ne, %rem3A_293, %ne3A_294 : i32
    %and3A_296 = arith.andi %ne3A_292, %ne3A_295 : i1
    %sub3A_297 = arith.constant 1 : i32
    %sub3A_298 = arith.subi %div3A_277, %sub3A_297 : i32
    %select_n3A_299 = arith.select %and3A_296, %sub3A_298, %div3A_277 : i32
    %mul3A_300 = arith.constant 128 : i32
    %mul3A_301 = arith.muli %select_n3A_299, %mul3A_300 : i32
    %add3A_302 = arith.constant 0 : i32
    %add3A_303 = arith.addi %mul3A_2, %add3A_302 : i32
    %dma_start3A_304 = arith.constant 24 : i32
    %dma_start3A_305 = arith.constant 0 : i32
    %dma_start3A_306 = tpu.memref_slice %arg8[%dma_start3A_304, %dma_start3A_305] : memref<256x128xf32, #tpu.memory_space<vmem>> -> memref<8x128xf32, #tpu.memory_space<vmem>>
    %dma_start3A_307 = tpu.memref_slice %arg2[%add3A_303, %mul3A_301] : memref<1024x100000xf32, #tpu.memory_space<hbm>> -> memref<8x128xf32, #tpu.memory_space<hbm>>
    %dma_start3A_308 = arith.constant 24 : i32
    %dma_start3A_309 = arith.constant 0 : i32
    %dma_start3A_310 = tpu.memref_slice %arg8[%dma_start3A_308, %dma_start3A_309] : memref<256x128xf32, #tpu.memory_space<vmem>> -> memref<8x128xf32, #tpu.memory_space<vmem>>
    %dma_start3A_311 = tpu.memref_slice %arg2[%add3A_303, %mul3A_301] : memref<1024x100000xf32, #tpu.memory_space<hbm>> -> memref<8x128xf32, #tpu.memory_space<hbm>>
    tpu.enqueue_dma source(%dma_start3A_311 : memref<8x128xf32, #tpu.memory_space<hbm>>) target(%dma_start3A_310 : memref<8x128xf32, #tpu.memory_space<vmem>>) target_semaphore(%arg16 : memref<!tpu.dma_semaphore, #tpu.memory_space<semaphore_mem>>)
    %get3A_312 = arith.constant 4 : i32
    %get3A_313 = arith.index_cast %get3A_312 : i32 to index
    %get3A_314 = memref.load %arg6[%get3A_313] : memref<32xi32, #tpu.memory_space<smem>>
    %jit3A_315 = arith.constant 128 : i32
    %div3A_316 = arith.divsi %get3A_314, %jit3A_315 : i32
    %sign3A_317 = arith.constant 0 : i32
    %sign3A_318 = arith.cmpi sgt, %get3A_314, %sign3A_317 : i32
    %sign3A_319 = arith.extui %sign3A_318 : i1 to i32
    %sign3A_320 = arith.constant 0 : i32
    %sign3A_321 = arith.cmpi slt, %get3A_314, %sign3A_320 : i32
    %sign3A_322 = arith.extui %sign3A_321 : i1 to i32
    %sign3A_323 = arith.subi %sign3A_319, %sign3A_322 : i32
    %sign3A_324 = arith.constant 0 : i32
    %sign3A_325 = arith.cmpi sgt, %jit3A_315, %sign3A_324 : i32
    %sign3A_326 = arith.extui %sign3A_325 : i1 to i32
    %sign3A_327 = arith.constant 0 : i32
    %sign3A_328 = arith.cmpi slt, %jit3A_315, %sign3A_327 : i32
    %sign3A_329 = arith.extui %sign3A_328 : i1 to i32
    %sign3A_330 = arith.subi %sign3A_326, %sign3A_329 : i32
    %ne3A_331 = arith.cmpi ne, %sign3A_323, %sign3A_330 : i32
    %rem3A_332 = arith.remsi %get3A_314, %jit3A_315 : i32
    %ne3A_333 = arith.constant 0 : i32
    %ne3A_334 = arith.cmpi ne, %rem3A_332, %ne3A_333 : i32
    %and3A_335 = arith.andi %ne3A_331, %ne3A_334 : i1
    %sub3A_336 = arith.constant 1 : i32
    %sub3A_337 = arith.subi %div3A_316, %sub3A_336 : i32
    %select_n3A_338 = arith.select %and3A_335, %sub3A_337, %div3A_316 : i32
    %mul3A_339 = arith.constant 128 : i32
    %mul3A_340 = arith.muli %select_n3A_338, %mul3A_339 : i32
    %add3A_341 = arith.constant 0 : i32
    %add3A_342 = arith.addi %mul3A_2, %add3A_341 : i32
    %dma_start3A_343 = arith.constant 32 : i32
    %dma_start3A_344 = arith.constant 0 : i32
    %dma_start3A_345 = tpu.memref_slice %arg8[%dma_start3A_343, %dma_start3A_344] : memref<256x128xf32, #tpu.memory_space<vmem>> -> memref<8x128xf32, #tpu.memory_space<vmem>>
    %dma_start3A_346 = tpu.memref_slice %arg2[%add3A_342, %mul3A_340] : memref<1024x100000xf32, #tpu.memory_space<hbm>> -> memref<8x128xf32, #tpu.memory_space<hbm>>
    %dma_start3A_347 = arith.constant 32 : i32
    %dma_start3A_348 = arith.constant 0 : i32
    %dma_start3A_349 = tpu.memref_slice %arg8[%dma_start3A_347, %dma_start3A_348] : memref<256x128xf32, #tpu.memory_space<vmem>> -> memref<8x128xf32, #tpu.memory_space<vmem>>
    %dma_start3A_350 = tpu.memref_slice %arg2[%add3A_342, %mul3A_340] : memref<1024x100000xf32, #tpu.memory_space<hbm>> -> memref<8x128xf32, #tpu.memory_space<hbm>>
    tpu.enqueue_dma source(%dma_start3A_350 : memref<8x128xf32, #tpu.memory_space<hbm>>) target(%dma_start3A_349 : memref<8x128xf32, #tpu.memory_space<vmem>>) target_semaphore(%arg16 : memref<!tpu.dma_semaphore, #tpu.memory_space<semaphore_mem>>)
    %get3A_351 = arith.constant 5 : i32
    %get3A_352 = arith.index_cast %get3A_351 : i32 to index
    %get3A_353 = memref.load %arg6[%get3A_352] : memref<32xi32, #tpu.memory_space<smem>>
    %jit3A_354 = arith.constant 128 : i32
    %div3A_355 = arith.divsi %get3A_353, %jit3A_354 : i32
    %sign3A_356 = arith.constant 0 : i32
    %sign3A_357 = arith.cmpi sgt, %get3A_353, %sign3A_356 : i32
    %sign3A_358 = arith.extui %sign3A_357 : i1 to i32
    %sign3A_359 = arith.constant 0 : i32
    %sign3A_360 = arith.cmpi slt, %get3A_353, %sign3A_359 : i32
    %sign3A_361 = arith.extui %sign3A_360 : i1 to i32
    %sign3A_362 = arith.subi %sign3A_358, %sign3A_361 : i32
    %sign3A_363 = arith.constant 0 : i32
    %sign3A_364 = arith.cmpi sgt, %jit3A_354, %sign3A_363 : i32
    %sign3A_365 = arith.extui %sign3A_364 : i1 to i32
    %sign3A_366 = arith.constant 0 : i32
    %sign3A_367 = arith.cmpi slt, %jit3A_354, %sign3A_366 : i32
    %sign3A_368 = arith.extui %sign3A_367 : i1 to i32
    %sign3A_369 = arith.subi %sign3A_365, %sign3A_368 : i32
    %ne3A_370 = arith.cmpi ne, %sign3A_362, %sign3A_369 : i32
    %rem3A_371 = arith.remsi %get3A_353, %jit3A_354 : i32
    %ne3A_372 = arith.constant 0 : i32
    %ne3A_373 = arith.cmpi ne, %rem3A_371, %ne3A_372 : i32
    %and3A_374 = arith.andi %ne3A_370, %ne3A_373 : i1
    %sub3A_375 = arith.constant 1 : i32
    %sub3A_376 = arith.subi %div3A_355, %sub3A_375 : i32
    %select_n3A_377 = arith.select %and3A_374, %sub3A_376, %div3A_355 : i32
    %mul3A_378 = arith.constant 128 : i32
    %mul3A_379 = arith.muli %select_n3A_377, %mul3A_378 : i32
    %add3A_380 = arith.constant 0 : i32
    %add3A_381 = arith.addi %mul3A_2, %add3A_380 : i32
    %dma_start3A_382 = arith.constant 40 : i32
    %dma_start3A_383 = arith.constant 0 : i32
    %dma_start3A_384 = tpu.memref_slice %arg8[%dma_start3A_382, %dma_start3A_383] : memref<256x128xf32, #tpu.memory_space<vmem>> -> memref<8x128xf32, #tpu.memory_space<vmem>>
    %dma_start3A_385 = tpu.memref_slice %arg2[%add3A_381, %mul3A_379] : memref<1024x100000xf32, #tpu.memory_space<hbm>> -> memref<8x128xf32, #tpu.memory_space<hbm>>
    %dma_start3A_386 = arith.constant 40 : i32
    %dma_start3A_387 = arith.constant 0 : i32
    %dma_start3A_388 = tpu.memref_slice %arg8[%dma_start3A_386, %dma_start3A_387] : memref<256x128xf32, #tpu.memory_space<vmem>> -> memref<8x128xf32, #tpu.memory_space<vmem>>
    %dma_start3A_389 = tpu.memref_slice %arg2[%add3A_381, %mul3A_379] : memref<1024x100000xf32, #tpu.memory_space<hbm>> -> memref<8x128xf32, #tpu.memory_space<hbm>>
    tpu.enqueue_dma source(%dma_start3A_389 : memref<8x128xf32, #tpu.memory_space<hbm>>) target(%dma_start3A_388 : memref<8x128xf32, #tpu.memory_space<vmem>>) target_semaphore(%arg16 : memref<!tpu.dma_semaphore, #tpu.memory_space<semaphore_mem>>)
    %get3A_390 = arith.constant 6 : i32
    %get3A_391 = arith.index_cast %get3A_390 : i32 to index
    %get3A_392 = memref.load %arg6[%get3A_391] : memref<32xi32, #tpu.memory_space<smem>>
    %jit3A_393 = arith.constant 128 : i32
    %div3A_394 = arith.divsi %get3A_392, %jit3A_393 : i32
    %sign3A_395 = arith.constant 0 : i32
    %sign3A_396 = arith.cmpi sgt, %get3A_392, %sign3A_395 : i32
    %sign3A_397 = arith.extui %sign3A_396 : i1 to i32
    %sign3A_398 = arith.constant 0 : i32
    %sign3A_399 = arith.cmpi slt, %get3A_392, %sign3A_398 : i32
    %sign3A_400 = arith.extui %sign3A_399 : i1 to i32
    %sign3A_401 = arith.subi %sign3A_397, %sign3A_400 : i32
    %sign3A_402 = arith.constant 0 : i32
    %sign3A_403 = arith.cmpi sgt, %jit3A_393, %sign3A_402 : i32
    %sign3A_404 = arith.extui %sign3A_403 : i1 to i32
    %sign3A_405 = arith.constant 0 : i32
    %sign3A_406 = arith.cmpi slt, %jit3A_393, %sign3A_405 : i32
    %sign3A_407 = arith.extui %sign3A_406 : i1 to i32
    %sign3A_408 = arith.subi %sign3A_404, %sign3A_407 : i32
    %ne3A_409 = arith.cmpi ne, %sign3A_401, %sign3A_408 : i32
    %rem3A_410 = arith.remsi %get3A_392, %jit3A_393 : i32
    %ne3A_411 = arith.constant 0 : i32
    %ne3A_412 = arith.cmpi ne, %rem3A_410, %ne3A_411 : i32
    %and3A_413 = arith.andi %ne3A_409, %ne3A_412 : i1
    %sub3A_414 = arith.constant 1 : i32
    %sub3A_415 = arith.subi %div3A_394, %sub3A_414 : i32
    %select_n3A_416 = arith.select %and3A_413, %sub3A_415, %div3A_394 : i32
    %mul3A_417 = arith.constant 128 : i32
    %mul3A_418 = arith.muli %select_n3A_416, %mul3A_417 : i32
    %add3A_419 = arith.constant 0 : i32
    %add3A_420 = arith.addi %mul3A_2, %add3A_419 : i32
    %dma_start3A_421 = arith.constant 48 : i32
    %dma_start3A_422 = arith.constant 0 : i32
    %dma_start3A_423 = tpu.memref_slice %arg8[%dma_start3A_421, %dma_start3A_422] : memref<256x128xf32, #tpu.memory_space<vmem>> -> memref<8x128xf32, #tpu.memory_space<vmem>>
    %dma_start3A_424 = tpu.memref_slice %arg2[%add3A_420, %mul3A_418] : memref<1024x100000xf32, #tpu.memory_space<hbm>> -> memref<8x128xf32, #tpu.memory_space<hbm>>
    %dma_start3A_425 = arith.constant 48 : i32
    %dma_start3A_426 = arith.constant 0 : i32
    %dma_start3A_427 = tpu.memref_slice %arg8[%dma_start3A_425, %dma_start3A_426] : memref<256x128xf32, #tpu.memory_space<vmem>> -> memref<8x128xf32, #tpu.memory_space<vmem>>
    %dma_start3A_428 = tpu.memref_slice %arg2[%add3A_420, %mul3A_418] : memref<1024x100000xf32, #tpu.memory_space<hbm>> -> memref<8x128xf32, #tpu.memory_space<hbm>>
    tpu.enqueue_dma source(%dma_start3A_428 : memref<8x128xf32, #tpu.memory_space<hbm>>) target(%dma_start3A_427 : memref<8x128xf32, #tpu.memory_space<vmem>>) target_semaphore(%arg16 : memref<!tpu.dma_semaphore, #tpu.memory_space<semaphore_mem>>)
    %get3A_429 = arith.constant 7 : i32
    %get3A_430 = arith.index_cast %get3A_429 : i32 to index
    %get3A_431 = memref.load %arg6[%get3A_430] : memref<32xi32, #tpu.memory_space<smem>>
    %jit3A_432 = arith.constant 128 : i32
    %div3A_433 = arith.divsi %get3A_431, %jit3A_432 : i32
    %sign3A_434 = arith.constant 0 : i32
    %sign3A_435 = arith.cmpi sgt, %get3A_431, %sign3A_434 : i32
    %sign3A_436 = arith.extui %sign3A_435 : i1 to i32
    %sign3A_437 = arith.constant 0 : i32
    %sign3A_438 = arith.cmpi slt, %get3A_431, %sign3A_437 : i32
    %sign3A_439 = arith.extui %sign3A_438 : i1 to i32
    %sign3A_440 = arith.subi %sign3A_436, %sign3A_439 : i32
    %sign3A_441 = arith.constant 0 : i32
    %sign3A_442 = arith.cmpi sgt, %jit3A_432, %sign3A_441 : i32
    %sign3A_443 = arith.extui %sign3A_442 : i1 to i32
    %sign3A_444 = arith.constant 0 : i32
    %sign3A_445 = arith.cmpi slt, %jit3A_432, %sign3A_444 : i32
    %sign3A_446 = arith.extui %sign3A_445 : i1 to i32
    %sign3A_447 = arith.subi %sign3A_443, %sign3A_446 : i32
    %ne3A_448 = arith.cmpi ne, %sign3A_440, %sign3A_447 : i32
    %rem3A_449 = arith.remsi %get3A_431, %jit3A_432 : i32
    %ne3A_450 = arith.constant 0 : i32
    %ne3A_451 = arith.cmpi ne, %rem3A_449, %ne3A_450 : i32
    %and3A_452 = arith.andi %ne3A_448, %ne3A_451 : i1
    %sub3A_453 = arith.constant 1 : i32
    %sub3A_454 = arith.subi %div3A_433, %sub3A_453 : i32
    %select_n3A_455 = arith.select %and3A_452, %sub3A_454, %div3A_433 : i32
    %mul3A_456 = arith.constant 128 : i32
    %mul3A_457 = arith.muli %select_n3A_455, %mul3A_456 : i32
    %add3A_458 = arith.constant 0 : i32
    %add3A_459 = arith.addi %mul3A_2, %add3A_458 : i32
    %dma_start3A_460 = arith.constant 56 : i32
    %dma_start3A_461 = arith.constant 0 : i32
    %dma_start3A_462 = tpu.memref_slice %arg8[%dma_start3A_460, %dma_start3A_461] : memref<256x128xf32, #tpu.memory_space<vmem>> -> memref<8x128xf32, #tpu.memory_space<vmem>>
    %dma_start3A_463 = tpu.memref_slice %arg2[%add3A_459, %mul3A_457] : memref<1024x100000xf32, #tpu.memory_space<hbm>> -> memref<8x128xf32, #tpu.memory_space<hbm>>
    %dma_start3A_464 = arith.constant 56 : i32
    %dma_start3A_465 = arith.constant 0 : i32
    %dma_start3A_466 = tpu.memref_slice %arg8[%dma_start3A_464, %dma_start3A_465] : memref<256x128xf32, #tpu.memory_space<vmem>> -> memref<8x128xf32, #tpu.memory_space<vmem>>
    %dma_start3A_467 = tpu.memref_slice %arg2[%add3A_459, %mul3A_457] : memref<1024x100000xf32, #tpu.memory_space<hbm>> -> memref<8x128xf32, #tpu.memory_space<hbm>>
    tpu.enqueue_dma source(%dma_start3A_467 : memref<8x128xf32, #tpu.memory_space<hbm>>) target(%dma_start3A_466 : memref<8x128xf32, #tpu.memory_space<vmem>>) target_semaphore(%arg16 : memref<!tpu.dma_semaphore, #tpu.memory_space<semaphore_mem>>)
    %get3A_468 = arith.constant 8 : i32
    %get3A_469 = arith.index_cast %get3A_468 : i32 to index
    %get3A_470 = memref.load %arg6[%get3A_469] : memref<32xi32, #tpu.memory_space<smem>>
    %jit3A_471 = arith.constant 128 : i32
    %div3A_472 = arith.divsi %get3A_470, %jit3A_471 : i32
    %sign3A_473 = arith.constant 0 : i32
    %sign3A_474 = arith.cmpi sgt, %get3A_470, %sign3A_473 : i32
    %sign3A_475 = arith.extui %sign3A_474 : i1 to i32
    %sign3A_476 = arith.constant 0 : i32
    %sign3A_477 = arith.cmpi slt, %get3A_470, %sign3A_476 : i32
    %sign3A_478 = arith.extui %sign3A_477 : i1 to i32
    %sign3A_479 = arith.subi %sign3A_475, %sign3A_478 : i32
    %sign3A_480 = arith.constant 0 : i32
    %sign3A_481 = arith.cmpi sgt, %jit3A_471, %sign3A_480 : i32
    %sign3A_482 = arith.extui %sign3A_481 : i1 to i32
    %sign3A_483 = arith.constant 0 : i32
    %sign3A_484 = arith.cmpi slt, %jit3A_471, %sign3A_483 : i32
    %sign3A_485 = arith.extui %sign3A_484 : i1 to i32
    %sign3A_486 = arith.subi %sign3A_482, %sign3A_485 : i32
    %ne3A_487 = arith.cmpi ne, %sign3A_479, %sign3A_486 : i32
    %rem3A_488 = arith.remsi %get3A_470, %jit3A_471 : i32
    %ne3A_489 = arith.constant 0 : i32
    %ne3A_490 = arith.cmpi ne, %rem3A_488, %ne3A_489 : i32
    %and3A_491 = arith.andi %ne3A_487, %ne3A_490 : i1
    %sub3A_492 = arith.constant 1 : i32
    %sub3A_493 = arith.subi %div3A_472, %sub3A_492 : i32
    %select_n3A_494 = arith.select %and3A_491, %sub3A_493, %div3A_472 : i32
    %mul3A_495 = arith.constant 128 : i32
    %mul3A_496 = arith.muli %select_n3A_494, %mul3A_495 : i32
    %add3A_497 = arith.constant 8 : i32
    %add3A_498 = arith.addi %mul3A_2, %add3A_497 : i32
    %dma_start3A_499 = arith.constant 64 : i32
    %dma_start3A_500 = arith.constant 0 : i32
    %dma_start3A_501 = tpu.memref_slice %arg8[%dma_start3A_499, %dma_start3A_500] : memref<256x128xf32, #tpu.memory_space<vmem>> -> memref<8x128xf32, #tpu.memory_space<vmem>>
    %dma_start3A_502 = tpu.memref_slice %arg2[%add3A_498, %mul3A_496] : memref<1024x100000xf32, #tpu.memory_space<hbm>> -> memref<8x128xf32, #tpu.memory_space<hbm>>
    %dma_start3A_503 = arith.constant 64 : i32
    %dma_start3A_504 = arith.constant 0 : i32
    %dma_start3A_505 = tpu.memref_slice %arg8[%dma_start3A_503, %dma_start3A_504] : memref<256x128xf32, #tpu.memory_space<vmem>> -> memref<8x128xf32, #tpu.memory_space<vmem>>
    %dma_start3A_506 = tpu.memref_slice %arg2[%add3A_498, %mul3A_496] : memref<1024x100000xf32, #tpu.memory_space<hbm>> -> memref<8x128xf32, #tpu.memory_space<hbm>>
    tpu.enqueue_dma source(%dma_start3A_506 : memref<8x128xf32, #tpu.memory_space<hbm>>) target(%dma_start3A_505 : memref<8x128xf32, #tpu.memory_space<vmem>>) target_semaphore(%arg16 : memref<!tpu.dma_semaphore, #tpu.memory_space<semaphore_mem>>)
    %get3A_507 = arith.constant 9 : i32
    %get3A_508 = arith.index_cast %get3A_507 : i32 to index
    %get3A_509 = memref.load %arg6[%get3A_508] : memref<32xi32, #tpu.memory_space<smem>>
    %jit3A_510 = arith.constant 128 : i32
    %div3A_511 = arith.divsi %get3A_509, %jit3A_510 : i32
    %sign3A_512 = arith.constant 0 : i32
    %sign3A_513 = arith.cmpi sgt, %get3A_509, %sign3A_512 : i32
    %sign3A_514 = arith.extui %sign3A_513 : i1 to i32
    %sign3A_515 = arith.constant 0 : i32
    %sign3A_516 = arith.cmpi slt, %get3A_509, %sign3A_515 : i32
    %sign3A_517 = arith.extui %sign3A_516 : i1 to i32
    %sign3A_518 = arith.subi %sign3A_514, %sign3A_517 : i32
    %sign3A_519 = arith.constant 0 : i32
    %sign3A_520 = arith.cmpi sgt, %jit3A_510, %sign3A_519 : i32
    %sign3A_521 = arith.extui %sign3A_520 : i1 to i32
    %sign3A_522 = arith.constant 0 : i32
    %sign3A_523 = arith.cmpi slt, %jit3A_510, %sign3A_522 : i32
    %sign3A_524 = arith.extui %sign3A_523 : i1 to i32
    %sign3A_525 = arith.subi %sign3A_521, %sign3A_524 : i32
    %ne3A_526 = arith.cmpi ne, %sign3A_518, %sign3A_525 : i32
    %rem3A_527 = arith.remsi %get3A_509, %jit3A_510 : i32
    %ne3A_528 = arith.constant 0 : i32
    %ne3A_529 = arith.cmpi ne, %rem3A_527, %ne3A_528 : i32
    %and3A_530 = arith.andi %ne3A_526, %ne3A_529 : i1
    %sub3A_531 = arith.constant 1 : i32
    %sub3A_532 = arith.subi %div3A_511, %sub3A_531 : i32
    %select_n3A_533 = arith.select %and3A_530, %sub3A_532, %div3A_511 : i32
    %mul3A_534 = arith.constant 128 : i32
    %mul3A_535 = arith.muli %select_n3A_533, %mul3A_534 : i32
    %add3A_536 = arith.constant 8 : i32
    %add3A_537 = arith.addi %mul3A_2, %add3A_536 : i32
    %dma_start3A_538 = arith.constant 72 : i32
    %dma_start3A_539 = arith.constant 0 : i32
    %dma_start3A_540 = tpu.memref_slice %arg8[%dma_start3A_538, %dma_start3A_539] : memref<256x128xf32, #tpu.memory_space<vmem>> -> memref<8x128xf32, #tpu.memory_space<vmem>>
    %dma_start3A_541 = tpu.memref_slice %arg2[%add3A_537, %mul3A_535] : memref<1024x100000xf32, #tpu.memory_space<hbm>> -> memref<8x128xf32, #tpu.memory_space<hbm>>
    %dma_start3A_542 = arith.constant 72 : i32
    %dma_start3A_543 = arith.constant 0 : i32
    %dma_start3A_544 = tpu.memref_slice %arg8[%dma_start3A_542, %dma_start3A_543] : memref<256x128xf32, #tpu.memory_space<vmem>> -> memref<8x128xf32, #tpu.memory_space<vmem>>
    %dma_start3A_545 = tpu.memref_slice %arg2[%add3A_537, %mul3A_535] : memref<1024x100000xf32, #tpu.memory_space<hbm>> -> memref<8x128xf32, #tpu.memory_space<hbm>>
    tpu.enqueue_dma source(%dma_start3A_545 : memref<8x128xf32, #tpu.memory_space<hbm>>) target(%dma_start3A_544 : memref<8x128xf32, #tpu.memory_space<vmem>>) target_semaphore(%arg16 : memref<!tpu.dma_semaphore, #tpu.memory_space<semaphore_mem>>)
    %get3A_546 = arith.constant 10 : i32
    %get3A_547 = arith.index_cast %get3A_546 : i32 to index
    %get3A_548 = memref.load %arg6[%get3A_547] : memref<32xi32, #tpu.memory_space<smem>>
    %jit3A_549 = arith.constant 128 : i32
    %div3A_550 = arith.divsi %get3A_548, %jit3A_549 : i32
    %sign3A_551 = arith.constant 0 : i32
    %sign3A_552 = arith.cmpi sgt, %get3A_548, %sign3A_551 : i32
    %sign3A_553 = arith.extui %sign3A_552 : i1 to i32
    %sign3A_554 = arith.constant 0 : i32
    %sign3A_555 = arith.cmpi slt, %get3A_548, %sign3A_554 : i32
    %sign3A_556 = arith.extui %sign3A_555 : i1 to i32
    %sign3A_557 = arith.subi %sign3A_553, %sign3A_556 : i32
    %sign3A_558 = arith.constant 0 : i32
    %sign3A_559 = arith.cmpi sgt, %jit3A_549, %sign3A_558 : i32
    %sign3A_560 = arith.extui %sign3A_559 : i1 to i32
    %sign3A_561 = arith.constant 0 : i32
    %sign3A_562 = arith.cmpi slt, %jit3A_549, %sign3A_561 : i32
    %sign3A_563 = arith.extui %sign3A_562 : i1 to i32
    %sign3A_564 = arith.subi %sign3A_560, %sign3A_563 : i32
    %ne3A_565 = arith.cmpi ne, %sign3A_557, %sign3A_564 : i32
    %rem3A_566 = arith.remsi %get3A_548, %jit3A_549 : i32
    %ne3A_567 = arith.constant 0 : i32
    %ne3A_568 = arith.cmpi ne, %rem3A_566, %ne3A_567 : i32
    %and3A_569 = arith.andi %ne3A_565, %ne3A_568 : i1
    %sub3A_570 = arith.constant 1 : i32
    %sub3A_571 = arith.subi %div3A_550, %sub3A_570 : i32
    %select_n3A_572 = arith.select %and3A_569, %sub3A_571, %div3A_550 : i32
    %mul3A_573 = arith.constant 128 : i32
    %mul3A_574 = arith.muli %select_n3A_572, %mul3A_573 : i32
    %add3A_575 = arith.constant 8 : i32
    %add3A_576 = arith.addi %mul3A_2, %add3A_575 : i32
    %dma_start3A_577 = arith.constant 80 : i32
    %dma_start3A_578 = arith.constant 0 : i32
    %dma_start3A_579 = tpu.memref_slice %arg8[%dma_start3A_577, %dma_start3A_578] : memref<256x128xf32, #tpu.memory_space<vmem>> -> memref<8x128xf32, #tpu.memory_space<vmem>>
    %dma_start3A_580 = tpu.memref_slice %arg2[%add3A_576, %mul3A_574] : memref<1024x100000xf32, #tpu.memory_space<hbm>> -> memref<8x128xf32, #tpu.memory_space<hbm>>
    %dma_start3A_581 = arith.constant 80 : i32
    %dma_start3A_582 = arith.constant 0 : i32
    %dma_start3A_583 = tpu.memref_slice %arg8[%dma_start3A_581, %dma_start3A_582] : memref<256x128xf32, #tpu.memory_space<vmem>> -> memref<8x128xf32, #tpu.memory_space<vmem>>
    %dma_start3A_584 = tpu.memref_slice %arg2[%add3A_576, %mul3A_574] : memref<1024x100000xf32, #tpu.memory_space<hbm>> -> memref<8x128xf32, #tpu.memory_space<hbm>>
    tpu.enqueue_dma source(%dma_start3A_584 : memref<8x128xf32, #tpu.memory_space<hbm>>) target(%dma_start3A_583 : memref<8x128xf32, #tpu.memory_space<vmem>>) target_semaphore(%arg16 : memref<!tpu.dma_semaphore, #tpu.memory_space<semaphore_mem>>)
    %get3A_585 = arith.constant 11 : i32
    %get3A_586 = arith.index_cast %get3A_585 : i32 to index
    %get3A_587 = memref.load %arg6[%get3A_586] : memref<32xi32, #tpu.memory_space<smem>>
    %jit3A_588 = arith.constant 128 : i32
    %div3A_589 = arith.divsi %get3A_587, %jit3A_588 : i32
    %sign3A_590 = arith.constant 0 : i32
    %sign3A_591 = arith.cmpi sgt, %get3A_587, %sign3A_590 : i32
    %sign3A_592 = arith.extui %sign3A_591 : i1 to i32
    %sign3A_593 = arith.constant 0 : i32
    %sign3A_594 = arith.cmpi slt, %get3A_587, %sign3A_593 : i32
    %sign3A_595 = arith.extui %sign3A_594 : i1 to i32
    %sign3A_596 = arith.subi %sign3A_592, %sign3A_595 : i32
    %sign3A_597 = arith.constant 0 : i32
    %sign3A_598 = arith.cmpi sgt, %jit3A_588, %sign3A_597 : i32
    %sign3A_599 = arith.extui %sign3A_598 : i1 to i32
    %sign3A_600 = arith.constant 0 : i32
    %sign3A_601 = arith.cmpi slt, %jit3A_588, %sign3A_600 : i32
    %sign3A_602 = arith.extui %sign3A_601 : i1 to i32
    %sign3A_603 = arith.subi %sign3A_599, %sign3A_602 : i32
    %ne3A_604 = arith.cmpi ne, %sign3A_596, %sign3A_603 : i32
    %rem3A_605 = arith.remsi %get3A_587, %jit3A_588 : i32
    %ne3A_606 = arith.constant 0 : i32
    %ne3A_607 = arith.cmpi ne, %rem3A_605, %ne3A_606 : i32
    %and3A_608 = arith.andi %ne3A_604, %ne3A_607 : i1
    %sub3A_609 = arith.constant 1 : i32
    %sub3A_610 = arith.subi %div3A_589, %sub3A_609 : i32
    %select_n3A_611 = arith.select %and3A_608, %sub3A_610, %div3A_589 : i32
    %mul3A_612 = arith.constant 128 : i32
    %mul3A_613 = arith.muli %select_n3A_611, %mul3A_612 : i32
    %add3A_614 = arith.constant 8 : i32
    %add3A_615 = arith.addi %mul3A_2, %add3A_614 : i32
    %dma_start3A_616 = arith.constant 88 : i32
    %dma_start3A_617 = arith.constant 0 : i32
    %dma_start3A_618 = tpu.memref_slice %arg8[%dma_start3A_616, %dma_start3A_617] : memref<256x128xf32, #tpu.memory_space<vmem>> -> memref<8x128xf32, #tpu.memory_space<vmem>>
    %dma_start3A_619 = tpu.memref_slice %arg2[%add3A_615, %mul3A_613] : memref<1024x100000xf32, #tpu.memory_space<hbm>> -> memref<8x128xf32, #tpu.memory_space<hbm>>
    %dma_start3A_620 = arith.constant 88 : i32
    %dma_start3A_621 = arith.constant 0 : i32
    %dma_start3A_622 = tpu.memref_slice %arg8[%dma_start3A_620, %dma_start3A_621] : memref<256x128xf32, #tpu.memory_space<vmem>> -> memref<8x128xf32, #tpu.memory_space<vmem>>
    %dma_start3A_623 = tpu.memref_slice %arg2[%add3A_615, %mul3A_613] : memref<1024x100000xf32, #tpu.memory_space<hbm>> -> memref<8x128xf32, #tpu.memory_space<hbm>>
    tpu.enqueue_dma source(%dma_start3A_623 : memref<8x128xf32, #tpu.memory_space<hbm>>) target(%dma_start3A_622 : memref<8x128xf32, #tpu.memory_space<vmem>>) target_semaphore(%arg16 : memref<!tpu.dma_semaphore, #tpu.memory_space<semaphore_mem>>)
    %get3A_624 = arith.constant 12 : i32
    %get3A_625 = arith.index_cast %get3A_624 : i32 to index
    %get3A_626 = memref.load %arg6[%get3A_625] : memref<32xi32, #tpu.memory_space<smem>>
    %jit3A_627 = arith.constant 128 : i32
    %div3A_628 = arith.divsi %get3A_626, %jit3A_627 : i32
    %sign3A_629 = arith.constant 0 : i32
    %sign3A_630 = arith.cmpi sgt, %get3A_626, %sign3A_629 : i32
    %sign3A_631 = arith.extui %sign3A_630 : i1 to i32
    %sign3A_632 = arith.constant 0 : i32
    %sign3A_633 = arith.cmpi slt, %get3A_626, %sign3A_632 : i32
    %sign3A_634 = arith.extui %sign3A_633 : i1 to i32
    %sign3A_635 = arith.subi %sign3A_631, %sign3A_634 : i32
    %sign3A_636 = arith.constant 0 : i32
    %sign3A_637 = arith.cmpi sgt, %jit3A_627, %sign3A_636 : i32
    %sign3A_638 = arith.extui %sign3A_637 : i1 to i32
    %sign3A_639 = arith.constant 0 : i32
    %sign3A_640 = arith.cmpi slt, %jit3A_627, %sign3A_639 : i32
    %sign3A_641 = arith.extui %sign3A_640 : i1 to i32
    %sign3A_642 = arith.subi %sign3A_638, %sign3A_641 : i32
    %ne3A_643 = arith.cmpi ne, %sign3A_635, %sign3A_642 : i32
    %rem3A_644 = arith.remsi %get3A_626, %jit3A_627 : i32
    %ne3A_645 = arith.constant 0 : i32
    %ne3A_646 = arith.cmpi ne, %rem3A_644, %ne3A_645 : i32
    %and3A_647 = arith.andi %ne3A_643, %ne3A_646 : i1
    %sub3A_648 = arith.constant 1 : i32
    %sub3A_649 = arith.subi %div3A_628, %sub3A_648 : i32
    %select_n3A_650 = arith.select %and3A_647, %sub3A_649, %div3A_628 : i32
    %mul3A_651 = arith.constant 128 : i32
    %mul3A_652 = arith.muli %select_n3A_650, %mul3A_651 : i32
    %add3A_653 = arith.constant 8 : i32
    %add3A_654 = arith.addi %mul3A_2, %add3A_653 : i32
    %dma_start3A_655 = arith.constant 96 : i32
    %dma_start3A_656 = arith.constant 0 : i32
    %dma_start3A_657 = tpu.memref_slice %arg8[%dma_start3A_655, %dma_start3A_656] : memref<256x128xf32, #tpu.memory_space<vmem>> -> memref<8x128xf32, #tpu.memory_space<vmem>>
    %dma_start3A_658 = tpu.memref_slice %arg2[%add3A_654, %mul3A_652] : memref<1024x100000xf32, #tpu.memory_space<hbm>> -> memref<8x128xf32, #tpu.memory_space<hbm>>
    %dma_start3A_659 = arith.constant 96 : i32
    %dma_start3A_660 = arith.constant 0 : i32
    %dma_start3A_661 = tpu.memref_slice %arg8[%dma_start3A_659, %dma_start3A_660] : memref<256x128xf32, #tpu.memory_space<vmem>> -> memref<8x128xf32, #tpu.memory_space<vmem>>
    %dma_start3A_662 = tpu.memref_slice %arg2[%add3A_654, %mul3A_652] : memref<1024x100000xf32, #tpu.memory_space<hbm>> -> memref<8x128xf32, #tpu.memory_space<hbm>>
    tpu.enqueue_dma source(%dma_start3A_662 : memref<8x128xf32, #tpu.memory_space<hbm>>) target(%dma_start3A_661 : memref<8x128xf32, #tpu.memory_space<vmem>>) target_semaphore(%arg16 : memref<!tpu.dma_semaphore, #tpu.memory_space<semaphore_mem>>)
    %get3A_663 = arith.constant 13 : i32
    %get3A_664 = arith.index_cast %get3A_663 : i32 to index
    %get3A_665 = memref.load %arg6[%get3A_664] : memref<32xi32, #tpu.memory_space<smem>>
    %jit3A_666 = arith.constant 128 : i32
    %div3A_667 = arith.divsi %get3A_665, %jit3A_666 : i32
    %sign3A_668 = arith.constant 0 : i32
    %sign3A_669 = arith.cmpi sgt, %get3A_665, %sign3A_668 : i32
    %sign3A_670 = arith.extui %sign3A_669 : i1 to i32
    %sign3A_671 = arith.constant 0 : i32
    %sign3A_672 = arith.cmpi slt, %get3A_665, %sign3A_671 : i32
    %sign3A_673 = arith.extui %sign3A_672 : i1 to i32
    %sign3A_674 = arith.subi %sign3A_670, %sign3A_673 : i32
    %sign3A_675 = arith.constant 0 : i32
    %sign3A_676 = arith.cmpi sgt, %jit3A_666, %sign3A_675 : i32
    %sign3A_677 = arith.extui %sign3A_676 : i1 to i32
    %sign3A_678 = arith.constant 0 : i32
    %sign3A_679 = arith.cmpi slt, %jit3A_666, %sign3A_678 : i32
    %sign3A_680 = arith.extui %sign3A_679 : i1 to i32
    %sign3A_681 = arith.subi %sign3A_677, %sign3A_680 : i32
    %ne3A_682 = arith.cmpi ne, %sign3A_674, %sign3A_681 : i32
    %rem3A_683 = arith.remsi %get3A_665, %jit3A_666 : i32
    %ne3A_684 = arith.constant 0 : i32
    %ne3A_685 = arith.cmpi ne, %rem3A_683, %ne3A_684 : i32
    %and3A_686 = arith.andi %ne3A_682, %ne3A_685 : i1
    %sub3A_687 = arith.constant 1 : i32
    %sub3A_688 = arith.subi %div3A_667, %sub3A_687 : i32
    %select_n3A_689 = arith.select %and3A_686, %sub3A_688, %div3A_667 : i32
    %mul3A_690 = arith.constant 128 : i32
    %mul3A_691 = arith.muli %select_n3A_689, %mul3A_690 : i32
    %add3A_692 = arith.constant 8 : i32
    %add3A_693 = arith.addi %mul3A_2, %add3A_692 : i32
    %dma_start3A_694 = arith.constant 104 : i32
    %dma_start3A_695 = arith.constant 0 : i32
    %dma_start3A_696 = tpu.memref_slice %arg8[%dma_start3A_694, %dma_start3A_695] : memref<256x128xf32, #tpu.memory_space<vmem>> -> memref<8x128xf32, #tpu.memory_space<vmem>>
    %dma_start3A_697 = tpu.memref_slice %arg2[%add3A_693, %mul3A_691] : memref<1024x100000xf32, #tpu.memory_space<hbm>> -> memref<8x128xf32, #tpu.memory_space<hbm>>
    %dma_start3A_698 = arith.constant 104 : i32
    %dma_start3A_699 = arith.constant 0 : i32
    %dma_start3A_700 = tpu.memref_slice %arg8[%dma_start3A_698, %dma_start3A_699] : memref<256x128xf32, #tpu.memory_space<vmem>> -> memref<8x128xf32, #tpu.memory_space<vmem>>
    %dma_start3A_701 = tpu.memref_slice %arg2[%add3A_693, %mul3A_691] : memref<1024x100000xf32, #tpu.memory_space<hbm>> -> memref<8x128xf32, #tpu.memory_space<hbm>>
    tpu.enqueue_dma source(%dma_start3A_701 : memref<8x128xf32, #tpu.memory_space<hbm>>) target(%dma_start3A_700 : memref<8x128xf32, #tpu.memory_space<vmem>>) target_semaphore(%arg16 : memref<!tpu.dma_semaphore, #tpu.memory_space<semaphore_mem>>)
    %get3A_702 = arith.constant 14 : i32
    %get3A_703 = arith.index_cast %get3A_702 : i32 to index
    %get3A_704 = memref.load %arg6[%get3A_703] : memref<32xi32, #tpu.memory_space<smem>>
    %jit3A_705 = arith.constant 128 : i32
    %div3A_706 = arith.divsi %get3A_704, %jit3A_705 : i32
    %sign3A_707 = arith.constant 0 : i32
    %sign3A_708 = arith.cmpi sgt, %get3A_704, %sign3A_707 : i32
    %sign3A_709 = arith.extui %sign3A_708 : i1 to i32
    %sign3A_710 = arith.constant 0 : i32
    %sign3A_711 = arith.cmpi slt, %get3A_704, %sign3A_710 : i32
    %sign3A_712 = arith.extui %sign3A_711 : i1 to i32
    %sign3A_713 = arith.subi %sign3A_709, %sign3A_712 : i32
    %sign3A_714 = arith.constant 0 : i32
    %sign3A_715 = arith.cmpi sgt, %jit3A_705, %sign3A_714 : i32
    %sign3A_716 = arith.extui %sign3A_715 : i1 to i32
    %sign3A_717 = arith.constant 0 : i32
    %sign3A_718 = arith.cmpi slt, %jit3A_705, %sign3A_717 : i32
    %sign3A_719 = arith.extui %sign3A_718 : i1 to i32
    %sign3A_720 = arith.subi %sign3A_716, %sign3A_719 : i32
    %ne3A_721 = arith.cmpi ne, %sign3A_713, %sign3A_720 : i32
    %rem3A_722 = arith.remsi %get3A_704, %jit3A_705 : i32
    %ne3A_723 = arith.constant 0 : i32
    %ne3A_724 = arith.cmpi ne, %rem3A_722, %ne3A_723 : i32
    %and3A_725 = arith.andi %ne3A_721, %ne3A_724 : i1
    %sub3A_726 = arith.constant 1 : i32
    %sub3A_727 = arith.subi %div3A_706, %sub3A_726 : i32
    %select_n3A_728 = arith.select %and3A_725, %sub3A_727, %div3A_706 : i32
    %mul3A_729 = arith.constant 128 : i32
    %mul3A_730 = arith.muli %select_n3A_728, %mul3A_729 : i32
    %add3A_731 = arith.constant 8 : i32
    %add3A_732 = arith.addi %mul3A_2, %add3A_731 : i32
    %dma_start3A_733 = arith.constant 112 : i32
    %dma_start3A_734 = arith.constant 0 : i32
    %dma_start3A_735 = tpu.memref_slice %arg8[%dma_start3A_733, %dma_start3A_734] : memref<256x128xf32, #tpu.memory_space<vmem>> -> memref<8x128xf32, #tpu.memory_space<vmem>>
    %dma_start3A_736 = tpu.memref_slice %arg2[%add3A_732, %mul3A_730] : memref<1024x100000xf32, #tpu.memory_space<hbm>> -> memref<8x128xf32, #tpu.memory_space<hbm>>
    %dma_start3A_737 = arith.constant 112 : i32
    %dma_start3A_738 = arith.constant 0 : i32
    %dma_start3A_739 = tpu.memref_slice %arg8[%dma_start3A_737, %dma_start3A_738] : memref<256x128xf32, #tpu.memory_space<vmem>> -> memref<8x128xf32, #tpu.memory_space<vmem>>
    %dma_start3A_740 = tpu.memref_slice %arg2[%add3A_732, %mul3A_730] : memref<1024x100000xf32, #tpu.memory_space<hbm>> -> memref<8x128xf32, #tpu.memory_space<hbm>>
    tpu.enqueue_dma source(%dma_start3A_740 : memref<8x128xf32, #tpu.memory_space<hbm>>) target(%dma_start3A_739 : memref<8x128xf32, #tpu.memory_space<vmem>>) target_semaphore(%arg16 : memref<!tpu.dma_semaphore, #tpu.memory_space<semaphore_mem>>)
    %get3A_741 = arith.constant 15 : i32
    %get3A_742 = arith.index_cast %get3A_741 : i32 to index
    %get3A_743 = memref.load %arg6[%get3A_742] : memref<32xi32, #tpu.memory_space<smem>>
    %jit3A_744 = arith.constant 128 : i32
    %div3A_745 = arith.divsi %get3A_743, %jit3A_744 : i32
    %sign3A_746 = arith.constant 0 : i32
    %sign3A_747 = arith.cmpi sgt, %get3A_743, %sign3A_746 : i32
    %sign3A_748 = arith.extui %sign3A_747 : i1 to i32
    %sign3A_749 = arith.constant 0 : i32
    %sign3A_750 = arith.cmpi slt, %get3A_743, %sign3A_749 : i32
    %sign3A_751 = arith.extui %sign3A_750 : i1 to i32
    %sign3A_752 = arith.subi %sign3A_748, %sign3A_751 : i32
    %sign3A_753 = arith.constant 0 : i32
    %sign3A_754 = arith.cmpi sgt, %jit3A_744, %sign3A_753 : i32
    %sign3A_755 = arith.extui %sign3A_754 : i1 to i32
    %sign3A_756 = arith.constant 0 : i32
    %sign3A_757 = arith.cmpi slt, %jit3A_744, %sign3A_756 : i32
    %sign3A_758 = arith.extui %sign3A_757 : i1 to i32
    %sign3A_759 = arith.subi %sign3A_755, %sign3A_758 : i32
    %ne3A_760 = arith.cmpi ne, %sign3A_752, %sign3A_759 : i32
    %rem3A_761 = arith.remsi %get3A_743, %jit3A_744 : i32
    %ne3A_762 = arith.constant 0 : i32
    %ne3A_763 = arith.cmpi ne, %rem3A_761, %ne3A_762 : i32
    %and3A_764 = arith.andi %ne3A_760, %ne3A_763 : i1
    %sub3A_765 = arith.constant 1 : i32
    %sub3A_766 = arith.subi %div3A_745, %sub3A_765 : i32
    %select_n3A_767 = arith.select %and3A_764, %sub3A_766, %div3A_745 : i32
    %mul3A_768 = arith.constant 128 : i32
    %mul3A_769 = arith.muli %select_n3A_767, %mul3A_768 : i32
    %add3A_770 = arith.constant 8 : i32
    %add3A_771 = arith.addi %mul3A_2, %add3A_770 : i32
    %dma_start3A_772 = arith.constant 120 : i32
    %dma_start3A_773 = arith.constant 0 : i32
    %dma_start3A_774 = tpu.memref_slice %arg8[%dma_start3A_772, %dma_start3A_773] : memref<256x128xf32, #tpu.memory_space<vmem>> -> memref<8x128xf32, #tpu.memory_space<vmem>>
    %dma_start3A_775 = tpu.memref_slice %arg2[%add3A_771, %mul3A_769] : memref<1024x100000xf32, #tpu.memory_space<hbm>> -> memref<8x128xf32, #tpu.memory_space<hbm>>
    %dma_start3A_776 = arith.constant 120 : i32
    %dma_start3A_777 = arith.constant 0 : i32
    %dma_start3A_778 = tpu.memref_slice %arg8[%dma_start3A_776, %dma_start3A_777] : memref<256x128xf32, #tpu.memory_space<vmem>> -> memref<8x128xf32, #tpu.memory_space<vmem>>
    %dma_start3A_779 = tpu.memref_slice %arg2[%add3A_771, %mul3A_769] : memref<1024x100000xf32, #tpu.memory_space<hbm>> -> memref<8x128xf32, #tpu.memory_space<hbm>>
    tpu.enqueue_dma source(%dma_start3A_779 : memref<8x128xf32, #tpu.memory_space<hbm>>) target(%dma_start3A_778 : memref<8x128xf32, #tpu.memory_space<vmem>>) target_semaphore(%arg16 : memref<!tpu.dma_semaphore, #tpu.memory_space<semaphore_mem>>)
    %get3A_780 = arith.constant 16 : i32
    %get3A_781 = arith.index_cast %get3A_780 : i32 to index
    %get3A_782 = memref.load %arg6[%get3A_781] : memref<32xi32, #tpu.memory_space<smem>>
    %jit3A_783 = arith.constant 128 : i32
    %div3A_784 = arith.divsi %get3A_782, %jit3A_783 : i32
    %sign3A_785 = arith.constant 0 : i32
    %sign3A_786 = arith.cmpi sgt, %get3A_782, %sign3A_785 : i32
    %sign3A_787 = arith.extui %sign3A_786 : i1 to i32
    %sign3A_788 = arith.constant 0 : i32
    %sign3A_789 = arith.cmpi slt, %get3A_782, %sign3A_788 : i32
    %sign3A_790 = arith.extui %sign3A_789 : i1 to i32
    %sign3A_791 = arith.subi %sign3A_787, %sign3A_790 : i32
    %sign3A_792 = arith.constant 0 : i32
    %sign3A_793 = arith.cmpi sgt, %jit3A_783, %sign3A_792 : i32
    %sign3A_794 = arith.extui %sign3A_793 : i1 to i32
    %sign3A_795 = arith.constant 0 : i32
    %sign3A_796 = arith.cmpi slt, %jit3A_783, %sign3A_795 : i32
    %sign3A_797 = arith.extui %sign3A_796 : i1 to i32
    %sign3A_798 = arith.subi %sign3A_794, %sign3A_797 : i32
    %ne3A_799 = arith.cmpi ne, %sign3A_791, %sign3A_798 : i32
    %rem3A_800 = arith.remsi %get3A_782, %jit3A_783 : i32
    %ne3A_801 = arith.constant 0 : i32
    %ne3A_802 = arith.cmpi ne, %rem3A_800, %ne3A_801 : i32
    %and3A_803 = arith.andi %ne3A_799, %ne3A_802 : i1
    %sub3A_804 = arith.constant 1 : i32
    %sub3A_805 = arith.subi %div3A_784, %sub3A_804 : i32
    %select_n3A_806 = arith.select %and3A_803, %sub3A_805, %div3A_784 : i32
    %mul3A_807 = arith.constant 128 : i32
    %mul3A_808 = arith.muli %select_n3A_806, %mul3A_807 : i32
    %add3A_809 = arith.constant 16 : i32
    %add3A_810 = arith.addi %mul3A_2, %add3A_809 : i32
    %dma_start3A_811 = arith.constant 128 : i32
    %dma_start3A_812 = arith.constant 0 : i32
    %dma_start3A_813 = tpu.memref_slice %arg8[%dma_start3A_811, %dma_start3A_812] : memref<256x128xf32, #tpu.memory_space<vmem>> -> memref<8x128xf32, #tpu.memory_space<vmem>>
    %dma_start3A_814 = tpu.memref_slice %arg2[%add3A_810, %mul3A_808] : memref<1024x100000xf32, #tpu.memory_space<hbm>> -> memref<8x128xf32, #tpu.memory_space<hbm>>
    %dma_start3A_815 = arith.constant 128 : i32
    %dma_start3A_816 = arith.constant 0 : i32
    %dma_start3A_817 = tpu.memref_slice %arg8[%dma_start3A_815, %dma_start3A_816] : memref<256x128xf32, #tpu.memory_space<vmem>> -> memref<8x128xf32, #tpu.memory_space<vmem>>
    %dma_start3A_818 = tpu.memref_slice %arg2[%add3A_810, %mul3A_808] : memref<1024x100000xf32, #tpu.memory_space<hbm>> -> memref<8x128xf32, #tpu.memory_space<hbm>>
    tpu.enqueue_dma source(%dma_start3A_818 : memref<8x128xf32, #tpu.memory_space<hbm>>) target(%dma_start3A_817 : memref<8x128xf32, #tpu.memory_space<vmem>>) target_semaphore(%arg16 : memref<!tpu.dma_semaphore, #tpu.memory_space<semaphore_mem>>)
    %get3A_819 = arith.constant 17 : i32
    %get3A_820 = arith.index_cast %get3A_819 : i32 to index
    %get3A_821 = memref.load %arg6[%get3A_820] : memref<32xi32, #tpu.memory_space<smem>>
    %jit3A_822 = arith.constant 128 : i32
    %div3A_823 = arith.divsi %get3A_821, %jit3A_822 : i32
    %sign3A_824 = arith.constant 0 : i32
    %sign3A_825 = arith.cmpi sgt, %get3A_821, %sign3A_824 : i32
    %sign3A_826 = arith.extui %sign3A_825 : i1 to i32
    %sign3A_827 = arith.constant 0 : i32
    %sign3A_828 = arith.cmpi slt, %get3A_821, %sign3A_827 : i32
    %sign3A_829 = arith.extui %sign3A_828 : i1 to i32
    %sign3A_830 = arith.subi %sign3A_826, %sign3A_829 : i32
    %sign3A_831 = arith.constant 0 : i32
    %sign3A_832 = arith.cmpi sgt, %jit3A_822, %sign3A_831 : i32
    %sign3A_833 = arith.extui %sign3A_832 : i1 to i32
    %sign3A_834 = arith.constant 0 : i32
    %sign3A_835 = arith.cmpi slt, %jit3A_822, %sign3A_834 : i32
    %sign3A_836 = arith.extui %sign3A_835 : i1 to i32
    %sign3A_837 = arith.subi %sign3A_833, %sign3A_836 : i32
    %ne3A_838 = arith.cmpi ne, %sign3A_830, %sign3A_837 : i32
    %rem3A_839 = arith.remsi %get3A_821, %jit3A_822 : i32
    %ne3A_840 = arith.constant 0 : i32
    %ne3A_841 = arith.cmpi ne, %rem3A_839, %ne3A_840 : i32
    %and3A_842 = arith.andi %ne3A_838, %ne3A_841 : i1
    %sub3A_843 = arith.constant 1 : i32
    %sub3A_844 = arith.subi %div3A_823, %sub3A_843 : i32
    %select_n3A_845 = arith.select %and3A_842, %sub3A_844, %div3A_823 : i32
    %mul3A_846 = arith.constant 128 : i32
    %mul3A_847 = arith.muli %select_n3A_845, %mul3A_846 : i32
    %add3A_848 = arith.constant 16 : i32
    %add3A_849 = arith.addi %mul3A_2, %add3A_848 : i32
    %dma_start3A_850 = arith.constant 136 : i32
    %dma_start3A_851 = arith.constant 0 : i32
    %dma_start3A_852 = tpu.memref_slice %arg8[%dma_start3A_850, %dma_start3A_851] : memref<256x128xf32, #tpu.memory_space<vmem>> -> memref<8x128xf32, #tpu.memory_space<vmem>>
    %dma_start3A_853 = tpu.memref_slice %arg2[%add3A_849, %mul3A_847] : memref<1024x100000xf32, #tpu.memory_space<hbm>> -> memref<8x128xf32, #tpu.memory_space<hbm>>
    %dma_start3A_854 = arith.constant 136 : i32
    %dma_start3A_855 = arith.constant 0 : i32
    %dma_start3A_856 = tpu.memref_slice %arg8[%dma_start3A_854, %dma_start3A_855] : memref<256x128xf32, #tpu.memory_space<vmem>> -> memref<8x128xf32, #tpu.memory_space<vmem>>
    %dma_start3A_857 = tpu.memref_slice %arg2[%add3A_849, %mul3A_847] : memref<1024x100000xf32, #tpu.memory_space<hbm>> -> memref<8x128xf32, #tpu.memory_space<hbm>>
    tpu.enqueue_dma source(%dma_start3A_857 : memref<8x128xf32, #tpu.memory_space<hbm>>) target(%dma_start3A_856 : memref<8x128xf32, #tpu.memory_space<vmem>>) target_semaphore(%arg16 : memref<!tpu.dma_semaphore, #tpu.memory_space<semaphore_mem>>)
    %get3A_858 = arith.constant 18 : i32
    %get3A_859 = arith.index_cast %get3A_858 : i32 to index
    %get3A_860 = memref.load %arg6[%get3A_859] : memref<32xi32, #tpu.memory_space<smem>>
    %jit3A_861 = arith.constant 128 : i32
    %div3A_862 = arith.divsi %get3A_860, %jit3A_861 : i32
    %sign3A_863 = arith.constant 0 : i32
    %sign3A_864 = arith.cmpi sgt, %get3A_860, %sign3A_863 : i32
    %sign3A_865 = arith.extui %sign3A_864 : i1 to i32
    %sign3A_866 = arith.constant 0 : i32
    %sign3A_867 = arith.cmpi slt, %get3A_860, %sign3A_866 : i32
    %sign3A_868 = arith.extui %sign3A_867 : i1 to i32
    %sign3A_869 = arith.subi %sign3A_865, %sign3A_868 : i32
    %sign3A_870 = arith.constant 0 : i32
    %sign3A_871 = arith.cmpi sgt, %jit3A_861, %sign3A_870 : i32
    %sign3A_872 = arith.extui %sign3A_871 : i1 to i32
    %sign3A_873 = arith.constant 0 : i32
    %sign3A_874 = arith.cmpi slt, %jit3A_861, %sign3A_873 : i32
    %sign3A_875 = arith.extui %sign3A_874 : i1 to i32
    %sign3A_876 = arith.subi %sign3A_872, %sign3A_875 : i32
    %ne3A_877 = arith.cmpi ne, %sign3A_869, %sign3A_876 : i32
    %rem3A_878 = arith.remsi %get3A_860, %jit3A_861 : i32
    %ne3A_879 = arith.constant 0 : i32
    %ne3A_880 = arith.cmpi ne, %rem3A_878, %ne3A_879 : i32
    %and3A_881 = arith.andi %ne3A_877, %ne3A_880 : i1
    %sub3A_882 = arith.constant 1 : i32
    %sub3A_883 = arith.subi %div3A_862, %sub3A_882 : i32
    %select_n3A_884 = arith.select %and3A_881, %sub3A_883, %div3A_862 : i32
    %mul3A_885 = arith.constant 128 : i32
    %mul3A_886 = arith.muli %select_n3A_884, %mul3A_885 : i32
    %add3A_887 = arith.constant 16 : i32
    %add3A_888 = arith.addi %mul3A_2, %add3A_887 : i32
    %dma_start3A_889 = arith.constant 144 : i32
    %dma_start3A_890 = arith.constant 0 : i32
    %dma_start3A_891 = tpu.memref_slice %arg8[%dma_start3A_889, %dma_start3A_890] : memref<256x128xf32, #tpu.memory_space<vmem>> -> memref<8x128xf32, #tpu.memory_space<vmem>>
    %dma_start3A_892 = tpu.memref_slice %arg2[%add3A_888, %mul3A_886] : memref<1024x100000xf32, #tpu.memory_space<hbm>> -> memref<8x128xf32, #tpu.memory_space<hbm>>
    %dma_start3A_893 = arith.constant 144 : i32
    %dma_start3A_894 = arith.constant 0 : i32
    %dma_start3A_895 = tpu.memref_slice %arg8[%dma_start3A_893, %dma_start3A_894] : memref<256x128xf32, #tpu.memory_space<vmem>> -> memref<8x128xf32, #tpu.memory_space<vmem>>
    %dma_start3A_896 = tpu.memref_slice %arg2[%add3A_888, %mul3A_886] : memref<1024x100000xf32, #tpu.memory_space<hbm>> -> memref<8x128xf32, #tpu.memory_space<hbm>>
    tpu.enqueue_dma source(%dma_start3A_896 : memref<8x128xf32, #tpu.memory_space<hbm>>) target(%dma_start3A_895 : memref<8x128xf32, #tpu.memory_space<vmem>>) target_semaphore(%arg16 : memref<!tpu.dma_semaphore, #tpu.memory_space<semaphore_mem>>)
    %get3A_897 = arith.constant 19 : i32
    %get3A_898 = arith.index_cast %get3A_897 : i32 to index
    %get3A_899 = memref.load %arg6[%get3A_898] : memref<32xi32, #tpu.memory_space<smem>>
    %jit3A_900 = arith.constant 128 : i32
    %div3A_901 = arith.divsi %get3A_899, %jit3A_900 : i32
    %sign3A_902 = arith.constant 0 : i32
    %sign3A_903 = arith.cmpi sgt, %get3A_899, %sign3A_902 : i32
    %sign3A_904 = arith.extui %sign3A_903 : i1 to i32
    %sign3A_905 = arith.constant 0 : i32
    %sign3A_906 = arith.cmpi slt, %get3A_899, %sign3A_905 : i32
    %sign3A_907 = arith.extui %sign3A_906 : i1 to i32
    %sign3A_908 = arith.subi %sign3A_904, %sign3A_907 : i32
    %sign3A_909 = arith.constant 0 : i32
    %sign3A_910 = arith.cmpi sgt, %jit3A_900, %sign3A_909 : i32
    %sign3A_911 = arith.extui %sign3A_910 : i1 to i32
    %sign3A_912 = arith.constant 0 : i32
    %sign3A_913 = arith.cmpi slt, %jit3A_900, %sign3A_912 : i32
    %sign3A_914 = arith.extui %sign3A_913 : i1 to i32
    %sign3A_915 = arith.subi %sign3A_911, %sign3A_914 : i32
    %ne3A_916 = arith.cmpi ne, %sign3A_908, %sign3A_915 : i32
    %rem3A_917 = arith.remsi %get3A_899, %jit3A_900 : i32
    %ne3A_918 = arith.constant 0 : i32
    %ne3A_919 = arith.cmpi ne, %rem3A_917, %ne3A_918 : i32
    %and3A_920 = arith.andi %ne3A_916, %ne3A_919 : i1
    %sub3A_921 = arith.constant 1 : i32
    %sub3A_922 = arith.subi %div3A_901, %sub3A_921 : i32
    %select_n3A_923 = arith.select %and3A_920, %sub3A_922, %div3A_901 : i32
    %mul3A_924 = arith.constant 128 : i32
    %mul3A_925 = arith.muli %select_n3A_923, %mul3A_924 : i32
    %add3A_926 = arith.constant 16 : i32
    %add3A_927 = arith.addi %mul3A_2, %add3A_926 : i32
    %dma_start3A_928 = arith.constant 152 : i32
    %dma_start3A_929 = arith.constant 0 : i32
    %dma_start3A_930 = tpu.memref_slice %arg8[%dma_start3A_928, %dma_start3A_929] : memref<256x128xf32, #tpu.memory_space<vmem>> -> memref<8x128xf32, #tpu.memory_space<vmem>>
    %dma_start3A_931 = tpu.memref_slice %arg2[%add3A_927, %mul3A_925] : memref<1024x100000xf32, #tpu.memory_space<hbm>> -> memref<8x128xf32, #tpu.memory_space<hbm>>
    %dma_start3A_932 = arith.constant 152 : i32
    %dma_start3A_933 = arith.constant 0 : i32
    %dma_start3A_934 = tpu.memref_slice %arg8[%dma_start3A_932, %dma_start3A_933] : memref<256x128xf32, #tpu.memory_space<vmem>> -> memref<8x128xf32, #tpu.memory_space<vmem>>
    %dma_start3A_935 = tpu.memref_slice %arg2[%add3A_927, %mul3A_925] : memref<1024x100000xf32, #tpu.memory_space<hbm>> -> memref<8x128xf32, #tpu.memory_space<hbm>>
    tpu.enqueue_dma source(%dma_start3A_935 : memref<8x128xf32, #tpu.memory_space<hbm>>) target(%dma_start3A_934 : memref<8x128xf32, #tpu.memory_space<vmem>>) target_semaphore(%arg16 : memref<!tpu.dma_semaphore, #tpu.memory_space<semaphore_mem>>)
    %get3A_936 = arith.constant 20 : i32
    %get3A_937 = arith.index_cast %get3A_936 : i32 to index
    %get3A_938 = memref.load %arg6[%get3A_937] : memref<32xi32, #tpu.memory_space<smem>>
    %jit3A_939 = arith.constant 128 : i32
    %div3A_940 = arith.divsi %get3A_938, %jit3A_939 : i32
    %sign3A_941 = arith.constant 0 : i32
    %sign3A_942 = arith.cmpi sgt, %get3A_938, %sign3A_941 : i32
    %sign3A_943 = arith.extui %sign3A_942 : i1 to i32
    %sign3A_944 = arith.constant 0 : i32
    %sign3A_945 = arith.cmpi slt, %get3A_938, %sign3A_944 : i32
    %sign3A_946 = arith.extui %sign3A_945 : i1 to i32
    %sign3A_947 = arith.subi %sign3A_943, %sign3A_946 : i32
    %sign3A_948 = arith.constant 0 : i32
    %sign3A_949 = arith.cmpi sgt, %jit3A_939, %sign3A_948 : i32
    %sign3A_950 = arith.extui %sign3A_949 : i1 to i32
    %sign3A_951 = arith.constant 0 : i32
    %sign3A_952 = arith.cmpi slt, %jit3A_939, %sign3A_951 : i32
    %sign3A_953 = arith.extui %sign3A_952 : i1 to i32
    %sign3A_954 = arith.subi %sign3A_950, %sign3A_953 : i32
    %ne3A_955 = arith.cmpi ne, %sign3A_947, %sign3A_954 : i32
    %rem3A_956 = arith.remsi %get3A_938, %jit3A_939 : i32
    %ne3A_957 = arith.constant 0 : i32
    %ne3A_958 = arith.cmpi ne, %rem3A_956, %ne3A_957 : i32
    %and3A_959 = arith.andi %ne3A_955, %ne3A_958 : i1
    %sub3A_960 = arith.constant 1 : i32
    %sub3A_961 = arith.subi %div3A_940, %sub3A_960 : i32
    %select_n3A_962 = arith.select %and3A_959, %sub3A_961, %div3A_940 : i32
    %mul3A_963 = arith.constant 128 : i32
    %mul3A_964 = arith.muli %select_n3A_962, %mul3A_963 : i32
    %add3A_965 = arith.constant 16 : i32
    %add3A_966 = arith.addi %mul3A_2, %add3A_965 : i32
    %dma_start3A_967 = arith.constant 160 : i32
    %dma_start3A_968 = arith.constant 0 : i32
    %dma_start3A_969 = tpu.memref_slice %arg8[%dma_start3A_967, %dma_start3A_968] : memref<256x128xf32, #tpu.memory_space<vmem>> -> memref<8x128xf32, #tpu.memory_space<vmem>>
    %dma_start3A_970 = tpu.memref_slice %arg2[%add3A_966, %mul3A_964] : memref<1024x100000xf32, #tpu.memory_space<hbm>> -> memref<8x128xf32, #tpu.memory_space<hbm>>
    %dma_start3A_971 = arith.constant 160 : i32
    %dma_start3A_972 = arith.constant 0 : i32
    %dma_start3A_973 = tpu.memref_slice %arg8[%dma_start3A_971, %dma_start3A_972] : memref<256x128xf32, #tpu.memory_space<vmem>> -> memref<8x128xf32, #tpu.memory_space<vmem>>
    %dma_start3A_974 = tpu.memref_slice %arg2[%add3A_966, %mul3A_964] : memref<1024x100000xf32, #tpu.memory_space<hbm>> -> memref<8x128xf32, #tpu.memory_space<hbm>>
    tpu.enqueue_dma source(%dma_start3A_974 : memref<8x128xf32, #tpu.memory_space<hbm>>) target(%dma_start3A_973 : memref<8x128xf32, #tpu.memory_space<vmem>>) target_semaphore(%arg16 : memref<!tpu.dma_semaphore, #tpu.memory_space<semaphore_mem>>)
    %get3A_975 = arith.constant 21 : i32
    %get3A_976 = arith.index_cast %get3A_975 : i32 to index
    %get3A_977 = memref.load %arg6[%get3A_976] : memref<32xi32, #tpu.memory_space<smem>>
    %jit3A_978 = arith.constant 128 : i32
    %div3A_979 = arith.divsi %get3A_977, %jit3A_978 : i32
    %sign3A_980 = arith.constant 0 : i32
    %sign3A_981 = arith.cmpi sgt, %get3A_977, %sign3A_980 : i32
    %sign3A_982 = arith.extui %sign3A_981 : i1 to i32
    %sign3A_983 = arith.constant 0 : i32
    %sign3A_984 = arith.cmpi slt, %get3A_977, %sign3A_983 : i32
    %sign3A_985 = arith.extui %sign3A_984 : i1 to i32
    %sign3A_986 = arith.subi %sign3A_982, %sign3A_985 : i32
    %sign3A_987 = arith.constant 0 : i32
    %sign3A_988 = arith.cmpi sgt, %jit3A_978, %sign3A_987 : i32
    %sign3A_989 = arith.extui %sign3A_988 : i1 to i32
    %sign3A_990 = arith.constant 0 : i32
    %sign3A_991 = arith.cmpi slt, %jit3A_978, %sign3A_990 : i32
    %sign3A_992 = arith.extui %sign3A_991 : i1 to i32
    %sign3A_993 = arith.subi %sign3A_989, %sign3A_992 : i32
    %ne3A_994 = arith.cmpi ne, %sign3A_986, %sign3A_993 : i32
    %rem3A_995 = arith.remsi %get3A_977, %jit3A_978 : i32
    %ne3A_996 = arith.constant 0 : i32
    %ne3A_997 = arith.cmpi ne, %rem3A_995, %ne3A_996 : i32
    %and3A_998 = arith.andi %ne3A_994, %ne3A_997 : i1
    %sub3A_999 = arith.constant 1 : i32
    %sub3A_1000 = arith.subi %div3A_979, %sub3A_999 : i32
    %select_n3A_1001 = arith.select %and3A_998, %sub3A_1000, %div3A_979 : i32
    %mul3A_1002 = arith.constant 128 : i32
    %mul3A_1003 = arith.muli %select_n3A_1001, %mul3A_1002 : i32
    %add3A_1004 = arith.constant 16 : i32
    %add3A_1005 = arith.addi %mul3A_2, %add3A_1004 : i32
    %dma_start3A_1006 = arith.constant 168 : i32
    %dma_start3A_1007 = arith.constant 0 : i32
    %dma_start3A_1008 = tpu.memref_slice %arg8[%dma_start3A_1006, %dma_start3A_1007] : memref<256x128xf32, #tpu.memory_space<vmem>> -> memref<8x128xf32, #tpu.memory_space<vmem>>
    %dma_start3A_1009 = tpu.memref_slice %arg2[%add3A_1005, %mul3A_1003] : memref<1024x100000xf32, #tpu.memory_space<hbm>> -> memref<8x128xf32, #tpu.memory_space<hbm>>
    %dma_start3A_1010 = arith.constant 168 : i32
    %dma_start3A_1011 = arith.constant 0 : i32
    %dma_start3A_1012 = tpu.memref_slice %arg8[%dma_start3A_1010, %dma_start3A_1011] : memref<256x128xf32, #tpu.memory_space<vmem>> -> memref<8x128xf32, #tpu.memory_space<vmem>>
    %dma_start3A_1013 = tpu.memref_slice %arg2[%add3A_1005, %mul3A_1003] : memref<1024x100000xf32, #tpu.memory_space<hbm>> -> memref<8x128xf32, #tpu.memory_space<hbm>>
    tpu.enqueue_dma source(%dma_start3A_1013 : memref<8x128xf32, #tpu.memory_space<hbm>>) target(%dma_start3A_1012 : memref<8x128xf32, #tpu.memory_space<vmem>>) target_semaphore(%arg16 : memref<!tpu.dma_semaphore, #tpu.memory_space<semaphore_mem>>)
    %get3A_1014 = arith.constant 22 : i32
    %get3A_1015 = arith.index_cast %get3A_1014 : i32 to index
    %get3A_1016 = memref.load %arg6[%get3A_1015] : memref<32xi32, #tpu.memory_space<smem>>
    %jit3A_1017 = arith.constant 128 : i32
    %div3A_1018 = arith.divsi %get3A_1016, %jit3A_1017 : i32
    %sign3A_1019 = arith.constant 0 : i32
    %sign3A_1020 = arith.cmpi sgt, %get3A_1016, %sign3A_1019 : i32
    %sign3A_1021 = arith.extui %sign3A_1020 : i1 to i32
    %sign3A_1022 = arith.constant 0 : i32
    %sign3A_1023 = arith.cmpi slt, %get3A_1016, %sign3A_1022 : i32
    %sign3A_1024 = arith.extui %sign3A_1023 : i1 to i32
    %sign3A_1025 = arith.subi %sign3A_1021, %sign3A_1024 : i32
    %sign3A_1026 = arith.constant 0 : i32
    %sign3A_1027 = arith.cmpi sgt, %jit3A_1017, %sign3A_1026 : i32
    %sign3A_1028 = arith.extui %sign3A_1027 : i1 to i32
    %sign3A_1029 = arith.constant 0 : i32
    %sign3A_1030 = arith.cmpi slt, %jit3A_1017, %sign3A_1029 : i32
    %sign3A_1031 = arith.extui %sign3A_1030 : i1 to i32
    %sign3A_1032 = arith.subi %sign3A_1028, %sign3A_1031 : i32
    %ne3A_1033 = arith.cmpi ne, %sign3A_1025, %sign3A_1032 : i32
    %rem3A_1034 = arith.remsi %get3A_1016, %jit3A_1017 : i32
    %ne3A_1035 = arith.constant 0 : i32
    %ne3A_1036 = arith.cmpi ne, %rem3A_1034, %ne3A_1035 : i32
    %and3A_1037 = arith.andi %ne3A_1033, %ne3A_1036 : i1
    %sub3A_1038 = arith.constant 1 : i32
    %sub3A_1039 = arith.subi %div3A_1018, %sub3A_1038 : i32
    %select_n3A_1040 = arith.select %and3A_1037, %sub3A_1039, %div3A_1018 : i32
    %mul3A_1041 = arith.constant 128 : i32
    %mul3A_1042 = arith.muli %select_n3A_1040, %mul3A_1041 : i32
    %add3A_1043 = arith.constant 16 : i32
    %add3A_1044 = arith.addi %mul3A_2, %add3A_1043 : i32
    %dma_start3A_1045 = arith.constant 176 : i32
    %dma_start3A_1046 = arith.constant 0 : i32
    %dma_start3A_1047 = tpu.memref_slice %arg8[%dma_start3A_1045, %dma_start3A_1046] : memref<256x128xf32, #tpu.memory_space<vmem>> -> memref<8x128xf32, #tpu.memory_space<vmem>>
    %dma_start3A_1048 = tpu.memref_slice %arg2[%add3A_1044, %mul3A_1042] : memref<1024x100000xf32, #tpu.memory_space<hbm>> -> memref<8x128xf32, #tpu.memory_space<hbm>>
    %dma_start3A_1049 = arith.constant 176 : i32
    %dma_start3A_1050 = arith.constant 0 : i32
    %dma_start3A_1051 = tpu.memref_slice %arg8[%dma_start3A_1049, %dma_start3A_1050] : memref<256x128xf32, #tpu.memory_space<vmem>> -> memref<8x128xf32, #tpu.memory_space<vmem>>
    %dma_start3A_1052 = tpu.memref_slice %arg2[%add3A_1044, %mul3A_1042] : memref<1024x100000xf32, #tpu.memory_space<hbm>> -> memref<8x128xf32, #tpu.memory_space<hbm>>
    tpu.enqueue_dma source(%dma_start3A_1052 : memref<8x128xf32, #tpu.memory_space<hbm>>) target(%dma_start3A_1051 : memref<8x128xf32, #tpu.memory_space<vmem>>) target_semaphore(%arg16 : memref<!tpu.dma_semaphore, #tpu.memory_space<semaphore_mem>>)
    %get3A_1053 = arith.constant 23 : i32
    %get3A_1054 = arith.index_cast %get3A_1053 : i32 to index
    %get3A_1055 = memref.load %arg6[%get3A_1054] : memref<32xi32, #tpu.memory_space<smem>>
    %jit3A_1056 = arith.constant 128 : i32
    %div3A_1057 = arith.divsi %get3A_1055, %jit3A_1056 : i32
    %sign3A_1058 = arith.constant 0 : i32
    %sign3A_1059 = arith.cmpi sgt, %get3A_1055, %sign3A_1058 : i32
    %sign3A_1060 = arith.extui %sign3A_1059 : i1 to i32
    %sign3A_1061 = arith.constant 0 : i32
    %sign3A_1062 = arith.cmpi slt, %get3A_1055, %sign3A_1061 : i32
    %sign3A_1063 = arith.extui %sign3A_1062 : i1 to i32
    %sign3A_1064 = arith.subi %sign3A_1060, %sign3A_1063 : i32
    %sign3A_1065 = arith.constant 0 : i32
    %sign3A_1066 = arith.cmpi sgt, %jit3A_1056, %sign3A_1065 : i32
    %sign3A_1067 = arith.extui %sign3A_1066 : i1 to i32
    %sign3A_1068 = arith.constant 0 : i32
    %sign3A_1069 = arith.cmpi slt, %jit3A_1056, %sign3A_1068 : i32
    %sign3A_1070 = arith.extui %sign3A_1069 : i1 to i32
    %sign3A_1071 = arith.subi %sign3A_1067, %sign3A_1070 : i32
    %ne3A_1072 = arith.cmpi ne, %sign3A_1064, %sign3A_1071 : i32
    %rem3A_1073 = arith.remsi %get3A_1055, %jit3A_1056 : i32
    %ne3A_1074 = arith.constant 0 : i32
    %ne3A_1075 = arith.cmpi ne, %rem3A_1073, %ne3A_1074 : i32
    %and3A_1076 = arith.andi %ne3A_1072, %ne3A_1075 : i1
    %sub3A_1077 = arith.constant 1 : i32
    %sub3A_1078 = arith.subi %div3A_1057, %sub3A_1077 : i32
    %select_n3A_1079 = arith.select %and3A_1076, %sub3A_1078, %div3A_1057 : i32
    %mul3A_1080 = arith.constant 128 : i32
    %mul3A_1081 = arith.muli %select_n3A_1079, %mul3A_1080 : i32
    %add3A_1082 = arith.constant 16 : i32
    %add3A_1083 = arith.addi %mul3A_2, %add3A_1082 : i32
    %dma_start3A_1084 = arith.constant 184 : i32
    %dma_start3A_1085 = arith.constant 0 : i32
    %dma_start3A_1086 = tpu.memref_slice %arg8[%dma_start3A_1084, %dma_start3A_1085] : memref<256x128xf32, #tpu.memory_space<vmem>> -> memref<8x128xf32, #tpu.memory_space<vmem>>
    %dma_start3A_1087 = tpu.memref_slice %arg2[%add3A_1083, %mul3A_1081] : memref<1024x100000xf32, #tpu.memory_space<hbm>> -> memref<8x128xf32, #tpu.memory_space<hbm>>
    %dma_start3A_1088 = arith.constant 184 : i32
    %dma_start3A_1089 = arith.constant 0 : i32
    %dma_start3A_1090 = tpu.memref_slice %arg8[%dma_start3A_1088, %dma_start3A_1089] : memref<256x128xf32, #tpu.memory_space<vmem>> -> memref<8x128xf32, #tpu.memory_space<vmem>>
    %dma_start3A_1091 = tpu.memref_slice %arg2[%add3A_1083, %mul3A_1081] : memref<1024x100000xf32, #tpu.memory_space<hbm>> -> memref<8x128xf32, #tpu.memory_space<hbm>>
    tpu.enqueue_dma source(%dma_start3A_1091 : memref<8x128xf32, #tpu.memory_space<hbm>>) target(%dma_start3A_1090 : memref<8x128xf32, #tpu.memory_space<vmem>>) target_semaphore(%arg16 : memref<!tpu.dma_semaphore, #tpu.memory_space<semaphore_mem>>)
    %get3A_1092 = arith.constant 24 : i32
    %get3A_1093 = arith.index_cast %get3A_1092 : i32 to index
    %get3A_1094 = memref.load %arg6[%get3A_1093] : memref<32xi32, #tpu.memory_space<smem>>
    %jit3A_1095 = arith.constant 128 : i32
    %div3A_1096 = arith.divsi %get3A_1094, %jit3A_1095 : i32
    %sign3A_1097 = arith.constant 0 : i32
    %sign3A_1098 = arith.cmpi sgt, %get3A_1094, %sign3A_1097 : i32
    %sign3A_1099 = arith.extui %sign3A_1098 : i1 to i32
    %sign3A_1100 = arith.constant 0 : i32
    %sign3A_1101 = arith.cmpi slt, %get3A_1094, %sign3A_1100 : i32
    %sign3A_1102 = arith.extui %sign3A_1101 : i1 to i32
    %sign3A_1103 = arith.subi %sign3A_1099, %sign3A_1102 : i32
    %sign3A_1104 = arith.constant 0 : i32
    %sign3A_1105 = arith.cmpi sgt, %jit3A_1095, %sign3A_1104 : i32
    %sign3A_1106 = arith.extui %sign3A_1105 : i1 to i32
    %sign3A_1107 = arith.constant 0 : i32
    %sign3A_1108 = arith.cmpi slt, %jit3A_1095, %sign3A_1107 : i32
    %sign3A_1109 = arith.extui %sign3A_1108 : i1 to i32
    %sign3A_1110 = arith.subi %sign3A_1106, %sign3A_1109 : i32
    %ne3A_1111 = arith.cmpi ne, %sign3A_1103, %sign3A_1110 : i32
    %rem3A_1112 = arith.remsi %get3A_1094, %jit3A_1095 : i32
    %ne3A_1113 = arith.constant 0 : i32
    %ne3A_1114 = arith.cmpi ne, %rem3A_1112, %ne3A_1113 : i32
    %and3A_1115 = arith.andi %ne3A_1111, %ne3A_1114 : i1
    %sub3A_1116 = arith.constant 1 : i32
    %sub3A_1117 = arith.subi %div3A_1096, %sub3A_1116 : i32
    %select_n3A_1118 = arith.select %and3A_1115, %sub3A_1117, %div3A_1096 : i32
    %mul3A_1119 = arith.constant 128 : i32
    %mul3A_1120 = arith.muli %select_n3A_1118, %mul3A_1119 : i32
    %add3A_1121 = arith.constant 24 : i32
    %add3A_1122 = arith.addi %mul3A_2, %add3A_1121 : i32
    %dma_start3A_1123 = arith.constant 192 : i32
    %dma_start3A_1124 = arith.constant 0 : i32
    %dma_start3A_1125 = tpu.memref_slice %arg8[%dma_start3A_1123, %dma_start3A_1124] : memref<256x128xf32, #tpu.memory_space<vmem>> -> memref<8x128xf32, #tpu.memory_space<vmem>>
    %dma_start3A_1126 = tpu.memref_slice %arg2[%add3A_1122, %mul3A_1120] : memref<1024x100000xf32, #tpu.memory_space<hbm>> -> memref<8x128xf32, #tpu.memory_space<hbm>>
    %dma_start3A_1127 = arith.constant 192 : i32
    %dma_start3A_1128 = arith.constant 0 : i32
    %dma_start3A_1129 = tpu.memref_slice %arg8[%dma_start3A_1127, %dma_start3A_1128] : memref<256x128xf32, #tpu.memory_space<vmem>> -> memref<8x128xf32, #tpu.memory_space<vmem>>
    %dma_start3A_1130 = tpu.memref_slice %arg2[%add3A_1122, %mul3A_1120] : memref<1024x100000xf32, #tpu.memory_space<hbm>> -> memref<8x128xf32, #tpu.memory_space<hbm>>
    tpu.enqueue_dma source(%dma_start3A_1130 : memref<8x128xf32, #tpu.memory_space<hbm>>) target(%dma_start3A_1129 : memref<8x128xf32, #tpu.memory_space<vmem>>) target_semaphore(%arg16 : memref<!tpu.dma_semaphore, #tpu.memory_space<semaphore_mem>>)
    %get3A_1131 = arith.constant 25 : i32
    %get3A_1132 = arith.index_cast %get3A_1131 : i32 to index
    %get3A_1133 = memref.load %arg6[%get3A_1132] : memref<32xi32, #tpu.memory_space<smem>>
    %jit3A_1134 = arith.constant 128 : i32
    %div3A_1135 = arith.divsi %get3A_1133, %jit3A_1134 : i32
    %sign3A_1136 = arith.constant 0 : i32
    %sign3A_1137 = arith.cmpi sgt, %get3A_1133, %sign3A_1136 : i32
    %sign3A_1138 = arith.extui %sign3A_1137 : i1 to i32
    %sign3A_1139 = arith.constant 0 : i32
    %sign3A_1140 = arith.cmpi slt, %get3A_1133, %sign3A_1139 : i32
    %sign3A_1141 = arith.extui %sign3A_1140 : i1 to i32
    %sign3A_1142 = arith.subi %sign3A_1138, %sign3A_1141 : i32
    %sign3A_1143 = arith.constant 0 : i32
    %sign3A_1144 = arith.cmpi sgt, %jit3A_1134, %sign3A_1143 : i32
    %sign3A_1145 = arith.extui %sign3A_1144 : i1 to i32
    %sign3A_1146 = arith.constant 0 : i32
    %sign3A_1147 = arith.cmpi slt, %jit3A_1134, %sign3A_1146 : i32
    %sign3A_1148 = arith.extui %sign3A_1147 : i1 to i32
    %sign3A_1149 = arith.subi %sign3A_1145, %sign3A_1148 : i32
    %ne3A_1150 = arith.cmpi ne, %sign3A_1142, %sign3A_1149 : i32
    %rem3A_1151 = arith.remsi %get3A_1133, %jit3A_1134 : i32
    %ne3A_1152 = arith.constant 0 : i32
    %ne3A_1153 = arith.cmpi ne, %rem3A_1151, %ne3A_1152 : i32
    %and3A_1154 = arith.andi %ne3A_1150, %ne3A_1153 : i1
    %sub3A_1155 = arith.constant 1 : i32
    %sub3A_1156 = arith.subi %div3A_1135, %sub3A_1155 : i32
    %select_n3A_1157 = arith.select %and3A_1154, %sub3A_1156, %div3A_1135 : i32
    %mul3A_1158 = arith.constant 128 : i32
    %mul3A_1159 = arith.muli %select_n3A_1157, %mul3A_1158 : i32
    %add3A_1160 = arith.constant 24 : i32
    %add3A_1161 = arith.addi %mul3A_2, %add3A_1160 : i32
    %dma_start3A_1162 = arith.constant 200 : i32
    %dma_start3A_1163 = arith.constant 0 : i32
    %dma_start3A_1164 = tpu.memref_slice %arg8[%dma_start3A_1162, %dma_start3A_1163] : memref<256x128xf32, #tpu.memory_space<vmem>> -> memref<8x128xf32, #tpu.memory_space<vmem>>
    %dma_start3A_1165 = tpu.memref_slice %arg2[%add3A_1161, %mul3A_1159] : memref<1024x100000xf32, #tpu.memory_space<hbm>> -> memref<8x128xf32, #tpu.memory_space<hbm>>
    %dma_start3A_1166 = arith.constant 200 : i32
    %dma_start3A_1167 = arith.constant 0 : i32
    %dma_start3A_1168 = tpu.memref_slice %arg8[%dma_start3A_1166, %dma_start3A_1167] : memref<256x128xf32, #tpu.memory_space<vmem>> -> memref<8x128xf32, #tpu.memory_space<vmem>>
    %dma_start3A_1169 = tpu.memref_slice %arg2[%add3A_1161, %mul3A_1159] : memref<1024x100000xf32, #tpu.memory_space<hbm>> -> memref<8x128xf32, #tpu.memory_space<hbm>>
    tpu.enqueue_dma source(%dma_start3A_1169 : memref<8x128xf32, #tpu.memory_space<hbm>>) target(%dma_start3A_1168 : memref<8x128xf32, #tpu.memory_space<vmem>>) target_semaphore(%arg16 : memref<!tpu.dma_semaphore, #tpu.memory_space<semaphore_mem>>)
    %get3A_1170 = arith.constant 26 : i32
    %get3A_1171 = arith.index_cast %get3A_1170 : i32 to index
    %get3A_1172 = memref.load %arg6[%get3A_1171] : memref<32xi32, #tpu.memory_space<smem>>
    %jit3A_1173 = arith.constant 128 : i32
    %div3A_1174 = arith.divsi %get3A_1172, %jit3A_1173 : i32
    %sign3A_1175 = arith.constant 0 : i32
    %sign3A_1176 = arith.cmpi sgt, %get3A_1172, %sign3A_1175 : i32
    %sign3A_1177 = arith.extui %sign3A_1176 : i1 to i32
    %sign3A_1178 = arith.constant 0 : i32
    %sign3A_1179 = arith.cmpi slt, %get3A_1172, %sign3A_1178 : i32
    %sign3A_1180 = arith.extui %sign3A_1179 : i1 to i32
    %sign3A_1181 = arith.subi %sign3A_1177, %sign3A_1180 : i32
    %sign3A_1182 = arith.constant 0 : i32
    %sign3A_1183 = arith.cmpi sgt, %jit3A_1173, %sign3A_1182 : i32
    %sign3A_1184 = arith.extui %sign3A_1183 : i1 to i32
    %sign3A_1185 = arith.constant 0 : i32
    %sign3A_1186 = arith.cmpi slt, %jit3A_1173, %sign3A_1185 : i32
    %sign3A_1187 = arith.extui %sign3A_1186 : i1 to i32
    %sign3A_1188 = arith.subi %sign3A_1184, %sign3A_1187 : i32
    %ne3A_1189 = arith.cmpi ne, %sign3A_1181, %sign3A_1188 : i32
    %rem3A_1190 = arith.remsi %get3A_1172, %jit3A_1173 : i32
    %ne3A_1191 = arith.constant 0 : i32
    %ne3A_1192 = arith.cmpi ne, %rem3A_1190, %ne3A_1191 : i32
    %and3A_1193 = arith.andi %ne3A_1189, %ne3A_1192 : i1
    %sub3A_1194 = arith.constant 1 : i32
    %sub3A_1195 = arith.subi %div3A_1174, %sub3A_1194 : i32
    %select_n3A_1196 = arith.select %and3A_1193, %sub3A_1195, %div3A_1174 : i32
    %mul3A_1197 = arith.constant 128 : i32
    %mul3A_1198 = arith.muli %select_n3A_1196, %mul3A_1197 : i32
    %add3A_1199 = arith.constant 24 : i32
    %add3A_1200 = arith.addi %mul3A_2, %add3A_1199 : i32
    %dma_start3A_1201 = arith.constant 208 : i32
    %dma_start3A_1202 = arith.constant 0 : i32
    %dma_start3A_1203 = tpu.memref_slice %arg8[%dma_start3A_1201, %dma_start3A_1202] : memref<256x128xf32, #tpu.memory_space<vmem>> -> memref<8x128xf32, #tpu.memory_space<vmem>>
    %dma_start3A_1204 = tpu.memref_slice %arg2[%add3A_1200, %mul3A_1198] : memref<1024x100000xf32, #tpu.memory_space<hbm>> -> memref<8x128xf32, #tpu.memory_space<hbm>>
    %dma_start3A_1205 = arith.constant 208 : i32
    %dma_start3A_1206 = arith.constant 0 : i32
    %dma_start3A_1207 = tpu.memref_slice %arg8[%dma_start3A_1205, %dma_start3A_1206] : memref<256x128xf32, #tpu.memory_space<vmem>> -> memref<8x128xf32, #tpu.memory_space<vmem>>
    %dma_start3A_1208 = tpu.memref_slice %arg2[%add3A_1200, %mul3A_1198] : memref<1024x100000xf32, #tpu.memory_space<hbm>> -> memref<8x128xf32, #tpu.memory_space<hbm>>
    tpu.enqueue_dma source(%dma_start3A_1208 : memref<8x128xf32, #tpu.memory_space<hbm>>) target(%dma_start3A_1207 : memref<8x128xf32, #tpu.memory_space<vmem>>) target_semaphore(%arg16 : memref<!tpu.dma_semaphore, #tpu.memory_space<semaphore_mem>>)
    %get3A_1209 = arith.constant 27 : i32
    %get3A_1210 = arith.index_cast %get3A_1209 : i32 to index
    %get3A_1211 = memref.load %arg6[%get3A_1210] : memref<32xi32, #tpu.memory_space<smem>>
    %jit3A_1212 = arith.constant 128 : i32
    %div3A_1213 = arith.divsi %get3A_1211, %jit3A_1212 : i32
    %sign3A_1214 = arith.constant 0 : i32
    %sign3A_1215 = arith.cmpi sgt, %get3A_1211, %sign3A_1214 : i32
    %sign3A_1216 = arith.extui %sign3A_1215 : i1 to i32
    %sign3A_1217 = arith.constant 0 : i32
    %sign3A_1218 = arith.cmpi slt, %get3A_1211, %sign3A_1217 : i32
    %sign3A_1219 = arith.extui %sign3A_1218 : i1 to i32
    %sign3A_1220 = arith.subi %sign3A_1216, %sign3A_1219 : i32
    %sign3A_1221 = arith.constant 0 : i32
    %sign3A_1222 = arith.cmpi sgt, %jit3A_1212, %sign3A_1221 : i32
    %sign3A_1223 = arith.extui %sign3A_1222 : i1 to i32
    %sign3A_1224 = arith.constant 0 : i32
    %sign3A_1225 = arith.cmpi slt, %jit3A_1212, %sign3A_1224 : i32
    %sign3A_1226 = arith.extui %sign3A_1225 : i1 to i32
    %sign3A_1227 = arith.subi %sign3A_1223, %sign3A_1226 : i32
    %ne3A_1228 = arith.cmpi ne, %sign3A_1220, %sign3A_1227 : i32
    %rem3A_1229 = arith.remsi %get3A_1211, %jit3A_1212 : i32
    %ne3A_1230 = arith.constant 0 : i32
    %ne3A_1231 = arith.cmpi ne, %rem3A_1229, %ne3A_1230 : i32
    %and3A_1232 = arith.andi %ne3A_1228, %ne3A_1231 : i1
    %sub3A_1233 = arith.constant 1 : i32
    %sub3A_1234 = arith.subi %div3A_1213, %sub3A_1233 : i32
    %select_n3A_1235 = arith.select %and3A_1232, %sub3A_1234, %div3A_1213 : i32
    %mul3A_1236 = arith.constant 128 : i32
    %mul3A_1237 = arith.muli %select_n3A_1235, %mul3A_1236 : i32
    %add3A_1238 = arith.constant 24 : i32
    %add3A_1239 = arith.addi %mul3A_2, %add3A_1238 : i32
    %dma_start3A_1240 = arith.constant 216 : i32
    %dma_start3A_1241 = arith.constant 0 : i32
    %dma_start3A_1242 = tpu.memref_slice %arg8[%dma_start3A_1240, %dma_start3A_1241] : memref<256x128xf32, #tpu.memory_space<vmem>> -> memref<8x128xf32, #tpu.memory_space<vmem>>
    %dma_start3A_1243 = tpu.memref_slice %arg2[%add3A_1239, %mul3A_1237] : memref<1024x100000xf32, #tpu.memory_space<hbm>> -> memref<8x128xf32, #tpu.memory_space<hbm>>
    %dma_start3A_1244 = arith.constant 216 : i32
    %dma_start3A_1245 = arith.constant 0 : i32
    %dma_start3A_1246 = tpu.memref_slice %arg8[%dma_start3A_1244, %dma_start3A_1245] : memref<256x128xf32, #tpu.memory_space<vmem>> -> memref<8x128xf32, #tpu.memory_space<vmem>>
    %dma_start3A_1247 = tpu.memref_slice %arg2[%add3A_1239, %mul3A_1237] : memref<1024x100000xf32, #tpu.memory_space<hbm>> -> memref<8x128xf32, #tpu.memory_space<hbm>>
    tpu.enqueue_dma source(%dma_start3A_1247 : memref<8x128xf32, #tpu.memory_space<hbm>>) target(%dma_start3A_1246 : memref<8x128xf32, #tpu.memory_space<vmem>>) target_semaphore(%arg16 : memref<!tpu.dma_semaphore, #tpu.memory_space<semaphore_mem>>)
    %get3A_1248 = arith.constant 28 : i32
    %get3A_1249 = arith.index_cast %get3A_1248 : i32 to index
    %get3A_1250 = memref.load %arg6[%get3A_1249] : memref<32xi32, #tpu.memory_space<smem>>
    %jit3A_1251 = arith.constant 128 : i32
    %div3A_1252 = arith.divsi %get3A_1250, %jit3A_1251 : i32
    %sign3A_1253 = arith.constant 0 : i32
    %sign3A_1254 = arith.cmpi sgt, %get3A_1250, %sign3A_1253 : i32
    %sign3A_1255 = arith.extui %sign3A_1254 : i1 to i32
    %sign3A_1256 = arith.constant 0 : i32
    %sign3A_1257 = arith.cmpi slt, %get3A_1250, %sign3A_1256 : i32
    %sign3A_1258 = arith.extui %sign3A_1257 : i1 to i32
    %sign3A_1259 = arith.subi %sign3A_1255, %sign3A_1258 : i32
    %sign3A_1260 = arith.constant 0 : i32
    %sign3A_1261 = arith.cmpi sgt, %jit3A_1251, %sign3A_1260 : i32
    %sign3A_1262 = arith.extui %sign3A_1261 : i1 to i32
    %sign3A_1263 = arith.constant 0 : i32
    %sign3A_1264 = arith.cmpi slt, %jit3A_1251, %sign3A_1263 : i32
    %sign3A_1265 = arith.extui %sign3A_1264 : i1 to i32
    %sign3A_1266 = arith.subi %sign3A_1262, %sign3A_1265 : i32
    %ne3A_1267 = arith.cmpi ne, %sign3A_1259, %sign3A_1266 : i32
    %rem3A_1268 = arith.remsi %get3A_1250, %jit3A_1251 : i32
    %ne3A_1269 = arith.constant 0 : i32
    %ne3A_1270 = arith.cmpi ne, %rem3A_1268, %ne3A_1269 : i32
    %and3A_1271 = arith.andi %ne3A_1267, %ne3A_1270 : i1
    %sub3A_1272 = arith.constant 1 : i32
    %sub3A_1273 = arith.subi %div3A_1252, %sub3A_1272 : i32
    %select_n3A_1274 = arith.select %and3A_1271, %sub3A_1273, %div3A_1252 : i32
    %mul3A_1275 = arith.constant 128 : i32
    %mul3A_1276 = arith.muli %select_n3A_1274, %mul3A_1275 : i32
    %add3A_1277 = arith.constant 24 : i32
    %add3A_1278 = arith.addi %mul3A_2, %add3A_1277 : i32
    %dma_start3A_1279 = arith.constant 224 : i32
    %dma_start3A_1280 = arith.constant 0 : i32
    %dma_start3A_1281 = tpu.memref_slice %arg8[%dma_start3A_1279, %dma_start3A_1280] : memref<256x128xf32, #tpu.memory_space<vmem>> -> memref<8x128xf32, #tpu.memory_space<vmem>>
    %dma_start3A_1282 = tpu.memref_slice %arg2[%add3A_1278, %mul3A_1276] : memref<1024x100000xf32, #tpu.memory_space<hbm>> -> memref<8x128xf32, #tpu.memory_space<hbm>>
    %dma_start3A_1283 = arith.constant 224 : i32
    %dma_start3A_1284 = arith.constant 0 : i32
    %dma_start3A_1285 = tpu.memref_slice %arg8[%dma_start3A_1283, %dma_start3A_1284] : memref<256x128xf32, #tpu.memory_space<vmem>> -> memref<8x128xf32, #tpu.memory_space<vmem>>
    %dma_start3A_1286 = tpu.memref_slice %arg2[%add3A_1278, %mul3A_1276] : memref<1024x100000xf32, #tpu.memory_space<hbm>> -> memref<8x128xf32, #tpu.memory_space<hbm>>
    tpu.enqueue_dma source(%dma_start3A_1286 : memref<8x128xf32, #tpu.memory_space<hbm>>) target(%dma_start3A_1285 : memref<8x128xf32, #tpu.memory_space<vmem>>) target_semaphore(%arg16 : memref<!tpu.dma_semaphore, #tpu.memory_space<semaphore_mem>>)
    %get3A_1287 = arith.constant 29 : i32
    %get3A_1288 = arith.index_cast %get3A_1287 : i32 to index
    %get3A_1289 = memref.load %arg6[%get3A_1288] : memref<32xi32, #tpu.memory_space<smem>>
    %jit3A_1290 = arith.constant 128 : i32
    %div3A_1291 = arith.divsi %get3A_1289, %jit3A_1290 : i32
    %sign3A_1292 = arith.constant 0 : i32
    %sign3A_1293 = arith.cmpi sgt, %get3A_1289, %sign3A_1292 : i32
    %sign3A_1294 = arith.extui %sign3A_1293 : i1 to i32
    %sign3A_1295 = arith.constant 0 : i32
    %sign3A_1296 = arith.cmpi slt, %get3A_1289, %sign3A_1295 : i32
    %sign3A_1297 = arith.extui %sign3A_1296 : i1 to i32
    %sign3A_1298 = arith.subi %sign3A_1294, %sign3A_1297 : i32
    %sign3A_1299 = arith.constant 0 : i32
    %sign3A_1300 = arith.cmpi sgt, %jit3A_1290, %sign3A_1299 : i32
    %sign3A_1301 = arith.extui %sign3A_1300 : i1 to i32
    %sign3A_1302 = arith.constant 0 : i32
    %sign3A_1303 = arith.cmpi slt, %jit3A_1290, %sign3A_1302 : i32
    %sign3A_1304 = arith.extui %sign3A_1303 : i1 to i32
    %sign3A_1305 = arith.subi %sign3A_1301, %sign3A_1304 : i32
    %ne3A_1306 = arith.cmpi ne, %sign3A_1298, %sign3A_1305 : i32
    %rem3A_1307 = arith.remsi %get3A_1289, %jit3A_1290 : i32
    %ne3A_1308 = arith.constant 0 : i32
    %ne3A_1309 = arith.cmpi ne, %rem3A_1307, %ne3A_1308 : i32
    %and3A_1310 = arith.andi %ne3A_1306, %ne3A_1309 : i1
    %sub3A_1311 = arith.constant 1 : i32
    %sub3A_1312 = arith.subi %div3A_1291, %sub3A_1311 : i32
    %select_n3A_1313 = arith.select %and3A_1310, %sub3A_1312, %div3A_1291 : i32
    %mul3A_1314 = arith.constant 128 : i32
    %mul3A_1315 = arith.muli %select_n3A_1313, %mul3A_1314 : i32
    %add3A_1316 = arith.constant 24 : i32
    %add3A_1317 = arith.addi %mul3A_2, %add3A_1316 : i32
    %dma_start3A_1318 = arith.constant 232 : i32
    %dma_start3A_1319 = arith.constant 0 : i32
    %dma_start3A_1320 = tpu.memref_slice %arg8[%dma_start3A_1318, %dma_start3A_1319] : memref<256x128xf32, #tpu.memory_space<vmem>> -> memref<8x128xf32, #tpu.memory_space<vmem>>
    %dma_start3A_1321 = tpu.memref_slice %arg2[%add3A_1317, %mul3A_1315] : memref<1024x100000xf32, #tpu.memory_space<hbm>> -> memref<8x128xf32, #tpu.memory_space<hbm>>
    %dma_start3A_1322 = arith.constant 232 : i32
    %dma_start3A_1323 = arith.constant 0 : i32
    %dma_start3A_1324 = tpu.memref_slice %arg8[%dma_start3A_1322, %dma_start3A_1323] : memref<256x128xf32, #tpu.memory_space<vmem>> -> memref<8x128xf32, #tpu.memory_space<vmem>>
    %dma_start3A_1325 = tpu.memref_slice %arg2[%add3A_1317, %mul3A_1315] : memref<1024x100000xf32, #tpu.memory_space<hbm>> -> memref<8x128xf32, #tpu.memory_space<hbm>>
    tpu.enqueue_dma source(%dma_start3A_1325 : memref<8x128xf32, #tpu.memory_space<hbm>>) target(%dma_start3A_1324 : memref<8x128xf32, #tpu.memory_space<vmem>>) target_semaphore(%arg16 : memref<!tpu.dma_semaphore, #tpu.memory_space<semaphore_mem>>)
    %get3A_1326 = arith.constant 30 : i32
    %get3A_1327 = arith.index_cast %get3A_1326 : i32 to index
    %get3A_1328 = memref.load %arg6[%get3A_1327] : memref<32xi32, #tpu.memory_space<smem>>
    %jit3A_1329 = arith.constant 128 : i32
    %div3A_1330 = arith.divsi %get3A_1328, %jit3A_1329 : i32
    %sign3A_1331 = arith.constant 0 : i32
    %sign3A_1332 = arith.cmpi sgt, %get3A_1328, %sign3A_1331 : i32
    %sign3A_1333 = arith.extui %sign3A_1332 : i1 to i32
    %sign3A_1334 = arith.constant 0 : i32
    %sign3A_1335 = arith.cmpi slt, %get3A_1328, %sign3A_1334 : i32
    %sign3A_1336 = arith.extui %sign3A_1335 : i1 to i32
    %sign3A_1337 = arith.subi %sign3A_1333, %sign3A_1336 : i32
    %sign3A_1338 = arith.constant 0 : i32
    %sign3A_1339 = arith.cmpi sgt, %jit3A_1329, %sign3A_1338 : i32
    %sign3A_1340 = arith.extui %sign3A_1339 : i1 to i32
    %sign3A_1341 = arith.constant 0 : i32
    %sign3A_1342 = arith.cmpi slt, %jit3A_1329, %sign3A_1341 : i32
    %sign3A_1343 = arith.extui %sign3A_1342 : i1 to i32
    %sign3A_1344 = arith.subi %sign3A_1340, %sign3A_1343 : i32
    %ne3A_1345 = arith.cmpi ne, %sign3A_1337, %sign3A_1344 : i32
    %rem3A_1346 = arith.remsi %get3A_1328, %jit3A_1329 : i32
    %ne3A_1347 = arith.constant 0 : i32
    %ne3A_1348 = arith.cmpi ne, %rem3A_1346, %ne3A_1347 : i32
    %and3A_1349 = arith.andi %ne3A_1345, %ne3A_1348 : i1
    %sub3A_1350 = arith.constant 1 : i32
    %sub3A_1351 = arith.subi %div3A_1330, %sub3A_1350 : i32
    %select_n3A_1352 = arith.select %and3A_1349, %sub3A_1351, %div3A_1330 : i32
    %mul3A_1353 = arith.constant 128 : i32
    %mul3A_1354 = arith.muli %select_n3A_1352, %mul3A_1353 : i32
    %add3A_1355 = arith.constant 24 : i32
    %add3A_1356 = arith.addi %mul3A_2, %add3A_1355 : i32
    %dma_start3A_1357 = arith.constant 240 : i32
    %dma_start3A_1358 = arith.constant 0 : i32
    %dma_start3A_1359 = tpu.memref_slice %arg8[%dma_start3A_1357, %dma_start3A_1358] : memref<256x128xf32, #tpu.memory_space<vmem>> -> memref<8x128xf32, #tpu.memory_space<vmem>>
    %dma_start3A_1360 = tpu.memref_slice %arg2[%add3A_1356, %mul3A_1354] : memref<1024x100000xf32, #tpu.memory_space<hbm>> -> memref<8x128xf32, #tpu.memory_space<hbm>>
    %dma_start3A_1361 = arith.constant 240 : i32
    %dma_start3A_1362 = arith.constant 0 : i32
    %dma_start3A_1363 = tpu.memref_slice %arg8[%dma_start3A_1361, %dma_start3A_1362] : memref<256x128xf32, #tpu.memory_space<vmem>> -> memref<8x128xf32, #tpu.memory_space<vmem>>
    %dma_start3A_1364 = tpu.memref_slice %arg2[%add3A_1356, %mul3A_1354] : memref<1024x100000xf32, #tpu.memory_space<hbm>> -> memref<8x128xf32, #tpu.memory_space<hbm>>
    tpu.enqueue_dma source(%dma_start3A_1364 : memref<8x128xf32, #tpu.memory_space<hbm>>) target(%dma_start3A_1363 : memref<8x128xf32, #tpu.memory_space<vmem>>) target_semaphore(%arg16 : memref<!tpu.dma_semaphore, #tpu.memory_space<semaphore_mem>>)
    %get3A_1365 = arith.constant 31 : i32
    %get3A_1366 = arith.index_cast %get3A_1365 : i32 to index
    %get3A_1367 = memref.load %arg6[%get3A_1366] : memref<32xi32, #tpu.memory_space<smem>>
    %jit3A_1368 = arith.constant 128 : i32
    %div3A_1369 = arith.divsi %get3A_1367, %jit3A_1368 : i32
    %sign3A_1370 = arith.constant 0 : i32
    %sign3A_1371 = arith.cmpi sgt, %get3A_1367, %sign3A_1370 : i32
    %sign3A_1372 = arith.extui %sign3A_1371 : i1 to i32
    %sign3A_1373 = arith.constant 0 : i32
    %sign3A_1374 = arith.cmpi slt, %get3A_1367, %sign3A_1373 : i32
    %sign3A_1375 = arith.extui %sign3A_1374 : i1 to i32
    %sign3A_1376 = arith.subi %sign3A_1372, %sign3A_1375 : i32
    %sign3A_1377 = arith.constant 0 : i32
    %sign3A_1378 = arith.cmpi sgt, %jit3A_1368, %sign3A_1377 : i32
    %sign3A_1379 = arith.extui %sign3A_1378 : i1 to i32
    %sign3A_1380 = arith.constant 0 : i32
    %sign3A_1381 = arith.cmpi slt, %jit3A_1368, %sign3A_1380 : i32
    %sign3A_1382 = arith.extui %sign3A_1381 : i1 to i32
    %sign3A_1383 = arith.subi %sign3A_1379, %sign3A_1382 : i32
    %ne3A_1384 = arith.cmpi ne, %sign3A_1376, %sign3A_1383 : i32
    %rem3A_1385 = arith.remsi %get3A_1367, %jit3A_1368 : i32
    %ne3A_1386 = arith.constant 0 : i32
    %ne3A_1387 = arith.cmpi ne, %rem3A_1385, %ne3A_1386 : i32
    %and3A_1388 = arith.andi %ne3A_1384, %ne3A_1387 : i1
    %sub3A_1389 = arith.constant 1 : i32
    %sub3A_1390 = arith.subi %div3A_1369, %sub3A_1389 : i32
    %select_n3A_1391 = arith.select %and3A_1388, %sub3A_1390, %div3A_1369 : i32
    %mul3A_1392 = arith.constant 128 : i32
    %mul3A_1393 = arith.muli %select_n3A_1391, %mul3A_1392 : i32
    %add3A_1394 = arith.constant 24 : i32
    %add3A_1395 = arith.addi %mul3A_2, %add3A_1394 : i32
    %dma_start3A_1396 = arith.constant 248 : i32
    %dma_start3A_1397 = arith.constant 0 : i32
    %dma_start3A_1398 = tpu.memref_slice %arg8[%dma_start3A_1396, %dma_start3A_1397] : memref<256x128xf32, #tpu.memory_space<vmem>> -> memref<8x128xf32, #tpu.memory_space<vmem>>
    %dma_start3A_1399 = tpu.memref_slice %arg2[%add3A_1395, %mul3A_1393] : memref<1024x100000xf32, #tpu.memory_space<hbm>> -> memref<8x128xf32, #tpu.memory_space<hbm>>
    %dma_start3A_1400 = arith.constant 248 : i32
    %dma_start3A_1401 = arith.constant 0 : i32
    %dma_start3A_1402 = tpu.memref_slice %arg8[%dma_start3A_1400, %dma_start3A_1401] : memref<256x128xf32, #tpu.memory_space<vmem>> -> memref<8x128xf32, #tpu.memory_space<vmem>>
    %dma_start3A_1403 = tpu.memref_slice %arg2[%add3A_1395, %mul3A_1393] : memref<1024x100000xf32, #tpu.memory_space<hbm>> -> memref<8x128xf32, #tpu.memory_space<hbm>>
    tpu.enqueue_dma source(%dma_start3A_1403 : memref<8x128xf32, #tpu.memory_space<hbm>>) target(%dma_start3A_1402 : memref<8x128xf32, #tpu.memory_space<vmem>>) target_semaphore(%arg16 : memref<!tpu.dma_semaphore, #tpu.memory_space<semaphore_mem>>)
    %dma_wait3A = arith.constant 0 : i32
    %dma_wait3A_1404 = arith.constant 0 : i32
    %dma_wait3A_1405 = tpu.memref_slice %arg8[%dma_wait3A, %dma_wait3A_1404] : memref<256x128xf32, #tpu.memory_space<vmem>> -> memref<8x128xf32, #tpu.memory_space<vmem>>
    %dma_wait3A_1406 = tpu.memref_slice %arg2[%add3A_187, %mul3A_185] : memref<1024x100000xf32, #tpu.memory_space<hbm>> -> memref<8x128xf32, #tpu.memory_space<hbm>>
    %dma_wait3A_1407 = arith.constant 0 : i32
    %dma_wait3A_1408 = arith.constant 0 : i32
    %dma_wait3A_1409 = tpu.memref_slice %arg8[%dma_wait3A_1407, %dma_wait3A_1408] : memref<256x128xf32, #tpu.memory_space<vmem>> -> memref<8x128xf32, #tpu.memory_space<vmem>>
    %dma_wait3A_1410 = tpu.memref_slice %arg2[%add3A_187, %mul3A_185] : memref<1024x100000xf32, #tpu.memory_space<hbm>> -> memref<8x128xf32, #tpu.memory_space<hbm>>
    tpu.wait_dma2 semaphore(%arg16 : memref<!tpu.dma_semaphore, #tpu.memory_space<semaphore_mem>>) src(%dma_wait3A_1410 : memref<8x128xf32, #tpu.memory_space<hbm>>) dst(%dma_wait3A_1409 : memref<8x128xf32, #tpu.memory_space<vmem>>)
    %dma_wait3A_1411 = arith.constant 8 : i32
    %dma_wait3A_1412 = arith.constant 0 : i32
    %dma_wait3A_1413 = tpu.memref_slice %arg8[%dma_wait3A_1411, %dma_wait3A_1412] : memref<256x128xf32, #tpu.memory_space<vmem>> -> memref<8x128xf32, #tpu.memory_space<vmem>>
    %dma_wait3A_1414 = tpu.memref_slice %arg2[%add3A_225, %mul3A_223] : memref<1024x100000xf32, #tpu.memory_space<hbm>> -> memref<8x128xf32, #tpu.memory_space<hbm>>
    %dma_wait3A_1415 = arith.constant 8 : i32
    %dma_wait3A_1416 = arith.constant 0 : i32
    %dma_wait3A_1417 = tpu.memref_slice %arg8[%dma_wait3A_1415, %dma_wait3A_1416] : memref<256x128xf32, #tpu.memory_space<vmem>> -> memref<8x128xf32, #tpu.memory_space<vmem>>
    %dma_wait3A_1418 = tpu.memref_slice %arg2[%add3A_225, %mul3A_223] : memref<1024x100000xf32, #tpu.memory_space<hbm>> -> memref<8x128xf32, #tpu.memory_space<hbm>>
    tpu.wait_dma2 semaphore(%arg16 : memref<!tpu.dma_semaphore, #tpu.memory_space<semaphore_mem>>) src(%dma_wait3A_1418 : memref<8x128xf32, #tpu.memory_space<hbm>>) dst(%dma_wait3A_1417 : memref<8x128xf32, #tpu.memory_space<vmem>>)
    %dma_wait3A_1419 = arith.constant 16 : i32
    %dma_wait3A_1420 = arith.constant 0 : i32
    %dma_wait3A_1421 = tpu.memref_slice %arg8[%dma_wait3A_1419, %dma_wait3A_1420] : memref<256x128xf32, #tpu.memory_space<vmem>> -> memref<8x128xf32, #tpu.memory_space<vmem>>
    %dma_wait3A_1422 = tpu.memref_slice %arg2[%add3A_264, %mul3A_262] : memref<1024x100000xf32, #tpu.memory_space<hbm>> -> memref<8x128xf32, #tpu.memory_space<hbm>>
    %dma_wait3A_1423 = arith.constant 16 : i32
    %dma_wait3A_1424 = arith.constant 0 : i32
    %dma_wait3A_1425 = tpu.memref_slice %arg8[%dma_wait3A_1423, %dma_wait3A_1424] : memref<256x128xf32, #tpu.memory_space<vmem>> -> memref<8x128xf32, #tpu.memory_space<vmem>>
    %dma_wait3A_1426 = tpu.memref_slice %arg2[%add3A_264, %mul3A_262] : memref<1024x100000xf32, #tpu.memory_space<hbm>> -> memref<8x128xf32, #tpu.memory_space<hbm>>
    tpu.wait_dma2 semaphore(%arg16 : memref<!tpu.dma_semaphore, #tpu.memory_space<semaphore_mem>>) src(%dma_wait3A_1426 : memref<8x128xf32, #tpu.memory_space<hbm>>) dst(%dma_wait3A_1425 : memref<8x128xf32, #tpu.memory_space<vmem>>)
    %dma_wait3A_1427 = arith.constant 24 : i32
    %dma_wait3A_1428 = arith.constant 0 : i32
    %dma_wait3A_1429 = tpu.memref_slice %arg8[%dma_wait3A_1427, %dma_wait3A_1428] : memref<256x128xf32, #tpu.memory_space<vmem>> -> memref<8x128xf32, #tpu.memory_space<vmem>>
    %dma_wait3A_1430 = tpu.memref_slice %arg2[%add3A_303, %mul3A_301] : memref<1024x100000xf32, #tpu.memory_space<hbm>> -> memref<8x128xf32, #tpu.memory_space<hbm>>
    %dma_wait3A_1431 = arith.constant 24 : i32
    %dma_wait3A_1432 = arith.constant 0 : i32
    %dma_wait3A_1433 = tpu.memref_slice %arg8[%dma_wait3A_1431, %dma_wait3A_1432] : memref<256x128xf32, #tpu.memory_space<vmem>> -> memref<8x128xf32, #tpu.memory_space<vmem>>
    %dma_wait3A_1434 = tpu.memref_slice %arg2[%add3A_303, %mul3A_301] : memref<1024x100000xf32, #tpu.memory_space<hbm>> -> memref<8x128xf32, #tpu.memory_space<hbm>>
    tpu.wait_dma2 semaphore(%arg16 : memref<!tpu.dma_semaphore, #tpu.memory_space<semaphore_mem>>) src(%dma_wait3A_1434 : memref<8x128xf32, #tpu.memory_space<hbm>>) dst(%dma_wait3A_1433 : memref<8x128xf32, #tpu.memory_space<vmem>>)
    %dma_wait3A_1435 = arith.constant 32 : i32
    %dma_wait3A_1436 = arith.constant 0 : i32
    %dma_wait3A_1437 = tpu.memref_slice %arg8[%dma_wait3A_1435, %dma_wait3A_1436] : memref<256x128xf32, #tpu.memory_space<vmem>> -> memref<8x128xf32, #tpu.memory_space<vmem>>
    %dma_wait3A_1438 = tpu.memref_slice %arg2[%add3A_342, %mul3A_340] : memref<1024x100000xf32, #tpu.memory_space<hbm>> -> memref<8x128xf32, #tpu.memory_space<hbm>>
    %dma_wait3A_1439 = arith.constant 32 : i32
    %dma_wait3A_1440 = arith.constant 0 : i32
    %dma_wait3A_1441 = tpu.memref_slice %arg8[%dma_wait3A_1439, %dma_wait3A_1440] : memref<256x128xf32, #tpu.memory_space<vmem>> -> memref<8x128xf32, #tpu.memory_space<vmem>>
    %dma_wait3A_1442 = tpu.memref_slice %arg2[%add3A_342, %mul3A_340] : memref<1024x100000xf32, #tpu.memory_space<hbm>> -> memref<8x128xf32, #tpu.memory_space<hbm>>
    tpu.wait_dma2 semaphore(%arg16 : memref<!tpu.dma_semaphore, #tpu.memory_space<semaphore_mem>>) src(%dma_wait3A_1442 : memref<8x128xf32, #tpu.memory_space<hbm>>) dst(%dma_wait3A_1441 : memref<8x128xf32, #tpu.memory_space<vmem>>)
    %dma_wait3A_1443 = arith.constant 40 : i32
    %dma_wait3A_1444 = arith.constant 0 : i32
    %dma_wait3A_1445 = tpu.memref_slice %arg8[%dma_wait3A_1443, %dma_wait3A_1444] : memref<256x128xf32, #tpu.memory_space<vmem>> -> memref<8x128xf32, #tpu.memory_space<vmem>>
    %dma_wait3A_1446 = tpu.memref_slice %arg2[%add3A_381, %mul3A_379] : memref<1024x100000xf32, #tpu.memory_space<hbm>> -> memref<8x128xf32, #tpu.memory_space<hbm>>
    %dma_wait3A_1447 = arith.constant 40 : i32
    %dma_wait3A_1448 = arith.constant 0 : i32
    %dma_wait3A_1449 = tpu.memref_slice %arg8[%dma_wait3A_1447, %dma_wait3A_1448] : memref<256x128xf32, #tpu.memory_space<vmem>> -> memref<8x128xf32, #tpu.memory_space<vmem>>
    %dma_wait3A_1450 = tpu.memref_slice %arg2[%add3A_381, %mul3A_379] : memref<1024x100000xf32, #tpu.memory_space<hbm>> -> memref<8x128xf32, #tpu.memory_space<hbm>>
    tpu.wait_dma2 semaphore(%arg16 : memref<!tpu.dma_semaphore, #tpu.memory_space<semaphore_mem>>) src(%dma_wait3A_1450 : memref<8x128xf32, #tpu.memory_space<hbm>>) dst(%dma_wait3A_1449 : memref<8x128xf32, #tpu.memory_space<vmem>>)
    %dma_wait3A_1451 = arith.constant 48 : i32
    %dma_wait3A_1452 = arith.constant 0 : i32
    %dma_wait3A_1453 = tpu.memref_slice %arg8[%dma_wait3A_1451, %dma_wait3A_1452] : memref<256x128xf32, #tpu.memory_space<vmem>> -> memref<8x128xf32, #tpu.memory_space<vmem>>
    %dma_wait3A_1454 = tpu.memref_slice %arg2[%add3A_420, %mul3A_418] : memref<1024x100000xf32, #tpu.memory_space<hbm>> -> memref<8x128xf32, #tpu.memory_space<hbm>>
    %dma_wait3A_1455 = arith.constant 48 : i32
    %dma_wait3A_1456 = arith.constant 0 : i32
    %dma_wait3A_1457 = tpu.memref_slice %arg8[%dma_wait3A_1455, %dma_wait3A_1456] : memref<256x128xf32, #tpu.memory_space<vmem>> -> memref<8x128xf32, #tpu.memory_space<vmem>>
    %dma_wait3A_1458 = tpu.memref_slice %arg2[%add3A_420, %mul3A_418] : memref<1024x100000xf32, #tpu.memory_space<hbm>> -> memref<8x128xf32, #tpu.memory_space<hbm>>
    tpu.wait_dma2 semaphore(%arg16 : memref<!tpu.dma_semaphore, #tpu.memory_space<semaphore_mem>>) src(%dma_wait3A_1458 : memref<8x128xf32, #tpu.memory_space<hbm>>) dst(%dma_wait3A_1457 : memref<8x128xf32, #tpu.memory_space<vmem>>)
    %dma_wait3A_1459 = arith.constant 56 : i32
    %dma_wait3A_1460 = arith.constant 0 : i32
    %dma_wait3A_1461 = tpu.memref_slice %arg8[%dma_wait3A_1459, %dma_wait3A_1460] : memref<256x128xf32, #tpu.memory_space<vmem>> -> memref<8x128xf32, #tpu.memory_space<vmem>>
    %dma_wait3A_1462 = tpu.memref_slice %arg2[%add3A_459, %mul3A_457] : memref<1024x100000xf32, #tpu.memory_space<hbm>> -> memref<8x128xf32, #tpu.memory_space<hbm>>
    %dma_wait3A_1463 = arith.constant 56 : i32
    %dma_wait3A_1464 = arith.constant 0 : i32
    %dma_wait3A_1465 = tpu.memref_slice %arg8[%dma_wait3A_1463, %dma_wait3A_1464] : memref<256x128xf32, #tpu.memory_space<vmem>> -> memref<8x128xf32, #tpu.memory_space<vmem>>
    %dma_wait3A_1466 = tpu.memref_slice %arg2[%add3A_459, %mul3A_457] : memref<1024x100000xf32, #tpu.memory_space<hbm>> -> memref<8x128xf32, #tpu.memory_space<hbm>>
    tpu.wait_dma2 semaphore(%arg16 : memref<!tpu.dma_semaphore, #tpu.memory_space<semaphore_mem>>) src(%dma_wait3A_1466 : memref<8x128xf32, #tpu.memory_space<hbm>>) dst(%dma_wait3A_1465 : memref<8x128xf32, #tpu.memory_space<vmem>>)
    %dma_wait3A_1467 = arith.constant 64 : i32
    %dma_wait3A_1468 = arith.constant 0 : i32
    %dma_wait3A_1469 = tpu.memref_slice %arg8[%dma_wait3A_1467, %dma_wait3A_1468] : memref<256x128xf32, #tpu.memory_space<vmem>> -> memref<8x128xf32, #tpu.memory_space<vmem>>
    %dma_wait3A_1470 = tpu.memref_slice %arg2[%add3A_498, %mul3A_496] : memref<1024x100000xf32, #tpu.memory_space<hbm>> -> memref<8x128xf32, #tpu.memory_space<hbm>>
    %dma_wait3A_1471 = arith.constant 64 : i32
    %dma_wait3A_1472 = arith.constant 0 : i32
    %dma_wait3A_1473 = tpu.memref_slice %arg8[%dma_wait3A_1471, %dma_wait3A_1472] : memref<256x128xf32, #tpu.memory_space<vmem>> -> memref<8x128xf32, #tpu.memory_space<vmem>>
    %dma_wait3A_1474 = tpu.memref_slice %arg2[%add3A_498, %mul3A_496] : memref<1024x100000xf32, #tpu.memory_space<hbm>> -> memref<8x128xf32, #tpu.memory_space<hbm>>
    tpu.wait_dma2 semaphore(%arg16 : memref<!tpu.dma_semaphore, #tpu.memory_space<semaphore_mem>>) src(%dma_wait3A_1474 : memref<8x128xf32, #tpu.memory_space<hbm>>) dst(%dma_wait3A_1473 : memref<8x128xf32, #tpu.memory_space<vmem>>)
    %dma_wait3A_1475 = arith.constant 72 : i32
    %dma_wait3A_1476 = arith.constant 0 : i32
    %dma_wait3A_1477 = tpu.memref_slice %arg8[%dma_wait3A_1475, %dma_wait3A_1476] : memref<256x128xf32, #tpu.memory_space<vmem>> -> memref<8x128xf32, #tpu.memory_space<vmem>>
    %dma_wait3A_1478 = tpu.memref_slice %arg2[%add3A_537, %mul3A_535] : memref<1024x100000xf32, #tpu.memory_space<hbm>> -> memref<8x128xf32, #tpu.memory_space<hbm>>
    %dma_wait3A_1479 = arith.constant 72 : i32
    %dma_wait3A_1480 = arith.constant 0 : i32
    %dma_wait3A_1481 = tpu.memref_slice %arg8[%dma_wait3A_1479, %dma_wait3A_1480] : memref<256x128xf32, #tpu.memory_space<vmem>> -> memref<8x128xf32, #tpu.memory_space<vmem>>
    %dma_wait3A_1482 = tpu.memref_slice %arg2[%add3A_537, %mul3A_535] : memref<1024x100000xf32, #tpu.memory_space<hbm>> -> memref<8x128xf32, #tpu.memory_space<hbm>>
    tpu.wait_dma2 semaphore(%arg16 : memref<!tpu.dma_semaphore, #tpu.memory_space<semaphore_mem>>) src(%dma_wait3A_1482 : memref<8x128xf32, #tpu.memory_space<hbm>>) dst(%dma_wait3A_1481 : memref<8x128xf32, #tpu.memory_space<vmem>>)
    %dma_wait3A_1483 = arith.constant 80 : i32
    %dma_wait3A_1484 = arith.constant 0 : i32
    %dma_wait3A_1485 = tpu.memref_slice %arg8[%dma_wait3A_1483, %dma_wait3A_1484] : memref<256x128xf32, #tpu.memory_space<vmem>> -> memref<8x128xf32, #tpu.memory_space<vmem>>
    %dma_wait3A_1486 = tpu.memref_slice %arg2[%add3A_576, %mul3A_574] : memref<1024x100000xf32, #tpu.memory_space<hbm>> -> memref<8x128xf32, #tpu.memory_space<hbm>>
    %dma_wait3A_1487 = arith.constant 80 : i32
    %dma_wait3A_1488 = arith.constant 0 : i32
    %dma_wait3A_1489 = tpu.memref_slice %arg8[%dma_wait3A_1487, %dma_wait3A_1488] : memref<256x128xf32, #tpu.memory_space<vmem>> -> memref<8x128xf32, #tpu.memory_space<vmem>>
    %dma_wait3A_1490 = tpu.memref_slice %arg2[%add3A_576, %mul3A_574] : memref<1024x100000xf32, #tpu.memory_space<hbm>> -> memref<8x128xf32, #tpu.memory_space<hbm>>
    tpu.wait_dma2 semaphore(%arg16 : memref<!tpu.dma_semaphore, #tpu.memory_space<semaphore_mem>>) src(%dma_wait3A_1490 : memref<8x128xf32, #tpu.memory_space<hbm>>) dst(%dma_wait3A_1489 : memref<8x128xf32, #tpu.memory_space<vmem>>)
    %dma_wait3A_1491 = arith.constant 88 : i32
    %dma_wait3A_1492 = arith.constant 0 : i32
    %dma_wait3A_1493 = tpu.memref_slice %arg8[%dma_wait3A_1491, %dma_wait3A_1492] : memref<256x128xf32, #tpu.memory_space<vmem>> -> memref<8x128xf32, #tpu.memory_space<vmem>>
    %dma_wait3A_1494 = tpu.memref_slice %arg2[%add3A_615, %mul3A_613] : memref<1024x100000xf32, #tpu.memory_space<hbm>> -> memref<8x128xf32, #tpu.memory_space<hbm>>
    %dma_wait3A_1495 = arith.constant 88 : i32
    %dma_wait3A_1496 = arith.constant 0 : i32
    %dma_wait3A_1497 = tpu.memref_slice %arg8[%dma_wait3A_1495, %dma_wait3A_1496] : memref<256x128xf32, #tpu.memory_space<vmem>> -> memref<8x128xf32, #tpu.memory_space<vmem>>
    %dma_wait3A_1498 = tpu.memref_slice %arg2[%add3A_615, %mul3A_613] : memref<1024x100000xf32, #tpu.memory_space<hbm>> -> memref<8x128xf32, #tpu.memory_space<hbm>>
    tpu.wait_dma2 semaphore(%arg16 : memref<!tpu.dma_semaphore, #tpu.memory_space<semaphore_mem>>) src(%dma_wait3A_1498 : memref<8x128xf32, #tpu.memory_space<hbm>>) dst(%dma_wait3A_1497 : memref<8x128xf32, #tpu.memory_space<vmem>>)
    %dma_wait3A_1499 = arith.constant 96 : i32
    %dma_wait3A_1500 = arith.constant 0 : i32
    %dma_wait3A_1501 = tpu.memref_slice %arg8[%dma_wait3A_1499, %dma_wait3A_1500] : memref<256x128xf32, #tpu.memory_space<vmem>> -> memref<8x128xf32, #tpu.memory_space<vmem>>
    %dma_wait3A_1502 = tpu.memref_slice %arg2[%add3A_654, %mul3A_652] : memref<1024x100000xf32, #tpu.memory_space<hbm>> -> memref<8x128xf32, #tpu.memory_space<hbm>>
    %dma_wait3A_1503 = arith.constant 96 : i32
    %dma_wait3A_1504 = arith.constant 0 : i32
    %dma_wait3A_1505 = tpu.memref_slice %arg8[%dma_wait3A_1503, %dma_wait3A_1504] : memref<256x128xf32, #tpu.memory_space<vmem>> -> memref<8x128xf32, #tpu.memory_space<vmem>>
    %dma_wait3A_1506 = tpu.memref_slice %arg2[%add3A_654, %mul3A_652] : memref<1024x100000xf32, #tpu.memory_space<hbm>> -> memref<8x128xf32, #tpu.memory_space<hbm>>
    tpu.wait_dma2 semaphore(%arg16 : memref<!tpu.dma_semaphore, #tpu.memory_space<semaphore_mem>>) src(%dma_wait3A_1506 : memref<8x128xf32, #tpu.memory_space<hbm>>) dst(%dma_wait3A_1505 : memref<8x128xf32, #tpu.memory_space<vmem>>)
    %dma_wait3A_1507 = arith.constant 104 : i32
    %dma_wait3A_1508 = arith.constant 0 : i32
    %dma_wait3A_1509 = tpu.memref_slice %arg8[%dma_wait3A_1507, %dma_wait3A_1508] : memref<256x128xf32, #tpu.memory_space<vmem>> -> memref<8x128xf32, #tpu.memory_space<vmem>>
    %dma_wait3A_1510 = tpu.memref_slice %arg2[%add3A_693, %mul3A_691] : memref<1024x100000xf32, #tpu.memory_space<hbm>> -> memref<8x128xf32, #tpu.memory_space<hbm>>
    %dma_wait3A_1511 = arith.constant 104 : i32
    %dma_wait3A_1512 = arith.constant 0 : i32
    %dma_wait3A_1513 = tpu.memref_slice %arg8[%dma_wait3A_1511, %dma_wait3A_1512] : memref<256x128xf32, #tpu.memory_space<vmem>> -> memref<8x128xf32, #tpu.memory_space<vmem>>
    %dma_wait3A_1514 = tpu.memref_slice %arg2[%add3A_693, %mul3A_691] : memref<1024x100000xf32, #tpu.memory_space<hbm>> -> memref<8x128xf32, #tpu.memory_space<hbm>>
    tpu.wait_dma2 semaphore(%arg16 : memref<!tpu.dma_semaphore, #tpu.memory_space<semaphore_mem>>) src(%dma_wait3A_1514 : memref<8x128xf32, #tpu.memory_space<hbm>>) dst(%dma_wait3A_1513 : memref<8x128xf32, #tpu.memory_space<vmem>>)
    %dma_wait3A_1515 = arith.constant 112 : i32
    %dma_wait3A_1516 = arith.constant 0 : i32
    %dma_wait3A_1517 = tpu.memref_slice %arg8[%dma_wait3A_1515, %dma_wait3A_1516] : memref<256x128xf32, #tpu.memory_space<vmem>> -> memref<8x128xf32, #tpu.memory_space<vmem>>
    %dma_wait3A_1518 = tpu.memref_slice %arg2[%add3A_732, %mul3A_730] : memref<1024x100000xf32, #tpu.memory_space<hbm>> -> memref<8x128xf32, #tpu.memory_space<hbm>>
    %dma_wait3A_1519 = arith.constant 112 : i32
    %dma_wait3A_1520 = arith.constant 0 : i32
    %dma_wait3A_1521 = tpu.memref_slice %arg8[%dma_wait3A_1519, %dma_wait3A_1520] : memref<256x128xf32, #tpu.memory_space<vmem>> -> memref<8x128xf32, #tpu.memory_space<vmem>>
    %dma_wait3A_1522 = tpu.memref_slice %arg2[%add3A_732, %mul3A_730] : memref<1024x100000xf32, #tpu.memory_space<hbm>> -> memref<8x128xf32, #tpu.memory_space<hbm>>
    tpu.wait_dma2 semaphore(%arg16 : memref<!tpu.dma_semaphore, #tpu.memory_space<semaphore_mem>>) src(%dma_wait3A_1522 : memref<8x128xf32, #tpu.memory_space<hbm>>) dst(%dma_wait3A_1521 : memref<8x128xf32, #tpu.memory_space<vmem>>)
    %dma_wait3A_1523 = arith.constant 120 : i32
    %dma_wait3A_1524 = arith.constant 0 : i32
    %dma_wait3A_1525 = tpu.memref_slice %arg8[%dma_wait3A_1523, %dma_wait3A_1524] : memref<256x128xf32, #tpu.memory_space<vmem>> -> memref<8x128xf32, #tpu.memory_space<vmem>>
    %dma_wait3A_1526 = tpu.memref_slice %arg2[%add3A_771, %mul3A_769] : memref<1024x100000xf32, #tpu.memory_space<hbm>> -> memref<8x128xf32, #tpu.memory_space<hbm>>
    %dma_wait3A_1527 = arith.constant 120 : i32
    %dma_wait3A_1528 = arith.constant 0 : i32
    %dma_wait3A_1529 = tpu.memref_slice %arg8[%dma_wait3A_1527, %dma_wait3A_1528] : memref<256x128xf32, #tpu.memory_space<vmem>> -> memref<8x128xf32, #tpu.memory_space<vmem>>
    %dma_wait3A_1530 = tpu.memref_slice %arg2[%add3A_771, %mul3A_769] : memref<1024x100000xf32, #tpu.memory_space<hbm>> -> memref<8x128xf32, #tpu.memory_space<hbm>>
    tpu.wait_dma2 semaphore(%arg16 : memref<!tpu.dma_semaphore, #tpu.memory_space<semaphore_mem>>) src(%dma_wait3A_1530 : memref<8x128xf32, #tpu.memory_space<hbm>>) dst(%dma_wait3A_1529 : memref<8x128xf32, #tpu.memory_space<vmem>>)
    %dma_wait3A_1531 = arith.constant 128 : i32
    %dma_wait3A_1532 = arith.constant 0 : i32
    %dma_wait3A_1533 = tpu.memref_slice %arg8[%dma_wait3A_1531, %dma_wait3A_1532] : memref<256x128xf32, #tpu.memory_space<vmem>> -> memref<8x128xf32, #tpu.memory_space<vmem>>
    %dma_wait3A_1534 = tpu.memref_slice %arg2[%add3A_810, %mul3A_808] : memref<1024x100000xf32, #tpu.memory_space<hbm>> -> memref<8x128xf32, #tpu.memory_space<hbm>>
    %dma_wait3A_1535 = arith.constant 128 : i32
    %dma_wait3A_1536 = arith.constant 0 : i32
    %dma_wait3A_1537 = tpu.memref_slice %arg8[%dma_wait3A_1535, %dma_wait3A_1536] : memref<256x128xf32, #tpu.memory_space<vmem>> -> memref<8x128xf32, #tpu.memory_space<vmem>>
    %dma_wait3A_1538 = tpu.memref_slice %arg2[%add3A_810, %mul3A_808] : memref<1024x100000xf32, #tpu.memory_space<hbm>> -> memref<8x128xf32, #tpu.memory_space<hbm>>
    tpu.wait_dma2 semaphore(%arg16 : memref<!tpu.dma_semaphore, #tpu.memory_space<semaphore_mem>>) src(%dma_wait3A_1538 : memref<8x128xf32, #tpu.memory_space<hbm>>) dst(%dma_wait3A_1537 : memref<8x128xf32, #tpu.memory_space<vmem>>)
    %dma_wait3A_1539 = arith.constant 136 : i32
    %dma_wait3A_1540 = arith.constant 0 : i32
    %dma_wait3A_1541 = tpu.memref_slice %arg8[%dma_wait3A_1539, %dma_wait3A_1540] : memref<256x128xf32, #tpu.memory_space<vmem>> -> memref<8x128xf32, #tpu.memory_space<vmem>>
    %dma_wait3A_1542 = tpu.memref_slice %arg2[%add3A_849, %mul3A_847] : memref<1024x100000xf32, #tpu.memory_space<hbm>> -> memref<8x128xf32, #tpu.memory_space<hbm>>
    %dma_wait3A_1543 = arith.constant 136 : i32
    %dma_wait3A_1544 = arith.constant 0 : i32
    %dma_wait3A_1545 = tpu.memref_slice %arg8[%dma_wait3A_1543, %dma_wait3A_1544] : memref<256x128xf32, #tpu.memory_space<vmem>> -> memref<8x128xf32, #tpu.memory_space<vmem>>
    %dma_wait3A_1546 = tpu.memref_slice %arg2[%add3A_849, %mul3A_847] : memref<1024x100000xf32, #tpu.memory_space<hbm>> -> memref<8x128xf32, #tpu.memory_space<hbm>>
    tpu.wait_dma2 semaphore(%arg16 : memref<!tpu.dma_semaphore, #tpu.memory_space<semaphore_mem>>) src(%dma_wait3A_1546 : memref<8x128xf32, #tpu.memory_space<hbm>>) dst(%dma_wait3A_1545 : memref<8x128xf32, #tpu.memory_space<vmem>>)
    %dma_wait3A_1547 = arith.constant 144 : i32
    %dma_wait3A_1548 = arith.constant 0 : i32
    %dma_wait3A_1549 = tpu.memref_slice %arg8[%dma_wait3A_1547, %dma_wait3A_1548] : memref<256x128xf32, #tpu.memory_space<vmem>> -> memref<8x128xf32, #tpu.memory_space<vmem>>
    %dma_wait3A_1550 = tpu.memref_slice %arg2[%add3A_888, %mul3A_886] : memref<1024x100000xf32, #tpu.memory_space<hbm>> -> memref<8x128xf32, #tpu.memory_space<hbm>>
    %dma_wait3A_1551 = arith.constant 144 : i32
    %dma_wait3A_1552 = arith.constant 0 : i32
    %dma_wait3A_1553 = tpu.memref_slice %arg8[%dma_wait3A_1551, %dma_wait3A_1552] : memref<256x128xf32, #tpu.memory_space<vmem>> -> memref<8x128xf32, #tpu.memory_space<vmem>>
    %dma_wait3A_1554 = tpu.memref_slice %arg2[%add3A_888, %mul3A_886] : memref<1024x100000xf32, #tpu.memory_space<hbm>> -> memref<8x128xf32, #tpu.memory_space<hbm>>
    tpu.wait_dma2 semaphore(%arg16 : memref<!tpu.dma_semaphore, #tpu.memory_space<semaphore_mem>>) src(%dma_wait3A_1554 : memref<8x128xf32, #tpu.memory_space<hbm>>) dst(%dma_wait3A_1553 : memref<8x128xf32, #tpu.memory_space<vmem>>)
    %dma_wait3A_1555 = arith.constant 152 : i32
    %dma_wait3A_1556 = arith.constant 0 : i32
    %dma_wait3A_1557 = tpu.memref_slice %arg8[%dma_wait3A_1555, %dma_wait3A_1556] : memref<256x128xf32, #tpu.memory_space<vmem>> -> memref<8x128xf32, #tpu.memory_space<vmem>>
    %dma_wait3A_1558 = tpu.memref_slice %arg2[%add3A_927, %mul3A_925] : memref<1024x100000xf32, #tpu.memory_space<hbm>> -> memref<8x128xf32, #tpu.memory_space<hbm>>
    %dma_wait3A_1559 = arith.constant 152 : i32
    %dma_wait3A_1560 = arith.constant 0 : i32
    %dma_wait3A_1561 = tpu.memref_slice %arg8[%dma_wait3A_1559, %dma_wait3A_1560] : memref<256x128xf32, #tpu.memory_space<vmem>> -> memref<8x128xf32, #tpu.memory_space<vmem>>
    %dma_wait3A_1562 = tpu.memref_slice %arg2[%add3A_927, %mul3A_925] : memref<1024x100000xf32, #tpu.memory_space<hbm>> -> memref<8x128xf32, #tpu.memory_space<hbm>>
    tpu.wait_dma2 semaphore(%arg16 : memref<!tpu.dma_semaphore, #tpu.memory_space<semaphore_mem>>) src(%dma_wait3A_1562 : memref<8x128xf32, #tpu.memory_space<hbm>>) dst(%dma_wait3A_1561 : memref<8x128xf32, #tpu.memory_space<vmem>>)
    %dma_wait3A_1563 = arith.constant 160 : i32
    %dma_wait3A_1564 = arith.constant 0 : i32
    %dma_wait3A_1565 = tpu.memref_slice %arg8[%dma_wait3A_1563, %dma_wait3A_1564] : memref<256x128xf32, #tpu.memory_space<vmem>> -> memref<8x128xf32, #tpu.memory_space<vmem>>
    %dma_wait3A_1566 = tpu.memref_slice %arg2[%add3A_966, %mul3A_964] : memref<1024x100000xf32, #tpu.memory_space<hbm>> -> memref<8x128xf32, #tpu.memory_space<hbm>>
    %dma_wait3A_1567 = arith.constant 160 : i32
    %dma_wait3A_1568 = arith.constant 0 : i32
    %dma_wait3A_1569 = tpu.memref_slice %arg8[%dma_wait3A_1567, %dma_wait3A_1568] : memref<256x128xf32, #tpu.memory_space<vmem>> -> memref<8x128xf32, #tpu.memory_space<vmem>>
    %dma_wait3A_1570 = tpu.memref_slice %arg2[%add3A_966, %mul3A_964] : memref<1024x100000xf32, #tpu.memory_space<hbm>> -> memref<8x128xf32, #tpu.memory_space<hbm>>
    tpu.wait_dma2 semaphore(%arg16 : memref<!tpu.dma_semaphore, #tpu.memory_space<semaphore_mem>>) src(%dma_wait3A_1570 : memref<8x128xf32, #tpu.memory_space<hbm>>) dst(%dma_wait3A_1569 : memref<8x128xf32, #tpu.memory_space<vmem>>)
    %dma_wait3A_1571 = arith.constant 168 : i32
    %dma_wait3A_1572 = arith.constant 0 : i32
    %dma_wait3A_1573 = tpu.memref_slice %arg8[%dma_wait3A_1571, %dma_wait3A_1572] : memref<256x128xf32, #tpu.memory_space<vmem>> -> memref<8x128xf32, #tpu.memory_space<vmem>>
    %dma_wait3A_1574 = tpu.memref_slice %arg2[%add3A_1005, %mul3A_1003] : memref<1024x100000xf32, #tpu.memory_space<hbm>> -> memref<8x128xf32, #tpu.memory_space<hbm>>
    %dma_wait3A_1575 = arith.constant 168 : i32
    %dma_wait3A_1576 = arith.constant 0 : i32
    %dma_wait3A_1577 = tpu.memref_slice %arg8[%dma_wait3A_1575, %dma_wait3A_1576] : memref<256x128xf32, #tpu.memory_space<vmem>> -> memref<8x128xf32, #tpu.memory_space<vmem>>
    %dma_wait3A_1578 = tpu.memref_slice %arg2[%add3A_1005, %mul3A_1003] : memref<1024x100000xf32, #tpu.memory_space<hbm>> -> memref<8x128xf32, #tpu.memory_space<hbm>>
    tpu.wait_dma2 semaphore(%arg16 : memref<!tpu.dma_semaphore, #tpu.memory_space<semaphore_mem>>) src(%dma_wait3A_1578 : memref<8x128xf32, #tpu.memory_space<hbm>>) dst(%dma_wait3A_1577 : memref<8x128xf32, #tpu.memory_space<vmem>>)
    %dma_wait3A_1579 = arith.constant 176 : i32
    %dma_wait3A_1580 = arith.constant 0 : i32
    %dma_wait3A_1581 = tpu.memref_slice %arg8[%dma_wait3A_1579, %dma_wait3A_1580] : memref<256x128xf32, #tpu.memory_space<vmem>> -> memref<8x128xf32, #tpu.memory_space<vmem>>
    %dma_wait3A_1582 = tpu.memref_slice %arg2[%add3A_1044, %mul3A_1042] : memref<1024x100000xf32, #tpu.memory_space<hbm>> -> memref<8x128xf32, #tpu.memory_space<hbm>>
    %dma_wait3A_1583 = arith.constant 176 : i32
    %dma_wait3A_1584 = arith.constant 0 : i32
    %dma_wait3A_1585 = tpu.memref_slice %arg8[%dma_wait3A_1583, %dma_wait3A_1584] : memref<256x128xf32, #tpu.memory_space<vmem>> -> memref<8x128xf32, #tpu.memory_space<vmem>>
    %dma_wait3A_1586 = tpu.memref_slice %arg2[%add3A_1044, %mul3A_1042] : memref<1024x100000xf32, #tpu.memory_space<hbm>> -> memref<8x128xf32, #tpu.memory_space<hbm>>
    tpu.wait_dma2 semaphore(%arg16 : memref<!tpu.dma_semaphore, #tpu.memory_space<semaphore_mem>>) src(%dma_wait3A_1586 : memref<8x128xf32, #tpu.memory_space<hbm>>) dst(%dma_wait3A_1585 : memref<8x128xf32, #tpu.memory_space<vmem>>)
    %dma_wait3A_1587 = arith.constant 184 : i32
    %dma_wait3A_1588 = arith.constant 0 : i32
    %dma_wait3A_1589 = tpu.memref_slice %arg8[%dma_wait3A_1587, %dma_wait3A_1588] : memref<256x128xf32, #tpu.memory_space<vmem>> -> memref<8x128xf32, #tpu.memory_space<vmem>>
    %dma_wait3A_1590 = tpu.memref_slice %arg2[%add3A_1083, %mul3A_1081] : memref<1024x100000xf32, #tpu.memory_space<hbm>> -> memref<8x128xf32, #tpu.memory_space<hbm>>
    %dma_wait3A_1591 = arith.constant 184 : i32
    %dma_wait3A_1592 = arith.constant 0 : i32
    %dma_wait3A_1593 = tpu.memref_slice %arg8[%dma_wait3A_1591, %dma_wait3A_1592] : memref<256x128xf32, #tpu.memory_space<vmem>> -> memref<8x128xf32, #tpu.memory_space<vmem>>
    %dma_wait3A_1594 = tpu.memref_slice %arg2[%add3A_1083, %mul3A_1081] : memref<1024x100000xf32, #tpu.memory_space<hbm>> -> memref<8x128xf32, #tpu.memory_space<hbm>>
    tpu.wait_dma2 semaphore(%arg16 : memref<!tpu.dma_semaphore, #tpu.memory_space<semaphore_mem>>) src(%dma_wait3A_1594 : memref<8x128xf32, #tpu.memory_space<hbm>>) dst(%dma_wait3A_1593 : memref<8x128xf32, #tpu.memory_space<vmem>>)
    %dma_wait3A_1595 = arith.constant 192 : i32
    %dma_wait3A_1596 = arith.constant 0 : i32
    %dma_wait3A_1597 = tpu.memref_slice %arg8[%dma_wait3A_1595, %dma_wait3A_1596] : memref<256x128xf32, #tpu.memory_space<vmem>> -> memref<8x128xf32, #tpu.memory_space<vmem>>
    %dma_wait3A_1598 = tpu.memref_slice %arg2[%add3A_1122, %mul3A_1120] : memref<1024x100000xf32, #tpu.memory_space<hbm>> -> memref<8x128xf32, #tpu.memory_space<hbm>>
    %dma_wait3A_1599 = arith.constant 192 : i32
    %dma_wait3A_1600 = arith.constant 0 : i32
    %dma_wait3A_1601 = tpu.memref_slice %arg8[%dma_wait3A_1599, %dma_wait3A_1600] : memref<256x128xf32, #tpu.memory_space<vmem>> -> memref<8x128xf32, #tpu.memory_space<vmem>>
    %dma_wait3A_1602 = tpu.memref_slice %arg2[%add3A_1122, %mul3A_1120] : memref<1024x100000xf32, #tpu.memory_space<hbm>> -> memref<8x128xf32, #tpu.memory_space<hbm>>
    tpu.wait_dma2 semaphore(%arg16 : memref<!tpu.dma_semaphore, #tpu.memory_space<semaphore_mem>>) src(%dma_wait3A_1602 : memref<8x128xf32, #tpu.memory_space<hbm>>) dst(%dma_wait3A_1601 : memref<8x128xf32, #tpu.memory_space<vmem>>)
    %dma_wait3A_1603 = arith.constant 200 : i32
    %dma_wait3A_1604 = arith.constant 0 : i32
    %dma_wait3A_1605 = tpu.memref_slice %arg8[%dma_wait3A_1603, %dma_wait3A_1604] : memref<256x128xf32, #tpu.memory_space<vmem>> -> memref<8x128xf32, #tpu.memory_space<vmem>>
    %dma_wait3A_1606 = tpu.memref_slice %arg2[%add3A_1161, %mul3A_1159] : memref<1024x100000xf32, #tpu.memory_space<hbm>> -> memref<8x128xf32, #tpu.memory_space<hbm>>
    %dma_wait3A_1607 = arith.constant 200 : i32
    %dma_wait3A_1608 = arith.constant 0 : i32
    %dma_wait3A_1609 = tpu.memref_slice %arg8[%dma_wait3A_1607, %dma_wait3A_1608] : memref<256x128xf32, #tpu.memory_space<vmem>> -> memref<8x128xf32, #tpu.memory_space<vmem>>
    %dma_wait3A_1610 = tpu.memref_slice %arg2[%add3A_1161, %mul3A_1159] : memref<1024x100000xf32, #tpu.memory_space<hbm>> -> memref<8x128xf32, #tpu.memory_space<hbm>>
    tpu.wait_dma2 semaphore(%arg16 : memref<!tpu.dma_semaphore, #tpu.memory_space<semaphore_mem>>) src(%dma_wait3A_1610 : memref<8x128xf32, #tpu.memory_space<hbm>>) dst(%dma_wait3A_1609 : memref<8x128xf32, #tpu.memory_space<vmem>>)
    %dma_wait3A_1611 = arith.constant 208 : i32
    %dma_wait3A_1612 = arith.constant 0 : i32
    %dma_wait3A_1613 = tpu.memref_slice %arg8[%dma_wait3A_1611, %dma_wait3A_1612] : memref<256x128xf32, #tpu.memory_space<vmem>> -> memref<8x128xf32, #tpu.memory_space<vmem>>
    %dma_wait3A_1614 = tpu.memref_slice %arg2[%add3A_1200, %mul3A_1198] : memref<1024x100000xf32, #tpu.memory_space<hbm>> -> memref<8x128xf32, #tpu.memory_space<hbm>>
    %dma_wait3A_1615 = arith.constant 208 : i32
    %dma_wait3A_1616 = arith.constant 0 : i32
    %dma_wait3A_1617 = tpu.memref_slice %arg8[%dma_wait3A_1615, %dma_wait3A_1616] : memref<256x128xf32, #tpu.memory_space<vmem>> -> memref<8x128xf32, #tpu.memory_space<vmem>>
    %dma_wait3A_1618 = tpu.memref_slice %arg2[%add3A_1200, %mul3A_1198] : memref<1024x100000xf32, #tpu.memory_space<hbm>> -> memref<8x128xf32, #tpu.memory_space<hbm>>
    tpu.wait_dma2 semaphore(%arg16 : memref<!tpu.dma_semaphore, #tpu.memory_space<semaphore_mem>>) src(%dma_wait3A_1618 : memref<8x128xf32, #tpu.memory_space<hbm>>) dst(%dma_wait3A_1617 : memref<8x128xf32, #tpu.memory_space<vmem>>)
    %dma_wait3A_1619 = arith.constant 216 : i32
    %dma_wait3A_1620 = arith.constant 0 : i32
    %dma_wait3A_1621 = tpu.memref_slice %arg8[%dma_wait3A_1619, %dma_wait3A_1620] : memref<256x128xf32, #tpu.memory_space<vmem>> -> memref<8x128xf32, #tpu.memory_space<vmem>>
    %dma_wait3A_1622 = tpu.memref_slice %arg2[%add3A_1239, %mul3A_1237] : memref<1024x100000xf32, #tpu.memory_space<hbm>> -> memref<8x128xf32, #tpu.memory_space<hbm>>
    %dma_wait3A_1623 = arith.constant 216 : i32
    %dma_wait3A_1624 = arith.constant 0 : i32
    %dma_wait3A_1625 = tpu.memref_slice %arg8[%dma_wait3A_1623, %dma_wait3A_1624] : memref<256x128xf32, #tpu.memory_space<vmem>> -> memref<8x128xf32, #tpu.memory_space<vmem>>
    %dma_wait3A_1626 = tpu.memref_slice %arg2[%add3A_1239, %mul3A_1237] : memref<1024x100000xf32, #tpu.memory_space<hbm>> -> memref<8x128xf32, #tpu.memory_space<hbm>>
    tpu.wait_dma2 semaphore(%arg16 : memref<!tpu.dma_semaphore, #tpu.memory_space<semaphore_mem>>) src(%dma_wait3A_1626 : memref<8x128xf32, #tpu.memory_space<hbm>>) dst(%dma_wait3A_1625 : memref<8x128xf32, #tpu.memory_space<vmem>>)
    %dma_wait3A_1627 = arith.constant 224 : i32
    %dma_wait3A_1628 = arith.constant 0 : i32
    %dma_wait3A_1629 = tpu.memref_slice %arg8[%dma_wait3A_1627, %dma_wait3A_1628] : memref<256x128xf32, #tpu.memory_space<vmem>> -> memref<8x128xf32, #tpu.memory_space<vmem>>
    %dma_wait3A_1630 = tpu.memref_slice %arg2[%add3A_1278, %mul3A_1276] : memref<1024x100000xf32, #tpu.memory_space<hbm>> -> memref<8x128xf32, #tpu.memory_space<hbm>>
    %dma_wait3A_1631 = arith.constant 224 : i32
    %dma_wait3A_1632 = arith.constant 0 : i32
    %dma_wait3A_1633 = tpu.memref_slice %arg8[%dma_wait3A_1631, %dma_wait3A_1632] : memref<256x128xf32, #tpu.memory_space<vmem>> -> memref<8x128xf32, #tpu.memory_space<vmem>>
    %dma_wait3A_1634 = tpu.memref_slice %arg2[%add3A_1278, %mul3A_1276] : memref<1024x100000xf32, #tpu.memory_space<hbm>> -> memref<8x128xf32, #tpu.memory_space<hbm>>
    tpu.wait_dma2 semaphore(%arg16 : memref<!tpu.dma_semaphore, #tpu.memory_space<semaphore_mem>>) src(%dma_wait3A_1634 : memref<8x128xf32, #tpu.memory_space<hbm>>) dst(%dma_wait3A_1633 : memref<8x128xf32, #tpu.memory_space<vmem>>)
    %dma_wait3A_1635 = arith.constant 232 : i32
    %dma_wait3A_1636 = arith.constant 0 : i32
    %dma_wait3A_1637 = tpu.memref_slice %arg8[%dma_wait3A_1635, %dma_wait3A_1636] : memref<256x128xf32, #tpu.memory_space<vmem>> -> memref<8x128xf32, #tpu.memory_space<vmem>>
    %dma_wait3A_1638 = tpu.memref_slice %arg2[%add3A_1317, %mul3A_1315] : memref<1024x100000xf32, #tpu.memory_space<hbm>> -> memref<8x128xf32, #tpu.memory_space<hbm>>
    %dma_wait3A_1639 = arith.constant 232 : i32
    %dma_wait3A_1640 = arith.constant 0 : i32
    %dma_wait3A_1641 = tpu.memref_slice %arg8[%dma_wait3A_1639, %dma_wait3A_1640] : memref<256x128xf32, #tpu.memory_space<vmem>> -> memref<8x128xf32, #tpu.memory_space<vmem>>
    %dma_wait3A_1642 = tpu.memref_slice %arg2[%add3A_1317, %mul3A_1315] : memref<1024x100000xf32, #tpu.memory_space<hbm>> -> memref<8x128xf32, #tpu.memory_space<hbm>>
    tpu.wait_dma2 semaphore(%arg16 : memref<!tpu.dma_semaphore, #tpu.memory_space<semaphore_mem>>) src(%dma_wait3A_1642 : memref<8x128xf32, #tpu.memory_space<hbm>>) dst(%dma_wait3A_1641 : memref<8x128xf32, #tpu.memory_space<vmem>>)
    %dma_wait3A_1643 = arith.constant 240 : i32
    %dma_wait3A_1644 = arith.constant 0 : i32
    %dma_wait3A_1645 = tpu.memref_slice %arg8[%dma_wait3A_1643, %dma_wait3A_1644] : memref<256x128xf32, #tpu.memory_space<vmem>> -> memref<8x128xf32, #tpu.memory_space<vmem>>
    %dma_wait3A_1646 = tpu.memref_slice %arg2[%add3A_1356, %mul3A_1354] : memref<1024x100000xf32, #tpu.memory_space<hbm>> -> memref<8x128xf32, #tpu.memory_space<hbm>>
    %dma_wait3A_1647 = arith.constant 240 : i32
    %dma_wait3A_1648 = arith.constant 0 : i32
    %dma_wait3A_1649 = tpu.memref_slice %arg8[%dma_wait3A_1647, %dma_wait3A_1648] : memref<256x128xf32, #tpu.memory_space<vmem>> -> memref<8x128xf32, #tpu.memory_space<vmem>>
    %dma_wait3A_1650 = tpu.memref_slice %arg2[%add3A_1356, %mul3A_1354] : memref<1024x100000xf32, #tpu.memory_space<hbm>> -> memref<8x128xf32, #tpu.memory_space<hbm>>
    tpu.wait_dma2 semaphore(%arg16 : memref<!tpu.dma_semaphore, #tpu.memory_space<semaphore_mem>>) src(%dma_wait3A_1650 : memref<8x128xf32, #tpu.memory_space<hbm>>) dst(%dma_wait3A_1649 : memref<8x128xf32, #tpu.memory_space<vmem>>)
    %dma_wait3A_1651 = arith.constant 248 : i32
    %dma_wait3A_1652 = arith.constant 0 : i32
    %dma_wait3A_1653 = tpu.memref_slice %arg8[%dma_wait3A_1651, %dma_wait3A_1652] : memref<256x128xf32, #tpu.memory_space<vmem>> -> memref<8x128xf32, #tpu.memory_space<vmem>>
    %dma_wait3A_1654 = tpu.memref_slice %arg2[%add3A_1395, %mul3A_1393] : memref<1024x100000xf32, #tpu.memory_space<hbm>> -> memref<8x128xf32, #tpu.memory_space<hbm>>
    %dma_wait3A_1655 = arith.constant 248 : i32
    %dma_wait3A_1656 = arith.constant 0 : i32
    %dma_wait3A_1657 = tpu.memref_slice %arg8[%dma_wait3A_1655, %dma_wait3A_1656] : memref<256x128xf32, #tpu.memory_space<vmem>> -> memref<8x128xf32, #tpu.memory_space<vmem>>
    %dma_wait3A_1658 = tpu.memref_slice %arg2[%add3A_1395, %mul3A_1393] : memref<1024x100000xf32, #tpu.memory_space<hbm>> -> memref<8x128xf32, #tpu.memory_space<hbm>>
    tpu.wait_dma2 semaphore(%arg16 : memref<!tpu.dma_semaphore, #tpu.memory_space<semaphore_mem>>) src(%dma_wait3A_1658 : memref<8x128xf32, #tpu.memory_space<hbm>>) dst(%dma_wait3A_1657 : memref<8x128xf32, #tpu.memory_space<vmem>>)
    %mul3A_1659 = arith.constant 32 : i32
    %mul3A_1660 = arith.muli %arg1, %mul3A_1659 : i32
    %mul3A_1661 = arith.constant 128 : i32
    %mul3A_1662 = arith.muli %mul3A_1660, %mul3A_1661 : i32
    %add3A_1663 = arith.constant 0 : i32
    %add3A_1664 = arith.addi %mul3A_1662, %add3A_1663 : i32
    %run_scoped3A = arith.constant 0 : i32
    "tpu.region"() ({
      %run_scoped3A_1855 = tpu.sem_alloc : memref<!tpu.dma_semaphore, #tpu.memory_space<semaphore_mem>>
      %dma_start3A_1856 = arith.constant 0 : i32
      %dma_start3A_1857 = tpu.memref_slice %arg8[%run_scoped3A, %dma_start3A_1856] : memref<256x128xf32, #tpu.memory_space<vmem>> -> memref<1x128xf32, #tpu.memory_space<vmem>>
      %dma_start3A_1858 = tpu.memref_squeeze %dma_start3A_1857 : memref<1x128xf32, #tpu.memory_space<vmem>> -> memref<128xf32, #tpu.memory_space<vmem>>
      %dma_start3A_1859 = tpu.memref_slice %arg9[%add3A_1664] : memref<65536xf32, #tpu.memory_space<vmem_shared>> -> memref<128xf32, #tpu.memory_space<vmem_shared>>
      %dma_start3A_1860 = tpu.memref_slice %arg9[%add3A_1664] : memref<65536xf32, #tpu.memory_space<vmem_shared>> -> memref<128xf32, #tpu.memory_space<vmem_shared>>
      %dma_start3A_1861 = arith.constant 0 : i32
      %dma_start3A_1862 = tpu.memref_slice %arg8[%run_scoped3A, %dma_start3A_1861] : memref<256x128xf32, #tpu.memory_space<vmem>> -> memref<1x128xf32, #tpu.memory_space<vmem>>
      %dma_start3A_1863 = tpu.memref_squeeze %dma_start3A_1862 : memref<1x128xf32, #tpu.memory_space<vmem>> -> memref<128xf32, #tpu.memory_space<vmem>>
      tpu.enqueue_dma source(%dma_start3A_1863 : memref<128xf32, #tpu.memory_space<vmem>>) target(%dma_start3A_1860 : memref<128xf32, #tpu.memory_space<vmem_shared>>) target_semaphore(%run_scoped3A_1855 : memref<!tpu.dma_semaphore, #tpu.memory_space<semaphore_mem>>)
      %dma_wait3A_1864 = arith.constant 0 : i32
      %dma_wait3A_1865 = tpu.memref_slice %arg8[%run_scoped3A, %dma_wait3A_1864] : memref<256x128xf32, #tpu.memory_space<vmem>> -> memref<1x128xf32, #tpu.memory_space<vmem>>
      %dma_wait3A_1866 = tpu.memref_squeeze %dma_wait3A_1865 : memref<1x128xf32, #tpu.memory_space<vmem>> -> memref<128xf32, #tpu.memory_space<vmem>>
      %dma_wait3A_1867 = tpu.memref_slice %arg9[%add3A_1664] : memref<65536xf32, #tpu.memory_space<vmem_shared>> -> memref<128xf32, #tpu.memory_space<vmem_shared>>
      %dma_wait3A_1868 = tpu.memref_slice %arg9[%add3A_1664] : memref<65536xf32, #tpu.memory_space<vmem_shared>> -> memref<128xf32, #tpu.memory_space<vmem_shared>>
      %dma_wait3A_1869 = arith.constant 0 : i32
      %dma_wait3A_1870 = tpu.memref_slice %arg8[%run_scoped3A, %dma_wait3A_1869] : memref<256x128xf32, #tpu.memory_space<vmem>> -> memref<1x128xf32, #tpu.memory_space<vmem>>
      %dma_wait3A_1871 = tpu.memref_squeeze %dma_wait3A_1870 : memref<1x128xf32, #tpu.memory_space<vmem>> -> memref<128xf32, #tpu.memory_space<vmem>>
      tpu.wait_dma2 semaphore(%run_scoped3A_1855 : memref<!tpu.dma_semaphore, #tpu.memory_space<semaphore_mem>>) src(%dma_wait3A_1871 : memref<128xf32, #tpu.memory_space<vmem>>) dst(%dma_wait3A_1868 : memref<128xf32, #tpu.memory_space<vmem_shared>>)
      tpu.yield
    }) : () -> ()
    %add3A_1665 = arith.constant 128 : i32
    %add3A_1666 = arith.addi %mul3A_1662, %add3A_1665 : i32
    %run_scoped3A_1667 = arith.constant 9 : i32
    "tpu.region"() ({
      %run_scoped3A_1855 = tpu.sem_alloc : memref<!tpu.dma_semaphore, #tpu.memory_space<semaphore_mem>>
      %dma_start3A_1856 = arith.constant 0 : i32
      %dma_start3A_1857 = tpu.memref_slice %arg8[%run_scoped3A_1667, %dma_start3A_1856] : memref<256x128xf32, #tpu.memory_space<vmem>> -> memref<1x128xf32, #tpu.memory_space<vmem>>
      %dma_start3A_1858 = tpu.memref_squeeze %dma_start3A_1857 : memref<1x128xf32, #tpu.memory_space<vmem>> -> memref<128xf32, #tpu.memory_space<vmem>>
      %dma_start3A_1859 = tpu.memref_slice %arg9[%add3A_1666] : memref<65536xf32, #tpu.memory_space<vmem_shared>> -> memref<128xf32, #tpu.memory_space<vmem_shared>>
      %dma_start3A_1860 = tpu.memref_slice %arg9[%add3A_1666] : memref<65536xf32, #tpu.memory_space<vmem_shared>> -> memref<128xf32, #tpu.memory_space<vmem_shared>>
      %dma_start3A_1861 = arith.constant 0 : i32
      %dma_start3A_1862 = tpu.memref_slice %arg8[%run_scoped3A_1667, %dma_start3A_1861] : memref<256x128xf32, #tpu.memory_space<vmem>> -> memref<1x128xf32, #tpu.memory_space<vmem>>
      %dma_start3A_1863 = tpu.memref_squeeze %dma_start3A_1862 : memref<1x128xf32, #tpu.memory_space<vmem>> -> memref<128xf32, #tpu.memory_space<vmem>>
      tpu.enqueue_dma source(%dma_start3A_1863 : memref<128xf32, #tpu.memory_space<vmem>>) target(%dma_start3A_1860 : memref<128xf32, #tpu.memory_space<vmem_shared>>) target_semaphore(%run_scoped3A_1855 : memref<!tpu.dma_semaphore, #tpu.memory_space<semaphore_mem>>)
      %dma_wait3A_1864 = arith.constant 0 : i32
      %dma_wait3A_1865 = tpu.memref_slice %arg8[%run_scoped3A_1667, %dma_wait3A_1864] : memref<256x128xf32, #tpu.memory_space<vmem>> -> memref<1x128xf32, #tpu.memory_space<vmem>>
      %dma_wait3A_1866 = tpu.memref_squeeze %dma_wait3A_1865 : memref<1x128xf32, #tpu.memory_space<vmem>> -> memref<128xf32, #tpu.memory_space<vmem>>
      %dma_wait3A_1867 = tpu.memref_slice %arg9[%add3A_1666] : memref<65536xf32, #tpu.memory_space<vmem_shared>> -> memref<128xf32, #tpu.memory_space<vmem_shared>>
      %dma_wait3A_1868 = tpu.memref_slice %arg9[%add3A_1666] : memref<65536xf32, #tpu.memory_space<vmem_shared>> -> memref<128xf32, #tpu.memory_space<vmem_shared>>
      %dma_wait3A_1869 = arith.constant 0 : i32
      %dma_wait3A_1870 = tpu.memref_slice %arg8[%run_scoped3A_1667, %dma_wait3A_1869] : memref<256x128xf32, #tpu.memory_space<vmem>> -> memref<1x128xf32, #tpu.memory_space<vmem>>
      %dma_wait3A_1871 = tpu.memref_squeeze %dma_wait3A_1870 : memref<1x128xf32, #tpu.memory_space<vmem>> -> memref<128xf32, #tpu.memory_space<vmem>>
      tpu.wait_dma2 semaphore(%run_scoped3A_1855 : memref<!tpu.dma_semaphore, #tpu.memory_space<semaphore_mem>>) src(%dma_wait3A_1871 : memref<128xf32, #tpu.memory_space<vmem>>) dst(%dma_wait3A_1868 : memref<128xf32, #tpu.memory_space<vmem_shared>>)
      tpu.yield
    }) : () -> ()
    %add3A_1668 = arith.constant 256 : i32
    %add3A_1669 = arith.addi %mul3A_1662, %add3A_1668 : i32
    %run_scoped3A_1670 = arith.constant 18 : i32
    "tpu.region"() ({
      %run_scoped3A_1855 = tpu.sem_alloc : memref<!tpu.dma_semaphore, #tpu.memory_space<semaphore_mem>>
      %dma_start3A_1856 = arith.constant 0 : i32
      %dma_start3A_1857 = tpu.memref_slice %arg8[%run_scoped3A_1670, %dma_start3A_1856] : memref<256x128xf32, #tpu.memory_space<vmem>> -> memref<1x128xf32, #tpu.memory_space<vmem>>
      %dma_start3A_1858 = tpu.memref_squeeze %dma_start3A_1857 : memref<1x128xf32, #tpu.memory_space<vmem>> -> memref<128xf32, #tpu.memory_space<vmem>>
      %dma_start3A_1859 = tpu.memref_slice %arg9[%add3A_1669] : memref<65536xf32, #tpu.memory_space<vmem_shared>> -> memref<128xf32, #tpu.memory_space<vmem_shared>>
      %dma_start3A_1860 = tpu.memref_slice %arg9[%add3A_1669] : memref<65536xf32, #tpu.memory_space<vmem_shared>> -> memref<128xf32, #tpu.memory_space<vmem_shared>>
      %dma_start3A_1861 = arith.constant 0 : i32
      %dma_start3A_1862 = tpu.memref_slice %arg8[%run_scoped3A_1670, %dma_start3A_1861] : memref<256x128xf32, #tpu.memory_space<vmem>> -> memref<1x128xf32, #tpu.memory_space<vmem>>
      %dma_start3A_1863 = tpu.memref_squeeze %dma_start3A_1862 : memref<1x128xf32, #tpu.memory_space<vmem>> -> memref<128xf32, #tpu.memory_space<vmem>>
      tpu.enqueue_dma source(%dma_start3A_1863 : memref<128xf32, #tpu.memory_space<vmem>>) target(%dma_start3A_1860 : memref<128xf32, #tpu.memory_space<vmem_shared>>) target_semaphore(%run_scoped3A_1855 : memref<!tpu.dma_semaphore, #tpu.memory_space<semaphore_mem>>)
      %dma_wait3A_1864 = arith.constant 0 : i32
      %dma_wait3A_1865 = tpu.memref_slice %arg8[%run_scoped3A_1670, %dma_wait3A_1864] : memref<256x128xf32, #tpu.memory_space<vmem>> -> memref<1x128xf32, #tpu.memory_space<vmem>>
      %dma_wait3A_1866 = tpu.memref_squeeze %dma_wait3A_1865 : memref<1x128xf32, #tpu.memory_space<vmem>> -> memref<128xf32, #tpu.memory_space<vmem>>
      %dma_wait3A_1867 = tpu.memref_slice %arg9[%add3A_1669] : memref<65536xf32, #tpu.memory_space<vmem_shared>> -> memref<128xf32, #tpu.memory_space<vmem_shared>>
      %dma_wait3A_1868 = tpu.memref_slice %arg9[%add3A_1669] : memref<65536xf32, #tpu.memory_space<vmem_shared>> -> memref<128xf32, #tpu.memory_space<vmem_shared>>
      %dma_wait3A_1869 = arith.constant 0 : i32
      %dma_wait3A_1870 = tpu.memref_slice %arg8[%run_scoped3A_1670, %dma_wait3A_1869] : memref<256x128xf32, #tpu.memory_space<vmem>> -> memref<1x128xf32, #tpu.memory_space<vmem>>
      %dma_wait3A_1871 = tpu.memref_squeeze %dma_wait3A_1870 : memref<1x128xf32, #tpu.memory_space<vmem>> -> memref<128xf32, #tpu.memory_space<vmem>>
      tpu.wait_dma2 semaphore(%run_scoped3A_1855 : memref<!tpu.dma_semaphore, #tpu.memory_space<semaphore_mem>>) src(%dma_wait3A_1871 : memref<128xf32, #tpu.memory_space<vmem>>) dst(%dma_wait3A_1868 : memref<128xf32, #tpu.memory_space<vmem_shared>>)
      tpu.yield
    }) : () -> ()
    %add3A_1671 = arith.constant 384 : i32
    %add3A_1672 = arith.addi %mul3A_1662, %add3A_1671 : i32
    %run_scoped3A_1673 = arith.constant 27 : i32
    "tpu.region"() ({
      %run_scoped3A_1855 = tpu.sem_alloc : memref<!tpu.dma_semaphore, #tpu.memory_space<semaphore_mem>>
      %dma_start3A_1856 = arith.constant 0 : i32
      %dma_start3A_1857 = tpu.memref_slice %arg8[%run_scoped3A_1673, %dma_start3A_1856] : memref<256x128xf32, #tpu.memory_space<vmem>> -> memref<1x128xf32, #tpu.memory_space<vmem>>
      %dma_start3A_1858 = tpu.memref_squeeze %dma_start3A_1857 : memref<1x128xf32, #tpu.memory_space<vmem>> -> memref<128xf32, #tpu.memory_space<vmem>>
      %dma_start3A_1859 = tpu.memref_slice %arg9[%add3A_1672] : memref<65536xf32, #tpu.memory_space<vmem_shared>> -> memref<128xf32, #tpu.memory_space<vmem_shared>>
      %dma_start3A_1860 = tpu.memref_slice %arg9[%add3A_1672] : memref<65536xf32, #tpu.memory_space<vmem_shared>> -> memref<128xf32, #tpu.memory_space<vmem_shared>>
      %dma_start3A_1861 = arith.constant 0 : i32
      %dma_start3A_1862 = tpu.memref_slice %arg8[%run_scoped3A_1673, %dma_start3A_1861] : memref<256x128xf32, #tpu.memory_space<vmem>> -> memref<1x128xf32, #tpu.memory_space<vmem>>
      %dma_start3A_1863 = tpu.memref_squeeze %dma_start3A_1862 : memref<1x128xf32, #tpu.memory_space<vmem>> -> memref<128xf32, #tpu.memory_space<vmem>>
      tpu.enqueue_dma source(%dma_start3A_1863 : memref<128xf32, #tpu.memory_space<vmem>>) target(%dma_start3A_1860 : memref<128xf32, #tpu.memory_space<vmem_shared>>) target_semaphore(%run_scoped3A_1855 : memref<!tpu.dma_semaphore, #tpu.memory_space<semaphore_mem>>)
      %dma_wait3A_1864 = arith.constant 0 : i32
      %dma_wait3A_1865 = tpu.memref_slice %arg8[%run_scoped3A_1673, %dma_wait3A_1864] : memref<256x128xf32, #tpu.memory_space<vmem>> -> memref<1x128xf32, #tpu.memory_space<vmem>>
      %dma_wait3A_1866 = tpu.memref_squeeze %dma_wait3A_1865 : memref<1x128xf32, #tpu.memory_space<vmem>> -> memref<128xf32, #tpu.memory_space<vmem>>
      %dma_wait3A_1867 = tpu.memref_slice %arg9[%add3A_1672] : memref<65536xf32, #tpu.memory_space<vmem_shared>> -> memref<128xf32, #tpu.memory_space<vmem_shared>>
      %dma_wait3A_1868 = tpu.memref_slice %arg9[%add3A_1672] : memref<65536xf32, #tpu.memory_space<vmem_shared>> -> memref<128xf32, #tpu.memory_space<vmem_shared>>
      %dma_wait3A_1869 = arith.constant 0 : i32
      %dma_wait3A_1870 = tpu.memref_slice %arg8[%run_scoped3A_1673, %dma_wait3A_1869] : memref<256x128xf32, #tpu.memory_space<vmem>> -> memref<1x128xf32, #tpu.memory_space<vmem>>
      %dma_wait3A_1871 = tpu.memref_squeeze %dma_wait3A_1870 : memref<1x128xf32, #tpu.memory_space<vmem>> -> memref<128xf32, #tpu.memory_space<vmem>>
      tpu.wait_dma2 semaphore(%run_scoped3A_1855 : memref<!tpu.dma_semaphore, #tpu.memory_space<semaphore_mem>>) src(%dma_wait3A_1871 : memref<128xf32, #tpu.memory_space<vmem>>) dst(%dma_wait3A_1868 : memref<128xf32, #tpu.memory_space<vmem_shared>>)
      tpu.yield
    }) : () -> ()
    %add3A_1674 = arith.constant 512 : i32
    %add3A_1675 = arith.addi %mul3A_1662, %add3A_1674 : i32
    %run_scoped3A_1676 = arith.constant 36 : i32
    "tpu.region"() ({
      %run_scoped3A_1855 = tpu.sem_alloc : memref<!tpu.dma_semaphore, #tpu.memory_space<semaphore_mem>>
      %dma_start3A_1856 = arith.constant 0 : i32
      %dma_start3A_1857 = tpu.memref_slice %arg8[%run_scoped3A_1676, %dma_start3A_1856] : memref<256x128xf32, #tpu.memory_space<vmem>> -> memref<1x128xf32, #tpu.memory_space<vmem>>
      %dma_start3A_1858 = tpu.memref_squeeze %dma_start3A_1857 : memref<1x128xf32, #tpu.memory_space<vmem>> -> memref<128xf32, #tpu.memory_space<vmem>>
      %dma_start3A_1859 = tpu.memref_slice %arg9[%add3A_1675] : memref<65536xf32, #tpu.memory_space<vmem_shared>> -> memref<128xf32, #tpu.memory_space<vmem_shared>>
      %dma_start3A_1860 = tpu.memref_slice %arg9[%add3A_1675] : memref<65536xf32, #tpu.memory_space<vmem_shared>> -> memref<128xf32, #tpu.memory_space<vmem_shared>>
      %dma_start3A_1861 = arith.constant 0 : i32
      %dma_start3A_1862 = tpu.memref_slice %arg8[%run_scoped3A_1676, %dma_start3A_1861] : memref<256x128xf32, #tpu.memory_space<vmem>> -> memref<1x128xf32, #tpu.memory_space<vmem>>
      %dma_start3A_1863 = tpu.memref_squeeze %dma_start3A_1862 : memref<1x128xf32, #tpu.memory_space<vmem>> -> memref<128xf32, #tpu.memory_space<vmem>>
      tpu.enqueue_dma source(%dma_start3A_1863 : memref<128xf32, #tpu.memory_space<vmem>>) target(%dma_start3A_1860 : memref<128xf32, #tpu.memory_space<vmem_shared>>) target_semaphore(%run_scoped3A_1855 : memref<!tpu.dma_semaphore, #tpu.memory_space<semaphore_mem>>)
      %dma_wait3A_1864 = arith.constant 0 : i32
      %dma_wait3A_1865 = tpu.memref_slice %arg8[%run_scoped3A_1676, %dma_wait3A_1864] : memref<256x128xf32, #tpu.memory_space<vmem>> -> memref<1x128xf32, #tpu.memory_space<vmem>>
      %dma_wait3A_1866 = tpu.memref_squeeze %dma_wait3A_1865 : memref<1x128xf32, #tpu.memory_space<vmem>> -> memref<128xf32, #tpu.memory_space<vmem>>
      %dma_wait3A_1867 = tpu.memref_slice %arg9[%add3A_1675] : memref<65536xf32, #tpu.memory_space<vmem_shared>> -> memref<128xf32, #tpu.memory_space<vmem_shared>>
      %dma_wait3A_1868 = tpu.memref_slice %arg9[%add3A_1675] : memref<65536xf32, #tpu.memory_space<vmem_shared>> -> memref<128xf32, #tpu.memory_space<vmem_shared>>
      %dma_wait3A_1869 = arith.constant 0 : i32
      %dma_wait3A_1870 = tpu.memref_slice %arg8[%run_scoped3A_1676, %dma_wait3A_1869] : memref<256x128xf32, #tpu.memory_space<vmem>> -> memref<1x128xf32, #tpu.memory_space<vmem>>
      %dma_wait3A_1871 = tpu.memref_squeeze %dma_wait3A_1870 : memref<1x128xf32, #tpu.memory_space<vmem>> -> memref<128xf32, #tpu.memory_space<vmem>>
      tpu.wait_dma2 semaphore(%run_scoped3A_1855 : memref<!tpu.dma_semaphore, #tpu.memory_space<semaphore_mem>>) src(%dma_wait3A_1871 : memref<128xf32, #tpu.memory_space<vmem>>) dst(%dma_wait3A_1868 : memref<128xf32, #tpu.memory_space<vmem_shared>>)
      tpu.yield
    }) : () -> ()
    %add3A_1677 = arith.constant 640 : i32
    %add3A_1678 = arith.addi %mul3A_1662, %add3A_1677 : i32
    %run_scoped3A_1679 = arith.constant 45 : i32
    "tpu.region"() ({
      %run_scoped3A_1855 = tpu.sem_alloc : memref<!tpu.dma_semaphore, #tpu.memory_space<semaphore_mem>>
      %dma_start3A_1856 = arith.constant 0 : i32
      %dma_start3A_1857 = tpu.memref_slice %arg8[%run_scoped3A_1679, %dma_start3A_1856] : memref<256x128xf32, #tpu.memory_space<vmem>> -> memref<1x128xf32, #tpu.memory_space<vmem>>
      %dma_start3A_1858 = tpu.memref_squeeze %dma_start3A_1857 : memref<1x128xf32, #tpu.memory_space<vmem>> -> memref<128xf32, #tpu.memory_space<vmem>>
      %dma_start3A_1859 = tpu.memref_slice %arg9[%add3A_1678] : memref<65536xf32, #tpu.memory_space<vmem_shared>> -> memref<128xf32, #tpu.memory_space<vmem_shared>>
      %dma_start3A_1860 = tpu.memref_slice %arg9[%add3A_1678] : memref<65536xf32, #tpu.memory_space<vmem_shared>> -> memref<128xf32, #tpu.memory_space<vmem_shared>>
      %dma_start3A_1861 = arith.constant 0 : i32
      %dma_start3A_1862 = tpu.memref_slice %arg8[%run_scoped3A_1679, %dma_start3A_1861] : memref<256x128xf32, #tpu.memory_space<vmem>> -> memref<1x128xf32, #tpu.memory_space<vmem>>
      %dma_start3A_1863 = tpu.memref_squeeze %dma_start3A_1862 : memref<1x128xf32, #tpu.memory_space<vmem>> -> memref<128xf32, #tpu.memory_space<vmem>>
      tpu.enqueue_dma source(%dma_start3A_1863 : memref<128xf32, #tpu.memory_space<vmem>>) target(%dma_start3A_1860 : memref<128xf32, #tpu.memory_space<vmem_shared>>) target_semaphore(%run_scoped3A_1855 : memref<!tpu.dma_semaphore, #tpu.memory_space<semaphore_mem>>)
      %dma_wait3A_1864 = arith.constant 0 : i32
      %dma_wait3A_1865 = tpu.memref_slice %arg8[%run_scoped3A_1679, %dma_wait3A_1864] : memref<256x128xf32, #tpu.memory_space<vmem>> -> memref<1x128xf32, #tpu.memory_space<vmem>>
      %dma_wait3A_1866 = tpu.memref_squeeze %dma_wait3A_1865 : memref<1x128xf32, #tpu.memory_space<vmem>> -> memref<128xf32, #tpu.memory_space<vmem>>
      %dma_wait3A_1867 = tpu.memref_slice %arg9[%add3A_1678] : memref<65536xf32, #tpu.memory_space<vmem_shared>> -> memref<128xf32, #tpu.memory_space<vmem_shared>>
      %dma_wait3A_1868 = tpu.memref_slice %arg9[%add3A_1678] : memref<65536xf32, #tpu.memory_space<vmem_shared>> -> memref<128xf32, #tpu.memory_space<vmem_shared>>
      %dma_wait3A_1869 = arith.constant 0 : i32
      %dma_wait3A_1870 = tpu.memref_slice %arg8[%run_scoped3A_1679, %dma_wait3A_1869] : memref<256x128xf32, #tpu.memory_space<vmem>> -> memref<1x128xf32, #tpu.memory_space<vmem>>
      %dma_wait3A_1871 = tpu.memref_squeeze %dma_wait3A_1870 : memref<1x128xf32, #tpu.memory_space<vmem>> -> memref<128xf32, #tpu.memory_space<vmem>>
      tpu.wait_dma2 semaphore(%run_scoped3A_1855 : memref<!tpu.dma_semaphore, #tpu.memory_space<semaphore_mem>>) src(%dma_wait3A_1871 : memref<128xf32, #tpu.memory_space<vmem>>) dst(%dma_wait3A_1868 : memref<128xf32, #tpu.memory_space<vmem_shared>>)
      tpu.yield
    }) : () -> ()
    %add3A_1680 = arith.constant 768 : i32
    %add3A_1681 = arith.addi %mul3A_1662, %add3A_1680 : i32
    %run_scoped3A_1682 = arith.constant 54 : i32
    "tpu.region"() ({
      %run_scoped3A_1855 = tpu.sem_alloc : memref<!tpu.dma_semaphore, #tpu.memory_space<semaphore_mem>>
      %dma_start3A_1856 = arith.constant 0 : i32
      %dma_start3A_1857 = tpu.memref_slice %arg8[%run_scoped3A_1682, %dma_start3A_1856] : memref<256x128xf32, #tpu.memory_space<vmem>> -> memref<1x128xf32, #tpu.memory_space<vmem>>
      %dma_start3A_1858 = tpu.memref_squeeze %dma_start3A_1857 : memref<1x128xf32, #tpu.memory_space<vmem>> -> memref<128xf32, #tpu.memory_space<vmem>>
      %dma_start3A_1859 = tpu.memref_slice %arg9[%add3A_1681] : memref<65536xf32, #tpu.memory_space<vmem_shared>> -> memref<128xf32, #tpu.memory_space<vmem_shared>>
      %dma_start3A_1860 = tpu.memref_slice %arg9[%add3A_1681] : memref<65536xf32, #tpu.memory_space<vmem_shared>> -> memref<128xf32, #tpu.memory_space<vmem_shared>>
      %dma_start3A_1861 = arith.constant 0 : i32
      %dma_start3A_1862 = tpu.memref_slice %arg8[%run_scoped3A_1682, %dma_start3A_1861] : memref<256x128xf32, #tpu.memory_space<vmem>> -> memref<1x128xf32, #tpu.memory_space<vmem>>
      %dma_start3A_1863 = tpu.memref_squeeze %dma_start3A_1862 : memref<1x128xf32, #tpu.memory_space<vmem>> -> memref<128xf32, #tpu.memory_space<vmem>>
      tpu.enqueue_dma source(%dma_start3A_1863 : memref<128xf32, #tpu.memory_space<vmem>>) target(%dma_start3A_1860 : memref<128xf32, #tpu.memory_space<vmem_shared>>) target_semaphore(%run_scoped3A_1855 : memref<!tpu.dma_semaphore, #tpu.memory_space<semaphore_mem>>)
      %dma_wait3A_1864 = arith.constant 0 : i32
      %dma_wait3A_1865 = tpu.memref_slice %arg8[%run_scoped3A_1682, %dma_wait3A_1864] : memref<256x128xf32, #tpu.memory_space<vmem>> -> memref<1x128xf32, #tpu.memory_space<vmem>>
      %dma_wait3A_1866 = tpu.memref_squeeze %dma_wait3A_1865 : memref<1x128xf32, #tpu.memory_space<vmem>> -> memref<128xf32, #tpu.memory_space<vmem>>
      %dma_wait3A_1867 = tpu.memref_slice %arg9[%add3A_1681] : memref<65536xf32, #tpu.memory_space<vmem_shared>> -> memref<128xf32, #tpu.memory_space<vmem_shared>>
      %dma_wait3A_1868 = tpu.memref_slice %arg9[%add3A_1681] : memref<65536xf32, #tpu.memory_space<vmem_shared>> -> memref<128xf32, #tpu.memory_space<vmem_shared>>
      %dma_wait3A_1869 = arith.constant 0 : i32
      %dma_wait3A_1870 = tpu.memref_slice %arg8[%run_scoped3A_1682, %dma_wait3A_1869] : memref<256x128xf32, #tpu.memory_space<vmem>> -> memref<1x128xf32, #tpu.memory_space<vmem>>
      %dma_wait3A_1871 = tpu.memref_squeeze %dma_wait3A_1870 : memref<1x128xf32, #tpu.memory_space<vmem>> -> memref<128xf32, #tpu.memory_space<vmem>>
      tpu.wait_dma2 semaphore(%run_scoped3A_1855 : memref<!tpu.dma_semaphore, #tpu.memory_space<semaphore_mem>>) src(%dma_wait3A_1871 : memref<128xf32, #tpu.memory_space<vmem>>) dst(%dma_wait3A_1868 : memref<128xf32, #tpu.memory_space<vmem_shared>>)
      tpu.yield
    }) : () -> ()
    %add3A_1683 = arith.constant 896 : i32
    %add3A_1684 = arith.addi %mul3A_1662, %add3A_1683 : i32
    %run_scoped3A_1685 = arith.constant 63 : i32
    "tpu.region"() ({
      %run_scoped3A_1855 = tpu.sem_alloc : memref<!tpu.dma_semaphore, #tpu.memory_space<semaphore_mem>>
      %dma_start3A_1856 = arith.constant 0 : i32
      %dma_start3A_1857 = tpu.memref_slice %arg8[%run_scoped3A_1685, %dma_start3A_1856] : memref<256x128xf32, #tpu.memory_space<vmem>> -> memref<1x128xf32, #tpu.memory_space<vmem>>
      %dma_start3A_1858 = tpu.memref_squeeze %dma_start3A_1857 : memref<1x128xf32, #tpu.memory_space<vmem>> -> memref<128xf32, #tpu.memory_space<vmem>>
      %dma_start3A_1859 = tpu.memref_slice %arg9[%add3A_1684] : memref<65536xf32, #tpu.memory_space<vmem_shared>> -> memref<128xf32, #tpu.memory_space<vmem_shared>>
      %dma_start3A_1860 = tpu.memref_slice %arg9[%add3A_1684] : memref<65536xf32, #tpu.memory_space<vmem_shared>> -> memref<128xf32, #tpu.memory_space<vmem_shared>>
      %dma_start3A_1861 = arith.constant 0 : i32
      %dma_start3A_1862 = tpu.memref_slice %arg8[%run_scoped3A_1685, %dma_start3A_1861] : memref<256x128xf32, #tpu.memory_space<vmem>> -> memref<1x128xf32, #tpu.memory_space<vmem>>
      %dma_start3A_1863 = tpu.memref_squeeze %dma_start3A_1862 : memref<1x128xf32, #tpu.memory_space<vmem>> -> memref<128xf32, #tpu.memory_space<vmem>>
      tpu.enqueue_dma source(%dma_start3A_1863 : memref<128xf32, #tpu.memory_space<vmem>>) target(%dma_start3A_1860 : memref<128xf32, #tpu.memory_space<vmem_shared>>) target_semaphore(%run_scoped3A_1855 : memref<!tpu.dma_semaphore, #tpu.memory_space<semaphore_mem>>)
      %dma_wait3A_1864 = arith.constant 0 : i32
      %dma_wait3A_1865 = tpu.memref_slice %arg8[%run_scoped3A_1685, %dma_wait3A_1864] : memref<256x128xf32, #tpu.memory_space<vmem>> -> memref<1x128xf32, #tpu.memory_space<vmem>>
      %dma_wait3A_1866 = tpu.memref_squeeze %dma_wait3A_1865 : memref<1x128xf32, #tpu.memory_space<vmem>> -> memref<128xf32, #tpu.memory_space<vmem>>
      %dma_wait3A_1867 = tpu.memref_slice %arg9[%add3A_1684] : memref<65536xf32, #tpu.memory_space<vmem_shared>> -> memref<128xf32, #tpu.memory_space<vmem_shared>>
      %dma_wait3A_1868 = tpu.memref_slice %arg9[%add3A_1684] : memref<65536xf32, #tpu.memory_space<vmem_shared>> -> memref<128xf32, #tpu.memory_space<vmem_shared>>
      %dma_wait3A_1869 = arith.constant 0 : i32
      %dma_wait3A_1870 = tpu.memref_slice %arg8[%run_scoped3A_1685, %dma_wait3A_1869] : memref<256x128xf32, #tpu.memory_space<vmem>> -> memref<1x128xf32, #tpu.memory_space<vmem>>
      %dma_wait3A_1871 = tpu.memref_squeeze %dma_wait3A_1870 : memref<1x128xf32, #tpu.memory_space<vmem>> -> memref<128xf32, #tpu.memory_space<vmem>>
      tpu.wait_dma2 semaphore(%run_scoped3A_1855 : memref<!tpu.dma_semaphore, #tpu.memory_space<semaphore_mem>>) src(%dma_wait3A_1871 : memref<128xf32, #tpu.memory_space<vmem>>) dst(%dma_wait3A_1868 : memref<128xf32, #tpu.memory_space<vmem_shared>>)
      tpu.yield
    }) : () -> ()
    %add3A_1686 = arith.constant 1024 : i32
    %add3A_1687 = arith.addi %mul3A_1662, %add3A_1686 : i32
    %run_scoped3A_1688 = arith.constant 64 : i32
    "tpu.region"() ({
      %run_scoped3A_1855 = tpu.sem_alloc : memref<!tpu.dma_semaphore, #tpu.memory_space<semaphore_mem>>
      %dma_start3A_1856 = arith.constant 0 : i32
      %dma_start3A_1857 = tpu.memref_slice %arg8[%run_scoped3A_1688, %dma_start3A_1856] : memref<256x128xf32, #tpu.memory_space<vmem>> -> memref<1x128xf32, #tpu.memory_space<vmem>>
      %dma_start3A_1858 = tpu.memref_squeeze %dma_start3A_1857 : memref<1x128xf32, #tpu.memory_space<vmem>> -> memref<128xf32, #tpu.memory_space<vmem>>
      %dma_start3A_1859 = tpu.memref_slice %arg9[%add3A_1687] : memref<65536xf32, #tpu.memory_space<vmem_shared>> -> memref<128xf32, #tpu.memory_space<vmem_shared>>
      %dma_start3A_1860 = tpu.memref_slice %arg9[%add3A_1687] : memref<65536xf32, #tpu.memory_space<vmem_shared>> -> memref<128xf32, #tpu.memory_space<vmem_shared>>
      %dma_start3A_1861 = arith.constant 0 : i32
      %dma_start3A_1862 = tpu.memref_slice %arg8[%run_scoped3A_1688, %dma_start3A_1861] : memref<256x128xf32, #tpu.memory_space<vmem>> -> memref<1x128xf32, #tpu.memory_space<vmem>>
      %dma_start3A_1863 = tpu.memref_squeeze %dma_start3A_1862 : memref<1x128xf32, #tpu.memory_space<vmem>> -> memref<128xf32, #tpu.memory_space<vmem>>
      tpu.enqueue_dma source(%dma_start3A_1863 : memref<128xf32, #tpu.memory_space<vmem>>) target(%dma_start3A_1860 : memref<128xf32, #tpu.memory_space<vmem_shared>>) target_semaphore(%run_scoped3A_1855 : memref<!tpu.dma_semaphore, #tpu.memory_space<semaphore_mem>>)
      %dma_wait3A_1864 = arith.constant 0 : i32
      %dma_wait3A_1865 = tpu.memref_slice %arg8[%run_scoped3A_1688, %dma_wait3A_1864] : memref<256x128xf32, #tpu.memory_space<vmem>> -> memref<1x128xf32, #tpu.memory_space<vmem>>
      %dma_wait3A_1866 = tpu.memref_squeeze %dma_wait3A_1865 : memref<1x128xf32, #tpu.memory_space<vmem>> -> memref<128xf32, #tpu.memory_space<vmem>>
      %dma_wait3A_1867 = tpu.memref_slice %arg9[%add3A_1687] : memref<65536xf32, #tpu.memory_space<vmem_shared>> -> memref<128xf32, #tpu.memory_space<vmem_shared>>
      %dma_wait3A_1868 = tpu.memref_slice %arg9[%add3A_1687] : memref<65536xf32, #tpu.memory_space<vmem_shared>> -> memref<128xf32, #tpu.memory_space<vmem_shared>>
      %dma_wait3A_1869 = arith.constant 0 : i32
      %dma_wait3A_1870 = tpu.memref_slice %arg8[%run_scoped3A_1688, %dma_wait3A_1869] : memref<256x128xf32, #tpu.memory_space<vmem>> -> memref<1x128xf32, #tpu.memory_space<vmem>>
      %dma_wait3A_1871 = tpu.memref_squeeze %dma_wait3A_1870 : memref<1x128xf32, #tpu.memory_space<vmem>> -> memref<128xf32, #tpu.memory_space<vmem>>
      tpu.wait_dma2 semaphore(%run_scoped3A_1855 : memref<!tpu.dma_semaphore, #tpu.memory_space<semaphore_mem>>) src(%dma_wait3A_1871 : memref<128xf32, #tpu.memory_space<vmem>>) dst(%dma_wait3A_1868 : memref<128xf32, #tpu.memory_space<vmem_shared>>)
      tpu.yield
    }) : () -> ()
    %add3A_1689 = arith.constant 1152 : i32
    %add3A_1690 = arith.addi %mul3A_1662, %add3A_1689 : i32
    %run_scoped3A_1691 = arith.constant 73 : i32
    "tpu.region"() ({
      %run_scoped3A_1855 = tpu.sem_alloc : memref<!tpu.dma_semaphore, #tpu.memory_space<semaphore_mem>>
      %dma_start3A_1856 = arith.constant 0 : i32
      %dma_start3A_1857 = tpu.memref_slice %arg8[%run_scoped3A_1691, %dma_start3A_1856] : memref<256x128xf32, #tpu.memory_space<vmem>> -> memref<1x128xf32, #tpu.memory_space<vmem>>
      %dma_start3A_1858 = tpu.memref_squeeze %dma_start3A_1857 : memref<1x128xf32, #tpu.memory_space<vmem>> -> memref<128xf32, #tpu.memory_space<vmem>>
      %dma_start3A_1859 = tpu.memref_slice %arg9[%add3A_1690] : memref<65536xf32, #tpu.memory_space<vmem_shared>> -> memref<128xf32, #tpu.memory_space<vmem_shared>>
      %dma_start3A_1860 = tpu.memref_slice %arg9[%add3A_1690] : memref<65536xf32, #tpu.memory_space<vmem_shared>> -> memref<128xf32, #tpu.memory_space<vmem_shared>>
      %dma_start3A_1861 = arith.constant 0 : i32
      %dma_start3A_1862 = tpu.memref_slice %arg8[%run_scoped3A_1691, %dma_start3A_1861] : memref<256x128xf32, #tpu.memory_space<vmem>> -> memref<1x128xf32, #tpu.memory_space<vmem>>
      %dma_start3A_1863 = tpu.memref_squeeze %dma_start3A_1862 : memref<1x128xf32, #tpu.memory_space<vmem>> -> memref<128xf32, #tpu.memory_space<vmem>>
      tpu.enqueue_dma source(%dma_start3A_1863 : memref<128xf32, #tpu.memory_space<vmem>>) target(%dma_start3A_1860 : memref<128xf32, #tpu.memory_space<vmem_shared>>) target_semaphore(%run_scoped3A_1855 : memref<!tpu.dma_semaphore, #tpu.memory_space<semaphore_mem>>)
      %dma_wait3A_1864 = arith.constant 0 : i32
      %dma_wait3A_1865 = tpu.memref_slice %arg8[%run_scoped3A_1691, %dma_wait3A_1864] : memref<256x128xf32, #tpu.memory_space<vmem>> -> memref<1x128xf32, #tpu.memory_space<vmem>>
      %dma_wait3A_1866 = tpu.memref_squeeze %dma_wait3A_1865 : memref<1x128xf32, #tpu.memory_space<vmem>> -> memref<128xf32, #tpu.memory_space<vmem>>
      %dma_wait3A_1867 = tpu.memref_slice %arg9[%add3A_1690] : memref<65536xf32, #tpu.memory_space<vmem_shared>> -> memref<128xf32, #tpu.memory_space<vmem_shared>>
      %dma_wait3A_1868 = tpu.memref_slice %arg9[%add3A_1690] : memref<65536xf32, #tpu.memory_space<vmem_shared>> -> memref<128xf32, #tpu.memory_space<vmem_shared>>
      %dma_wait3A_1869 = arith.constant 0 : i32
      %dma_wait3A_1870 = tpu.memref_slice %arg8[%run_scoped3A_1691, %dma_wait3A_1869] : memref<256x128xf32, #tpu.memory_space<vmem>> -> memref<1x128xf32, #tpu.memory_space<vmem>>
      %dma_wait3A_1871 = tpu.memref_squeeze %dma_wait3A_1870 : memref<1x128xf32, #tpu.memory_space<vmem>> -> memref<128xf32, #tpu.memory_space<vmem>>
      tpu.wait_dma2 semaphore(%run_scoped3A_1855 : memref<!tpu.dma_semaphore, #tpu.memory_space<semaphore_mem>>) src(%dma_wait3A_1871 : memref<128xf32, #tpu.memory_space<vmem>>) dst(%dma_wait3A_1868 : memref<128xf32, #tpu.memory_space<vmem_shared>>)
      tpu.yield
    }) : () -> ()
    %add3A_1692 = arith.constant 1280 : i32
    %add3A_1693 = arith.addi %mul3A_1662, %add3A_1692 : i32
    %run_scoped3A_1694 = arith.constant 82 : i32
    "tpu.region"() ({
      %run_scoped3A_1855 = tpu.sem_alloc : memref<!tpu.dma_semaphore, #tpu.memory_space<semaphore_mem>>
      %dma_start3A_1856 = arith.constant 0 : i32
      %dma_start3A_1857 = tpu.memref_slice %arg8[%run_scoped3A_1694, %dma_start3A_1856] : memref<256x128xf32, #tpu.memory_space<vmem>> -> memref<1x128xf32, #tpu.memory_space<vmem>>
      %dma_start3A_1858 = tpu.memref_squeeze %dma_start3A_1857 : memref<1x128xf32, #tpu.memory_space<vmem>> -> memref<128xf32, #tpu.memory_space<vmem>>
      %dma_start3A_1859 = tpu.memref_slice %arg9[%add3A_1693] : memref<65536xf32, #tpu.memory_space<vmem_shared>> -> memref<128xf32, #tpu.memory_space<vmem_shared>>
      %dma_start3A_1860 = tpu.memref_slice %arg9[%add3A_1693] : memref<65536xf32, #tpu.memory_space<vmem_shared>> -> memref<128xf32, #tpu.memory_space<vmem_shared>>
      %dma_start3A_1861 = arith.constant 0 : i32
      %dma_start3A_1862 = tpu.memref_slice %arg8[%run_scoped3A_1694, %dma_start3A_1861] : memref<256x128xf32, #tpu.memory_space<vmem>> -> memref<1x128xf32, #tpu.memory_space<vmem>>
      %dma_start3A_1863 = tpu.memref_squeeze %dma_start3A_1862 : memref<1x128xf32, #tpu.memory_space<vmem>> -> memref<128xf32, #tpu.memory_space<vmem>>
      tpu.enqueue_dma source(%dma_start3A_1863 : memref<128xf32, #tpu.memory_space<vmem>>) target(%dma_start3A_1860 : memref<128xf32, #tpu.memory_space<vmem_shared>>) target_semaphore(%run_scoped3A_1855 : memref<!tpu.dma_semaphore, #tpu.memory_space<semaphore_mem>>)
      %dma_wait3A_1864 = arith.constant 0 : i32
      %dma_wait3A_1865 = tpu.memref_slice %arg8[%run_scoped3A_1694, %dma_wait3A_1864] : memref<256x128xf32, #tpu.memory_space<vmem>> -> memref<1x128xf32, #tpu.memory_space<vmem>>
      %dma_wait3A_1866 = tpu.memref_squeeze %dma_wait3A_1865 : memref<1x128xf32, #tpu.memory_space<vmem>> -> memref<128xf32, #tpu.memory_space<vmem>>
      %dma_wait3A_1867 = tpu.memref_slice %arg9[%add3A_1693] : memref<65536xf32, #tpu.memory_space<vmem_shared>> -> memref<128xf32, #tpu.memory_space<vmem_shared>>
      %dma_wait3A_1868 = tpu.memref_slice %arg9[%add3A_1693] : memref<65536xf32, #tpu.memory_space<vmem_shared>> -> memref<128xf32, #tpu.memory_space<vmem_shared>>
      %dma_wait3A_1869 = arith.constant 0 : i32
      %dma_wait3A_1870 = tpu.memref_slice %arg8[%run_scoped3A_1694, %dma_wait3A_1869] : memref<256x128xf32, #tpu.memory_space<vmem>> -> memref<1x128xf32, #tpu.memory_space<vmem>>
      %dma_wait3A_1871 = tpu.memref_squeeze %dma_wait3A_1870 : memref<1x128xf32, #tpu.memory_space<vmem>> -> memref<128xf32, #tpu.memory_space<vmem>>
      tpu.wait_dma2 semaphore(%run_scoped3A_1855 : memref<!tpu.dma_semaphore, #tpu.memory_space<semaphore_mem>>) src(%dma_wait3A_1871 : memref<128xf32, #tpu.memory_space<vmem>>) dst(%dma_wait3A_1868 : memref<128xf32, #tpu.memory_space<vmem_shared>>)
      tpu.yield
    }) : () -> ()
    %add3A_1695 = arith.constant 1408 : i32
    %add3A_1696 = arith.addi %mul3A_1662, %add3A_1695 : i32
    %run_scoped3A_1697 = arith.constant 91 : i32
    "tpu.region"() ({
      %run_scoped3A_1855 = tpu.sem_alloc : memref<!tpu.dma_semaphore, #tpu.memory_space<semaphore_mem>>
      %dma_start3A_1856 = arith.constant 0 : i32
      %dma_start3A_1857 = tpu.memref_slice %arg8[%run_scoped3A_1697, %dma_start3A_1856] : memref<256x128xf32, #tpu.memory_space<vmem>> -> memref<1x128xf32, #tpu.memory_space<vmem>>
      %dma_start3A_1858 = tpu.memref_squeeze %dma_start3A_1857 : memref<1x128xf32, #tpu.memory_space<vmem>> -> memref<128xf32, #tpu.memory_space<vmem>>
      %dma_start3A_1859 = tpu.memref_slice %arg9[%add3A_1696] : memref<65536xf32, #tpu.memory_space<vmem_shared>> -> memref<128xf32, #tpu.memory_space<vmem_shared>>
      %dma_start3A_1860 = tpu.memref_slice %arg9[%add3A_1696] : memref<65536xf32, #tpu.memory_space<vmem_shared>> -> memref<128xf32, #tpu.memory_space<vmem_shared>>
      %dma_start3A_1861 = arith.constant 0 : i32
      %dma_start3A_1862 = tpu.memref_slice %arg8[%run_scoped3A_1697, %dma_start3A_1861] : memref<256x128xf32, #tpu.memory_space<vmem>> -> memref<1x128xf32, #tpu.memory_space<vmem>>
      %dma_start3A_1863 = tpu.memref_squeeze %dma_start3A_1862 : memref<1x128xf32, #tpu.memory_space<vmem>> -> memref<128xf32, #tpu.memory_space<vmem>>
      tpu.enqueue_dma source(%dma_start3A_1863 : memref<128xf32, #tpu.memory_space<vmem>>) target(%dma_start3A_1860 : memref<128xf32, #tpu.memory_space<vmem_shared>>) target_semaphore(%run_scoped3A_1855 : memref<!tpu.dma_semaphore, #tpu.memory_space<semaphore_mem>>)
      %dma_wait3A_1864 = arith.constant 0 : i32
      %dma_wait3A_1865 = tpu.memref_slice %arg8[%run_scoped3A_1697, %dma_wait3A_1864] : memref<256x128xf32, #tpu.memory_space<vmem>> -> memref<1x128xf32, #tpu.memory_space<vmem>>
      %dma_wait3A_1866 = tpu.memref_squeeze %dma_wait3A_1865 : memref<1x128xf32, #tpu.memory_space<vmem>> -> memref<128xf32, #tpu.memory_space<vmem>>
      %dma_wait3A_1867 = tpu.memref_slice %arg9[%add3A_1696] : memref<65536xf32, #tpu.memory_space<vmem_shared>> -> memref<128xf32, #tpu.memory_space<vmem_shared>>
      %dma_wait3A_1868 = tpu.memref_slice %arg9[%add3A_1696] : memref<65536xf32, #tpu.memory_space<vmem_shared>> -> memref<128xf32, #tpu.memory_space<vmem_shared>>
      %dma_wait3A_1869 = arith.constant 0 : i32
      %dma_wait3A_1870 = tpu.memref_slice %arg8[%run_scoped3A_1697, %dma_wait3A_1869] : memref<256x128xf32, #tpu.memory_space<vmem>> -> memref<1x128xf32, #tpu.memory_space<vmem>>
      %dma_wait3A_1871 = tpu.memref_squeeze %dma_wait3A_1870 : memref<1x128xf32, #tpu.memory_space<vmem>> -> memref<128xf32, #tpu.memory_space<vmem>>
      tpu.wait_dma2 semaphore(%run_scoped3A_1855 : memref<!tpu.dma_semaphore, #tpu.memory_space<semaphore_mem>>) src(%dma_wait3A_1871 : memref<128xf32, #tpu.memory_space<vmem>>) dst(%dma_wait3A_1868 : memref<128xf32, #tpu.memory_space<vmem_shared>>)
      tpu.yield
    }) : () -> ()
    %add3A_1698 = arith.constant 1536 : i32
    %add3A_1699 = arith.addi %mul3A_1662, %add3A_1698 : i32
    %run_scoped3A_1700 = arith.constant 100 : i32
    "tpu.region"() ({
      %run_scoped3A_1855 = tpu.sem_alloc : memref<!tpu.dma_semaphore, #tpu.memory_space<semaphore_mem>>
      %dma_start3A_1856 = arith.constant 0 : i32
      %dma_start3A_1857 = tpu.memref_slice %arg8[%run_scoped3A_1700, %dma_start3A_1856] : memref<256x128xf32, #tpu.memory_space<vmem>> -> memref<1x128xf32, #tpu.memory_space<vmem>>
      %dma_start3A_1858 = tpu.memref_squeeze %dma_start3A_1857 : memref<1x128xf32, #tpu.memory_space<vmem>> -> memref<128xf32, #tpu.memory_space<vmem>>
      %dma_start3A_1859 = tpu.memref_slice %arg9[%add3A_1699] : memref<65536xf32, #tpu.memory_space<vmem_shared>> -> memref<128xf32, #tpu.memory_space<vmem_shared>>
      %dma_start3A_1860 = tpu.memref_slice %arg9[%add3A_1699] : memref<65536xf32, #tpu.memory_space<vmem_shared>> -> memref<128xf32, #tpu.memory_space<vmem_shared>>
      %dma_start3A_1861 = arith.constant 0 : i32
      %dma_start3A_1862 = tpu.memref_slice %arg8[%run_scoped3A_1700, %dma_start3A_1861] : memref<256x128xf32, #tpu.memory_space<vmem>> -> memref<1x128xf32, #tpu.memory_space<vmem>>
      %dma_start3A_1863 = tpu.memref_squeeze %dma_start3A_1862 : memref<1x128xf32, #tpu.memory_space<vmem>> -> memref<128xf32, #tpu.memory_space<vmem>>
      tpu.enqueue_dma source(%dma_start3A_1863 : memref<128xf32, #tpu.memory_space<vmem>>) target(%dma_start3A_1860 : memref<128xf32, #tpu.memory_space<vmem_shared>>) target_semaphore(%run_scoped3A_1855 : memref<!tpu.dma_semaphore, #tpu.memory_space<semaphore_mem>>)
      %dma_wait3A_1864 = arith.constant 0 : i32
      %dma_wait3A_1865 = tpu.memref_slice %arg8[%run_scoped3A_1700, %dma_wait3A_1864] : memref<256x128xf32, #tpu.memory_space<vmem>> -> memref<1x128xf32, #tpu.memory_space<vmem>>
      %dma_wait3A_1866 = tpu.memref_squeeze %dma_wait3A_1865 : memref<1x128xf32, #tpu.memory_space<vmem>> -> memref<128xf32, #tpu.memory_space<vmem>>
      %dma_wait3A_1867 = tpu.memref_slice %arg9[%add3A_1699] : memref<65536xf32, #tpu.memory_space<vmem_shared>> -> memref<128xf32, #tpu.memory_space<vmem_shared>>
      %dma_wait3A_1868 = tpu.memref_slice %arg9[%add3A_1699] : memref<65536xf32, #tpu.memory_space<vmem_shared>> -> memref<128xf32, #tpu.memory_space<vmem_shared>>
      %dma_wait3A_1869 = arith.constant 0 : i32
      %dma_wait3A_1870 = tpu.memref_slice %arg8[%run_scoped3A_1700, %dma_wait3A_1869] : memref<256x128xf32, #tpu.memory_space<vmem>> -> memref<1x128xf32, #tpu.memory_space<vmem>>
      %dma_wait3A_1871 = tpu.memref_squeeze %dma_wait3A_1870 : memref<1x128xf32, #tpu.memory_space<vmem>> -> memref<128xf32, #tpu.memory_space<vmem>>
      tpu.wait_dma2 semaphore(%run_scoped3A_1855 : memref<!tpu.dma_semaphore, #tpu.memory_space<semaphore_mem>>) src(%dma_wait3A_1871 : memref<128xf32, #tpu.memory_space<vmem>>) dst(%dma_wait3A_1868 : memref<128xf32, #tpu.memory_space<vmem_shared>>)
      tpu.yield
    }) : () -> ()
    %add3A_1701 = arith.constant 1664 : i32
    %add3A_1702 = arith.addi %mul3A_1662, %add3A_1701 : i32
    %run_scoped3A_1703 = arith.constant 109 : i32
    "tpu.region"() ({
      %run_scoped3A_1855 = tpu.sem_alloc : memref<!tpu.dma_semaphore, #tpu.memory_space<semaphore_mem>>
      %dma_start3A_1856 = arith.constant 0 : i32
      %dma_start3A_1857 = tpu.memref_slice %arg8[%run_scoped3A_1703, %dma_start3A_1856] : memref<256x128xf32, #tpu.memory_space<vmem>> -> memref<1x128xf32, #tpu.memory_space<vmem>>
      %dma_start3A_1858 = tpu.memref_squeeze %dma_start3A_1857 : memref<1x128xf32, #tpu.memory_space<vmem>> -> memref<128xf32, #tpu.memory_space<vmem>>
      %dma_start3A_1859 = tpu.memref_slice %arg9[%add3A_1702] : memref<65536xf32, #tpu.memory_space<vmem_shared>> -> memref<128xf32, #tpu.memory_space<vmem_shared>>
      %dma_start3A_1860 = tpu.memref_slice %arg9[%add3A_1702] : memref<65536xf32, #tpu.memory_space<vmem_shared>> -> memref<128xf32, #tpu.memory_space<vmem_shared>>
      %dma_start3A_1861 = arith.constant 0 : i32
      %dma_start3A_1862 = tpu.memref_slice %arg8[%run_scoped3A_1703, %dma_start3A_1861] : memref<256x128xf32, #tpu.memory_space<vmem>> -> memref<1x128xf32, #tpu.memory_space<vmem>>
      %dma_start3A_1863 = tpu.memref_squeeze %dma_start3A_1862 : memref<1x128xf32, #tpu.memory_space<vmem>> -> memref<128xf32, #tpu.memory_space<vmem>>
      tpu.enqueue_dma source(%dma_start3A_1863 : memref<128xf32, #tpu.memory_space<vmem>>) target(%dma_start3A_1860 : memref<128xf32, #tpu.memory_space<vmem_shared>>) target_semaphore(%run_scoped3A_1855 : memref<!tpu.dma_semaphore, #tpu.memory_space<semaphore_mem>>)
      %dma_wait3A_1864 = arith.constant 0 : i32
      %dma_wait3A_1865 = tpu.memref_slice %arg8[%run_scoped3A_1703, %dma_wait3A_1864] : memref<256x128xf32, #tpu.memory_space<vmem>> -> memref<1x128xf32, #tpu.memory_space<vmem>>
      %dma_wait3A_1866 = tpu.memref_squeeze %dma_wait3A_1865 : memref<1x128xf32, #tpu.memory_space<vmem>> -> memref<128xf32, #tpu.memory_space<vmem>>
      %dma_wait3A_1867 = tpu.memref_slice %arg9[%add3A_1702] : memref<65536xf32, #tpu.memory_space<vmem_shared>> -> memref<128xf32, #tpu.memory_space<vmem_shared>>
      %dma_wait3A_1868 = tpu.memref_slice %arg9[%add3A_1702] : memref<65536xf32, #tpu.memory_space<vmem_shared>> -> memref<128xf32, #tpu.memory_space<vmem_shared>>
      %dma_wait3A_1869 = arith.constant 0 : i32
      %dma_wait3A_1870 = tpu.memref_slice %arg8[%run_scoped3A_1703, %dma_wait3A_1869] : memref<256x128xf32, #tpu.memory_space<vmem>> -> memref<1x128xf32, #tpu.memory_space<vmem>>
      %dma_wait3A_1871 = tpu.memref_squeeze %dma_wait3A_1870 : memref<1x128xf32, #tpu.memory_space<vmem>> -> memref<128xf32, #tpu.memory_space<vmem>>
      tpu.wait_dma2 semaphore(%run_scoped3A_1855 : memref<!tpu.dma_semaphore, #tpu.memory_space<semaphore_mem>>) src(%dma_wait3A_1871 : memref<128xf32, #tpu.memory_space<vmem>>) dst(%dma_wait3A_1868 : memref<128xf32, #tpu.memory_space<vmem_shared>>)
      tpu.yield
    }) : () -> ()
    %add3A_1704 = arith.constant 1792 : i32
    %add3A_1705 = arith.addi %mul3A_1662, %add3A_1704 : i32
    %run_scoped3A_1706 = arith.constant 118 : i32
    "tpu.region"() ({
      %run_scoped3A_1855 = tpu.sem_alloc : memref<!tpu.dma_semaphore, #tpu.memory_space<semaphore_mem>>
      %dma_start3A_1856 = arith.constant 0 : i32
      %dma_start3A_1857 = tpu.memref_slice %arg8[%run_scoped3A_1706, %dma_start3A_1856] : memref<256x128xf32, #tpu.memory_space<vmem>> -> memref<1x128xf32, #tpu.memory_space<vmem>>
      %dma_start3A_1858 = tpu.memref_squeeze %dma_start3A_1857 : memref<1x128xf32, #tpu.memory_space<vmem>> -> memref<128xf32, #tpu.memory_space<vmem>>
      %dma_start3A_1859 = tpu.memref_slice %arg9[%add3A_1705] : memref<65536xf32, #tpu.memory_space<vmem_shared>> -> memref<128xf32, #tpu.memory_space<vmem_shared>>
      %dma_start3A_1860 = tpu.memref_slice %arg9[%add3A_1705] : memref<65536xf32, #tpu.memory_space<vmem_shared>> -> memref<128xf32, #tpu.memory_space<vmem_shared>>
      %dma_start3A_1861 = arith.constant 0 : i32
      %dma_start3A_1862 = tpu.memref_slice %arg8[%run_scoped3A_1706, %dma_start3A_1861] : memref<256x128xf32, #tpu.memory_space<vmem>> -> memref<1x128xf32, #tpu.memory_space<vmem>>
      %dma_start3A_1863 = tpu.memref_squeeze %dma_start3A_1862 : memref<1x128xf32, #tpu.memory_space<vmem>> -> memref<128xf32, #tpu.memory_space<vmem>>
      tpu.enqueue_dma source(%dma_start3A_1863 : memref<128xf32, #tpu.memory_space<vmem>>) target(%dma_start3A_1860 : memref<128xf32, #tpu.memory_space<vmem_shared>>) target_semaphore(%run_scoped3A_1855 : memref<!tpu.dma_semaphore, #tpu.memory_space<semaphore_mem>>)
      %dma_wait3A_1864 = arith.constant 0 : i32
      %dma_wait3A_1865 = tpu.memref_slice %arg8[%run_scoped3A_1706, %dma_wait3A_1864] : memref<256x128xf32, #tpu.memory_space<vmem>> -> memref<1x128xf32, #tpu.memory_space<vmem>>
      %dma_wait3A_1866 = tpu.memref_squeeze %dma_wait3A_1865 : memref<1x128xf32, #tpu.memory_space<vmem>> -> memref<128xf32, #tpu.memory_space<vmem>>
      %dma_wait3A_1867 = tpu.memref_slice %arg9[%add3A_1705] : memref<65536xf32, #tpu.memory_space<vmem_shared>> -> memref<128xf32, #tpu.memory_space<vmem_shared>>
      %dma_wait3A_1868 = tpu.memref_slice %arg9[%add3A_1705] : memref<65536xf32, #tpu.memory_space<vmem_shared>> -> memref<128xf32, #tpu.memory_space<vmem_shared>>
      %dma_wait3A_1869 = arith.constant 0 : i32
      %dma_wait3A_1870 = tpu.memref_slice %arg8[%run_scoped3A_1706, %dma_wait3A_1869] : memref<256x128xf32, #tpu.memory_space<vmem>> -> memref<1x128xf32, #tpu.memory_space<vmem>>
      %dma_wait3A_1871 = tpu.memref_squeeze %dma_wait3A_1870 : memref<1x128xf32, #tpu.memory_space<vmem>> -> memref<128xf32, #tpu.memory_space<vmem>>
      tpu.wait_dma2 semaphore(%run_scoped3A_1855 : memref<!tpu.dma_semaphore, #tpu.memory_space<semaphore_mem>>) src(%dma_wait3A_1871 : memref<128xf32, #tpu.memory_space<vmem>>) dst(%dma_wait3A_1868 : memref<128xf32, #tpu.memory_space<vmem_shared>>)
      tpu.yield
    }) : () -> ()
    %add3A_1707 = arith.constant 1920 : i32
    %add3A_1708 = arith.addi %mul3A_1662, %add3A_1707 : i32
    %run_scoped3A_1709 = arith.constant 127 : i32
    "tpu.region"() ({
      %run_scoped3A_1855 = tpu.sem_alloc : memref<!tpu.dma_semaphore, #tpu.memory_space<semaphore_mem>>
      %dma_start3A_1856 = arith.constant 0 : i32
      %dma_start3A_1857 = tpu.memref_slice %arg8[%run_scoped3A_1709, %dma_start3A_1856] : memref<256x128xf32, #tpu.memory_space<vmem>> -> memref<1x128xf32, #tpu.memory_space<vmem>>
      %dma_start3A_1858 = tpu.memref_squeeze %dma_start3A_1857 : memref<1x128xf32, #tpu.memory_space<vmem>> -> memref<128xf32, #tpu.memory_space<vmem>>
      %dma_start3A_1859 = tpu.memref_slice %arg9[%add3A_1708] : memref<65536xf32, #tpu.memory_space<vmem_shared>> -> memref<128xf32, #tpu.memory_space<vmem_shared>>
      %dma_start3A_1860 = tpu.memref_slice %arg9[%add3A_1708] : memref<65536xf32, #tpu.memory_space<vmem_shared>> -> memref<128xf32, #tpu.memory_space<vmem_shared>>
      %dma_start3A_1861 = arith.constant 0 : i32
      %dma_start3A_1862 = tpu.memref_slice %arg8[%run_scoped3A_1709, %dma_start3A_1861] : memref<256x128xf32, #tpu.memory_space<vmem>> -> memref<1x128xf32, #tpu.memory_space<vmem>>
      %dma_start3A_1863 = tpu.memref_squeeze %dma_start3A_1862 : memref<1x128xf32, #tpu.memory_space<vmem>> -> memref<128xf32, #tpu.memory_space<vmem>>
      tpu.enqueue_dma source(%dma_start3A_1863 : memref<128xf32, #tpu.memory_space<vmem>>) target(%dma_start3A_1860 : memref<128xf32, #tpu.memory_space<vmem_shared>>) target_semaphore(%run_scoped3A_1855 : memref<!tpu.dma_semaphore, #tpu.memory_space<semaphore_mem>>)
      %dma_wait3A_1864 = arith.constant 0 : i32
      %dma_wait3A_1865 = tpu.memref_slice %arg8[%run_scoped3A_1709, %dma_wait3A_1864] : memref<256x128xf32, #tpu.memory_space<vmem>> -> memref<1x128xf32, #tpu.memory_space<vmem>>
      %dma_wait3A_1866 = tpu.memref_squeeze %dma_wait3A_1865 : memref<1x128xf32, #tpu.memory_space<vmem>> -> memref<128xf32, #tpu.memory_space<vmem>>
      %dma_wait3A_1867 = tpu.memref_slice %arg9[%add3A_1708] : memref<65536xf32, #tpu.memory_space<vmem_shared>> -> memref<128xf32, #tpu.memory_space<vmem_shared>>
      %dma_wait3A_1868 = tpu.memref_slice %arg9[%add3A_1708] : memref<65536xf32, #tpu.memory_space<vmem_shared>> -> memref<128xf32, #tpu.memory_space<vmem_shared>>
      %dma_wait3A_1869 = arith.constant 0 : i32
      %dma_wait3A_1870 = tpu.memref_slice %arg8[%run_scoped3A_1709, %dma_wait3A_1869] : memref<256x128xf32, #tpu.memory_space<vmem>> -> memref<1x128xf32, #tpu.memory_space<vmem>>
      %dma_wait3A_1871 = tpu.memref_squeeze %dma_wait3A_1870 : memref<1x128xf32, #tpu.memory_space<vmem>> -> memref<128xf32, #tpu.memory_space<vmem>>
      tpu.wait_dma2 semaphore(%run_scoped3A_1855 : memref<!tpu.dma_semaphore, #tpu.memory_space<semaphore_mem>>) src(%dma_wait3A_1871 : memref<128xf32, #tpu.memory_space<vmem>>) dst(%dma_wait3A_1868 : memref<128xf32, #tpu.memory_space<vmem_shared>>)
      tpu.yield
    }) : () -> ()
    %add3A_1710 = arith.constant 2048 : i32
    %add3A_1711 = arith.addi %mul3A_1662, %add3A_1710 : i32
    %run_scoped3A_1712 = arith.constant 128 : i32
    "tpu.region"() ({
      %run_scoped3A_1855 = tpu.sem_alloc : memref<!tpu.dma_semaphore, #tpu.memory_space<semaphore_mem>>
      %dma_start3A_1856 = arith.constant 0 : i32
      %dma_start3A_1857 = tpu.memref_slice %arg8[%run_scoped3A_1712, %dma_start3A_1856] : memref<256x128xf32, #tpu.memory_space<vmem>> -> memref<1x128xf32, #tpu.memory_space<vmem>>
      %dma_start3A_1858 = tpu.memref_squeeze %dma_start3A_1857 : memref<1x128xf32, #tpu.memory_space<vmem>> -> memref<128xf32, #tpu.memory_space<vmem>>
      %dma_start3A_1859 = tpu.memref_slice %arg9[%add3A_1711] : memref<65536xf32, #tpu.memory_space<vmem_shared>> -> memref<128xf32, #tpu.memory_space<vmem_shared>>
      %dma_start3A_1860 = tpu.memref_slice %arg9[%add3A_1711] : memref<65536xf32, #tpu.memory_space<vmem_shared>> -> memref<128xf32, #tpu.memory_space<vmem_shared>>
      %dma_start3A_1861 = arith.constant 0 : i32
      %dma_start3A_1862 = tpu.memref_slice %arg8[%run_scoped3A_1712, %dma_start3A_1861] : memref<256x128xf32, #tpu.memory_space<vmem>> -> memref<1x128xf32, #tpu.memory_space<vmem>>
      %dma_start3A_1863 = tpu.memref_squeeze %dma_start3A_1862 : memref<1x128xf32, #tpu.memory_space<vmem>> -> memref<128xf32, #tpu.memory_space<vmem>>
      tpu.enqueue_dma source(%dma_start3A_1863 : memref<128xf32, #tpu.memory_space<vmem>>) target(%dma_start3A_1860 : memref<128xf32, #tpu.memory_space<vmem_shared>>) target_semaphore(%run_scoped3A_1855 : memref<!tpu.dma_semaphore, #tpu.memory_space<semaphore_mem>>)
      %dma_wait3A_1864 = arith.constant 0 : i32
      %dma_wait3A_1865 = tpu.memref_slice %arg8[%run_scoped3A_1712, %dma_wait3A_1864] : memref<256x128xf32, #tpu.memory_space<vmem>> -> memref<1x128xf32, #tpu.memory_space<vmem>>
      %dma_wait3A_1866 = tpu.memref_squeeze %dma_wait3A_1865 : memref<1x128xf32, #tpu.memory_space<vmem>> -> memref<128xf32, #tpu.memory_space<vmem>>
      %dma_wait3A_1867 = tpu.memref_slice %arg9[%add3A_1711] : memref<65536xf32, #tpu.memory_space<vmem_shared>> -> memref<128xf32, #tpu.memory_space<vmem_shared>>
      %dma_wait3A_1868 = tpu.memref_slice %arg9[%add3A_1711] : memref<65536xf32, #tpu.memory_space<vmem_shared>> -> memref<128xf32, #tpu.memory_space<vmem_shared>>
      %dma_wait3A_1869 = arith.constant 0 : i32
      %dma_wait3A_1870 = tpu.memref_slice %arg8[%run_scoped3A_1712, %dma_wait3A_1869] : memref<256x128xf32, #tpu.memory_space<vmem>> -> memref<1x128xf32, #tpu.memory_space<vmem>>
      %dma_wait3A_1871 = tpu.memref_squeeze %dma_wait3A_1870 : memref<1x128xf32, #tpu.memory_space<vmem>> -> memref<128xf32, #tpu.memory_space<vmem>>
      tpu.wait_dma2 semaphore(%run_scoped3A_1855 : memref<!tpu.dma_semaphore, #tpu.memory_space<semaphore_mem>>) src(%dma_wait3A_1871 : memref<128xf32, #tpu.memory_space<vmem>>) dst(%dma_wait3A_1868 : memref<128xf32, #tpu.memory_space<vmem_shared>>)
      tpu.yield
    }) : () -> ()
    %add3A_1713 = arith.constant 2176 : i32
    %add3A_1714 = arith.addi %mul3A_1662, %add3A_1713 : i32
    %run_scoped3A_1715 = arith.constant 137 : i32
    "tpu.region"() ({
      %run_scoped3A_1855 = tpu.sem_alloc : memref<!tpu.dma_semaphore, #tpu.memory_space<semaphore_mem>>
      %dma_start3A_1856 = arith.constant 0 : i32
      %dma_start3A_1857 = tpu.memref_slice %arg8[%run_scoped3A_1715, %dma_start3A_1856] : memref<256x128xf32, #tpu.memory_space<vmem>> -> memref<1x128xf32, #tpu.memory_space<vmem>>
      %dma_start3A_1858 = tpu.memref_squeeze %dma_start3A_1857 : memref<1x128xf32, #tpu.memory_space<vmem>> -> memref<128xf32, #tpu.memory_space<vmem>>
      %dma_start3A_1859 = tpu.memref_slice %arg9[%add3A_1714] : memref<65536xf32, #tpu.memory_space<vmem_shared>> -> memref<128xf32, #tpu.memory_space<vmem_shared>>
      %dma_start3A_1860 = tpu.memref_slice %arg9[%add3A_1714] : memref<65536xf32, #tpu.memory_space<vmem_shared>> -> memref<128xf32, #tpu.memory_space<vmem_shared>>
      %dma_start3A_1861 = arith.constant 0 : i32
      %dma_start3A_1862 = tpu.memref_slice %arg8[%run_scoped3A_1715, %dma_start3A_1861] : memref<256x128xf32, #tpu.memory_space<vmem>> -> memref<1x128xf32, #tpu.memory_space<vmem>>
      %dma_start3A_1863 = tpu.memref_squeeze %dma_start3A_1862 : memref<1x128xf32, #tpu.memory_space<vmem>> -> memref<128xf32, #tpu.memory_space<vmem>>
      tpu.enqueue_dma source(%dma_start3A_1863 : memref<128xf32, #tpu.memory_space<vmem>>) target(%dma_start3A_1860 : memref<128xf32, #tpu.memory_space<vmem_shared>>) target_semaphore(%run_scoped3A_1855 : memref<!tpu.dma_semaphore, #tpu.memory_space<semaphore_mem>>)
      %dma_wait3A_1864 = arith.constant 0 : i32
      %dma_wait3A_1865 = tpu.memref_slice %arg8[%run_scoped3A_1715, %dma_wait3A_1864] : memref<256x128xf32, #tpu.memory_space<vmem>> -> memref<1x128xf32, #tpu.memory_space<vmem>>
      %dma_wait3A_1866 = tpu.memref_squeeze %dma_wait3A_1865 : memref<1x128xf32, #tpu.memory_space<vmem>> -> memref<128xf32, #tpu.memory_space<vmem>>
      %dma_wait3A_1867 = tpu.memref_slice %arg9[%add3A_1714] : memref<65536xf32, #tpu.memory_space<vmem_shared>> -> memref<128xf32, #tpu.memory_space<vmem_shared>>
      %dma_wait3A_1868 = tpu.memref_slice %arg9[%add3A_1714] : memref<65536xf32, #tpu.memory_space<vmem_shared>> -> memref<128xf32, #tpu.memory_space<vmem_shared>>
      %dma_wait3A_1869 = arith.constant 0 : i32
      %dma_wait3A_1870 = tpu.memref_slice %arg8[%run_scoped3A_1715, %dma_wait3A_1869] : memref<256x128xf32, #tpu.memory_space<vmem>> -> memref<1x128xf32, #tpu.memory_space<vmem>>
      %dma_wait3A_1871 = tpu.memref_squeeze %dma_wait3A_1870 : memref<1x128xf32, #tpu.memory_space<vmem>> -> memref<128xf32, #tpu.memory_space<vmem>>
      tpu.wait_dma2 semaphore(%run_scoped3A_1855 : memref<!tpu.dma_semaphore, #tpu.memory_space<semaphore_mem>>) src(%dma_wait3A_1871 : memref<128xf32, #tpu.memory_space<vmem>>) dst(%dma_wait3A_1868 : memref<128xf32, #tpu.memory_space<vmem_shared>>)
      tpu.yield
    }) : () -> ()
    %add3A_1716 = arith.constant 2304 : i32
    %add3A_1717 = arith.addi %mul3A_1662, %add3A_1716 : i32
    %run_scoped3A_1718 = arith.constant 146 : i32
    "tpu.region"() ({
      %run_scoped3A_1855 = tpu.sem_alloc : memref<!tpu.dma_semaphore, #tpu.memory_space<semaphore_mem>>
      %dma_start3A_1856 = arith.constant 0 : i32
      %dma_start3A_1857 = tpu.memref_slice %arg8[%run_scoped3A_1718, %dma_start3A_1856] : memref<256x128xf32, #tpu.memory_space<vmem>> -> memref<1x128xf32, #tpu.memory_space<vmem>>
      %dma_start3A_1858 = tpu.memref_squeeze %dma_start3A_1857 : memref<1x128xf32, #tpu.memory_space<vmem>> -> memref<128xf32, #tpu.memory_space<vmem>>
      %dma_start3A_1859 = tpu.memref_slice %arg9[%add3A_1717] : memref<65536xf32, #tpu.memory_space<vmem_shared>> -> memref<128xf32, #tpu.memory_space<vmem_shared>>
      %dma_start3A_1860 = tpu.memref_slice %arg9[%add3A_1717] : memref<65536xf32, #tpu.memory_space<vmem_shared>> -> memref<128xf32, #tpu.memory_space<vmem_shared>>
      %dma_start3A_1861 = arith.constant 0 : i32
      %dma_start3A_1862 = tpu.memref_slice %arg8[%run_scoped3A_1718, %dma_start3A_1861] : memref<256x128xf32, #tpu.memory_space<vmem>> -> memref<1x128xf32, #tpu.memory_space<vmem>>
      %dma_start3A_1863 = tpu.memref_squeeze %dma_start3A_1862 : memref<1x128xf32, #tpu.memory_space<vmem>> -> memref<128xf32, #tpu.memory_space<vmem>>
      tpu.enqueue_dma source(%dma_start3A_1863 : memref<128xf32, #tpu.memory_space<vmem>>) target(%dma_start3A_1860 : memref<128xf32, #tpu.memory_space<vmem_shared>>) target_semaphore(%run_scoped3A_1855 : memref<!tpu.dma_semaphore, #tpu.memory_space<semaphore_mem>>)
      %dma_wait3A_1864 = arith.constant 0 : i32
      %dma_wait3A_1865 = tpu.memref_slice %arg8[%run_scoped3A_1718, %dma_wait3A_1864] : memref<256x128xf32, #tpu.memory_space<vmem>> -> memref<1x128xf32, #tpu.memory_space<vmem>>
      %dma_wait3A_1866 = tpu.memref_squeeze %dma_wait3A_1865 : memref<1x128xf32, #tpu.memory_space<vmem>> -> memref<128xf32, #tpu.memory_space<vmem>>
      %dma_wait3A_1867 = tpu.memref_slice %arg9[%add3A_1717] : memref<65536xf32, #tpu.memory_space<vmem_shared>> -> memref<128xf32, #tpu.memory_space<vmem_shared>>
      %dma_wait3A_1868 = tpu.memref_slice %arg9[%add3A_1717] : memref<65536xf32, #tpu.memory_space<vmem_shared>> -> memref<128xf32, #tpu.memory_space<vmem_shared>>
      %dma_wait3A_1869 = arith.constant 0 : i32
      %dma_wait3A_1870 = tpu.memref_slice %arg8[%run_scoped3A_1718, %dma_wait3A_1869] : memref<256x128xf32, #tpu.memory_space<vmem>> -> memref<1x128xf32, #tpu.memory_space<vmem>>
      %dma_wait3A_1871 = tpu.memref_squeeze %dma_wait3A_1870 : memref<1x128xf32, #tpu.memory_space<vmem>> -> memref<128xf32, #tpu.memory_space<vmem>>
      tpu.wait_dma2 semaphore(%run_scoped3A_1855 : memref<!tpu.dma_semaphore, #tpu.memory_space<semaphore_mem>>) src(%dma_wait3A_1871 : memref<128xf32, #tpu.memory_space<vmem>>) dst(%dma_wait3A_1868 : memref<128xf32, #tpu.memory_space<vmem_shared>>)
      tpu.yield
    }) : () -> ()
    %add3A_1719 = arith.constant 2432 : i32
    %add3A_1720 = arith.addi %mul3A_1662, %add3A_1719 : i32
    %run_scoped3A_1721 = arith.constant 155 : i32
    "tpu.region"() ({
      %run_scoped3A_1855 = tpu.sem_alloc : memref<!tpu.dma_semaphore, #tpu.memory_space<semaphore_mem>>
      %dma_start3A_1856 = arith.constant 0 : i32
      %dma_start3A_1857 = tpu.memref_slice %arg8[%run_scoped3A_1721, %dma_start3A_1856] : memref<256x128xf32, #tpu.memory_space<vmem>> -> memref<1x128xf32, #tpu.memory_space<vmem>>
      %dma_start3A_1858 = tpu.memref_squeeze %dma_start3A_1857 : memref<1x128xf32, #tpu.memory_space<vmem>> -> memref<128xf32, #tpu.memory_space<vmem>>
      %dma_start3A_1859 = tpu.memref_slice %arg9[%add3A_1720] : memref<65536xf32, #tpu.memory_space<vmem_shared>> -> memref<128xf32, #tpu.memory_space<vmem_shared>>
      %dma_start3A_1860 = tpu.memref_slice %arg9[%add3A_1720] : memref<65536xf32, #tpu.memory_space<vmem_shared>> -> memref<128xf32, #tpu.memory_space<vmem_shared>>
      %dma_start3A_1861 = arith.constant 0 : i32
      %dma_start3A_1862 = tpu.memref_slice %arg8[%run_scoped3A_1721, %dma_start3A_1861] : memref<256x128xf32, #tpu.memory_space<vmem>> -> memref<1x128xf32, #tpu.memory_space<vmem>>
      %dma_start3A_1863 = tpu.memref_squeeze %dma_start3A_1862 : memref<1x128xf32, #tpu.memory_space<vmem>> -> memref<128xf32, #tpu.memory_space<vmem>>
      tpu.enqueue_dma source(%dma_start3A_1863 : memref<128xf32, #tpu.memory_space<vmem>>) target(%dma_start3A_1860 : memref<128xf32, #tpu.memory_space<vmem_shared>>) target_semaphore(%run_scoped3A_1855 : memref<!tpu.dma_semaphore, #tpu.memory_space<semaphore_mem>>)
      %dma_wait3A_1864 = arith.constant 0 : i32
      %dma_wait3A_1865 = tpu.memref_slice %arg8[%run_scoped3A_1721, %dma_wait3A_1864] : memref<256x128xf32, #tpu.memory_space<vmem>> -> memref<1x128xf32, #tpu.memory_space<vmem>>
      %dma_wait3A_1866 = tpu.memref_squeeze %dma_wait3A_1865 : memref<1x128xf32, #tpu.memory_space<vmem>> -> memref<128xf32, #tpu.memory_space<vmem>>
      %dma_wait3A_1867 = tpu.memref_slice %arg9[%add3A_1720] : memref<65536xf32, #tpu.memory_space<vmem_shared>> -> memref<128xf32, #tpu.memory_space<vmem_shared>>
      %dma_wait3A_1868 = tpu.memref_slice %arg9[%add3A_1720] : memref<65536xf32, #tpu.memory_space<vmem_shared>> -> memref<128xf32, #tpu.memory_space<vmem_shared>>
      %dma_wait3A_1869 = arith.constant 0 : i32
      %dma_wait3A_1870 = tpu.memref_slice %arg8[%run_scoped3A_1721, %dma_wait3A_1869] : memref<256x128xf32, #tpu.memory_space<vmem>> -> memref<1x128xf32, #tpu.memory_space<vmem>>
      %dma_wait3A_1871 = tpu.memref_squeeze %dma_wait3A_1870 : memref<1x128xf32, #tpu.memory_space<vmem>> -> memref<128xf32, #tpu.memory_space<vmem>>
      tpu.wait_dma2 semaphore(%run_scoped3A_1855 : memref<!tpu.dma_semaphore, #tpu.memory_space<semaphore_mem>>) src(%dma_wait3A_1871 : memref<128xf32, #tpu.memory_space<vmem>>) dst(%dma_wait3A_1868 : memref<128xf32, #tpu.memory_space<vmem_shared>>)
      tpu.yield
    }) : () -> ()
    %add3A_1722 = arith.constant 2560 : i32
    %add3A_1723 = arith.addi %mul3A_1662, %add3A_1722 : i32
    %run_scoped3A_1724 = arith.constant 164 : i32
    "tpu.region"() ({
      %run_scoped3A_1855 = tpu.sem_alloc : memref<!tpu.dma_semaphore, #tpu.memory_space<semaphore_mem>>
      %dma_start3A_1856 = arith.constant 0 : i32
      %dma_start3A_1857 = tpu.memref_slice %arg8[%run_scoped3A_1724, %dma_start3A_1856] : memref<256x128xf32, #tpu.memory_space<vmem>> -> memref<1x128xf32, #tpu.memory_space<vmem>>
      %dma_start3A_1858 = tpu.memref_squeeze %dma_start3A_1857 : memref<1x128xf32, #tpu.memory_space<vmem>> -> memref<128xf32, #tpu.memory_space<vmem>>
      %dma_start3A_1859 = tpu.memref_slice %arg9[%add3A_1723] : memref<65536xf32, #tpu.memory_space<vmem_shared>> -> memref<128xf32, #tpu.memory_space<vmem_shared>>
      %dma_start3A_1860 = tpu.memref_slice %arg9[%add3A_1723] : memref<65536xf32, #tpu.memory_space<vmem_shared>> -> memref<128xf32, #tpu.memory_space<vmem_shared>>
      %dma_start3A_1861 = arith.constant 0 : i32
      %dma_start3A_1862 = tpu.memref_slice %arg8[%run_scoped3A_1724, %dma_start3A_1861] : memref<256x128xf32, #tpu.memory_space<vmem>> -> memref<1x128xf32, #tpu.memory_space<vmem>>
      %dma_start3A_1863 = tpu.memref_squeeze %dma_start3A_1862 : memref<1x128xf32, #tpu.memory_space<vmem>> -> memref<128xf32, #tpu.memory_space<vmem>>
      tpu.enqueue_dma source(%dma_start3A_1863 : memref<128xf32, #tpu.memory_space<vmem>>) target(%dma_start3A_1860 : memref<128xf32, #tpu.memory_space<vmem_shared>>) target_semaphore(%run_scoped3A_1855 : memref<!tpu.dma_semaphore, #tpu.memory_space<semaphore_mem>>)
      %dma_wait3A_1864 = arith.constant 0 : i32
      %dma_wait3A_1865 = tpu.memref_slice %arg8[%run_scoped3A_1724, %dma_wait3A_1864] : memref<256x128xf32, #tpu.memory_space<vmem>> -> memref<1x128xf32, #tpu.memory_space<vmem>>
      %dma_wait3A_1866 = tpu.memref_squeeze %dma_wait3A_1865 : memref<1x128xf32, #tpu.memory_space<vmem>> -> memref<128xf32, #tpu.memory_space<vmem>>
      %dma_wait3A_1867 = tpu.memref_slice %arg9[%add3A_1723] : memref<65536xf32, #tpu.memory_space<vmem_shared>> -> memref<128xf32, #tpu.memory_space<vmem_shared>>
      %dma_wait3A_1868 = tpu.memref_slice %arg9[%add3A_1723] : memref<65536xf32, #tpu.memory_space<vmem_shared>> -> memref<128xf32, #tpu.memory_space<vmem_shared>>
      %dma_wait3A_1869 = arith.constant 0 : i32
      %dma_wait3A_1870 = tpu.memref_slice %arg8[%run_scoped3A_1724, %dma_wait3A_1869] : memref<256x128xf32, #tpu.memory_space<vmem>> -> memref<1x128xf32, #tpu.memory_space<vmem>>
      %dma_wait3A_1871 = tpu.memref_squeeze %dma_wait3A_1870 : memref<1x128xf32, #tpu.memory_space<vmem>> -> memref<128xf32, #tpu.memory_space<vmem>>
      tpu.wait_dma2 semaphore(%run_scoped3A_1855 : memref<!tpu.dma_semaphore, #tpu.memory_space<semaphore_mem>>) src(%dma_wait3A_1871 : memref<128xf32, #tpu.memory_space<vmem>>) dst(%dma_wait3A_1868 : memref<128xf32, #tpu.memory_space<vmem_shared>>)
      tpu.yield
    }) : () -> ()
    %add3A_1725 = arith.constant 2688 : i32
    %add3A_1726 = arith.addi %mul3A_1662, %add3A_1725 : i32
    %run_scoped3A_1727 = arith.constant 173 : i32
    "tpu.region"() ({
      %run_scoped3A_1855 = tpu.sem_alloc : memref<!tpu.dma_semaphore, #tpu.memory_space<semaphore_mem>>
      %dma_start3A_1856 = arith.constant 0 : i32
      %dma_start3A_1857 = tpu.memref_slice %arg8[%run_scoped3A_1727, %dma_start3A_1856] : memref<256x128xf32, #tpu.memory_space<vmem>> -> memref<1x128xf32, #tpu.memory_space<vmem>>
      %dma_start3A_1858 = tpu.memref_squeeze %dma_start3A_1857 : memref<1x128xf32, #tpu.memory_space<vmem>> -> memref<128xf32, #tpu.memory_space<vmem>>
      %dma_start3A_1859 = tpu.memref_slice %arg9[%add3A_1726] : memref<65536xf32, #tpu.memory_space<vmem_shared>> -> memref<128xf32, #tpu.memory_space<vmem_shared>>
      %dma_start3A_1860 = tpu.memref_slice %arg9[%add3A_1726] : memref<65536xf32, #tpu.memory_space<vmem_shared>> -> memref<128xf32, #tpu.memory_space<vmem_shared>>
      %dma_start3A_1861 = arith.constant 0 : i32
      %dma_start3A_1862 = tpu.memref_slice %arg8[%run_scoped3A_1727, %dma_start3A_1861] : memref<256x128xf32, #tpu.memory_space<vmem>> -> memref<1x128xf32, #tpu.memory_space<vmem>>
      %dma_start3A_1863 = tpu.memref_squeeze %dma_start3A_1862 : memref<1x128xf32, #tpu.memory_space<vmem>> -> memref<128xf32, #tpu.memory_space<vmem>>
      tpu.enqueue_dma source(%dma_start3A_1863 : memref<128xf32, #tpu.memory_space<vmem>>) target(%dma_start3A_1860 : memref<128xf32, #tpu.memory_space<vmem_shared>>) target_semaphore(%run_scoped3A_1855 : memref<!tpu.dma_semaphore, #tpu.memory_space<semaphore_mem>>)
      %dma_wait3A_1864 = arith.constant 0 : i32
      %dma_wait3A_1865 = tpu.memref_slice %arg8[%run_scoped3A_1727, %dma_wait3A_1864] : memref<256x128xf32, #tpu.memory_space<vmem>> -> memref<1x128xf32, #tpu.memory_space<vmem>>
      %dma_wait3A_1866 = tpu.memref_squeeze %dma_wait3A_1865 : memref<1x128xf32, #tpu.memory_space<vmem>> -> memref<128xf32, #tpu.memory_space<vmem>>
      %dma_wait3A_1867 = tpu.memref_slice %arg9[%add3A_1726] : memref<65536xf32, #tpu.memory_space<vmem_shared>> -> memref<128xf32, #tpu.memory_space<vmem_shared>>
      %dma_wait3A_1868 = tpu.memref_slice %arg9[%add3A_1726] : memref<65536xf32, #tpu.memory_space<vmem_shared>> -> memref<128xf32, #tpu.memory_space<vmem_shared>>
      %dma_wait3A_1869 = arith.constant 0 : i32
      %dma_wait3A_1870 = tpu.memref_slice %arg8[%run_scoped3A_1727, %dma_wait3A_1869] : memref<256x128xf32, #tpu.memory_space<vmem>> -> memref<1x128xf32, #tpu.memory_space<vmem>>
      %dma_wait3A_1871 = tpu.memref_squeeze %dma_wait3A_1870 : memref<1x128xf32, #tpu.memory_space<vmem>> -> memref<128xf32, #tpu.memory_space<vmem>>
      tpu.wait_dma2 semaphore(%run_scoped3A_1855 : memref<!tpu.dma_semaphore, #tpu.memory_space<semaphore_mem>>) src(%dma_wait3A_1871 : memref<128xf32, #tpu.memory_space<vmem>>) dst(%dma_wait3A_1868 : memref<128xf32, #tpu.memory_space<vmem_shared>>)
      tpu.yield
    }) : () -> ()
    %add3A_1728 = arith.constant 2816 : i32
    %add3A_1729 = arith.addi %mul3A_1662, %add3A_1728 : i32
    %run_scoped3A_1730 = arith.constant 182 : i32
    "tpu.region"() ({
      %run_scoped3A_1855 = tpu.sem_alloc : memref<!tpu.dma_semaphore, #tpu.memory_space<semaphore_mem>>
      %dma_start3A_1856 = arith.constant 0 : i32
      %dma_start3A_1857 = tpu.memref_slice %arg8[%run_scoped3A_1730, %dma_start3A_1856] : memref<256x128xf32, #tpu.memory_space<vmem>> -> memref<1x128xf32, #tpu.memory_space<vmem>>
      %dma_start3A_1858 = tpu.memref_squeeze %dma_start3A_1857 : memref<1x128xf32, #tpu.memory_space<vmem>> -> memref<128xf32, #tpu.memory_space<vmem>>
      %dma_start3A_1859 = tpu.memref_slice %arg9[%add3A_1729] : memref<65536xf32, #tpu.memory_space<vmem_shared>> -> memref<128xf32, #tpu.memory_space<vmem_shared>>
      %dma_start3A_1860 = tpu.memref_slice %arg9[%add3A_1729] : memref<65536xf32, #tpu.memory_space<vmem_shared>> -> memref<128xf32, #tpu.memory_space<vmem_shared>>
      %dma_start3A_1861 = arith.constant 0 : i32
      %dma_start3A_1862 = tpu.memref_slice %arg8[%run_scoped3A_1730, %dma_start3A_1861] : memref<256x128xf32, #tpu.memory_space<vmem>> -> memref<1x128xf32, #tpu.memory_space<vmem>>
      %dma_start3A_1863 = tpu.memref_squeeze %dma_start3A_1862 : memref<1x128xf32, #tpu.memory_space<vmem>> -> memref<128xf32, #tpu.memory_space<vmem>>
      tpu.enqueue_dma source(%dma_start3A_1863 : memref<128xf32, #tpu.memory_space<vmem>>) target(%dma_start3A_1860 : memref<128xf32, #tpu.memory_space<vmem_shared>>) target_semaphore(%run_scoped3A_1855 : memref<!tpu.dma_semaphore, #tpu.memory_space<semaphore_mem>>)
      %dma_wait3A_1864 = arith.constant 0 : i32
      %dma_wait3A_1865 = tpu.memref_slice %arg8[%run_scoped3A_1730, %dma_wait3A_1864] : memref<256x128xf32, #tpu.memory_space<vmem>> -> memref<1x128xf32, #tpu.memory_space<vmem>>
      %dma_wait3A_1866 = tpu.memref_squeeze %dma_wait3A_1865 : memref<1x128xf32, #tpu.memory_space<vmem>> -> memref<128xf32, #tpu.memory_space<vmem>>
      %dma_wait3A_1867 = tpu.memref_slice %arg9[%add3A_1729] : memref<65536xf32, #tpu.memory_space<vmem_shared>> -> memref<128xf32, #tpu.memory_space<vmem_shared>>
      %dma_wait3A_1868 = tpu.memref_slice %arg9[%add3A_1729] : memref<65536xf32, #tpu.memory_space<vmem_shared>> -> memref<128xf32, #tpu.memory_space<vmem_shared>>
      %dma_wait3A_1869 = arith.constant 0 : i32
      %dma_wait3A_1870 = tpu.memref_slice %arg8[%run_scoped3A_1730, %dma_wait3A_1869] : memref<256x128xf32, #tpu.memory_space<vmem>> -> memref<1x128xf32, #tpu.memory_space<vmem>>
      %dma_wait3A_1871 = tpu.memref_squeeze %dma_wait3A_1870 : memref<1x128xf32, #tpu.memory_space<vmem>> -> memref<128xf32, #tpu.memory_space<vmem>>
      tpu.wait_dma2 semaphore(%run_scoped3A_1855 : memref<!tpu.dma_semaphore, #tpu.memory_space<semaphore_mem>>) src(%dma_wait3A_1871 : memref<128xf32, #tpu.memory_space<vmem>>) dst(%dma_wait3A_1868 : memref<128xf32, #tpu.memory_space<vmem_shared>>)
      tpu.yield
    }) : () -> ()
    %add3A_1731 = arith.constant 2944 : i32
    %add3A_1732 = arith.addi %mul3A_1662, %add3A_1731 : i32
    %run_scoped3A_1733 = arith.constant 191 : i32
    "tpu.region"() ({
      %run_scoped3A_1855 = tpu.sem_alloc : memref<!tpu.dma_semaphore, #tpu.memory_space<semaphore_mem>>
      %dma_start3A_1856 = arith.constant 0 : i32
      %dma_start3A_1857 = tpu.memref_slice %arg8[%run_scoped3A_1733, %dma_start3A_1856] : memref<256x128xf32, #tpu.memory_space<vmem>> -> memref<1x128xf32, #tpu.memory_space<vmem>>
      %dma_start3A_1858 = tpu.memref_squeeze %dma_start3A_1857 : memref<1x128xf32, #tpu.memory_space<vmem>> -> memref<128xf32, #tpu.memory_space<vmem>>
      %dma_start3A_1859 = tpu.memref_slice %arg9[%add3A_1732] : memref<65536xf32, #tpu.memory_space<vmem_shared>> -> memref<128xf32, #tpu.memory_space<vmem_shared>>
      %dma_start3A_1860 = tpu.memref_slice %arg9[%add3A_1732] : memref<65536xf32, #tpu.memory_space<vmem_shared>> -> memref<128xf32, #tpu.memory_space<vmem_shared>>
      %dma_start3A_1861 = arith.constant 0 : i32
      %dma_start3A_1862 = tpu.memref_slice %arg8[%run_scoped3A_1733, %dma_start3A_1861] : memref<256x128xf32, #tpu.memory_space<vmem>> -> memref<1x128xf32, #tpu.memory_space<vmem>>
      %dma_start3A_1863 = tpu.memref_squeeze %dma_start3A_1862 : memref<1x128xf32, #tpu.memory_space<vmem>> -> memref<128xf32, #tpu.memory_space<vmem>>
      tpu.enqueue_dma source(%dma_start3A_1863 : memref<128xf32, #tpu.memory_space<vmem>>) target(%dma_start3A_1860 : memref<128xf32, #tpu.memory_space<vmem_shared>>) target_semaphore(%run_scoped3A_1855 : memref<!tpu.dma_semaphore, #tpu.memory_space<semaphore_mem>>)
      %dma_wait3A_1864 = arith.constant 0 : i32
      %dma_wait3A_1865 = tpu.memref_slice %arg8[%run_scoped3A_1733, %dma_wait3A_1864] : memref<256x128xf32, #tpu.memory_space<vmem>> -> memref<1x128xf32, #tpu.memory_space<vmem>>
      %dma_wait3A_1866 = tpu.memref_squeeze %dma_wait3A_1865 : memref<1x128xf32, #tpu.memory_space<vmem>> -> memref<128xf32, #tpu.memory_space<vmem>>
      %dma_wait3A_1867 = tpu.memref_slice %arg9[%add3A_1732] : memref<65536xf32, #tpu.memory_space<vmem_shared>> -> memref<128xf32, #tpu.memory_space<vmem_shared>>
      %dma_wait3A_1868 = tpu.memref_slice %arg9[%add3A_1732] : memref<65536xf32, #tpu.memory_space<vmem_shared>> -> memref<128xf32, #tpu.memory_space<vmem_shared>>
      %dma_wait3A_1869 = arith.constant 0 : i32
      %dma_wait3A_1870 = tpu.memref_slice %arg8[%run_scoped3A_1733, %dma_wait3A_1869] : memref<256x128xf32, #tpu.memory_space<vmem>> -> memref<1x128xf32, #tpu.memory_space<vmem>>
      %dma_wait3A_1871 = tpu.memref_squeeze %dma_wait3A_1870 : memref<1x128xf32, #tpu.memory_space<vmem>> -> memref<128xf32, #tpu.memory_space<vmem>>
      tpu.wait_dma2 semaphore(%run_scoped3A_1855 : memref<!tpu.dma_semaphore, #tpu.memory_space<semaphore_mem>>) src(%dma_wait3A_1871 : memref<128xf32, #tpu.memory_space<vmem>>) dst(%dma_wait3A_1868 : memref<128xf32, #tpu.memory_space<vmem_shared>>)
      tpu.yield
    }) : () -> ()
    %add3A_1734 = arith.constant 3072 : i32
    %add3A_1735 = arith.addi %mul3A_1662, %add3A_1734 : i32
    %run_scoped3A_1736 = arith.constant 192 : i32
    "tpu.region"() ({
      %run_scoped3A_1855 = tpu.sem_alloc : memref<!tpu.dma_semaphore, #tpu.memory_space<semaphore_mem>>
      %dma_start3A_1856 = arith.constant 0 : i32
      %dma_start3A_1857 = tpu.memref_slice %arg8[%run_scoped3A_1736, %dma_start3A_1856] : memref<256x128xf32, #tpu.memory_space<vmem>> -> memref<1x128xf32, #tpu.memory_space<vmem>>
      %dma_start3A_1858 = tpu.memref_squeeze %dma_start3A_1857 : memref<1x128xf32, #tpu.memory_space<vmem>> -> memref<128xf32, #tpu.memory_space<vmem>>
      %dma_start3A_1859 = tpu.memref_slice %arg9[%add3A_1735] : memref<65536xf32, #tpu.memory_space<vmem_shared>> -> memref<128xf32, #tpu.memory_space<vmem_shared>>
      %dma_start3A_1860 = tpu.memref_slice %arg9[%add3A_1735] : memref<65536xf32, #tpu.memory_space<vmem_shared>> -> memref<128xf32, #tpu.memory_space<vmem_shared>>
      %dma_start3A_1861 = arith.constant 0 : i32
      %dma_start3A_1862 = tpu.memref_slice %arg8[%run_scoped3A_1736, %dma_start3A_1861] : memref<256x128xf32, #tpu.memory_space<vmem>> -> memref<1x128xf32, #tpu.memory_space<vmem>>
      %dma_start3A_1863 = tpu.memref_squeeze %dma_start3A_1862 : memref<1x128xf32, #tpu.memory_space<vmem>> -> memref<128xf32, #tpu.memory_space<vmem>>
      tpu.enqueue_dma source(%dma_start3A_1863 : memref<128xf32, #tpu.memory_space<vmem>>) target(%dma_start3A_1860 : memref<128xf32, #tpu.memory_space<vmem_shared>>) target_semaphore(%run_scoped3A_1855 : memref<!tpu.dma_semaphore, #tpu.memory_space<semaphore_mem>>)
      %dma_wait3A_1864 = arith.constant 0 : i32
      %dma_wait3A_1865 = tpu.memref_slice %arg8[%run_scoped3A_1736, %dma_wait3A_1864] : memref<256x128xf32, #tpu.memory_space<vmem>> -> memref<1x128xf32, #tpu.memory_space<vmem>>
      %dma_wait3A_1866 = tpu.memref_squeeze %dma_wait3A_1865 : memref<1x128xf32, #tpu.memory_space<vmem>> -> memref<128xf32, #tpu.memory_space<vmem>>
      %dma_wait3A_1867 = tpu.memref_slice %arg9[%add3A_1735] : memref<65536xf32, #tpu.memory_space<vmem_shared>> -> memref<128xf32, #tpu.memory_space<vmem_shared>>
      %dma_wait3A_1868 = tpu.memref_slice %arg9[%add3A_1735] : memref<65536xf32, #tpu.memory_space<vmem_shared>> -> memref<128xf32, #tpu.memory_space<vmem_shared>>
      %dma_wait3A_1869 = arith.constant 0 : i32
      %dma_wait3A_1870 = tpu.memref_slice %arg8[%run_scoped3A_1736, %dma_wait3A_1869] : memref<256x128xf32, #tpu.memory_space<vmem>> -> memref<1x128xf32, #tpu.memory_space<vmem>>
      %dma_wait3A_1871 = tpu.memref_squeeze %dma_wait3A_1870 : memref<1x128xf32, #tpu.memory_space<vmem>> -> memref<128xf32, #tpu.memory_space<vmem>>
      tpu.wait_dma2 semaphore(%run_scoped3A_1855 : memref<!tpu.dma_semaphore, #tpu.memory_space<semaphore_mem>>) src(%dma_wait3A_1871 : memref<128xf32, #tpu.memory_space<vmem>>) dst(%dma_wait3A_1868 : memref<128xf32, #tpu.memory_space<vmem_shared>>)
      tpu.yield
    }) : () -> ()
    %add3A_1737 = arith.constant 3200 : i32
    %add3A_1738 = arith.addi %mul3A_1662, %add3A_1737 : i32
    %run_scoped3A_1739 = arith.constant 201 : i32
    "tpu.region"() ({
      %run_scoped3A_1855 = tpu.sem_alloc : memref<!tpu.dma_semaphore, #tpu.memory_space<semaphore_mem>>
      %dma_start3A_1856 = arith.constant 0 : i32
      %dma_start3A_1857 = tpu.memref_slice %arg8[%run_scoped3A_1739, %dma_start3A_1856] : memref<256x128xf32, #tpu.memory_space<vmem>> -> memref<1x128xf32, #tpu.memory_space<vmem>>
      %dma_start3A_1858 = tpu.memref_squeeze %dma_start3A_1857 : memref<1x128xf32, #tpu.memory_space<vmem>> -> memref<128xf32, #tpu.memory_space<vmem>>
      %dma_start3A_1859 = tpu.memref_slice %arg9[%add3A_1738] : memref<65536xf32, #tpu.memory_space<vmem_shared>> -> memref<128xf32, #tpu.memory_space<vmem_shared>>
      %dma_start3A_1860 = tpu.memref_slice %arg9[%add3A_1738] : memref<65536xf32, #tpu.memory_space<vmem_shared>> -> memref<128xf32, #tpu.memory_space<vmem_shared>>
      %dma_start3A_1861 = arith.constant 0 : i32
      %dma_start3A_1862 = tpu.memref_slice %arg8[%run_scoped3A_1739, %dma_start3A_1861] : memref<256x128xf32, #tpu.memory_space<vmem>> -> memref<1x128xf32, #tpu.memory_space<vmem>>
      %dma_start3A_1863 = tpu.memref_squeeze %dma_start3A_1862 : memref<1x128xf32, #tpu.memory_space<vmem>> -> memref<128xf32, #tpu.memory_space<vmem>>
      tpu.enqueue_dma source(%dma_start3A_1863 : memref<128xf32, #tpu.memory_space<vmem>>) target(%dma_start3A_1860 : memref<128xf32, #tpu.memory_space<vmem_shared>>) target_semaphore(%run_scoped3A_1855 : memref<!tpu.dma_semaphore, #tpu.memory_space<semaphore_mem>>)
      %dma_wait3A_1864 = arith.constant 0 : i32
      %dma_wait3A_1865 = tpu.memref_slice %arg8[%run_scoped3A_1739, %dma_wait3A_1864] : memref<256x128xf32, #tpu.memory_space<vmem>> -> memref<1x128xf32, #tpu.memory_space<vmem>>
      %dma_wait3A_1866 = tpu.memref_squeeze %dma_wait3A_1865 : memref<1x128xf32, #tpu.memory_space<vmem>> -> memref<128xf32, #tpu.memory_space<vmem>>
      %dma_wait3A_1867 = tpu.memref_slice %arg9[%add3A_1738] : memref<65536xf32, #tpu.memory_space<vmem_shared>> -> memref<128xf32, #tpu.memory_space<vmem_shared>>
      %dma_wait3A_1868 = tpu.memref_slice %arg9[%add3A_1738] : memref<65536xf32, #tpu.memory_space<vmem_shared>> -> memref<128xf32, #tpu.memory_space<vmem_shared>>
      %dma_wait3A_1869 = arith.constant 0 : i32
      %dma_wait3A_1870 = tpu.memref_slice %arg8[%run_scoped3A_1739, %dma_wait3A_1869] : memref<256x128xf32, #tpu.memory_space<vmem>> -> memref<1x128xf32, #tpu.memory_space<vmem>>
      %dma_wait3A_1871 = tpu.memref_squeeze %dma_wait3A_1870 : memref<1x128xf32, #tpu.memory_space<vmem>> -> memref<128xf32, #tpu.memory_space<vmem>>
      tpu.wait_dma2 semaphore(%run_scoped3A_1855 : memref<!tpu.dma_semaphore, #tpu.memory_space<semaphore_mem>>) src(%dma_wait3A_1871 : memref<128xf32, #tpu.memory_space<vmem>>) dst(%dma_wait3A_1868 : memref<128xf32, #tpu.memory_space<vmem_shared>>)
      tpu.yield
    }) : () -> ()
    %add3A_1740 = arith.constant 3328 : i32
    %add3A_1741 = arith.addi %mul3A_1662, %add3A_1740 : i32
    %run_scoped3A_1742 = arith.constant 210 : i32
    "tpu.region"() ({
      %run_scoped3A_1855 = tpu.sem_alloc : memref<!tpu.dma_semaphore, #tpu.memory_space<semaphore_mem>>
      %dma_start3A_1856 = arith.constant 0 : i32
      %dma_start3A_1857 = tpu.memref_slice %arg8[%run_scoped3A_1742, %dma_start3A_1856] : memref<256x128xf32, #tpu.memory_space<vmem>> -> memref<1x128xf32, #tpu.memory_space<vmem>>
      %dma_start3A_1858 = tpu.memref_squeeze %dma_start3A_1857 : memref<1x128xf32, #tpu.memory_space<vmem>> -> memref<128xf32, #tpu.memory_space<vmem>>
      %dma_start3A_1859 = tpu.memref_slice %arg9[%add3A_1741] : memref<65536xf32, #tpu.memory_space<vmem_shared>> -> memref<128xf32, #tpu.memory_space<vmem_shared>>
      %dma_start3A_1860 = tpu.memref_slice %arg9[%add3A_1741] : memref<65536xf32, #tpu.memory_space<vmem_shared>> -> memref<128xf32, #tpu.memory_space<vmem_shared>>
      %dma_start3A_1861 = arith.constant 0 : i32
      %dma_start3A_1862 = tpu.memref_slice %arg8[%run_scoped3A_1742, %dma_start3A_1861] : memref<256x128xf32, #tpu.memory_space<vmem>> -> memref<1x128xf32, #tpu.memory_space<vmem>>
      %dma_start3A_1863 = tpu.memref_squeeze %dma_start3A_1862 : memref<1x128xf32, #tpu.memory_space<vmem>> -> memref<128xf32, #tpu.memory_space<vmem>>
      tpu.enqueue_dma source(%dma_start3A_1863 : memref<128xf32, #tpu.memory_space<vmem>>) target(%dma_start3A_1860 : memref<128xf32, #tpu.memory_space<vmem_shared>>) target_semaphore(%run_scoped3A_1855 : memref<!tpu.dma_semaphore, #tpu.memory_space<semaphore_mem>>)
      %dma_wait3A_1864 = arith.constant 0 : i32
      %dma_wait3A_1865 = tpu.memref_slice %arg8[%run_scoped3A_1742, %dma_wait3A_1864] : memref<256x128xf32, #tpu.memory_space<vmem>> -> memref<1x128xf32, #tpu.memory_space<vmem>>
      %dma_wait3A_1866 = tpu.memref_squeeze %dma_wait3A_1865 : memref<1x128xf32, #tpu.memory_space<vmem>> -> memref<128xf32, #tpu.memory_space<vmem>>
      %dma_wait3A_1867 = tpu.memref_slice %arg9[%add3A_1741] : memref<65536xf32, #tpu.memory_space<vmem_shared>> -> memref<128xf32, #tpu.memory_space<vmem_shared>>
      %dma_wait3A_1868 = tpu.memref_slice %arg9[%add3A_1741] : memref<65536xf32, #tpu.memory_space<vmem_shared>> -> memref<128xf32, #tpu.memory_space<vmem_shared>>
      %dma_wait3A_1869 = arith.constant 0 : i32
      %dma_wait3A_1870 = tpu.memref_slice %arg8[%run_scoped3A_1742, %dma_wait3A_1869] : memref<256x128xf32, #tpu.memory_space<vmem>> -> memref<1x128xf32, #tpu.memory_space<vmem>>
      %dma_wait3A_1871 = tpu.memref_squeeze %dma_wait3A_1870 : memref<1x128xf32, #tpu.memory_space<vmem>> -> memref<128xf32, #tpu.memory_space<vmem>>
      tpu.wait_dma2 semaphore(%run_scoped3A_1855 : memref<!tpu.dma_semaphore, #tpu.memory_space<semaphore_mem>>) src(%dma_wait3A_1871 : memref<128xf32, #tpu.memory_space<vmem>>) dst(%dma_wait3A_1868 : memref<128xf32, #tpu.memory_space<vmem_shared>>)
      tpu.yield
    }) : () -> ()
    %add3A_1743 = arith.constant 3456 : i32
    %add3A_1744 = arith.addi %mul3A_1662, %add3A_1743 : i32
    %run_scoped3A_1745 = arith.constant 219 : i32
    "tpu.region"() ({
      %run_scoped3A_1855 = tpu.sem_alloc : memref<!tpu.dma_semaphore, #tpu.memory_space<semaphore_mem>>
      %dma_start3A_1856 = arith.constant 0 : i32
      %dma_start3A_1857 = tpu.memref_slice %arg8[%run_scoped3A_1745, %dma_start3A_1856] : memref<256x128xf32, #tpu.memory_space<vmem>> -> memref<1x128xf32, #tpu.memory_space<vmem>>
      %dma_start3A_1858 = tpu.memref_squeeze %dma_start3A_1857 : memref<1x128xf32, #tpu.memory_space<vmem>> -> memref<128xf32, #tpu.memory_space<vmem>>
      %dma_start3A_1859 = tpu.memref_slice %arg9[%add3A_1744] : memref<65536xf32, #tpu.memory_space<vmem_shared>> -> memref<128xf32, #tpu.memory_space<vmem_shared>>
      %dma_start3A_1860 = tpu.memref_slice %arg9[%add3A_1744] : memref<65536xf32, #tpu.memory_space<vmem_shared>> -> memref<128xf32, #tpu.memory_space<vmem_shared>>
      %dma_start3A_1861 = arith.constant 0 : i32
      %dma_start3A_1862 = tpu.memref_slice %arg8[%run_scoped3A_1745, %dma_start3A_1861] : memref<256x128xf32, #tpu.memory_space<vmem>> -> memref<1x128xf32, #tpu.memory_space<vmem>>
      %dma_start3A_1863 = tpu.memref_squeeze %dma_start3A_1862 : memref<1x128xf32, #tpu.memory_space<vmem>> -> memref<128xf32, #tpu.memory_space<vmem>>
      tpu.enqueue_dma source(%dma_start3A_1863 : memref<128xf32, #tpu.memory_space<vmem>>) target(%dma_start3A_1860 : memref<128xf32, #tpu.memory_space<vmem_shared>>) target_semaphore(%run_scoped3A_1855 : memref<!tpu.dma_semaphore, #tpu.memory_space<semaphore_mem>>)
      %dma_wait3A_1864 = arith.constant 0 : i32
      %dma_wait3A_1865 = tpu.memref_slice %arg8[%run_scoped3A_1745, %dma_wait3A_1864] : memref<256x128xf32, #tpu.memory_space<vmem>> -> memref<1x128xf32, #tpu.memory_space<vmem>>
      %dma_wait3A_1866 = tpu.memref_squeeze %dma_wait3A_1865 : memref<1x128xf32, #tpu.memory_space<vmem>> -> memref<128xf32, #tpu.memory_space<vmem>>
      %dma_wait3A_1867 = tpu.memref_slice %arg9[%add3A_1744] : memref<65536xf32, #tpu.memory_space<vmem_shared>> -> memref<128xf32, #tpu.memory_space<vmem_shared>>
      %dma_wait3A_1868 = tpu.memref_slice %arg9[%add3A_1744] : memref<65536xf32, #tpu.memory_space<vmem_shared>> -> memref<128xf32, #tpu.memory_space<vmem_shared>>
      %dma_wait3A_1869 = arith.constant 0 : i32
      %dma_wait3A_1870 = tpu.memref_slice %arg8[%run_scoped3A_1745, %dma_wait3A_1869] : memref<256x128xf32, #tpu.memory_space<vmem>> -> memref<1x128xf32, #tpu.memory_space<vmem>>
      %dma_wait3A_1871 = tpu.memref_squeeze %dma_wait3A_1870 : memref<1x128xf32, #tpu.memory_space<vmem>> -> memref<128xf32, #tpu.memory_space<vmem>>
      tpu.wait_dma2 semaphore(%run_scoped3A_1855 : memref<!tpu.dma_semaphore, #tpu.memory_space<semaphore_mem>>) src(%dma_wait3A_1871 : memref<128xf32, #tpu.memory_space<vmem>>) dst(%dma_wait3A_1868 : memref<128xf32, #tpu.memory_space<vmem_shared>>)
      tpu.yield
    }) : () -> ()
    %add3A_1746 = arith.constant 3584 : i32
    %add3A_1747 = arith.addi %mul3A_1662, %add3A_1746 : i32
    %run_scoped3A_1748 = arith.constant 228 : i32
    "tpu.region"() ({
      %run_scoped3A_1855 = tpu.sem_alloc : memref<!tpu.dma_semaphore, #tpu.memory_space<semaphore_mem>>
      %dma_start3A_1856 = arith.constant 0 : i32
      %dma_start3A_1857 = tpu.memref_slice %arg8[%run_scoped3A_1748, %dma_start3A_1856] : memref<256x128xf32, #tpu.memory_space<vmem>> -> memref<1x128xf32, #tpu.memory_space<vmem>>
      %dma_start3A_1858 = tpu.memref_squeeze %dma_start3A_1857 : memref<1x128xf32, #tpu.memory_space<vmem>> -> memref<128xf32, #tpu.memory_space<vmem>>
      %dma_start3A_1859 = tpu.memref_slice %arg9[%add3A_1747] : memref<65536xf32, #tpu.memory_space<vmem_shared>> -> memref<128xf32, #tpu.memory_space<vmem_shared>>
      %dma_start3A_1860 = tpu.memref_slice %arg9[%add3A_1747] : memref<65536xf32, #tpu.memory_space<vmem_shared>> -> memref<128xf32, #tpu.memory_space<vmem_shared>>
      %dma_start3A_1861 = arith.constant 0 : i32
      %dma_start3A_1862 = tpu.memref_slice %arg8[%run_scoped3A_1748, %dma_start3A_1861] : memref<256x128xf32, #tpu.memory_space<vmem>> -> memref<1x128xf32, #tpu.memory_space<vmem>>
      %dma_start3A_1863 = tpu.memref_squeeze %dma_start3A_1862 : memref<1x128xf32, #tpu.memory_space<vmem>> -> memref<128xf32, #tpu.memory_space<vmem>>
      tpu.enqueue_dma source(%dma_start3A_1863 : memref<128xf32, #tpu.memory_space<vmem>>) target(%dma_start3A_1860 : memref<128xf32, #tpu.memory_space<vmem_shared>>) target_semaphore(%run_scoped3A_1855 : memref<!tpu.dma_semaphore, #tpu.memory_space<semaphore_mem>>)
      %dma_wait3A_1864 = arith.constant 0 : i32
      %dma_wait3A_1865 = tpu.memref_slice %arg8[%run_scoped3A_1748, %dma_wait3A_1864] : memref<256x128xf32, #tpu.memory_space<vmem>> -> memref<1x128xf32, #tpu.memory_space<vmem>>
      %dma_wait3A_1866 = tpu.memref_squeeze %dma_wait3A_1865 : memref<1x128xf32, #tpu.memory_space<vmem>> -> memref<128xf32, #tpu.memory_space<vmem>>
      %dma_wait3A_1867 = tpu.memref_slice %arg9[%add3A_1747] : memref<65536xf32, #tpu.memory_space<vmem_shared>> -> memref<128xf32, #tpu.memory_space<vmem_shared>>
      %dma_wait3A_1868 = tpu.memref_slice %arg9[%add3A_1747] : memref<65536xf32, #tpu.memory_space<vmem_shared>> -> memref<128xf32, #tpu.memory_space<vmem_shared>>
      %dma_wait3A_1869 = arith.constant 0 : i32
      %dma_wait3A_1870 = tpu.memref_slice %arg8[%run_scoped3A_1748, %dma_wait3A_1869] : memref<256x128xf32, #tpu.memory_space<vmem>> -> memref<1x128xf32, #tpu.memory_space<vmem>>
      %dma_wait3A_1871 = tpu.memref_squeeze %dma_wait3A_1870 : memref<1x128xf32, #tpu.memory_space<vmem>> -> memref<128xf32, #tpu.memory_space<vmem>>
      tpu.wait_dma2 semaphore(%run_scoped3A_1855 : memref<!tpu.dma_semaphore, #tpu.memory_space<semaphore_mem>>) src(%dma_wait3A_1871 : memref<128xf32, #tpu.memory_space<vmem>>) dst(%dma_wait3A_1868 : memref<128xf32, #tpu.memory_space<vmem_shared>>)
      tpu.yield
    }) : () -> ()
    %add3A_1749 = arith.constant 3712 : i32
    %add3A_1750 = arith.addi %mul3A_1662, %add3A_1749 : i32
    %run_scoped3A_1751 = arith.constant 237 : i32
    "tpu.region"() ({
      %run_scoped3A_1855 = tpu.sem_alloc : memref<!tpu.dma_semaphore, #tpu.memory_space<semaphore_mem>>
      %dma_start3A_1856 = arith.constant 0 : i32
      %dma_start3A_1857 = tpu.memref_slice %arg8[%run_scoped3A_1751, %dma_start3A_1856] : memref<256x128xf32, #tpu.memory_space<vmem>> -> memref<1x128xf32, #tpu.memory_space<vmem>>
      %dma_start3A_1858 = tpu.memref_squeeze %dma_start3A_1857 : memref<1x128xf32, #tpu.memory_space<vmem>> -> memref<128xf32, #tpu.memory_space<vmem>>
      %dma_start3A_1859 = tpu.memref_slice %arg9[%add3A_1750] : memref<65536xf32, #tpu.memory_space<vmem_shared>> -> memref<128xf32, #tpu.memory_space<vmem_shared>>
      %dma_start3A_1860 = tpu.memref_slice %arg9[%add3A_1750] : memref<65536xf32, #tpu.memory_space<vmem_shared>> -> memref<128xf32, #tpu.memory_space<vmem_shared>>
      %dma_start3A_1861 = arith.constant 0 : i32
      %dma_start3A_1862 = tpu.memref_slice %arg8[%run_scoped3A_1751, %dma_start3A_1861] : memref<256x128xf32, #tpu.memory_space<vmem>> -> memref<1x128xf32, #tpu.memory_space<vmem>>
      %dma_start3A_1863 = tpu.memref_squeeze %dma_start3A_1862 : memref<1x128xf32, #tpu.memory_space<vmem>> -> memref<128xf32, #tpu.memory_space<vmem>>
      tpu.enqueue_dma source(%dma_start3A_1863 : memref<128xf32, #tpu.memory_space<vmem>>) target(%dma_start3A_1860 : memref<128xf32, #tpu.memory_space<vmem_shared>>) target_semaphore(%run_scoped3A_1855 : memref<!tpu.dma_semaphore, #tpu.memory_space<semaphore_mem>>)
      %dma_wait3A_1864 = arith.constant 0 : i32
      %dma_wait3A_1865 = tpu.memref_slice %arg8[%run_scoped3A_1751, %dma_wait3A_1864] : memref<256x128xf32, #tpu.memory_space<vmem>> -> memref<1x128xf32, #tpu.memory_space<vmem>>
      %dma_wait3A_1866 = tpu.memref_squeeze %dma_wait3A_1865 : memref<1x128xf32, #tpu.memory_space<vmem>> -> memref<128xf32, #tpu.memory_space<vmem>>
      %dma_wait3A_1867 = tpu.memref_slice %arg9[%add3A_1750] : memref<65536xf32, #tpu.memory_space<vmem_shared>> -> memref<128xf32, #tpu.memory_space<vmem_shared>>
      %dma_wait3A_1868 = tpu.memref_slice %arg9[%add3A_1750] : memref<65536xf32, #tpu.memory_space<vmem_shared>> -> memref<128xf32, #tpu.memory_space<vmem_shared>>
      %dma_wait3A_1869 = arith.constant 0 : i32
      %dma_wait3A_1870 = tpu.memref_slice %arg8[%run_scoped3A_1751, %dma_wait3A_1869] : memref<256x128xf32, #tpu.memory_space<vmem>> -> memref<1x128xf32, #tpu.memory_space<vmem>>
      %dma_wait3A_1871 = tpu.memref_squeeze %dma_wait3A_1870 : memref<1x128xf32, #tpu.memory_space<vmem>> -> memref<128xf32, #tpu.memory_space<vmem>>
      tpu.wait_dma2 semaphore(%run_scoped3A_1855 : memref<!tpu.dma_semaphore, #tpu.memory_space<semaphore_mem>>) src(%dma_wait3A_1871 : memref<128xf32, #tpu.memory_space<vmem>>) dst(%dma_wait3A_1868 : memref<128xf32, #tpu.memory_space<vmem_shared>>)
      tpu.yield
    }) : () -> ()
    %add3A_1752 = arith.constant 3840 : i32
    %add3A_1753 = arith.addi %mul3A_1662, %add3A_1752 : i32
    %run_scoped3A_1754 = arith.constant 246 : i32
    "tpu.region"() ({
      %run_scoped3A_1855 = tpu.sem_alloc : memref<!tpu.dma_semaphore, #tpu.memory_space<semaphore_mem>>
      %dma_start3A_1856 = arith.constant 0 : i32
      %dma_start3A_1857 = tpu.memref_slice %arg8[%run_scoped3A_1754, %dma_start3A_1856] : memref<256x128xf32, #tpu.memory_space<vmem>> -> memref<1x128xf32, #tpu.memory_space<vmem>>
      %dma_start3A_1858 = tpu.memref_squeeze %dma_start3A_1857 : memref<1x128xf32, #tpu.memory_space<vmem>> -> memref<128xf32, #tpu.memory_space<vmem>>
      %dma_start3A_1859 = tpu.memref_slice %arg9[%add3A_1753] : memref<65536xf32, #tpu.memory_space<vmem_shared>> -> memref<128xf32, #tpu.memory_space<vmem_shared>>
      %dma_start3A_1860 = tpu.memref_slice %arg9[%add3A_1753] : memref<65536xf32, #tpu.memory_space<vmem_shared>> -> memref<128xf32, #tpu.memory_space<vmem_shared>>
      %dma_start3A_1861 = arith.constant 0 : i32
      %dma_start3A_1862 = tpu.memref_slice %arg8[%run_scoped3A_1754, %dma_start3A_1861] : memref<256x128xf32, #tpu.memory_space<vmem>> -> memref<1x128xf32, #tpu.memory_space<vmem>>
      %dma_start3A_1863 = tpu.memref_squeeze %dma_start3A_1862 : memref<1x128xf32, #tpu.memory_space<vmem>> -> memref<128xf32, #tpu.memory_space<vmem>>
      tpu.enqueue_dma source(%dma_start3A_1863 : memref<128xf32, #tpu.memory_space<vmem>>) target(%dma_start3A_1860 : memref<128xf32, #tpu.memory_space<vmem_shared>>) target_semaphore(%run_scoped3A_1855 : memref<!tpu.dma_semaphore, #tpu.memory_space<semaphore_mem>>)
      %dma_wait3A_1864 = arith.constant 0 : i32
      %dma_wait3A_1865 = tpu.memref_slice %arg8[%run_scoped3A_1754, %dma_wait3A_1864] : memref<256x128xf32, #tpu.memory_space<vmem>> -> memref<1x128xf32, #tpu.memory_space<vmem>>
      %dma_wait3A_1866 = tpu.memref_squeeze %dma_wait3A_1865 : memref<1x128xf32, #tpu.memory_space<vmem>> -> memref<128xf32, #tpu.memory_space<vmem>>
      %dma_wait3A_1867 = tpu.memref_slice %arg9[%add3A_1753] : memref<65536xf32, #tpu.memory_space<vmem_shared>> -> memref<128xf32, #tpu.memory_space<vmem_shared>>
      %dma_wait3A_1868 = tpu.memref_slice %arg9[%add3A_1753] : memref<65536xf32, #tpu.memory_space<vmem_shared>> -> memref<128xf32, #tpu.memory_space<vmem_shared>>
      %dma_wait3A_1869 = arith.constant 0 : i32
      %dma_wait3A_1870 = tpu.memref_slice %arg8[%run_scoped3A_1754, %dma_wait3A_1869] : memref<256x128xf32, #tpu.memory_space<vmem>> -> memref<1x128xf32, #tpu.memory_space<vmem>>
      %dma_wait3A_1871 = tpu.memref_squeeze %dma_wait3A_1870 : memref<1x128xf32, #tpu.memory_space<vmem>> -> memref<128xf32, #tpu.memory_space<vmem>>
      tpu.wait_dma2 semaphore(%run_scoped3A_1855 : memref<!tpu.dma_semaphore, #tpu.memory_space<semaphore_mem>>) src(%dma_wait3A_1871 : memref<128xf32, #tpu.memory_space<vmem>>) dst(%dma_wait3A_1868 : memref<128xf32, #tpu.memory_space<vmem_shared>>)
      tpu.yield
    }) : () -> ()
    %add3A_1755 = arith.constant 3968 : i32
    %add3A_1756 = arith.addi %mul3A_1662, %add3A_1755 : i32
    %run_scoped3A_1757 = arith.constant 255 : i32
    "tpu.region"() ({
      %run_scoped3A_1855 = tpu.sem_alloc : memref<!tpu.dma_semaphore, #tpu.memory_space<semaphore_mem>>
      %dma_start3A_1856 = arith.constant 0 : i32
      %dma_start3A_1857 = tpu.memref_slice %arg8[%run_scoped3A_1757, %dma_start3A_1856] : memref<256x128xf32, #tpu.memory_space<vmem>> -> memref<1x128xf32, #tpu.memory_space<vmem>>
      %dma_start3A_1858 = tpu.memref_squeeze %dma_start3A_1857 : memref<1x128xf32, #tpu.memory_space<vmem>> -> memref<128xf32, #tpu.memory_space<vmem>>
      %dma_start3A_1859 = tpu.memref_slice %arg9[%add3A_1756] : memref<65536xf32, #tpu.memory_space<vmem_shared>> -> memref<128xf32, #tpu.memory_space<vmem_shared>>
      %dma_start3A_1860 = tpu.memref_slice %arg9[%add3A_1756] : memref<65536xf32, #tpu.memory_space<vmem_shared>> -> memref<128xf32, #tpu.memory_space<vmem_shared>>
      %dma_start3A_1861 = arith.constant 0 : i32
      %dma_start3A_1862 = tpu.memref_slice %arg8[%run_scoped3A_1757, %dma_start3A_1861] : memref<256x128xf32, #tpu.memory_space<vmem>> -> memref<1x128xf32, #tpu.memory_space<vmem>>
      %dma_start3A_1863 = tpu.memref_squeeze %dma_start3A_1862 : memref<1x128xf32, #tpu.memory_space<vmem>> -> memref<128xf32, #tpu.memory_space<vmem>>
      tpu.enqueue_dma source(%dma_start3A_1863 : memref<128xf32, #tpu.memory_space<vmem>>) target(%dma_start3A_1860 : memref<128xf32, #tpu.memory_space<vmem_shared>>) target_semaphore(%run_scoped3A_1855 : memref<!tpu.dma_semaphore, #tpu.memory_space<semaphore_mem>>)
      %dma_wait3A_1864 = arith.constant 0 : i32
      %dma_wait3A_1865 = tpu.memref_slice %arg8[%run_scoped3A_1757, %dma_wait3A_1864] : memref<256x128xf32, #tpu.memory_space<vmem>> -> memref<1x128xf32, #tpu.memory_space<vmem>>
      %dma_wait3A_1866 = tpu.memref_squeeze %dma_wait3A_1865 : memref<1x128xf32, #tpu.memory_space<vmem>> -> memref<128xf32, #tpu.memory_space<vmem>>
      %dma_wait3A_1867 = tpu.memref_slice %arg9[%add3A_1756] : memref<65536xf32, #tpu.memory_space<vmem_shared>> -> memref<128xf32, #tpu.memory_space<vmem_shared>>
      %dma_wait3A_1868 = tpu.memref_slice %arg9[%add3A_1756] : memref<65536xf32, #tpu.memory_space<vmem_shared>> -> memref<128xf32, #tpu.memory_space<vmem_shared>>
      %dma_wait3A_1869 = arith.constant 0 : i32
      %dma_wait3A_1870 = tpu.memref_slice %arg8[%run_scoped3A_1757, %dma_wait3A_1869] : memref<256x128xf32, #tpu.memory_space<vmem>> -> memref<1x128xf32, #tpu.memory_space<vmem>>
      %dma_wait3A_1871 = tpu.memref_squeeze %dma_wait3A_1870 : memref<1x128xf32, #tpu.memory_space<vmem>> -> memref<128xf32, #tpu.memory_space<vmem>>
      tpu.wait_dma2 semaphore(%run_scoped3A_1855 : memref<!tpu.dma_semaphore, #tpu.memory_space<semaphore_mem>>) src(%dma_wait3A_1871 : memref<128xf32, #tpu.memory_space<vmem>>) dst(%dma_wait3A_1868 : memref<128xf32, #tpu.memory_space<vmem_shared>>)
      tpu.yield
    }) : () -> ()
    %iota3A = tpu.iota {dimensions = array<i32: 0>} : vector<16xi32>
    %get3A_1758 = arith.constant 0 : index
    %get3A_1759 = tpu.vector_load %arg5[%get3A_1758] {strides = array<i32>} : memref<32xi32, #tpu.memory_space<vmem>>, vector<16xi32>,
    %get3A_1760 = vector.shape_cast %get3A_1759 : vector<16xi32> to vector<16xi32>
    %add3A_1761 = arith.constant 0 : i32
    %add3A_1762 = vector.broadcast %add3A_1761 : i32 to vector<16xi32>
    %add3A_1763 = arith.addi %add3A_1762, %iota3A : vector<16xi32>
    %mul3A_1764 = arith.constant 128 : i32
    %mul3A_1765 = vector.broadcast %mul3A_1764 : i32 to vector<16xi32>
    %mul3A_1766 = arith.muli %add3A_1763, %mul3A_1765 : vector<16xi32>
    %add3A_1767 = vector.broadcast %mul3A_1662 : i32 to vector<16xi32>
    %add3A_1768 = arith.addi %add3A_1767, %mul3A_1766 : vector<16xi32>
    %jit3A_1769 = arith.constant 128 : i32
    %eq3A = arith.constant 0 : i32
    %eq3A_1770 = arith.cmpi eq, %jit3A_1769, %eq3A : i32
    %jit3A_1771 = arith.constant 1 : i32
    %select_n3A_1772 = arith.select %eq3A_1770, %jit3A_1771, %jit3A_1769 : i32
    %rem3A_1773 = vector.broadcast %select_n3A_1772 : i32 to vector<16xi32>
    %rem3A_1774 = arith.remsi %get3A_1760, %rem3A_1773 : vector<16xi32>
    %ne3A_1775 = arith.constant 0 : i32
    %ne3A_1776 = vector.broadcast %ne3A_1775 : i32 to vector<16xi32>
    %ne3A_1777 = arith.cmpi ne, %rem3A_1774, %ne3A_1776 : vector<16xi32>
    %lt3A = arith.constant 0 : i32
    %lt3A_1778 = vector.broadcast %lt3A : i32 to vector<16xi32>
    %lt3A_1779 = arith.cmpi slt, %rem3A_1774, %lt3A_1778 : vector<16xi32>
    %lt3A_1780 = arith.constant 0 : i32
    %lt3A_1781 = arith.cmpi slt, %select_n3A_1772, %lt3A_1780 : i32
    %ne3A_1782 = vector.broadcast %lt3A_1781 : i1 to vector<16xi1>
    %ne3A_1783 = vector.broadcast %ne3A_1782 : vector<16xi1> to vector<16xi1>
    %ne3A_1784 = arith.xori %lt3A_1779, %ne3A_1783 : vector<16xi1>
    %and3A_1785 = arith.andi %ne3A_1784, %ne3A_1777 : vector<16xi1>
    %add3A_1786 = vector.broadcast %select_n3A_1772 : i32 to vector<16xi32>
    %add3A_1787 = arith.addi %rem3A_1774, %add3A_1786 : vector<16xi32>
    %select_n3A_1788 = arith.select %and3A_1785, %add3A_1787, %rem3A_1774 : vector<16xi1>, vector<16xi32>
    %add3A_1789 = arith.addi %add3A_1768, %select_n3A_1788 : vector<16xi32>
    %swap3A_1790 = arith.constant 0 : index
    %swap3A_1791 = tpu.vector_load %arg7[%swap3A_1790] {strides = array<i32>} : memref<32xi32, #tpu.memory_space<vmem>>, vector<16xi32>,
    %swap3A_1792 = vector.shape_cast %swap3A_1791 : vector<16xi32> to vector<16xi32>
    %swap3A_1793 = vector.shape_cast %add3A_1789 : vector<16xi32> to vector<16xi32>
    tpu.vector_store %arg7[%swap3A_1790], %swap3A_1793 {strides = array<i32>} : memref<32xi32, #tpu.memory_space<vmem>>, vector<16xi32>,
    %get3A_1794 = arith.constant 16 : index
    %get3A_1795 = tpu.vector_load %arg5[%get3A_1794] {strides = array<i32>} : memref<32xi32, #tpu.memory_space<vmem>>, vector<16xi32>,
    %get3A_1796 = vector.shape_cast %get3A_1795 : vector<16xi32> to vector<16xi32>
    %add3A_1797 = arith.constant 16 : i32
    %add3A_1798 = vector.broadcast %add3A_1797 : i32 to vector<16xi32>
    %add3A_1799 = arith.addi %add3A_1798, %iota3A : vector<16xi32>
    %mul3A_1800 = arith.constant 128 : i32
    %mul3A_1801 = vector.broadcast %mul3A_1800 : i32 to vector<16xi32>
    %mul3A_1802 = arith.muli %add3A_1799, %mul3A_1801 : vector<16xi32>
    %add3A_1803 = vector.broadcast %mul3A_1662 : i32 to vector<16xi32>
    %add3A_1804 = arith.addi %add3A_1803, %mul3A_1802 : vector<16xi32>
    %jit3A_1805 = arith.constant 128 : i32
    %eq3A_1806 = arith.constant 0 : i32
    %eq3A_1807 = arith.cmpi eq, %jit3A_1805, %eq3A_1806 : i32
    %jit3A_1808 = arith.constant 1 : i32
    %select_n3A_1809 = arith.select %eq3A_1807, %jit3A_1808, %jit3A_1805 : i32
    %rem3A_1810 = vector.broadcast %select_n3A_1809 : i32 to vector<16xi32>
    %rem3A_1811 = arith.remsi %get3A_1796, %rem3A_1810 : vector<16xi32>
    %ne3A_1812 = arith.constant 0 : i32
    %ne3A_1813 = vector.broadcast %ne3A_1812 : i32 to vector<16xi32>
    %ne3A_1814 = arith.cmpi ne, %rem3A_1811, %ne3A_1813 : vector<16xi32>
    %lt3A_1815 = arith.constant 0 : i32
    %lt3A_1816 = vector.broadcast %lt3A_1815 : i32 to vector<16xi32>
    %lt3A_1817 = arith.cmpi slt, %rem3A_1811, %lt3A_1816 : vector<16xi32>
    %lt3A_1818 = arith.constant 0 : i32
    %lt3A_1819 = arith.cmpi slt, %select_n3A_1809, %lt3A_1818 : i32
    %ne3A_1820 = vector.broadcast %lt3A_1819 : i1 to vector<16xi1>
    %ne3A_1821 = vector.broadcast %ne3A_1820 : vector<16xi1> to vector<16xi1>
    %ne3A_1822 = arith.xori %lt3A_1817, %ne3A_1821 : vector<16xi1>
    %and3A_1823 = arith.andi %ne3A_1822, %ne3A_1814 : vector<16xi1>
    %add3A_1824 = vector.broadcast %select_n3A_1809 : i32 to vector<16xi32>
    %add3A_1825 = arith.addi %rem3A_1811, %add3A_1824 : vector<16xi32>
    %select_n3A_1826 = arith.select %and3A_1823, %add3A_1825, %rem3A_1811 : vector<16xi1>, vector<16xi32>
    %add3A_1827 = arith.addi %add3A_1804, %select_n3A_1826 : vector<16xi32>
    %swap3A_1828 = arith.constant 16 : index
    %swap3A_1829 = tpu.vector_load %arg7[%swap3A_1828] {strides = array<i32>} : memref<32xi32, #tpu.memory_space<vmem>>, vector<16xi32>,
    %swap3A_1830 = vector.shape_cast %swap3A_1829 : vector<16xi32> to vector<16xi32>
    %swap3A_1831 = vector.shape_cast %add3A_1827 : vector<16xi32> to vector<16xi32>
    tpu.vector_store %arg7[%swap3A_1828], %swap3A_1831 {strides = array<i32>} : memref<32xi32, #tpu.memory_space<vmem>>, vector<16xi32>,
    %dma_start3A_1832 = arith.constant 0 : i32
    %dma_start3A_1833 = tpu.memref_slice %arg9[%dma_start3A_1832] : memref<65536xf32, #tpu.memory_space<vmem_shared>> -> memref<65536xf32, #tpu.memory_space<vmem_shared>>
    tpu.enqueue_indirect_dma source(%dma_start3A_1833 : memref<65536xf32, #tpu.memory_space<vmem_shared>>) target(%arg10 : memref<32xf32, #tpu.memory_space<vmem>>) offsets(%arg7 : memref<32xi32, #tpu.memory_space<vmem>>) semaphore(%arg16 : memref<!tpu.dma_semaphore, #tpu.memory_space<semaphore_mem>>)
    %dma_wait3A_1834 = arith.constant 0 : i32
    %dma_wait3A_1835 = tpu.memref_slice %arg9[%dma_wait3A_1834] : memref<65536xf32, #tpu.memory_space<vmem_shared>> -> memref<65536xf32, #tpu.memory_space<vmem_shared>>
    tpu.wait_indirect_dma semaphore(%arg16 : memref<!tpu.dma_semaphore, #tpu.memory_space<semaphore_mem>>) src(%dma_wait3A_1835 : memref<65536xf32, #tpu.memory_space<vmem_shared>>) dst(%arg10 : memref<32xf32, #tpu.memory_space<vmem>>)
    %get3A_1836 = arith.constant 0 : index
    %get3A_1837 = tpu.vector_load %arg10[%get3A_1836] {strides = array<i32>} : memref<32xf32, #tpu.memory_space<vmem>>, vector<16xf32>,
    %get3A_1838 = vector.shape_cast %get3A_1837 : vector<16xf32> to vector<16xf32>
    %get3A_1839 = arith.constant 16 : index
    %get3A_1840 = tpu.vector_load %arg10[%get3A_1839] {strides = array<i32>} : memref<32xf32, #tpu.memory_space<vmem>>, vector<16xf32>,
    %get3A_1841 = vector.shape_cast %get3A_1840 : vector<16xf32> to vector<16xf32>
    %add3A_1842 = arith.addf %get3A_1838, %get3A_1841 : vector<16xf32>
    %mul3A_1843 = arith.constant -9.765625E-4 : f32
    %mul3A_1844 = vector.broadcast %mul3A_1843 : f32 to vector<16xf32>
    %mul3A_1845 = arith.mulf %add3A_1842, %mul3A_1844 : vector<16xf32>
    %swap3A_1846 = arith.constant 0 : index
    %swap3A_1847 = tpu.vector_load %arg11[%swap3A_1846] {strides = array<i32>} : memref<16xf32, #tpu.memory_space<vmem>>, vector<16xf32>,
    %swap3A_1848 = vector.shape_cast %swap3A_1847 : vector<16xf32> to vector<16xf32>
    %swap3A_1849 = vector.shape_cast %mul3A_1845 : vector<16xf32> to vector<16xf32>
    tpu.vector_store %arg11[%swap3A_1846], %swap3A_1849 {strides = array<i32>} : memref<16xf32, #tpu.memory_space<vmem>>, vector<16xf32>,
    %mul3A_1850 = arith.constant 16 : i32
    %mul3A_1851 = arith.muli %arg1, %mul3A_1850 : i32
    "tpu.region"() ({
      %run_scoped3A_1855 = tpu.sem_alloc : memref<!tpu.dma_semaphore, #tpu.memory_space<semaphore_mem>>
      %dma_start3A_1856 = tpu.memref_slice %arg14[%mul3A_1851] : memref<256xf32, #tpu.memory_space<vmem_shared>> -> memref<16xf32, #tpu.memory_space<vmem_shared>>
      %dma_start3A_1857 = tpu.memref_slice %arg14[%mul3A_1851] : memref<256xf32, #tpu.memory_space<vmem_shared>> -> memref<16xf32, #tpu.memory_space<vmem_shared>>
      tpu.enqueue_dma source(%arg11 : memref<16xf32, #tpu.memory_space<vmem>>) target(%dma_start3A_1857 : memref<16xf32, #tpu.memory_space<vmem_shared>>) target_semaphore(%run_scoped3A_1855 : memref<!tpu.dma_semaphore, #tpu.memory_space<semaphore_mem>>)
      %dma_wait3A_1858 = tpu.memref_slice %arg14[%mul3A_1851] : memref<256xf32, #tpu.memory_space<vmem_shared>> -> memref<16xf32, #tpu.memory_space<vmem_shared>>
      %dma_wait3A_1859 = tpu.memref_slice %arg14[%mul3A_1851] : memref<256xf32, #tpu.memory_space<vmem_shared>> -> memref<16xf32, #tpu.memory_space<vmem_shared>>
      tpu.wait_dma2 semaphore(%run_scoped3A_1855 : memref<!tpu.dma_semaphore, #tpu.memory_space<semaphore_mem>>) src(%arg11 : memref<16xf32, #tpu.memory_space<vmem>>) dst(%dma_wait3A_1859 : memref<16xf32, #tpu.memory_space<vmem_shared>>)
      tpu.yield
    }) : () -> ()
    %barrier3A = arith.constant 0 : index
    tpu.barrier barrier_id(%barrier3A)
    %eq3A_1852 = arith.constant 0 : i32
    %eq3A_1853 = arith.cmpi eq, %arg1, %eq3A_1852 : i32
    %convert_element_type3A = arith.extui %eq3A_1853 : i1 to i32
    %cond3A = arith.constant 0 : i32
    %cond3A_1854 = arith.cmpi ne, %convert_element_type3A, %cond3A : i32
    scf.if %cond3A_1854 {
      "tpu.region"() ({
        %run_scoped3A_1929 = tpu.sem_alloc : memref<!tpu.dma_semaphore, #tpu.memory_space<semaphore_mem>>
        tpu.enqueue_dma source(%arg14 : memref<256xf32, #tpu.memory_space<vmem_shared>>) target(%arg13 : memref<256xf32, #tpu.memory_space<vmem>>) target_semaphore(%run_scoped3A_1929 : memref<!tpu.dma_semaphore, #tpu.memory_space<semaphore_mem>>)
        tpu.wait_dma2 semaphore(%run_scoped3A_1929 : memref<!tpu.dma_semaphore, #tpu.memory_space<semaphore_mem>>) src(%arg14 : memref<256xf32, #tpu.memory_space<vmem_shared>>) dst(%arg13 : memref<256xf32, #tpu.memory_space<vmem>>)
        tpu.yield
      }) : () -> ()
      %get3A_1855 = arith.constant 0 : index
      %get3A_1856 = tpu.vector_load %arg13[%get3A_1855] {strides = array<i32>} : memref<256xf32, #tpu.memory_space<vmem>>, vector<16xf32>,
      %get3A_1857 = vector.shape_cast %get3A_1856 : vector<16xf32> to vector<16xf32>
      %get3A_1858 = arith.constant 16 : index
      %get3A_1859 = tpu.vector_load %arg13[%get3A_1858] {strides = array<i32>} : memref<256xf32, #tpu.memory_space<vmem>>, vector<16xf32>,
      %get3A_1860 = vector.shape_cast %get3A_1859 : vector<16xf32> to vector<16xf32>
      %add3A_1861 = arith.addf %get3A_1857, %get3A_1860 : vector<16xf32>
      %get3A_1862 = arith.constant 32 : index
      %get3A_1863 = tpu.vector_load %arg13[%get3A_1862] {strides = array<i32>} : memref<256xf32, #tpu.memory_space<vmem>>, vector<16xf32>,
      %get3A_1864 = vector.shape_cast %get3A_1863 : vector<16xf32> to vector<16xf32>
      %add3A_1865 = arith.addf %add3A_1861, %get3A_1864 : vector<16xf32>
      %get3A_1866 = arith.constant 48 : index
      %get3A_1867 = tpu.vector_load %arg13[%get3A_1866] {strides = array<i32>} : memref<256xf32, #tpu.memory_space<vmem>>, vector<16xf32>,
      %get3A_1868 = vector.shape_cast %get3A_1867 : vector<16xf32> to vector<16xf32>
      %add3A_1869 = arith.addf %add3A_1865, %get3A_1868 : vector<16xf32>
      %get3A_1870 = arith.constant 64 : index
      %get3A_1871 = tpu.vector_load %arg13[%get3A_1870] {strides = array<i32>} : memref<256xf32, #tpu.memory_space<vmem>>, vector<16xf32>,
      %get3A_1872 = vector.shape_cast %get3A_1871 : vector<16xf32> to vector<16xf32>
      %add3A_1873 = arith.addf %add3A_1869, %get3A_1872 : vector<16xf32>
      %get3A_1874 = arith.constant 80 : index
      %get3A_1875 = tpu.vector_load %arg13[%get3A_1874] {strides = array<i32>} : memref<256xf32, #tpu.memory_space<vmem>>, vector<16xf32>,
      %get3A_1876 = vector.shape_cast %get3A_1875 : vector<16xf32> to vector<16xf32>
      %add3A_1877 = arith.addf %add3A_1873, %get3A_1876 : vector<16xf32>
      %get3A_1878 = arith.constant 96 : index
      %get3A_1879 = tpu.vector_load %arg13[%get3A_1878] {strides = array<i32>} : memref<256xf32, #tpu.memory_space<vmem>>, vector<16xf32>,
      %get3A_1880 = vector.shape_cast %get3A_1879 : vector<16xf32> to vector<16xf32>
      %add3A_1881 = arith.addf %add3A_1877, %get3A_1880 : vector<16xf32>
      %get3A_1882 = arith.constant 112 : index
      %get3A_1883 = tpu.vector_load %arg13[%get3A_1882] {strides = array<i32>} : memref<256xf32, #tpu.memory_space<vmem>>, vector<16xf32>,
      %get3A_1884 = vector.shape_cast %get3A_1883 : vector<16xf32> to vector<16xf32>
      %add3A_1885 = arith.addf %add3A_1881, %get3A_1884 : vector<16xf32>
      %get3A_1886 = arith.constant 128 : index
      %get3A_1887 = tpu.vector_load %arg13[%get3A_1886] {strides = array<i32>} : memref<256xf32, #tpu.memory_space<vmem>>, vector<16xf32>,
      %get3A_1888 = vector.shape_cast %get3A_1887 : vector<16xf32> to vector<16xf32>
      %add3A_1889 = arith.addf %add3A_1885, %get3A_1888 : vector<16xf32>
      %get3A_1890 = arith.constant 144 : index
      %get3A_1891 = tpu.vector_load %arg13[%get3A_1890] {strides = array<i32>} : memref<256xf32, #tpu.memory_space<vmem>>, vector<16xf32>,
      %get3A_1892 = vector.shape_cast %get3A_1891 : vector<16xf32> to vector<16xf32>
      %add3A_1893 = arith.addf %add3A_1889, %get3A_1892 : vector<16xf32>
      %get3A_1894 = arith.constant 160 : index
      %get3A_1895 = tpu.vector_load %arg13[%get3A_1894] {strides = array<i32>} : memref<256xf32, #tpu.memory_space<vmem>>, vector<16xf32>,
      %get3A_1896 = vector.shape_cast %get3A_1895 : vector<16xf32> to vector<16xf32>
      %add3A_1897 = arith.addf %add3A_1893, %get3A_1896 : vector<16xf32>
      %get3A_1898 = arith.constant 176 : index
      %get3A_1899 = tpu.vector_load %arg13[%get3A_1898] {strides = array<i32>} : memref<256xf32, #tpu.memory_space<vmem>>, vector<16xf32>,
      %get3A_1900 = vector.shape_cast %get3A_1899 : vector<16xf32> to vector<16xf32>
      %add3A_1901 = arith.addf %add3A_1897, %get3A_1900 : vector<16xf32>
      %get3A_1902 = arith.constant 192 : index
      %get3A_1903 = tpu.vector_load %arg13[%get3A_1902] {strides = array<i32>} : memref<256xf32, #tpu.memory_space<vmem>>, vector<16xf32>,
      %get3A_1904 = vector.shape_cast %get3A_1903 : vector<16xf32> to vector<16xf32>
      %add3A_1905 = arith.addf %add3A_1901, %get3A_1904 : vector<16xf32>
      %get3A_1906 = arith.constant 208 : index
      %get3A_1907 = tpu.vector_load %arg13[%get3A_1906] {strides = array<i32>} : memref<256xf32, #tpu.memory_space<vmem>>, vector<16xf32>,
      %get3A_1908 = vector.shape_cast %get3A_1907 : vector<16xf32> to vector<16xf32>
      %add3A_1909 = arith.addf %add3A_1905, %get3A_1908 : vector<16xf32>
      %get3A_1910 = arith.constant 224 : index
      %get3A_1911 = tpu.vector_load %arg13[%get3A_1910] {strides = array<i32>} : memref<256xf32, #tpu.memory_space<vmem>>, vector<16xf32>,
      %get3A_1912 = vector.shape_cast %get3A_1911 : vector<16xf32> to vector<16xf32>
      %add3A_1913 = arith.addf %add3A_1909, %get3A_1912 : vector<16xf32>
      %get3A_1914 = arith.constant 240 : index
      %get3A_1915 = tpu.vector_load %arg13[%get3A_1914] {strides = array<i32>} : memref<256xf32, #tpu.memory_space<vmem>>, vector<16xf32>,
      %get3A_1916 = vector.shape_cast %get3A_1915 : vector<16xf32> to vector<16xf32>
      %add3A_1917 = arith.addf %add3A_1913, %get3A_1916 : vector<16xf32>
      %broadcast_in_dim3A = arith.constant 0.000000e+00 : f32
      %broadcast_in_dim3A_1918 = vector.broadcast %broadcast_in_dim3A : f32 to vector<16xf32>
      %swap3A_1919 = arith.constant 0 : index
      %swap3A_1920 = tpu.vector_load %arg12[%swap3A_1919] {strides = array<i32>} : memref<16xf32, #tpu.memory_space<vmem>>, vector<16xf32>,
      %swap3A_1921 = vector.shape_cast %swap3A_1920 : vector<16xf32> to vector<16xf32>
      %swap3A_1922 = vector.shape_cast %broadcast_in_dim3A_1918 : vector<16xf32> to vector<16xf32>
      tpu.vector_store %arg12[%swap3A_1919], %swap3A_1922 {strides = array<i32>} : memref<16xf32, #tpu.memory_space<vmem>>, vector<16xf32>,
      "tpu.region"() ({
        %run_scoped3A_1929 = tpu.sem_alloc : memref<!tpu.dma_semaphore, #tpu.memory_space<semaphore_mem>>
        tpu.enqueue_dma source(%arg12 : memref<16xf32, #tpu.memory_space<vmem>>) target(%arg15 : memref<16xf32, #tpu.memory_space<vmem_shared>>) target_semaphore(%run_scoped3A_1929 : memref<!tpu.dma_semaphore, #tpu.memory_space<semaphore_mem>>)
        tpu.wait_dma2 semaphore(%run_scoped3A_1929 : memref<!tpu.dma_semaphore, #tpu.memory_space<semaphore_mem>>) src(%arg12 : memref<16xf32, #tpu.memory_space<vmem>>) dst(%arg15 : memref<16xf32, #tpu.memory_space<vmem_shared>>)
        tpu.yield
      }) : () -> ()
      %swap3A_1923 = arith.constant 0 : index
      %swap3A_1924 = tpu.vector_load %arg12[%swap3A_1923] {strides = array<i32>} : memref<16xf32, #tpu.memory_space<vmem>>, vector<16xf32>,
      %swap3A_1925 = vector.shape_cast %swap3A_1924 : vector<16xf32> to vector<16xf32>
      %swap3A_1926 = vector.shape_cast %add3A_1917 : vector<16xf32> to vector<16xf32>
      tpu.vector_store %arg12[%swap3A_1923], %swap3A_1926 {strides = array<i32>} : memref<16xf32, #tpu.memory_space<vmem>>, vector<16xf32>,
      %broadcast_in_dim3A_1927 = arith.constant 0 : i32
      %broadcast_in_dim3A_1928 = vector.broadcast %broadcast_in_dim3A_1927 : i32 to vector<16xi32>
      "tpu.region"() ({
        %run_scoped3A_1929 = tpu.sem_alloc : memref<!tpu.dma_semaphore, #tpu.memory_space<semaphore_mem>>
        %dma_start3A_1930 = arith.constant 0 : i32
        %dma_start3A_1931 = tpu.memref_slice %arg15[%dma_start3A_1930] : memref<16xf32, #tpu.memory_space<vmem_shared>> -> memref<16xf32, #tpu.memory_space<vmem_shared>>
        tpu.enqueue_indirect_dma source(%arg12 : memref<16xf32, #tpu.memory_space<vmem>>) target(%dma_start3A_1931 : memref<16xf32, #tpu.memory_space<vmem_shared>>) offsets(%broadcast_in_dim3A_1928 : vector<16xi32>) semaphore(%run_scoped3A_1929 : memref<!tpu.dma_semaphore, #tpu.memory_space<semaphore_mem>>) {add = true}
        %dma_wait3A_1932 = arith.constant 0 : i32
        %dma_wait3A_1933 = tpu.memref_slice %arg15[%dma_wait3A_1932] : memref<16xf32, #tpu.memory_space<vmem_shared>> -> memref<16xf32, #tpu.memory_space<vmem_shared>>
        tpu.wait_indirect_dma semaphore(%run_scoped3A_1929 : memref<!tpu.dma_semaphore, #tpu.memory_space<semaphore_mem>>) src(%arg12 : memref<16xf32, #tpu.memory_space<vmem>>) dst(%dma_wait3A_1933 : memref<16xf32, #tpu.memory_space<vmem_shared>>)
        tpu.yield
      }) : () -> ()
      "tpu.region"() ({
        %run_scoped3A_1929 = tpu.sem_alloc : memref<!tpu.dma_semaphore, #tpu.memory_space<semaphore_mem>>
        tpu.enqueue_dma source(%arg15 : memref<16xf32, #tpu.memory_space<vmem_shared>>) target(%arg12 : memref<16xf32, #tpu.memory_space<vmem>>) target_semaphore(%run_scoped3A_1929 : memref<!tpu.dma_semaphore, #tpu.memory_space<semaphore_mem>>)
        tpu.wait_dma2 semaphore(%run_scoped3A_1929 : memref<!tpu.dma_semaphore, #tpu.memory_space<semaphore_mem>>) src(%arg15 : memref<16xf32, #tpu.memory_space<vmem_shared>>) dst(%arg12 : memref<16xf32, #tpu.memory_space<vmem>>)
        tpu.yield
      }) : () -> ()
      "tpu.region"() ({
        %run_scoped3A_1929 = tpu.sem_alloc : memref<!tpu.dma_semaphore, #tpu.memory_space<semaphore_mem>>
        %dma_start3A_1930 = arith.constant 0 : i32
        %dma_start3A_1931 = tpu.memref_slice %arg4[%arg0, %dma_start3A_1930] : memref<2x16xf32, #tpu.memory_space<hbm>> -> memref<1x16xf32, #tpu.memory_space<hbm>>
        %dma_start3A_1932 = tpu.memref_squeeze %dma_start3A_1931 : memref<1x16xf32, #tpu.memory_space<hbm>> -> memref<16xf32, #tpu.memory_space<hbm>>
        %dma_start3A_1933 = arith.constant 0 : i32
        %dma_start3A_1934 = tpu.memref_slice %arg4[%arg0, %dma_start3A_1933] : memref<2x16xf32, #tpu.memory_space<hbm>> -> memref<1x16xf32, #tpu.memory_space<hbm>>
        %dma_start3A_1935 = tpu.memref_squeeze %dma_start3A_1934 : memref<1x16xf32, #tpu.memory_space<hbm>> -> memref<16xf32, #tpu.memory_space<hbm>>
        tpu.enqueue_dma source(%arg12 : memref<16xf32, #tpu.memory_space<vmem>>) target(%dma_start3A_1935 : memref<16xf32, #tpu.memory_space<hbm>>) target_semaphore(%run_scoped3A_1929 : memref<!tpu.dma_semaphore, #tpu.memory_space<semaphore_mem>>)
        %dma_wait3A_1936 = arith.constant 0 : i32
        %dma_wait3A_1937 = tpu.memref_slice %arg4[%arg0, %dma_wait3A_1936] : memref<2x16xf32, #tpu.memory_space<hbm>> -> memref<1x16xf32, #tpu.memory_space<hbm>>
        %dma_wait3A_1938 = tpu.memref_squeeze %dma_wait3A_1937 : memref<1x16xf32, #tpu.memory_space<hbm>> -> memref<16xf32, #tpu.memory_space<hbm>>
        %dma_wait3A_1939 = arith.constant 0 : i32
        %dma_wait3A_1940 = tpu.memref_slice %arg4[%arg0, %dma_wait3A_1939] : memref<2x16xf32, #tpu.memory_space<hbm>> -> memref<1x16xf32, #tpu.memory_space<hbm>>
        %dma_wait3A_1941 = tpu.memref_squeeze %dma_wait3A_1940 : memref<1x16xf32, #tpu.memory_space<hbm>> -> memref<16xf32, #tpu.memory_space<hbm>>
        tpu.wait_dma2 semaphore(%run_scoped3A_1929 : memref<!tpu.dma_semaphore, #tpu.memory_space<semaphore_mem>>) src(%arg12 : memref<16xf32, #tpu.memory_space<vmem>>) dst(%dma_wait3A_1941 : memref<16xf32, #tpu.memory_space<hbm>>)
        tpu.yield
      }) : () -> ()
    } else {
    }
    return
  }
}

</mosaic_0001>

<sc_bundles>
// kernel: _sc_loss.3.cloned.1.call-start
scs
__scs_entry_jumppad:
0x0: {  	(pc) =	sbr.rel $0x88, $3  }
0x1: {  	(tag) =	ssettag $0x0;
	lr =	simm.s32 $0x1  }
0x2: {  	[smem:$0x3F9F] =	sst lr;
	_ =	strace $0xD0000000  }
0x3: {  	_ = 	snop  }
0x4: {  	_ = 	snop  }
0x5: {  	_ = 	snop  }
0x6: {  	_ = 	snop  }
0x7: {  	_ = 	snop  }
__scs_overlays_trampoline_lowered:
0x8: {  	[smem:$0x3FAE] =	sst s0  }
0x9: {  	[smem:$0x3FAF] =	sst s1  }
0xa: {  	[smem:$0x3FB0] =	sst s2  }
0xb: {  	[smem:$0x3FB1] =	sst s3  }
0xc: {  	[smem:$0x3FB2] =	sst s4  }
0xd: {  	[smem:$0x3FB3] =	sst s5  }
0xe: {  	[smem:$0x3FB4] =	sst s6  }
0xf: {  	[smem:$0x3FB5] =	sst s7  }
0x10: {  	[smem:$0x3FB6] =	sst s8  }
0x11: {  	[smem:$0x3FB7] =	sst s9;
	s0 =	simm.s32 @!p0 $0x0  }
0x12: {  	s1 =	sld [smem:$0x3F9D];
	s0 =	simm.s32 @p0 $0x1  }
0x13: {  	[smem:$0x3FB8] =	sst s0;
	s0 =	simm.s32 @!p1 $0x0  }
0x14: {  	s2 =	sld [smem:$0x3F9C];
	s0 =	simm.s32 @p1 $0x1  }
0x15: {  	[smem:$0x3FB9] =	sst s0;
	s0 =	simm.s32 @!p2 $0x0  }
0x16: {  	s3 =	sld [smem:$0x3FDB];
	s0 =	simm.s32 @p2 $0x1  }
0x17: {  	s4 =	simm.s32 $0x1BF5;
	[smem:$0x3FBB] =	sst s0  }
0x18: {  	s0 =	sld [smem:$0x3F9E];
	_ =	swait.ge [sflag:s4], $0x0  }
0x19: {  	s7 =	sld [smem:$0x3F9F]  }
0x1a: {  	s8 =	sadd.s32 $0xFFFFE003, lr  }
0x1b: {  	s9 =	sadd.s32 $0xFFFFFEF7, lr;
	s5 =	simm.s32 $0xFFFFFFFF;
	p2 =	slt.u32 s8, $0xFFFFF086  }
0x1c: {  	p1 =	slt.u32 s9, $0xF7A;
	s5 =	simm.s32 @!p2 $0x0  }
0x1d: {  	s5 =	simm.s32 @p1 $0x1;
	p0 =	seq.s32 s7, s2  }
0x1e: {  	s7 =	smul.u32 @!p0 $0xF7A, s2;
	p2 =	seq.s32 @!p0 s5, $0x0  }
0x1f: {  	s9 =	smul.u32 $0xF7A, s1;
	s8 =	simm.s32 @!p0 $0x1BF5;
	p2 =	por !p2, p0  }
0x20: {  	[sflag:s8] =	ssyncset.s32 @!p0 $0xFFFFF086;
	s6 =	sadd.s32 @!p0 s3, s7;
	s7 =	simm.s32 @!p0 $0x108  }
0x21: {  	s3 =	sadd.s32 s3, s9;
	s6 =	sadd.s32 @!p0 $0x88, s6;
	s7 =	simm.s32 @p2 $0x1082  }
0x22: {  	[simem:s7], [sflag:s8] =	dma.local @!p0 [hbm:s6], $0xF7A  }
0x23: {  	s9 =	sor.u32 $0xD0000000, s2;
	s6 =	simm.s32 $0x108;
	_ =	swait.ge @!p0 [sflag:s8], $0x0  }
0x24: {  	s3 =	sadd.s32 $0x88, s3;
	s6 =	simm.s32 @!p1 $0x1082;
	[sflag:s4] =	ssyncset.s32 $0xFFFFF086  }
0x25: {  	[simem:s6], [sflag:s4] =	dma.local [hbm:s3], $0xF7A  }
0x26: {  	[smem:$0x3F9F] =	sst s1;
	(tag) =	ssettag s2;
	_ =	strace s9  }
0x27: {  	s1 =	sld [smem:$0x3FAF]  }
0x28: {  	s2 =	sld [smem:$0x3FB0]  }
0x29: {  	s4 =	sld [smem:$0x3FB2]  }
0x2a: {  	p0 =	seq.s32 s5, $0x0;
	s5 =	sld [smem:$0x3FB3]  }
0x2b: {  	s6 =	sld [smem:$0x3FB4]  }
0x2c: {  	s7 =	sld [smem:$0x3FB5]  }
0x2d: {  	s3 =	simm.s32 $0x108;
	s8 =	sld [smem:$0x3FB6]  }
0x2e: {  	s3 =	simm.s32 @!p0 $0x1082;
	s9 =	sld [smem:$0x3FB7]  }
0x2f: {  	lr =	sadd.s32 s0, s3;
	s0 =	sld [smem:$0x3FAE]  }
0x30: {  	s3 =	sld [smem:$0x3FB1]  }
0x31: {  	[smem:$0x3FBA] =	sst s10  }
0x32: {  	s10 =	sld [smem:$0x3FB8];
	_ =	sdelay $0x3  }
0x33: {  	p0 =	seq.s32 s10, $0x1;
	s10 =	sld [smem:$0x3FBA];
	_ =	sdelay $0x3  }
0x34: {  	[smem:$0x3FBA] =	sst s10  }
0x35: {  	s10 =	sld [smem:$0x3FB9];
	_ =	sdelay $0x3  }
0x36: {  	p1 =	seq.s32 s10, $0x1;
	s10 =	sld [smem:$0x3FBA];
	_ =	sdelay $0x3  }
0x37: {  	[smem:$0x3FBA] =	sst s10  }
0x38: {  	s10 =	sld [smem:$0x3FBB]  }
0x39: {  	_ = 	snop;
	(pc) =	sbr.ind lr, $3  }
0x3a: {  	_ = 	snop  }
0x3b: {  	_ = 	snop  }
0x3c: {  	p2 =	seq.s32 s10, $0x1;
	s10 =	sld [smem:$0x3FBA]  }
0x3d: {  	_ =	shalt  }
0x3e: {  	_ =	shalt  }
0x3f: {  	_ =	shalt  }
0x40: {  	_ =	shalt  }
0x41: {  	_ =	shalt  }
0x42: {  	_ =	shalt  }
0x43: {  	_ =	shalt  }
0x44: {  	_ =	shalt  }
0x45: {  	_ =	shalt  }
0x46: {  	_ =	shalt  }
0x47: {  	_ =	shalt  }
0x48: {  	_ =	shalt  }
0x49: {  	_ =	shalt  }
0x4a: {  	_ =	shalt  }
0x4b: {  	_ =	shalt  }
0x4c: {  	_ =	shalt  }
0x4d: {  	_ =	shalt  }
0x4e: {  	_ =	shalt  }
0x4f: {  	_ =	shalt  }
0x50: {  	_ =	shalt  }
0x51: {  	_ =	shalt  }
0x52: {  	_ =	shalt  }
0x53: {  	_ =	shalt  }
0x54: {  	_ =	shalt  }
0x55: {  	_ =	shalt  }
0x56: {  	_ =	shalt  }
0x57: {  	_ =	shalt  }
0x58: {  	_ =	shalt  }
0x59: {  	_ =	shalt  }
0x5a: {  	_ =	shalt  }
0x5b: {  	_ =	shalt  }
0x5c: {  	_ =	shalt  }
0x5d: {  	_ =	shalt  }
0x5e: {  	_ =	shalt  }
0x5f: {  	_ =	shalt  }
0x60: {  	_ =	shalt  }
0x61: {  	_ =	shalt  }
0x62: {  	_ =	shalt  }
0x63: {  	_ =	shalt  }
0x64: {  	_ =	shalt  }
0x65: {  	_ =	shalt  }
0x66: {  	_ =	shalt  }
0x67: {  	_ =	shalt  }
0x68: {  	_ =	shalt  }
0x69: {  	_ =	shalt  }
0x6a: {  	_ =	shalt  }
0x6b: {  	_ =	shalt  }
0x6c: {  	_ =	shalt  }
0x6d: {  	_ =	shalt  }
0x6e: {  	_ =	shalt  }
0x6f: {  	_ =	shalt  }
0x70: {  	_ =	shalt  }
0x71: {  	_ =	shalt  }
0x72: {  	_ =	shalt  }
0x73: {  	_ =	shalt  }
0x74: {  	_ =	shalt  }
0x75: {  	_ =	shalt  }
0x76: {  	_ =	shalt  }
0x77: {  	_ =	shalt  }
0x78: {  	_ =	shalt  }
0x79: {  	_ =	shalt  }
0x7a: {  	_ =	shalt  }
0x7b: {  	_ =	shalt  }
0x7c: {  	_ =	shalt  }
0x7d: {  	_ =	shalt  }
0x7e: {  	_ =	shalt  }
0x7f: {  	_ =	shalt  }
0x80: {  	_ =	shalt  }
0x81: {  	_ =	shalt  }
0x82: {  	_ =	shalt  }
0x83: {  	_ =	shalt  }
0x84: {  	_ =	shalt  }
0x85: {  	_ =	shalt  }
0x86: {  	_ =	shalt  }
0x87: {  	_ =	shalt  }
.Lfunc_end0:
.L_simem_size_0:
called_computation_lowered:
.L_overlay_start_0:
0x88: {  	s2 =	sld [smem:$0x3FD9]  }
0x89: {  	s3 =	sld [smem:$0x3FFE];
	_ =	sdelay $0x1  }
0x8a: {  	s1 =	srdreg.scid  }
0x8b: {  	s0 =	sand.u32 $0x1, s1  }
0x8c: {  	s17 =	sshll.u32 s0, $0xA;
	s2 =	sadd.s32 s3, s2  }
0x8d: {  	s2 =	sadd.s32 s2, s17  }
0x8e: {  	[smem:$0x3FC6] =	sst s2  }
0x8f: {  	_ = 	snop  }
0x90: {  	s2 =	sld [smem:$0x3FC8];
	(tm) =	ssettm $0x1  }
0x91: {  	s18 =	sld [smem:$0x3FFB];
	_ =	sdelay $0x3  }
0x92: {  	_ =	strace s18  }
0x93: {  	s3 =	sld [smem:$0x3FFC];
	_ =	sdelay $0x3  }
0x94: {  	_ =	strace s3  }
0x95: {  	s3 =	sld [smem:$0x3FFD];
	_ =	sdelay $0x3  }
0x96: {  	_ =	strace s3  }
0x97: {  	_ =	strace $0x8FFFFFFF  }
0x98: {  	s19 =	sld [smem:$0x3FDB];
	_ =	sdelay $0x1  }
0x99: {  	s4 =	simm.s32 $_scs_section_size  }
0x9a: {  	s5 =	simm.s32 $_size__tile_overlayer_lowered;
	s6 =	simm.s32 $_tile_overlayer_lowered  }
0x9b: {  	s22 =	simm.s32 $0x1BFF;
	s21 =	sshll.u32 s6, $0x1;
	s3 =	sadd.s32 s4, s19  }
0x9c: {  	s7 =	simm.s32 $0x0;
	s20 =	sshll.u32 s5, $0x1;
	s5 =	sadd.s32 s21, s3  }
0x9d: {  	[timem:s7], [sflag:s22] =	dma.local [hbm:s5], s20  }
0x9e: {  	_ =	swait.ge [sflag:s22], s20  }
0x9f: {  	s4 =	ssub.s32 $0x0, s20;
	[sflag:s22] =	ssyncset.done $0x0  }
0xa0: {  	[sflag:s22] =	ssyncadd.s32 s4;
	_ =	sdelay $0x1  }
0xa1: {  	s23 =	simm.s32 $0x1B8B  }
0xa2: {  	_ =	swait.ge [sflag:s23], $0x1  }
0xa3: {  	[sflag:s23] =	ssyncset.done $0x0  }
0xa4: {  	s25 =	simm.s32 $0x1B8E;
	s24 =	sld [smem:$0x3FFE];
	[sflag:s23] =	ssyncadd.s32 $0xFFFFFFFF  }
0xa5: {  	s26 =	simm.s32 $execute0_lowered;
	[smem:$0x3FD2] =	sst s25  }
0xa6: {  	s5 =	sshll.u32 s26, $0x1;
	_ =	strace $0x80000046;
	[dreg:$0x1] =	wrdreg $0xFFFFFFFF  }
0xa7: {  	s28 =	simm.s32 $_size_execute0_lowered;
	s3 =	sadd.s32 s3, s5;
	[dreg:$0x0] =	wrdreg $0x0  }
0xa8: {  	s5 =	sshll.u32 s28, $0x1;
	[dreg:$0x2] =	wrdreg s3  }
0xa9: {  	[dreg:$0x3] =	wrdreg s5  }
0xaa: {  	[dreg:$0x4] =	wrdreg $0xC0  }
0xab: {  	_ =	task [dreg:s7], $0x5FFFF  }
0xac: {  	[dreg:$0x1] =	wrdreg $0xFFFFFFFF  }
0xad: {  	[dreg:$0x0] =	wrdreg $0x60  }
0xae: {  	[dreg:$0x2] =	wrdreg s24  }
0xaf: {  	[dreg:$0x3] =	wrdreg s2  }
0xb0: {  	[dreg:$0x4] =	wrdreg $0x81000  }
0xb1: {  	[dreg:$0x5] =	wrdreg $0x93800  }
0xb2: {  	[dreg:$0x6] =	wrdreg $0x93900  }
0xb3: {  	[dreg:$0x7] =	wrdreg $0x9  }
0xb4: {  	_ =	task.clear_ibuf [dreg:s7], $0x8FFFF;
	_ =	strace $0x90000046  }
0xb5: {  	s29 =	simm.s32 $0x9;
	_ =	strace $0x80000048  }
0xb6: {  	_ =	swait.ge [sflag:s29], $0x1  }
0xb7: {  	[sflag:s29] =	ssyncadd.s32 $0xFFFFFFFF  }
0xb8: {  	_ =	strace $0x90000048  }
0xb9: {  	_ =	sfence  }
0xba: {  	s30 =	sld [smem:$0x0];
	_ =	sdelay $0x2  }
0xbb: {  	s31 =	sshll.u32 s1, $0xD;
	s1 =	sshrl.u32 s1, $0x2  }
0xbc: {  	s3 =	sand.u32 $0x4000, s31;
	s1 =	sadd.s32 s1, s30  }
0xbd: {  	s0 =	sor.u32 s3, s0;
	s1 =	sshll.u32 s1, $0x11  }
0xbe: {  	s0 =	sor.u32 s1, s0  }
0xbf: {  	s0 =	sadd.s32 $0x8F2B, s0  }
0xc0: {  	[sflag:s0] =	ssyncadd.remote.s32 $0x1  }
0xc1: {  	_ =	sfence.sel $0xFFFF  }
0xc2: {  	[dreg:$0x0] =	wrdreg $0xFFFFFFFF;
	(pc) =	sbr.abs _section_cstart, $3  }
0xc3: {  	[dreg:$0x1] =	wrdreg $0xFFFFFFFF  }
0xc4: {  	_ =	task.clear_ibuf [dreg:s7], $0x2FFFF;
	_ =	strace $0x9FFFFFFF  }
0xc5: {  	(tm) =	ssettm $0x7FFFFFFF  }
tec
execute0_lowered:
.L_overlay_start_1:
0x0: {  	(tag) =	ssettag $0x1  }
0x1: {  	s2 =	rddreg [dreg:$0x0]  }
0x2: {  	s6 =	rddreg [dreg:$0x1];
	s0 =	srdreg.scid  }
0x3: {  	s8 =	rddreg [dreg:$0x3];
	s1 =	stileid.u32;
	s3 =	sand.u32 $0x1, s0  }
0x4: {  	s24 =	simm.s32 $0x0;
	s4 =	sshll.u32 s1, $0x6;
	s0 =	sshll.u32 s3, $0x5  }
0x5: {  	[smem:$0x7FF] =	sst s24;
	s0 =	sor.u32 s0, s4;
	s4 =	sshrl.u32 s4, $0x2  }
0x6: {  	s7 =	rddreg [dreg:$0x2];
	_ =	strace $0x80000047;
	s4 =	sadd.s32 s4, s8  }
0x7: {  	s5 =	sshrl.u32 s0, $0x3;
	s8 =	simm.s32 $0x5500;
	[smem:$0x7BC] =	sst s4  }
0x8: {  	s0 =	sshll.u32 s1, $0xC;
	s6 =	sadd.s32 s6, s5;
	[smem:$0x7D0] =	sst s8  }
0x9: {  	s9 =	sadd.s32 s0, s7;
	[dreg:$0x6] =	wrdreg s6  }
0xa: {  	s8 =	simm.s32 $0x4580;
	[smem:$0x7BA] =	sst s9  }
0xb: {  	s23 =	sadd.s32 $0x80, s9;
	[smem:$0x7E8] =	sst s8  }
0xc: {  	s25 =	sadd.s32 $0x100, s9;
	[dreg:$0x7] =	wrdreg s23  }
0xd: {  	s26 =	sadd.s32 $0x180, s9;
	[dreg:$0x8] =	wrdreg s25  }
0xe: {  	s28 =	sadd.s32 $0x200, s9;
	[dreg:$0x9] =	wrdreg s26  }
0xf: {  	s29 =	sadd.s32 $0x280, s9;
	[dreg:$0xa] =	wrdreg s28  }
0x10: {  	s30 =	sadd.s32 $0x300, s9;
	[dreg:$0xb] =	wrdreg s29  }
0x11: {  	s31 =	sadd.s32 $0x380, s9;
	[dreg:$0xc] =	wrdreg s30  }
0x12: {  	s7 =	sadd.s32 $0x400, s9;
	[dreg:$0xd] =	wrdreg s31  }
0x13: {  	s10 =	sadd.s32 $0x480, s9;
	[dreg:$0xe] =	wrdreg s7  }
0x14: {  	s11 =	sadd.s32 $0x500, s9;
	[dreg:$0xf] =	wrdreg s10  }
0x15: {  	s12 =	sadd.s32 $0x580, s9;
	[dreg:$0x10] =	wrdreg s11  }
0x16: {  	s13 =	sadd.s32 $0x600, s9;
	[dreg:$0x11] =	wrdreg s12  }
0x17: {  	s14 =	sadd.s32 $0x680, s9;
	[dreg:$0x12] =	wrdreg s13  }
0x18: {  	s15 =	sadd.s32 $0x700, s9;
	[dreg:$0x13] =	wrdreg s14  }
0x19: {  	s16 =	sadd.s32 $0x780, s9;
	[dreg:$0x14] =	wrdreg s15  }
0x1a: {  	s17 =	sadd.s32 $0x800, s9;
	[dreg:$0x15] =	wrdreg s16  }
0x1b: {  	s18 =	sadd.s32 $0x880, s9;
	[dreg:$0x16] =	wrdreg s17  }
0x1c: {  	s19 =	sadd.s32 $0x900, s9;
	[dreg:$0x17] =	wrdreg s18  }
0x1d: {  	s20 =	sadd.s32 $0x980, s9;
	[dreg:$0x18] =	wrdreg s19  }
0x1e: {  	s21 =	sadd.s32 $0xA00, s9;
	[dreg:$0x19] =	wrdreg s20  }
0x1f: {  	s22 =	sadd.s32 $0xA80, s9;
	[dreg:$0x1a] =	wrdreg s21  }
0x20: {  	s5 =	smul.u32 $0xC3800, s5;
	s6 =	simm.s32 $0x4D00;
	[dreg:$0x1b] =	wrdreg s22  }
0x21: {  	[smem:$0x7CE] =	sst s6  }
0x22: {  	s23 =	sadd.s32 $0xB00, s9;
	[smem:$0x7F4] =	sst s5  }
0x23: {  	s25 =	sadd.s32 $0xB80, s9;
	[dreg:$0x1c] =	wrdreg s23  }
0x24: {  	s26 =	sadd.s32 $0xC00, s9;
	[dreg:$0x1d] =	wrdreg s25  }
0x25: {  	s28 =	sadd.s32 $0xC80, s9;
	[dreg:$0x1e] =	wrdreg s26  }
0x26: {  	s29 =	sadd.s32 $0xD00, s9;
	[dreg:$0x1f] =	wrdreg s28  }
0x27: {  	s30 =	sadd.s32 $0xD80, s9;
	[smem:$0x7B5] =	sst s29  }
0x28: {  	s31 =	sadd.s32 $0xE00, s9;
	[smem:$0x7B6] =	sst s30  }
0x29: {  	s7 =	sadd.s32 $0xE80, s9;
	[smem:$0x7B7] =	sst s31  }
0x2a: {  	s11 =	sadd.s32 $0xF00, s9;
	[smem:$0x7B8] =	sst s7  }
0x2b: {  	s12 =	sadd.s32 $0xF80, s9;
	[smem:$0x7B9] =	sst s11  }
0x2c: {  	s14 =	simm.s32 $0x500;
	[smem:$0x7BB] =	sst s12  }
0x2d: {  	s15 =	simm.s32 $0x900;
	[smem:$0x7BE] =	sst s14  }
0x2e: {  	s16 =	simm.s32 $0xD00;
	[smem:$0x7BF] =	sst s15  }
0x2f: {  	s17 =	simm.s32 $0x1100;
	[smem:$0x7C0] =	sst s16  }
0x30: {  	s18 =	simm.s32 $0x1500;
	[smem:$0x7C1] =	sst s17  }
0x31: {  	s19 =	simm.s32 $0x1900;
	[smem:$0x7C2] =	sst s18  }
0x32: {  	s20 =	simm.s32 $0x1D00;
	[smem:$0x7C3] =	sst s19  }
0x33: {  	s21 =	simm.s32 $0x2500;
	[smem:$0x7C4] =	sst s20  }
0x34: {  	s22 =	simm.s32 $0x2900;
	[smem:$0x7C5] =	sst s21  }
0x35: {  	s9 =	simm.s32 $0x5900;
	[smem:$0x7C6] =	sst s22  }
0x36: {  	s6 =	simm.s32 $0x3C00;
	[smem:$0x7D1] =	sst s9  }
0x37: {  	s23 =	simm.s32 $0x2D00;
	[smem:$0x7E6] =	sst s6  }
0x38: {  	s25 =	simm.s32 $0x3100;
	[smem:$0x7C7] =	sst s23  }
0x39: {  	s26 =	simm.s32 $0x3500;
	[smem:$0x7C8] =	sst s25  }
0x3a: {  	s28 =	simm.s32 $0x3900;
	[smem:$0x7C9] =	sst s26  }
0x3b: {  	s29 =	simm.s32 $0x3D00;
	[smem:$0x7CA] =	sst s28  }
0x3c: {  	s30 =	simm.s32 $0x4500;
	[smem:$0x7CB] =	sst s29  }
0x3d: {  	s10 =	sshll.u32 s3, $0x4;
	s31 =	simm.s32 $0x4900;
	[smem:$0x7CC] =	sst s30  }
0x3e: {  	s7 =	sadd.s32 s10, s2;
	s10 =	simm.s32 $0x5D00;
	[smem:$0x7CD] =	sst s31  }
0x3f: {  	s11 =	simm.s32 $0x6500;
	[smem:$0x7D2] =	sst s10  }
0x40: {  	s12 =	simm.s32 $0x6900;
	[smem:$0x7D3] =	sst s11  }
0x41: {  	s14 =	simm.s32 $0x7100;
	[smem:$0x7D4] =	sst s12  }
0x42: {  	s15 =	simm.s32 $0x7500;
	[smem:$0x7D6] =	sst s14  }
0x43: {  	s16 =	simm.s32 $0x7900;
	[smem:$0x7D7] =	sst s15  }
0x44: {  	s17 =	simm.s32 $0x7D00;
	[smem:$0x7D8] =	sst s16  }
0x45: {  	s18 =	simm.s32 $0x580;
	[smem:$0x7D9] =	sst s17  }
0x46: {  	s19 =	simm.s32 $0xA00;
	[smem:$0x7DA] =	sst s18  }
0x47: {  	s20 =	simm.s32 $0xE80;
	[smem:$0x7DB] =	sst s19  }
0x48: {  	s21 =	simm.s32 $0x1300;
	[smem:$0x7DC] =	sst s20  }
0x49: {  	s22 =	simm.s32 $0x1780;
	[smem:$0x7DD] =	sst s21  }
0x4a: {  	s9 =	simm.s32 $0x4A00;
	[smem:$0x7DE] =	sst s22  }
0x4b: {  	s13 =	sadd.s32 $0xC38600, s7;
	[smem:$0x7E9] =	sst s9  }
0x4c: {  	s7 =	simm.s32 $0x5100;
	[smem:$0x7BD] =	sst s13  }
0x4d: {  	s23 =	simm.s32 $0x1C00;
	[smem:$0x7CF] =	sst s7  }
0x4e: {  	s25 =	simm.s32 $0x2080;
	[smem:$0x7DF] =	sst s23  }
0x4f: {  	s26 =	simm.s32 $0x2580;
	[smem:$0x7E0] =	sst s25  }
0x50: {  	s28 =	simm.s32 $0x2A00;
	[smem:$0x7E1] =	sst s26  }
0x51: {  	s29 =	simm.s32 $0x2E80;
	[smem:$0x7E2] =	sst s28  }
0x52: {  	s30 =	simm.s32 $0x3300;
	[smem:$0x7E3] =	sst s29  }
0x53: {  	s31 =	simm.s32 $0x3780;
	[smem:$0x7E4] =	sst s30  }
0x54: {  	s10 =	simm.s32 $0x4E80;
	[smem:$0x7E5] =	sst s31  }
0x55: {  	s11 =	simm.s32 $0x5300;
	[smem:$0x7EA] =	sst s10  }
0x56: {  	s12 =	simm.s32 $0x5780;
	[smem:$0x7EB] =	sst s11  }
0x57: {  	s15 =	simm.s32 $0x6080;
	[smem:$0x7EC] =	sst s12  }
0x58: {  	s16 =	simm.s32 $0x6580;
	[smem:$0x7EE] =	sst s15  }
0x59: {  	s18 =	sadd.s32 $0xC3800, s5;
	[smem:$0x7EF] =	sst s16  }
0x5a: {  	s17 =	simm.s32 $0x6A00;
	[smem:$0x7F0] =	sst s18  }
0x5b: {  	s20 =	sadd.s32 $0x187000, s5;
	[smem:$0x7F1] =	sst s17  }
0x5c: {  	s19 =	simm.s32 $0x6E80;
	[smem:$0x7F2] =	sst s20  }
0x5d: {  	s22 =	sadd.s32 $0x24A800, s5;
	[smem:$0x7F3] =	sst s19  }
0x5e: {  	s21 =	simm.s32 $0x7300;
	[smem:$0x7F5] =	sst s22  }
0x5f: {  	s13 =	simm.s32 $0x6D00;
	[smem:$0x7F6] =	sst s21  }
0x60: {  	s7 =	simm.s32 $0x4080;
	[smem:$0x7D5] =	sst s13  }
0x61: {  	s23 =	simm.s32 $0x7780;
	[smem:$0x7E7] =	sst s7  }
0x62: {  	s25 =	simm.s32 $0x7C00;
	[smem:$0x7F7] =	sst s23  }
0x63: {  	p0 =	sne.s32 s1, $0x0;
	s26 =	simm.s32 $0x8080;
	[smem:$0x7F8] =	sst s25  }
0x64: {  	s3 =	ssub.s32 $0x2, s3;
	s28 =	simm.s32 $0x20;
	[smem:$0x7F9] =	sst s26  }
0x65: {  	v0 =	vlaneseq.u32;
	s6 =	sadd.s32 $0x600, s2;
	s29 =	simm.s32 $0x80;
	[smem:$0x7FA] =	sst s28  }
0x66: {  	v0 =	vmul.u32 $0x80, v0;
	s14 =	sshrl.u32 s3, $0x1;
	s30 =	simm.s32 $0x9100;
	[smem:$0x7FB] =	sst s29  }
0x67: {  	s3 =	ssub.s32 s3, s14;
	s31 =	simm.s32 $0x9180;
	[smem:$0x7FC] =	sst s30  }
0x68: {  	v1 =	vor.u32 $0x800, v0;
	s12 =	simm.s32 $0x2;
	s13 =	simm.s32 $0x5C00;
	[smem:$0x7FD] =	sst s31  }
0x69: {  	vm0 =	vmmov @!p0 $0xffff;
	v0 =	vor.u32 s0, v0;
	v1 =	vor.u32 s0, v1;
	s3 =	smax.u32 s3, $0x1;
	[smem:$0x7ED] =	sst s13;
	s13 =	simm.s32 $0x1  }
.LBB2_1:
0x6a: {  	[smem:$0x7B4] =	sst s3  }
0x6b: {  	s0 =	rddreg [dreg:$0x6]  }
0x6c: {  	[tilespmem:s24], [sflag:$0x2] =	stream.linear.gather [hbm4b:s0+s24], $0x20, $0x38;
	[tilespmem:$0x9398] =	vst v63  }
0x6d: {  	_ =	swait.ge [sflag:s12], $0x20  }
0x6e: {  	[sflag:s12] =	ssyncset.done $0x0  }
0x6f: {  	[sflag:s12] =	ssyncadd.s32 $0xFFFFFFE0  }
0x70: {  	v3 =	vld [tilespmem:$0x0];
	_ =	sdelay $0x4  }
0x71: {  	(v2sf) =	vpush v3, $0x0;
	_ =	sdelay $0x6  }
0x72: {  	(v2sf) =	vpush v3, $0x1;
	_ =	sdelay $0x7  }
0x73: {  	s2 =	spop (v2sf)  }
0x74: {  	(v2sf) =	vpush v3, $0x2;
	s14 =	sand.u32 $0x7F, s2  }
0x75: {  	s1 =	sshra.s32 s2, $0x1F;
	p1 =	slt.s32 s2, $0x1;
	p2 =	sne.s32 s14, $0x0  }
0x76: {  	[smem:$0x7AD] =	sst s2;
	s15 =	sshrl.u32 s1, $0x19;
	p1 =	por !p1, !p2  }
0x77: {  	s1 =	simm.s32 $0x1;
	s0 =	sadd.s32 s15, s2;
	p1 =	por !p1, !p1  }
0x78: {  	s2 =	sld [smem:$0x7F4];
	s0 =	sshrl.u32 s0, $0x7;
	s1 =	simm.s32 @!p1 $0x0  }
0x79: {  	s0 =	ssub.s32 s0, s1  }
0x7a: {  	s17 =	simm.s32 $0x100;
	s16 =	spop (v2sf);
	s0 =	sshll.u32 s0, $0xA  }
0x7b: {  	s18 =	sand.u32 $0x7F, s16;
	s19 =	sshra.s32 s16, $0x1F;
	s0 =	sadd.s32 s2, s0  }
0x7c: {  	(v2sf) =	vpush v3, $0x3;
	p5 =	slt.s32 s16, $0x1;
	p6 =	sne.s32 s18, $0x0;
	s0 =	sshrl.u32 s0, $0x3  }
0x7d: {  	s20 =	sshrl.u32 s19, $0x19;
	p1 =	por !p5, !p6;
	s0 =	sadd.s32 s6, s0  }
0x7e: {  	v2 =	vld [tilespmem:$0x10];
	[tilespmem:s17], [sflag:$0x1] =	stream.linear.gather [hbm4b:s0+s24], $0x400, $0x38  }
0x7f: {  	p1 =	por !p1, !p1;
	s1 =	simm.s32 $0x1;
	s0 =	sadd.s32 s20, s16  }
0x80: {  	s1 =	simm.s32 @!p1 $0x0;
	s0 =	sshrl.u32 s0, $0x7  }
0x81: {  	s0 =	ssub.s32 s0, s1  }
0x82: {  	s0 =	sshll.u32 s0, $0xA  }
0x83: {  	s21 =	sld [smem:$0x7BE];
	s0 =	sadd.s32 s2, s0;
	s22 =	spop (v2sf)  }
0x84: {  	s0 =	sshrl.u32 s0, $0x3;
	s23 =	sand.u32 $0x7F, s22;
	s25 =	sshra.s32 s22, $0x1F  }
0x85: {  	(v2sf) =	vpush v3, $0x4;
	p3 =	slt.s32 s22, $0x1;
	s0 =	sadd.s32 s6, s0;
	p4 =	sne.s32 s23, $0x0  }
0x86: {  	[tilespmem:s21], [sflag:$0x1] =	stream.linear.gather [hbm4b:s0+s24], $0x400, $0x38;
	[tilespmem:$0x9398] =	vst v63  }
0x87: {  	s26 =	sshrl.u32 s25, $0x19;
	p1 =	por !p3, !p4  }
0x88: {  	s1 =	simm.s32 $0x1;
	s0 =	sadd.s32 s26, s22;
	p1 =	por !p1, !p1  }
0x89: {  	s0 =	sshrl.u32 s0, $0x7;
	s1 =	simm.s32 @!p1 $0x0  }
0x8a: {  	s0 =	ssub.s32 s0, s1  }
0x8b: {  	s28 =	sld [smem:$0x7BF];
	s29 =	spop (v2sf);
	s0 =	sshll.u32 s0, $0xA  }
0x8c: {  	s30 =	sand.u32 $0x7F, s29;
	s31 =	sshra.s32 s29, $0x1F;
	s0 =	sadd.s32 s2, s0  }
0x8d: {  	(v2sf) =	vpush v3, $0x5;
	p5 =	slt.s32 s29, $0x1;
	p6 =	sne.s32 s30, $0x0;
	s0 =	sshrl.u32 s0, $0x3  }
0x8e: {  	p1 =	por !p5, !p6;
	s1 =	sshrl.u32 s31, $0x19;
	s0 =	sadd.s32 s6, s0  }
0x8f: {  	[tilespmem:s28], [sflag:$0x1] =	stream.linear.gather [hbm4b:s0+s24], $0x400, $0x38;
	[tilespmem:$0x9398] =	vst v63  }
0x90: {  	p1 =	por !p1, !p1;
	s0 =	sadd.s32 s1, s29;
	s1 =	simm.s32 $0x1  }
0x91: {  	s0 =	sshrl.u32 s0, $0x7;
	s1 =	simm.s32 @!p1 $0x0  }
0x92: {  	s0 =	ssub.s32 s0, s1  }
0x93: {  	s0 =	sshll.u32 s0, $0xA  }
0x94: {  	s4 =	sld [smem:$0x7C0];
	s0 =	sadd.s32 s2, s0;
	s5 =	spop (v2sf)  }
0x95: {  	s0 =	sshrl.u32 s0, $0x3;
	s7 =	sand.u32 $0x7F, s5;
	s8 =	sshra.s32 s5, $0x1F  }
0x96: {  	(v2sf) =	vpush v3, $0x6;
	p3 =	slt.s32 s5, $0x1;
	s0 =	sadd.s32 s6, s0;
	p4 =	sne.s32 s7, $0x0  }
0x97: {  	[tilespmem:s4], [sflag:$0x1] =	stream.linear.gather [hbm4b:s0+s24], $0x400, $0x38;
	[tilespmem:$0x9398] =	vst v63  }
0x98: {  	s9 =	sshrl.u32 s8, $0x19;
	p1 =	por !p3, !p4  }
0x99: {  	s1 =	simm.s32 $0x1;
	s0 =	sadd.s32 s9, s5;
	p1 =	por !p1, !p1  }
0x9a: {  	s0 =	sshrl.u32 s0, $0x7;
	s1 =	simm.s32 @!p1 $0x0  }
0x9b: {  	s10 =	sld [smem:$0x7C1];
	s0 =	ssub.s32 s0, s1  }
0x9c: {  	[smem:$0x7AE] =	sst s16;
	s11 =	spop (v2sf);
	s0 =	sshll.u32 s0, $0xA  }
0x9d: {  	s14 =	sand.u32 $0x7F, s11;
	s15 =	sshra.s32 s11, $0x1F;
	s0 =	sadd.s32 s2, s0  }
0x9e: {  	(v2sf) =	vpush v3, $0x7;
	p5 =	slt.s32 s11, $0x1;
	p6 =	sne.s32 s14, $0x0;
	s0 =	sshrl.u32 s0, $0x3  }
0x9f: {  	s16 =	sshrl.u32 s15, $0x19;
	p1 =	por !p5, !p6;
	s0 =	sadd.s32 s6, s0  }
0xa0: {  	[tilespmem:s10], [sflag:$0x1] =	stream.linear.gather [hbm4b:s0+s24], $0x400, $0x38;
	[tilespmem:$0x9398] =	vst v63  }
0xa1: {  	p1 =	por !p1, !p1;
	s1 =	simm.s32 $0x1;
	s0 =	sadd.s32 s16, s11  }
0xa2: {  	s1 =	simm.s32 @!p1 $0x0;
	s0 =	sshrl.u32 s0, $0x7  }
0xa3: {  	s0 =	ssub.s32 s0, s1  }
0xa4: {  	s0 =	sshll.u32 s0, $0xA  }
0xa5: {  	s17 =	sld [smem:$0x7C2];
	s0 =	sadd.s32 s2, s0;
	s18 =	spop (v2sf)  }
0xa6: {  	s0 =	sshrl.u32 s0, $0x3;
	s19 =	sand.u32 $0x7F, s18;
	s20 =	sshra.s32 s18, $0x1F  }
0xa7: {  	(v2sf) =	vpush v3, $0x8;
	p3 =	slt.s32 s18, $0x1;
	s0 =	sadd.s32 s6, s0;
	p4 =	sne.s32 s19, $0x0  }
0xa8: {  	[tilespmem:s17], [sflag:$0x1] =	stream.linear.gather [hbm4b:s0+s24], $0x400, $0x38;
	[tilespmem:$0x9398] =	vst v63  }
0xa9: {  	s21 =	sshrl.u32 s20, $0x19;
	p1 =	por !p3, !p4  }
0xaa: {  	s1 =	simm.s32 $0x1;
	s0 =	sadd.s32 s21, s18;
	p1 =	por !p1, !p1  }
0xab: {  	s0 =	sshrl.u32 s0, $0x7;
	s1 =	simm.s32 @!p1 $0x0  }
0xac: {  	[smem:$0x7AF] =	sst s22;
	s0 =	ssub.s32 s0, s1  }
0xad: {  	s22 =	sld [smem:$0x7C3];
	s25 =	spop (v2sf);
	s0 =	sshll.u32 s0, $0xA  }
0xae: {  	s23 =	sand.u32 $0x7F, s25;
	s26 =	sshra.s32 s25, $0x1F;
	s0 =	sadd.s32 s2, s0  }
0xaf: {  	(v2sf) =	vpush v3, $0x9;
	p5 =	slt.s32 s25, $0x1;
	p6 =	sne.s32 s23, $0x0;
	s0 =	sshrl.u32 s0, $0x3  }
0xb0: {  	s28 =	sshrl.u32 s26, $0x19;
	p1 =	por !p5, !p6;
	s0 =	sadd.s32 s6, s0  }
0xb1: {  	[tilespmem:s22], [sflag:$0x1] =	stream.linear.gather [hbm4b:s0+s24], $0x400, $0x38;
	[tilespmem:$0x9398] =	vst v63  }
0xb2: {  	p1 =	por !p1, !p1;
	s1 =	simm.s32 $0x1;
	s0 =	sadd.s32 s28, s25  }
0xb3: {  	s1 =	simm.s32 @!p1 $0x0;
	s0 =	sshrl.u32 s0, $0x7  }
0xb4: {  	s0 =	ssub.s32 s0, s1  }
0xb5: {  	[smem:$0x7B0] =	sst s29;
	s0 =	sshll.u32 s0, $0xA  }
0xb6: {  	s29 =	sld [smem:$0x7C4];
	s0 =	sadd.s32 s2, s0;
	s26 =	spop (v2sf)  }
0xb7: {  	s0 =	sshrl.u32 s0, $0x3;
	s30 =	sand.u32 $0x7F, s26;
	s31 =	sshra.s32 s26, $0x1F  }
0xb8: {  	(v2sf) =	vpush v3, $0xA;
	p3 =	slt.s32 s26, $0x1;
	s0 =	sadd.s32 s6, s0;
	p4 =	sne.s32 s30, $0x0  }
0xb9: {  	[tilespmem:s29], [sflag:$0x1] =	stream.linear.gather [hbm4b:s0+s24], $0x400, $0x38;
	[tilespmem:$0x9398] =	vst v63  }
0xba: {  	[smem:$0x7B1] =	sst s5;
	s2 =	sshrl.u32 s31, $0x19;
	p1 =	por !p3, !p4  }
0xbb: {  	s1 =	simm.s32 $0x1;
	s0 =	sadd.s32 s2, s26;
	p1 =	por !p1, !p1  }
0xbc: {  	s5 =	sld [smem:$0x7F0];
	s0 =	sshrl.u32 s0, $0x7;
	s1 =	simm.s32 @!p1 $0x0  }
0xbd: {  	s0 =	ssub.s32 s0, s1  }
0xbe: {  	s3 =	simm.s32 $0x2100;
	s28 =	spop (v2sf);
	s0 =	sshll.u32 s0, $0xA  }
0xbf: {  	s4 =	sand.u32 $0x7F, s28;
	s7 =	sshra.s32 s28, $0x1F;
	s0 =	sadd.s32 s5, s0  }
0xc0: {  	(v2sf) =	vpush v3, $0xB;
	p5 =	slt.s32 s28, $0x1;
	p6 =	sne.s32 s4, $0x0;
	s0 =	sshrl.u32 s0, $0x3  }
0xc1: {  	s8 =	sshrl.u32 s7, $0x19;
	p1 =	por !p5, !p6;
	s0 =	sadd.s32 s6, s0  }
0xc2: {  	[tilespmem:s3], [sflag:$0x1] =	stream.linear.gather [hbm4b:s0+s24], $0x400, $0x38;
	[tilespmem:$0x9398] =	vst v63  }
0xc3: {  	p1 =	por !p1, !p1;
	s1 =	simm.s32 $0x1;
	s0 =	sadd.s32 s8, s28  }
0xc4: {  	s1 =	simm.s32 @!p1 $0x0;
	s0 =	sshrl.u32 s0, $0x7  }
0xc5: {  	s0 =	ssub.s32 s0, s1  }
0xc6: {  	[smem:$0x7B2] =	sst s11;
	s0 =	sshll.u32 s0, $0xA  }
0xc7: {  	s9 =	sld [smem:$0x7C5];
	s0 =	sadd.s32 s5, s0;
	s29 =	spop (v2sf)  }
0xc8: {  	s0 =	sshrl.u32 s0, $0x3;
	s10 =	sand.u32 $0x7F, s29;
	s11 =	sshra.s32 s29, $0x1F  }
0xc9: {  	(v2sf) =	vpush v3, $0xC;
	p3 =	slt.s32 s29, $0x1;
	s0 =	sadd.s32 s6, s0;
	p4 =	sne.s32 s10, $0x0  }
0xca: {  	[tilespmem:s9], [sflag:$0x1] =	stream.linear.gather [hbm4b:s0+s24], $0x400, $0x38;
	[tilespmem:$0x9398] =	vst v63  }
0xcb: {  	s14 =	sshrl.u32 s11, $0x19;
	p1 =	por !p3, !p4  }
0xcc: {  	s1 =	simm.s32 $0x1;
	s0 =	sadd.s32 s14, s29;
	p1 =	por !p1, !p1  }
0xcd: {  	s0 =	sshrl.u32 s0, $0x7;
	s1 =	simm.s32 @!p1 $0x0  }
0xce: {  	s15 =	sld [smem:$0x7C6];
	s0 =	ssub.s32 s0, s1  }
0xcf: {  	[smem:$0x7B3] =	sst s18;
	s30 =	spop (v2sf);
	s0 =	sshll.u32 s0, $0xA  }
0xd0: {  	s16 =	sand.u32 $0x7F, s30;
	s17 =	sshra.s32 s30, $0x1F;
	s0 =	sadd.s32 s5, s0  }
0xd1: {  	(v2sf) =	vpush v3, $0xD;
	p5 =	slt.s32 s30, $0x1;
	p6 =	sne.s32 s16, $0x0;
	s0 =	sshrl.u32 s0, $0x3  }
0xd2: {  	s18 =	sshrl.u32 s17, $0x19;
	p1 =	por !p5, !p6;
	s0 =	sadd.s32 s6, s0  }
0xd3: {  	[tilespmem:s15], [sflag:$0x1] =	stream.linear.gather [hbm4b:s0+s24], $0x400, $0x38;
	[tilespmem:$0x9398] =	vst v63  }
0xd4: {  	p1 =	por !p1, !p1;
	s1 =	simm.s32 $0x1;
	s0 =	sadd.s32 s18, s30  }
0xd5: {  	s1 =	simm.s32 @!p1 $0x0;
	s0 =	sshrl.u32 s0, $0x7  }
0xd6: {  	s0 =	ssub.s32 s0, s1  }
0xd7: {  	s0 =	sshll.u32 s0, $0xA  }
0xd8: {  	s19 =	sld [smem:$0x7C7];
	s0 =	sadd.s32 s5, s0;
	s31 =	spop (v2sf)  }
0xd9: {  	s0 =	sshrl.u32 s0, $0x3;
	s20 =	sand.u32 $0x7F, s31;
	s21 =	sshra.s32 s31, $0x1F  }
0xda: {  	p3 =	slt.s32 s31, $0x1;
	s0 =	sadd.s32 s6, s0;
	p4 =	sne.s32 s20, $0x0  }
0xdb: {  	(v2sf) =	vpush v3, $0xE;
	[tilespmem:s19], [sflag:$0x1] =	stream.linear.gather [hbm4b:s0+s24], $0x400, $0x38;
	[tilespmem:$0x9398] =	vst v63  }
0xdc: {  	s22 =	sshrl.u32 s21, $0x19;
	p1 =	por !p3, !p4  }
0xdd: {  	s1 =	simm.s32 $0x1;
	s0 =	sadd.s32 s22, s31;
	p1 =	por !p1, !p1  }
0xde: {  	s0 =	sshrl.u32 s0, $0x7;
	s1 =	simm.s32 @!p1 $0x0  }
0xdf: {  	s0 =	ssub.s32 s0, s1  }
0xe0: {  	s23 =	sld [smem:$0x7C8];
	s2 =	spop (v2sf);
	s0 =	sshll.u32 s0, $0xA  }
0xe1: {  	s3 =	sand.u32 $0x7F, s2;
	s4 =	sshra.s32 s2, $0x1F;
	s0 =	sadd.s32 s5, s0  }
0xe2: {  	p5 =	slt.s32 s2, $0x1;
	p6 =	sne.s32 s3, $0x0;
	s0 =	sshrl.u32 s0, $0x3  }
0xe3: {  	s7 =	sshrl.u32 s4, $0x19;
	p1 =	por !p5, !p6;
	s0 =	sadd.s32 s6, s0  }
0xe4: {  	[tilespmem:s23], [sflag:$0x1] =	stream.linear.gather [hbm4b:s0+s24], $0x400, $0x38;
	[tilespmem:$0x9398] =	vst v63  }
0xe5: {  	(v2sf) =	vpush v3, $0xF;
	p1 =	por !p1, !p1;
	s1 =	simm.s32 $0x1;
	s0 =	sadd.s32 s7, s2  }
0xe6: {  	s1 =	simm.s32 @!p1 $0x0;
	s0 =	sshrl.u32 s0, $0x7  }
0xe7: {  	s0 =	ssub.s32 s0, s1  }
0xe8: {  	s0 =	sshll.u32 s0, $0xA  }
0xe9: {  	s8 =	sld [smem:$0x7C9];
	s0 =	sadd.s32 s5, s0  }
0xea: {  	s9 =	sshrl.u32 s0, $0x3;
	s0 =	spop (v2sf)  }
0xeb: {  	s3 =	sadd.s32 s6, s9;
	s10 =	sand.u32 $0x7F, s0  }
0xec: {  	[tilespmem:s8], [sflag:$0x1] =	stream.linear.gather [hbm4b:s3+s24], $0x400, $0x38;
	[tilespmem:$0x9398] =	vst v63  }
0xed: {  	(v2sf) =	vpush v2, $0x0;
	s11 =	sshra.s32 s0, $0x1F;
	p3 =	slt.s32 s0, $0x1;
	p4 =	sne.s32 s10, $0x0  }
0xee: {  	s14 =	sshrl.u32 s11, $0x19;
	p1 =	por !p3, !p4  }
0xef: {  	s3 =	simm.s32 $0x1;
	s1 =	sadd.s32 s14, s0;
	p1 =	por !p1, !p1  }
0xf0: {  	s1 =	sshrl.u32 s1, $0x7;
	s3 =	simm.s32 @!p1 $0x0  }
0xf1: {  	s1 =	ssub.s32 s1, s3  }
0xf2: {  	s1 =	sshll.u32 s1, $0xA  }
0xf3: {  	s15 =	sld [smem:$0x7CA];
	s1 =	sadd.s32 s5, s1  }
0xf4: {  	s4 =	sshrl.u32 s1, $0x3;
	s1 =	spop (v2sf)  }
0xf5: {  	s4 =	sadd.s32 s6, s4;
	s16 =	sand.u32 $0x7F, s1  }
0xf6: {  	(v2sf) =	vpush v2, $0x1;
	[tilespmem:s15], [sflag:$0x1] =	stream.linear.gather [hbm4b:s4+s24], $0x400, $0x38;
	[tilespmem:$0x9398] =	vst v63  }
0xf7: {  	s17 =	sshra.s32 s1, $0x1F;
	p5 =	slt.s32 s1, $0x1;
	p6 =	sne.s32 s16, $0x0  }
0xf8: {  	s18 =	sshrl.u32 s17, $0x19;
	p1 =	por !p5, !p6  }
0xf9: {  	s4 =	simm.s32 $0x1;
	s3 =	sadd.s32 s18, s1;
	p1 =	por !p1, !p1  }
0xfa: {  	s3 =	sshrl.u32 s3, $0x7;
	s4 =	simm.s32 @!p1 $0x0  }
0xfb: {  	s3 =	ssub.s32 s3, s4  }
0xfc: {  	s19 =	sld [smem:$0x7CB];
	s14 =	spop (v2sf);
	s3 =	sshll.u32 s3, $0xA  }
0xfd: {  	s20 =	sand.u32 $0x7F, s14;
	s21 =	sshra.s32 s14, $0x1F;
	s3 =	sadd.s32 s5, s3  }
0xfe: {  	(v2sf) =	vpush v2, $0x2;
	p3 =	slt.s32 s14, $0x1;
	p4 =	sne.s32 s20, $0x0;
	s3 =	sshrl.u32 s3, $0x3  }
0xff: {  	s22 =	sshrl.u32 s21, $0x19;
	p1 =	por !p3, !p4;
	s3 =	sadd.s32 s6, s3  }
0x100: {  	[tilespmem:s19], [sflag:$0x1] =	stream.linear.gather [hbm4b:s3+s24], $0x400, $0x38;
	[tilespmem:$0x9398] =	vst v63  }
0x101: {  	s4 =	simm.s32 $0x1;
	p1 =	por !p1, !p1;
	s3 =	sadd.s32 s22, s14  }
0x102: {  	s9 =	sld [smem:$0x7F2];
	s4 =	simm.s32 @!p1 $0x0;
	s3 =	sshrl.u32 s3, $0x7  }
0x103: {  	s3 =	ssub.s32 s3, s4  }
0x104: {  	s3 =	sshll.u32 s3, $0xA  }
0x105: {  	s23 =	simm.s32 $0x4100;
	s3 =	sadd.s32 s9, s3;
	s15 =	spop (v2sf)  }
0x106: {  	s3 =	sshrl.u32 s3, $0x3;
	s4 =	sand.u32 $0x7F, s15;
	s5 =	sshra.s32 s15, $0x1F  }
0x107: {  	(v2sf) =	vpush v2, $0x3;
	p5 =	slt.s32 s15, $0x1;
	s3 =	sadd.s32 s6, s3;
	p6 =	sne.s32 s4, $0x0  }
0x108: {  	[tilespmem:s23], [sflag:$0x1] =	stream.linear.gather [hbm4b:s3+s24], $0x400, $0x38;
	[tilespmem:$0x9398] =	vst v63  }
0x109: {  	s7 =	sshrl.u32 s5, $0x19;
	p1 =	por !p5, !p6  }
0x10a: {  	s4 =	simm.s32 $0x1;
	s3 =	sadd.s32 s7, s15;
	p1 =	por !p1, !p1  }
0x10b: {  	s3 =	sshrl.u32 s3, $0x7;
	s4 =	simm.s32 @!p1 $0x0  }
0x10c: {  	s3 =	ssub.s32 s3, s4  }
0x10d: {  	s8 =	sld [smem:$0x7CC];
	s16 =	spop (v2sf);
	s3 =	sshll.u32 s3, $0xA  }
0x10e: {  	s10 =	sand.u32 $0x7F, s16;
	s11 =	sshra.s32 s16, $0x1F;
	s3 =	sadd.s32 s9, s3  }
0x10f: {  	p3 =	slt.s32 s16, $0x1;
	p4 =	sne.s32 s10, $0x0;
	s3 =	sshrl.u32 s3, $0x3  }
0x110: {  	s17 =	sshrl.u32 s11, $0x19;
	p1 =	por !p3, !p4;
	s3 =	sadd.s32 s6, s3  }
0x111: {  	[tilespmem:s8], [sflag:$0x1] =	stream.linear.gather [hbm4b:s3+s24], $0x400, $0x38;
	[tilespmem:$0x9398] =	vst v63  }
0x112: {  	s4 =	simm.s32 $0x1;
	(v2sf) =	vpush v2, $0x4;
	p1 =	por !p1, !p1;
	s3 =	sadd.s32 s17, s16  }
0x113: {  	s4 =	simm.s32 @!p1 $0x0;
	s3 =	sshrl.u32 s3, $0x7  }
0x114: {  	s3 =	ssub.s32 s3, s4  }
0x115: {  	s3 =	sshll.u32 s3, $0xA  }
0x116: {  	s18 =	sld [smem:$0x7CD];
	s3 =	sadd.s32 s9, s3;
	s17 =	spop (v2sf)  }
0x117: {  	s3 =	sshrl.u32 s3, $0x3;
	s19 =	sand.u32 $0x7F, s17;
	s20 =	sshra.s32 s17, $0x1F  }
0x118: {  	p5 =	slt.s32 s17, $0x1;
	s3 =	sadd.s32 s6, s3;
	p6 =	sne.s32 s19, $0x0  }
0x119: {  	[tilespmem:s18], [sflag:$0x1] =	stream.linear.gather [hbm4b:s3+s24], $0x400, $0x38;
	[tilespmem:$0x9398] =	vst v63  }
0x11a: {  	(v2sf) =	vpush v2, $0x5;
	s21 =	sshrl.u32 s20, $0x19;
	p1 =	por !p5, !p6  }
0x11b: {  	s4 =	simm.s32 $0x1;
	s3 =	sadd.s32 s21, s17;
	p1 =	por !p1, !p1  }
0x11c: {  	s3 =	sshrl.u32 s3, $0x7;
	s4 =	simm.s32 @!p1 $0x0  }
0x11d: {  	s3 =	ssub.s32 s3, s4  }
0x11e: {  	s3 =	sshll.u32 s3, $0xA  }
0x11f: {  	s22 =	sld [smem:$0x7CE];
	s3 =	sadd.s32 s9, s3  }
0x120: {  	s23 =	sshrl.u32 s3, $0x3  }
0x121: {  	s3 =	spop (v2sf);
	s5 =	sadd.s32 s6, s23  }
0x122: {  	(v2sf) =	vpush v2, $0x6;
	[tilespmem:s22], [sflag:$0x1] =	stream.linear.gather [hbm4b:s5+s24], $0x400, $0x38;
	[tilespmem:$0x9398] =	vst v63  }
0x123: {  	s5 =	sand.u32 $0x7F, s3  }
0x124: {  	s7 =	sshra.s32 s3, $0x1F;
	p3 =	slt.s32 s3, $0x1;
	p4 =	sne.s32 s5, $0x0  }
0x125: {  	s8 =	sshrl.u32 s7, $0x19;
	p1 =	por !p3, !p4  }
0x126: {  	s4 =	sadd.s32 s8, s3;
	s5 =	simm.s32 $0x1;
	p1 =	por !p1, !p1  }
0x127: {  	s4 =	sshrl.u32 s4, $0x7;
	s5 =	simm.s32 @!p1 $0x0  }
0x128: {  	s4 =	ssub.s32 s4, s5  }
0x129: {  	s7 =	sld [smem:$0x7CF];
	s5 =	spop (v2sf);
	s4 =	sshll.u32 s4, $0xA  }
0x12a: {  	(v2sf) =	vpush v2, $0x7;
	s10 =	sand.u32 $0x7F, s5;
	s11 =	sshra.s32 s5, $0x1F;
	s4 =	sadd.s32 s9, s4  }
0x12b: {  	p5 =	slt.s32 s5, $0x1;
	p6 =	sne.s32 s10, $0x0;
	s4 =	sshrl.u32 s4, $0x3  }
0x12c: {  	s18 =	sshrl.u32 s11, $0x19;
	p1 =	por !p5, !p6;
	s4 =	sadd.s32 s6, s4  }
0x12d: {  	[tilespmem:s7], [sflag:$0x1] =	stream.linear.gather [hbm4b:s4+s24], $0x400, $0x38;
	[tilespmem:$0x9398] =	vst v63  }
0x12e: {  	p1 =	por !p1, !p1;
	s4 =	sadd.s32 s18, s5;
	s7 =	simm.s32 $0x1  }
0x12f: {  	s4 =	sshrl.u32 s4, $0x7;
	s7 =	simm.s32 @!p1 $0x0  }
0x130: {  	s4 =	ssub.s32 s4, s7  }
0x131: {  	s19 =	sld [smem:$0x7D0];
	s4 =	sshll.u32 s4, $0xA;
	s11 =	spop (v2sf)  }
0x132: {  	s4 =	sadd.s32 s9, s4;
	s20 =	sand.u32 $0x7F, s11;
	s21 =	sshra.s32 s11, $0x1F  }
0x133: {  	(v2sf) =	vpush v2, $0x8;
	p3 =	slt.s32 s11, $0x1;
	s4 =	sshrl.u32 s4, $0x3;
	p4 =	sne.s32 s20, $0x0  }
0x134: {  	s22 =	sshrl.u32 s21, $0x19;
	s4 =	sadd.s32 s6, s4;
	p1 =	por !p3, !p4  }
0x135: {  	[tilespmem:s19], [sflag:$0x1] =	stream.linear.gather [hbm4b:s4+s24], $0x400, $0x38;
	[tilespmem:$0x9398] =	vst v63  }
0x136: {  	s7 =	simm.s32 $0x1;
	s4 =	sadd.s32 s22, s11;
	p1 =	por !p1, !p1  }
0x137: {  	s4 =	sshrl.u32 s4, $0x7;
	s7 =	simm.s32 @!p1 $0x0  }
0x138: {  	s4 =	ssub.s32 s4, s7  }
0x139: {  	s23 =	sld [smem:$0x7D1];
	s4 =	sshll.u32 s4, $0xA;
	s8 =	spop (v2sf)  }
0x13a: {  	s4 =	sadd.s32 s9, s4;
	s7 =	sand.u32 $0x7F, s8;
	s10 =	sshra.s32 s8, $0x1F  }
0x13b: {  	p5 =	slt.s32 s8, $0x1;
	s4 =	sshrl.u32 s4, $0x3;
	p6 =	sne.s32 s7, $0x0  }
0x13c: {  	(v2sf) =	vpush v2, $0x9;
	s18 =	sshrl.u32 s10, $0x19;
	s4 =	sadd.s32 s6, s4;
	p1 =	por !p5, !p6  }
0x13d: {  	[tilespmem:s23], [sflag:$0x1] =	stream.linear.gather [hbm4b:s4+s24], $0x400, $0x38;
	[tilespmem:$0x9398] =	vst v63  }
0x13e: {  	s7 =	simm.s32 $0x1;
	s4 =	sadd.s32 s18, s8;
	p1 =	por !p1, !p1  }
0x13f: {  	s4 =	sshrl.u32 s4, $0x7;
	s7 =	simm.s32 @!p1 $0x0  }
0x140: {  	s4 =	ssub.s32 s4, s7  }
0x141: {  	s4 =	sshll.u32 s4, $0xA  }
0x142: {  	s19 =	sld [smem:$0x7D2];
	s4 =	sadd.s32 s9, s4;
	s9 =	spop (v2sf)  }
0x143: {  	s4 =	sshrl.u32 s4, $0x3;
	s20 =	sand.u32 $0x7F, s9;
	s21 =	sshra.s32 s9, $0x1F  }
0x144: {  	p4 =	slt.s32 s9, $0x1;
	s4 =	sadd.s32 s6, s4;
	p3 =	sne.s32 s20, $0x0  }
0x145: {  	(v2sf) =	vpush v2, $0xA;
	[tilespmem:s19], [sflag:$0x1] =	stream.linear.gather [hbm4b:s4+s24], $0x400, $0x38;
	[tilespmem:$0x9398] =	vst v63  }
0x146: {  	s4 =	sshrl.u32 s21, $0x19;
	p1 =	por !p4, !p3  }
0x147: {  	s7 =	simm.s32 $0x1;
	s4 =	sadd.s32 s4, s9;
	p1 =	por !p1, !p1  }
0x148: {  	s23 =	sld [smem:$0x7F5];
	s4 =	sshrl.u32 s4, $0x7;
	s7 =	simm.s32 @!p1 $0x0  }
0x149: {  	s4 =	ssub.s32 s4, s7  }
0x14a: {  	s4 =	sshll.u32 s4, $0xA  }
0x14b: {  	s22 =	simm.s32 $0x6100;
	s10 =	spop (v2sf);
	s4 =	sadd.s32 s23, s4  }
0x14c: {  	s7 =	sand.u32 $0x7F, s10;
	p6 =	slt.s32 s10, $0x1;
	s4 =	sshrl.u32 s4, $0x3  }
0x14d: {  	s18 =	sshra.s32 s10, $0x1F;
	p5 =	sne.s32 s7, $0x0;
	s4 =	sadd.s32 s6, s4  }
0x14e: {  	[tilespmem:s22], [sflag:$0x1] =	stream.linear.gather [hbm4b:s4+s24], $0x400, $0x38;
	[tilespmem:$0x9398] =	vst v63  }
0x14f: {  	p1 =	por !p6, !p5;
	s4 =	sshrl.u32 s18, $0x19  }
0x150: {  	s7 =	simm.s32 $0x1;
	p1 =	por !p1, !p1;
	s4 =	sadd.s32 s4, s10  }
0x151: {  	s7 =	simm.s32 @!p1 $0x0;
	s4 =	sshrl.u32 s4, $0x7  }
0x152: {  	(v2sf) =	vpush v2, $0xB;
	s4 =	ssub.s32 s4, s7  }
0x153: {  	s4 =	sshll.u32 s4, $0xA  }
0x154: {  	s19 =	sld [smem:$0x7D3];
	s7 =	spop (v2sf);
	s4 =	sadd.s32 s23, s4  }
0x155: {  	s20 =	sand.u32 $0x7F, s7;
	p4 =	slt.s32 s7, $0x1;
	s4 =	sshrl.u32 s4, $0x3  }
0x156: {  	s21 =	sshra.s32 s7, $0x1F;
	p3 =	sne.s32 s20, $0x0;
	s4 =	sadd.s32 s6, s4  }
0x157: {  	[tilespmem:s19], [sflag:$0x1] =	stream.linear.gather [hbm4b:s4+s24], $0x400, $0x38;
	[tilespmem:$0x9398] =	vst v63  }
0x158: {  	p1 =	por !p4, !p3;
	s4 =	sshrl.u32 s21, $0x19  }
0x159: {  	s18 =	simm.s32 $0x1;
	p1 =	por !p1, !p1;
	s4 =	sadd.s32 s4, s7  }
0x15a: {  	s18 =	simm.s32 @!p1 $0x0;
	s4 =	sshrl.u32 s4, $0x7  }
0x15b: {  	s4 =	ssub.s32 s4, s18  }
0x15c: {  	s4 =	sshll.u32 s4, $0xA  }
0x15d: {  	s22 =	sld [smem:$0x7D4];
	s4 =	sadd.s32 s23, s4  }
0x15e: {  	(v2sf) =	vpush v2, $0xC;
	s4 =	sshrl.u32 s4, $0x3  }
0x15f: {  	s4 =	sadd.s32 s6, s4  }
0x160: {  	[tilespmem:s22], [sflag:$0x1] =	stream.linear.gather [hbm4b:s4+s24], $0x400, $0x38;
	[tilespmem:$0x9398] =	vst v63  }
0x161: {  	s4 =	spop (v2sf)  }
0x162: {  	s19 =	sand.u32 $0x7F, s4  }
0x163: {  	p6 =	slt.s32 s4, $0x1;
	s20 =	sshra.s32 s4, $0x1F;
	p5 =	sne.s32 s19, $0x0  }
0x164: {  	s18 =	sshrl.u32 s20, $0x19;
	p1 =	por !p6, !p5  }
0x165: {  	s19 =	simm.s32 $0x1;
	s18 =	sadd.s32 s18, s4;
	p1 =	por !p1, !p1  }
0x166: {  	s18 =	sshrl.u32 s18, $0x7;
	s19 =	simm.s32 @!p1 $0x0  }
0x167: {  	s18 =	ssub.s32 s18, s19  }
0x168: {  	s18 =	sshll.u32 s18, $0xA  }
0x169: {  	s21 =	sld [smem:$0x7D5];
	s18 =	sadd.s32 s23, s18  }
0x16a: {  	(v2sf) =	vpush v2, $0xD;
	s18 =	sshrl.u32 s18, $0x3  }
0x16b: {  	s18 =	sadd.s32 s6, s18  }
0x16c: {  	[tilespmem:s21], [sflag:$0x1] =	stream.linear.gather [hbm4b:s18+s24], $0x400, $0x38;
	[tilespmem:$0x9398] =	vst v63  }
0x16d: {  	s18 =	spop (v2sf)  }
0x16e: {  	s22 =	sand.u32 $0x7F, s18  }
0x16f: {  	p4 =	slt.s32 s18, $0x1;
	s20 =	sshra.s32 s18, $0x1F;
	p3 =	sne.s32 s22, $0x0  }
0x170: {  	s19 =	sshrl.u32 s20, $0x19;
	p1 =	por !p4, !p3  }
0x171: {  	s20 =	simm.s32 $0x1;
	s19 =	sadd.s32 s19, s18;
	p1 =	por !p1, !p1  }
0x172: {  	s19 =	sshrl.u32 s19, $0x7;
	s20 =	simm.s32 @!p1 $0x0  }
0x173: {  	s19 =	ssub.s32 s19, s20  }
0x174: {  	s19 =	sshll.u32 s19, $0xA  }
0x175: {  	s21 =	sld [smem:$0x7D6];
	s19 =	sadd.s32 s23, s19  }
0x176: {  	(v2sf) =	vpush v2, $0xE;
	s19 =	sshrl.u32 s19, $0x3  }
0x177: {  	s19 =	sadd.s32 s6, s19  }
0x178: {  	[tilespmem:s21], [sflag:$0x1] =	stream.linear.gather [hbm4b:s19+s24], $0x400, $0x38;
	[tilespmem:$0x9398] =	vst v63  }
0x179: {  	s19 =	spop (v2sf)  }
0x17a: {  	s22 =	sand.u32 $0x7F, s19  }
0x17b: {  	p6 =	slt.s32 s19, $0x1;
	s21 =	sshra.s32 s19, $0x1F;
	p5 =	sne.s32 s22, $0x0  }
0x17c: {  	s20 =	sshrl.u32 s21, $0x19;
	p1 =	por !p6, !p5  }
0x17d: {  	s21 =	simm.s32 $0x1;
	s20 =	sadd.s32 s20, s19;
	p1 =	por !p1, !p1  }
0x17e: {  	s20 =	sshrl.u32 s20, $0x7;
	s21 =	simm.s32 @!p1 $0x0  }
0x17f: {  	s20 =	ssub.s32 s20, s21  }
0x180: {  	s20 =	sshll.u32 s20, $0xA  }
0x181: {  	s22 =	sld [smem:$0x7D7];
	s20 =	sadd.s32 s23, s20  }
0x182: {  	s20 =	sshrl.u32 s20, $0x3  }
0x183: {  	s20 =	sadd.s32 s6, s20  }
0x184: {  	[tilespmem:s22], [sflag:$0x1] =	stream.linear.gather [hbm4b:s20+s24], $0x400, $0x38;
	[tilespmem:$0x9398] =	vst v63  }
0x185: {  	s20 =	spop (v2sf)  }
0x186: {  	s22 =	sand.u32 $0x7F, s20  }
0x187: {  	p4 =	slt.s32 s20, $0x1;
	p3 =	sne.s32 s22, $0x0;
	s22 =	sshra.s32 s20, $0x1F  }
0x188: {  	s21 =	sshrl.u32 s22, $0x19;
	p1 =	por !p4, !p3  }
0x189: {  	s22 =	simm.s32 $0x1;
	s21 =	sadd.s32 s21, s20;
	p1 =	por !p1, !p1  }
0x18a: {  	s21 =	sshrl.u32 s21, $0x7;
	s22 =	simm.s32 @!p1 $0x0  }
0x18b: {  	s21 =	ssub.s32 s21, s22  }
0x18c: {  	s21 =	sshll.u32 s21, $0xA  }
0x18d: {  	s22 =	sld [smem:$0x7D8];
	s21 =	sadd.s32 s23, s21  }
0x18e: {  	s21 =	sshrl.u32 s21, $0x3  }
0x18f: {  	s21 =	sadd.s32 s6, s21  }
0x190: {  	[tilespmem:s22], [sflag:$0x1] =	stream.linear.gather [hbm4b:s21+s24], $0x400, $0x38;
	[tilespmem:$0x9398] =	vst v63  }
0x191: {  	s22 =	sld [smem:$0x7AD];
	_ =	sdelay $0x2  }
0x192: {  	[smem:$0x0] =	sst s22  }
0x193: {  	s22 =	sld [smem:$0x7AE];
	_ =	sdelay $0x2  }
0x194: {  	[smem:$0x1] =	sst s22  }
0x195: {  	s22 =	sld [smem:$0x7AF];
	_ =	sdelay $0x2  }
0x196: {  	[smem:$0x2] =	sst s22  }
0x197: {  	s22 =	sld [smem:$0x7B0];
	_ =	sdelay $0x2  }
0x198: {  	[smem:$0x3] =	sst s22  }
0x199: {  	s22 =	sld [smem:$0x7B1];
	_ =	sdelay $0x2  }
0x19a: {  	[smem:$0x4] =	sst s22  }
0x19b: {  	s22 =	sld [smem:$0x7B2];
	_ =	sdelay $0x2  }
0x19c: {  	[smem:$0x5] =	sst s22  }
0x19d: {  	s22 =	sld [smem:$0x7B3]  }
0x19e: {  	(v2sf) =	vpush v2, $0xF;
	_ =	sdelay $0x1  }
0x19f: {  	[smem:$0x6] =	sst s22  }
0x1a0: {  	[smem:$0x7] =	sst s25  }
0x1a1: {  	[smem:$0x8] =	sst s26  }
0x1a2: {  	[smem:$0x9] =	sst s28  }
0x1a3: {  	[smem:$0xA] =	sst s29  }
0x1a4: {  	[smem:$0xB] =	sst s30  }
0x1a5: {  	[smem:$0xC] =	sst s31  }
0x1a6: {  	[smem:$0xD] =	sst s2  }
0x1a7: {  	[smem:$0xE] =	sst s0  }
0x1a8: {  	[smem:$0xF] =	sst s1  }
0x1a9: {  	[smem:$0x10] =	sst s14  }
0x1aa: {  	[smem:$0x11] =	sst s15  }
0x1ab: {  	[smem:$0x12] =	sst s16  }
0x1ac: {  	s31 =	spop (v2sf);
	[smem:$0x13] =	sst s17  }
0x1ad: {  	s2 =	sand.u32 $0x7F, s31;
	[smem:$0x14] =	sst s3  }
0x1ae: {  	p6 =	slt.s32 s31, $0x1;
	p5 =	sne.s32 s2, $0x0;
	[smem:$0x15] =	sst s5  }
0x1af: {  	s2 =	simm.s32 $0x1;
	s3 =	sshra.s32 s31, $0x1F;
	s5 =	sld [smem:$0x7D9]  }
0x1b0: {  	p1 =	por !p6, !p5;
	s1 =	sshrl.u32 s3, $0x19;
	[smem:$0x16] =	sst s11  }
0x1b1: {  	p1 =	por !p1, !p1;
	s1 =	sadd.s32 s1, s31;
	[smem:$0x17] =	sst s8  }
0x1b2: {  	s2 =	simm.s32 @!p1 $0x0;
	s1 =	sshrl.u32 s1, $0x7;
	[smem:$0x18] =	sst s9  }
0x1b3: {  	s1 =	ssub.s32 s1, s2;
	[smem:$0x19] =	sst s10  }
0x1b4: {  	s1 =	sshll.u32 s1, $0xA;
	[smem:$0x1A] =	sst s7  }
0x1b5: {  	s1 =	sadd.s32 s23, s1;
	[smem:$0x1B] =	sst s4  }
0x1b6: {  	s1 =	sshrl.u32 s1, $0x3;
	[smem:$0x1C] =	sst s18  }
0x1b7: {  	s7 =	sadd.s32 s6, s1;
	[smem:$0x1D] =	sst s19  }
0x1b8: {  	[tilespmem:s5], [sflag:$0x1] =	stream.linear.gather [hbm4b:s7+s24], $0x400, $0x38;
	[tilespmem:$0x9398] =	vst v63  }
0x1b9: {  	[smem:$0x1E] =	sst s20  }
0x1ba: {  	[smem:$0x1F] =	sst s31  }
0x1bb: {  	_ =	swait.ge [sflag:s13], $0x400  }
0x1bc: {  	[sflag:s13] =	ssyncset.done $0x0  }
0x1bd: {  	[sflag:s13] =	ssyncadd.s32 $0xFFFFFC00  }
0x1be: {  	_ =	swait.ge [sflag:s13], $0x400  }
0x1bf: {  	[sflag:s13] =	ssyncset.done $0x0  }
0x1c0: {  	[sflag:s13] =	ssyncadd.s32 $0xFFFFFC00  }
0x1c1: {  	_ =	swait.ge [sflag:s13], $0x400  }
0x1c2: {  	[sflag:s13] =	ssyncset.done $0x0  }
0x1c3: {  	[sflag:s13] =	ssyncadd.s32 $0xFFFFFC00  }
0x1c4: {  	_ =	swait.ge [sflag:s13], $0x400  }
0x1c5: {  	[sflag:s13] =	ssyncset.done $0x0  }
0x1c6: {  	[sflag:s13] =	ssyncadd.s32 $0xFFFFFC00  }
0x1c7: {  	_ =	swait.ge [sflag:s13], $0x400  }
0x1c8: {  	[sflag:s13] =	ssyncset.done $0x0  }
0x1c9: {  	[sflag:s13] =	ssyncadd.s32 $0xFFFFFC00  }
0x1ca: {  	_ =	swait.ge [sflag:s13], $0x400  }
0x1cb: {  	[sflag:s13] =	ssyncset.done $0x0  }
0x1cc: {  	[sflag:s13] =	ssyncadd.s32 $0xFFFFFC00  }
0x1cd: {  	_ =	swait.ge [sflag:s13], $0x400  }
0x1ce: {  	[sflag:s13] =	ssyncset.done $0x0  }
0x1cf: {  	[sflag:s13] =	ssyncadd.s32 $0xFFFFFC00  }
0x1d0: {  	_ =	swait.ge [sflag:s13], $0x400  }
0x1d1: {  	[sflag:s13] =	ssyncset.done $0x0  }
0x1d2: {  	[sflag:s13] =	ssyncadd.s32 $0xFFFFFC00  }
0x1d3: {  	_ =	swait.ge [sflag:s13], $0x400  }
0x1d4: {  	[sflag:s13] =	ssyncset.done $0x0  }
0x1d5: {  	[sflag:s13] =	ssyncadd.s32 $0xFFFFFC00  }
0x1d6: {  	_ =	swait.ge [sflag:s13], $0x400  }
0x1d7: {  	[sflag:s13] =	ssyncset.done $0x0  }
0x1d8: {  	[sflag:s13] =	ssyncadd.s32 $0xFFFFFC00  }
0x1d9: {  	_ =	swait.ge [sflag:s13], $0x400  }
0x1da: {  	[sflag:s13] =	ssyncset.done $0x0  }
0x1db: {  	[sflag:s13] =	ssyncadd.s32 $0xFFFFFC00  }
0x1dc: {  	_ =	swait.ge [sflag:s13], $0x400  }
0x1dd: {  	[sflag:s13] =	ssyncset.done $0x0  }
0x1de: {  	[sflag:s13] =	ssyncadd.s32 $0xFFFFFC00  }
0x1df: {  	_ =	swait.ge [sflag:s13], $0x400  }
0x1e0: {  	[sflag:s13] =	ssyncset.done $0x0  }
0x1e1: {  	[sflag:s13] =	ssyncadd.s32 $0xFFFFFC00  }
0x1e2: {  	_ =	swait.ge [sflag:s13], $0x400  }
0x1e3: {  	[sflag:s13] =	ssyncset.done $0x0  }
0x1e4: {  	[sflag:s13] =	ssyncadd.s32 $0xFFFFFC00  }
0x1e5: {  	_ =	swait.ge [sflag:s13], $0x400  }
0x1e6: {  	[sflag:s13] =	ssyncset.done $0x0  }
0x1e7: {  	[sflag:s13] =	ssyncadd.s32 $0xFFFFFC00  }
0x1e8: {  	_ =	swait.ge [sflag:s13], $0x400  }
0x1e9: {  	[sflag:s13] =	ssyncset.done $0x0  }
0x1ea: {  	[sflag:s13] =	ssyncadd.s32 $0xFFFFFC00  }
0x1eb: {  	_ =	swait.ge [sflag:s13], $0x400  }
0x1ec: {  	[sflag:s13] =	ssyncset.done $0x0  }
0x1ed: {  	[sflag:s13] =	ssyncadd.s32 $0xFFFFFC00  }
0x1ee: {  	_ =	swait.ge [sflag:s13], $0x400  }
0x1ef: {  	[sflag:s13] =	ssyncset.done $0x0  }
0x1f0: {  	[sflag:s13] =	ssyncadd.s32 $0xFFFFFC00  }
0x1f1: {  	_ =	swait.ge [sflag:s13], $0x400  }
0x1f2: {  	[sflag:s13] =	ssyncset.done $0x0  }
0x1f3: {  	[sflag:s13] =	ssyncadd.s32 $0xFFFFFC00  }
0x1f4: {  	_ =	swait.ge [sflag:s13], $0x400  }
0x1f5: {  	[sflag:s13] =	ssyncset.done $0x0  }
0x1f6: {  	[sflag:s13] =	ssyncadd.s32 $0xFFFFFC00  }
0x1f7: {  	_ =	swait.ge [sflag:s13], $0x400  }
0x1f8: {  	[sflag:s13] =	ssyncset.done $0x0  }
0x1f9: {  	[sflag:s13] =	ssyncadd.s32 $0xFFFFFC00  }
0x1fa: {  	_ =	swait.ge [sflag:s13], $0x400  }
0x1fb: {  	[sflag:s13] =	ssyncset.done $0x0  }
0x1fc: {  	[sflag:s13] =	ssyncadd.s32 $0xFFFFFC00  }
0x1fd: {  	_ =	swait.ge [sflag:s13], $0x400  }
0x1fe: {  	[sflag:s13] =	ssyncset.done $0x0  }
0x1ff: {  	[sflag:s13] =	ssyncadd.s32 $0xFFFFFC00  }
0x200: {  	_ =	swait.ge [sflag:s13], $0x400  }
0x201: {  	[sflag:s13] =	ssyncset.done $0x0  }
0x202: {  	[sflag:s13] =	ssyncadd.s32 $0xFFFFFC00  }
0x203: {  	_ =	swait.ge [sflag:s13], $0x400  }
0x204: {  	[sflag:s13] =	ssyncset.done $0x0  }
0x205: {  	[sflag:s13] =	ssyncadd.s32 $0xFFFFFC00  }
0x206: {  	_ =	swait.ge [sflag:s13], $0x400  }
0x207: {  	[sflag:s13] =	ssyncset.done $0x0  }
0x208: {  	[sflag:s13] =	ssyncadd.s32 $0xFFFFFC00  }
0x209: {  	_ =	swait.ge [sflag:s13], $0x400  }
0x20a: {  	[sflag:s13] =	ssyncset.done $0x0  }
0x20b: {  	[sflag:s13] =	ssyncadd.s32 $0xFFFFFC00  }
0x20c: {  	_ =	swait.ge [sflag:s13], $0x400  }
0x20d: {  	[sflag:s13] =	ssyncset.done $0x0  }
0x20e: {  	[sflag:s13] =	ssyncadd.s32 $0xFFFFFC00  }
0x20f: {  	_ =	swait.ge [sflag:s13], $0x400  }
0x210: {  	[sflag:s13] =	ssyncset.done $0x0  }
0x211: {  	[sflag:s13] =	ssyncadd.s32 $0xFFFFFC00  }
0x212: {  	_ =	swait.ge [sflag:s13], $0x400  }
0x213: {  	[sflag:s13] =	ssyncset.done $0x0  }
0x214: {  	[sflag:s13] =	ssyncadd.s32 $0xFFFFFC00  }
0x215: {  	_ =	swait.ge [sflag:s13], $0x400  }
0x216: {  	[sflag:s13] =	ssyncset.done $0x0  }
0x217: {  	[sflag:s13] =	ssyncadd.s32 $0xFFFFFC00  }
0x218: {  	_ =	swait.ge [sflag:s13], $0x400  }
0x219: {  	s8 =	sld [smem:$0x7BA]  }
0x21a: {  	[sflag:s13] =	ssyncset.done $0x0  }
0x21b: {  	s9 =	simm.s32 $0x100;
	[sflag:s13] =	ssyncadd.s32 $0xFFFFFC00  }
0x21c: {  	[spmem:s8] =	stream.linear.scatter [tilespmem:s9], [sflag:$0x2], $0x80, $0x38;
	[tilespmem:$0x9398] =	vst v63  }
0x21d: {  	_ =	swait.ge [sflag:s12], $0x80  }
0x21e: {  	s11 =	sld [smem:$0x7DA]  }
0x21f: {  	[sflag:s12] =	ssyncset.done $0x0  }
0x220: {  	s10 =	rddreg [dreg:$0x7];
	[sflag:s12] =	ssyncadd.s32 $0xFFFFFF80  }
0x221: {  	[spmem:s10] =	stream.linear.scatter [tilespmem:s11], [sflag:$0x2], $0x80, $0x38;
	[tilespmem:$0x9398] =	vst v63  }
0x222: {  	_ =	swait.ge [sflag:s12], $0x80  }
0x223: {  	s15 =	sld [smem:$0x7DB]  }
0x224: {  	[sflag:s12] =	ssyncset.done $0x0  }
0x225: {  	s14 =	rddreg [dreg:$0x8];
	[sflag:s12] =	ssyncadd.s32 $0xFFFFFF80  }
0x226: {  	[spmem:s14] =	stream.linear.scatter [tilespmem:s15], [sflag:$0x2], $0x80, $0x38;
	[tilespmem:$0x9398] =	vst v63  }
0x227: {  	_ =	swait.ge [sflag:s12], $0x80  }
0x228: {  	s17 =	sld [smem:$0x7DC]  }
0x229: {  	[sflag:s12] =	ssyncset.done $0x0  }
0x22a: {  	s16 =	rddreg [dreg:$0x9];
	[sflag:s12] =	ssyncadd.s32 $0xFFFFFF80  }
0x22b: {  	[spmem:s16] =	stream.linear.scatter [tilespmem:s17], [sflag:$0x2], $0x80, $0x38;
	[tilespmem:$0x9398] =	vst v63  }
0x22c: {  	_ =	swait.ge [sflag:s12], $0x80  }
0x22d: {  	s19 =	sld [smem:$0x7DD]  }
0x22e: {  	[sflag:s12] =	ssyncset.done $0x0  }
0x22f: {  	s18 =	rddreg [dreg:$0xa];
	[sflag:s12] =	ssyncadd.s32 $0xFFFFFF80  }
0x230: {  	[spmem:s18] =	stream.linear.scatter [tilespmem:s19], [sflag:$0x2], $0x80, $0x38;
	[tilespmem:$0x9398] =	vst v63  }
0x231: {  	_ =	swait.ge [sflag:s12], $0x80  }
0x232: {  	s21 =	sld [smem:$0x7DE]  }
0x233: {  	[sflag:s12] =	ssyncset.done $0x0  }
0x234: {  	s20 =	rddreg [dreg:$0xb];
	[sflag:s12] =	ssyncadd.s32 $0xFFFFFF80  }
0x235: {  	[spmem:s20] =	stream.linear.scatter [tilespmem:s21], [sflag:$0x2], $0x80, $0x38;
	[tilespmem:$0x9398] =	vst v63  }
0x236: {  	_ =	swait.ge [sflag:s12], $0x80  }
0x237: {  	s23 =	sld [smem:$0x7DF]  }
0x238: {  	[sflag:s12] =	ssyncset.done $0x0  }
0x239: {  	s22 =	rddreg [dreg:$0xc];
	[sflag:s12] =	ssyncadd.s32 $0xFFFFFF80  }
0x23a: {  	[spmem:s22] =	stream.linear.scatter [tilespmem:s23], [sflag:$0x2], $0x80, $0x38;
	[tilespmem:$0x9398] =	vst v63  }
0x23b: {  	_ =	swait.ge [sflag:s12], $0x80  }
0x23c: {  	s26 =	sld [smem:$0x7E0]  }
0x23d: {  	[sflag:s12] =	ssyncset.done $0x0  }
0x23e: {  	s25 =	rddreg [dreg:$0xd];
	[sflag:s12] =	ssyncadd.s32 $0xFFFFFF80  }
0x23f: {  	[spmem:s25] =	stream.linear.scatter [tilespmem:s26], [sflag:$0x2], $0x80, $0x38;
	[tilespmem:$0x9398] =	vst v63  }
0x240: {  	_ =	swait.ge [sflag:s12], $0x80  }
0x241: {  	[sflag:s12] =	ssyncset.done $0x0  }
0x242: {  	s29 =	simm.s32 $0x2100;
	s28 =	rddreg [dreg:$0xe];
	[sflag:s12] =	ssyncadd.s32 $0xFFFFFF80  }
0x243: {  	[spmem:s28] =	stream.linear.scatter [tilespmem:s29], [sflag:$0x2], $0x80, $0x38;
	[tilespmem:$0x9398] =	vst v63  }
0x244: {  	_ =	swait.ge [sflag:s12], $0x80  }
0x245: {  	s31 =	sld [smem:$0x7E1]  }
0x246: {  	[sflag:s12] =	ssyncset.done $0x0  }
0x247: {  	s30 =	rddreg [dreg:$0xf];
	[sflag:s12] =	ssyncadd.s32 $0xFFFFFF80  }
0x248: {  	[spmem:s30] =	stream.linear.scatter [tilespmem:s31], [sflag:$0x2], $0x80, $0x38;
	[tilespmem:$0x9398] =	vst v63  }
0x249: {  	_ =	swait.ge [sflag:s12], $0x80  }
0x24a: {  	s2 =	sld [smem:$0x7E2]  }
0x24b: {  	[sflag:s12] =	ssyncset.done $0x0  }
0x24c: {  	s1 =	rddreg [dreg:$0x10];
	[sflag:s12] =	ssyncadd.s32 $0xFFFFFF80  }
0x24d: {  	[spmem:s1] =	stream.linear.scatter [tilespmem:s2], [sflag:$0x2], $0x80, $0x38;
	[tilespmem:$0x9398] =	vst v63  }
0x24e: {  	_ =	swait.ge [sflag:s12], $0x80  }
0x24f: {  	s4 =	sld [smem:$0x7E3]  }
0x250: {  	[sflag:s12] =	ssyncset.done $0x0  }
0x251: {  	s3 =	rddreg [dreg:$0x11];
	[sflag:s12] =	ssyncadd.s32 $0xFFFFFF80  }
0x252: {  	[spmem:s3] =	stream.linear.scatter [tilespmem:s4], [sflag:$0x2], $0x80, $0x38;
	[tilespmem:$0x9398] =	vst v63  }
0x253: {  	_ =	swait.ge [sflag:s12], $0x80  }
0x254: {  	s7 =	sld [smem:$0x7E4]  }
0x255: {  	[sflag:s12] =	ssyncset.done $0x0  }
0x256: {  	s5 =	rddreg [dreg:$0x12];
	[sflag:s12] =	ssyncadd.s32 $0xFFFFFF80  }
0x257: {  	[spmem:s5] =	stream.linear.scatter [tilespmem:s7], [sflag:$0x2], $0x80, $0x38;
	[tilespmem:$0x9398] =	vst v63  }
0x258: {  	_ =	swait.ge [sflag:s12], $0x80  }
0x259: {  	s9 =	sld [smem:$0x7E5]  }
0x25a: {  	[sflag:s12] =	ssyncset.done $0x0  }
0x25b: {  	s8 =	rddreg [dreg:$0x13];
	[sflag:s12] =	ssyncadd.s32 $0xFFFFFF80  }
0x25c: {  	[spmem:s8] =	stream.linear.scatter [tilespmem:s9], [sflag:$0x2], $0x80, $0x38;
	[tilespmem:$0x9398] =	vst v63  }
0x25d: {  	_ =	swait.ge [sflag:s12], $0x80  }
0x25e: {  	s11 =	sld [smem:$0x7E6]  }
0x25f: {  	[sflag:s12] =	ssyncset.done $0x0  }
0x260: {  	s10 =	rddreg [dreg:$0x14];
	[sflag:s12] =	ssyncadd.s32 $0xFFFFFF80  }
0x261: {  	[spmem:s10] =	stream.linear.scatter [tilespmem:s11], [sflag:$0x2], $0x80, $0x38;
	[tilespmem:$0x9398] =	vst v63  }
0x262: {  	_ =	swait.ge [sflag:s12], $0x80  }
0x263: {  	s15 =	sld [smem:$0x7E7]  }
0x264: {  	[sflag:s12] =	ssyncset.done $0x0  }
0x265: {  	s14 =	rddreg [dreg:$0x15];
	[sflag:s12] =	ssyncadd.s32 $0xFFFFFF80  }
0x266: {  	[spmem:s14] =	stream.linear.scatter [tilespmem:s15], [sflag:$0x2], $0x80, $0x38;
	[tilespmem:$0x9398] =	vst v63  }
0x267: {  	_ =	swait.ge [sflag:s12], $0x80  }
0x268: {  	[sflag:s12] =	ssyncset.done $0x0  }
0x269: {  	s17 =	simm.s32 $0x4100;
	s16 =	rddreg [dreg:$0x16];
	[sflag:s12] =	ssyncadd.s32 $0xFFFFFF80  }
0x26a: {  	[spmem:s16] =	stream.linear.scatter [tilespmem:s17], [sflag:$0x2], $0x80, $0x38;
	[tilespmem:$0x9398] =	vst v63  }
0x26b: {  	_ =	swait.ge [sflag:s12], $0x80  }
0x26c: {  	s19 =	sld [smem:$0x7E8]  }
0x26d: {  	[sflag:s12] =	ssyncset.done $0x0  }
0x26e: {  	s18 =	rddreg [dreg:$0x17];
	[sflag:s12] =	ssyncadd.s32 $0xFFFFFF80  }
0x26f: {  	[spmem:s18] =	stream.linear.scatter [tilespmem:s19], [sflag:$0x2], $0x80, $0x38;
	[tilespmem:$0x9398] =	vst v63  }
0x270: {  	_ =	swait.ge [sflag:s12], $0x80  }
0x271: {  	s21 =	sld [smem:$0x7E9]  }
0x272: {  	[sflag:s12] =	ssyncset.done $0x0  }
0x273: {  	s20 =	rddreg [dreg:$0x18];
	[sflag:s12] =	ssyncadd.s32 $0xFFFFFF80  }
0x274: {  	[spmem:s20] =	stream.linear.scatter [tilespmem:s21], [sflag:$0x2], $0x80, $0x38;
	[tilespmem:$0x9398] =	vst v63  }
0x275: {  	_ =	swait.ge [sflag:s12], $0x80  }
0x276: {  	s23 =	sld [smem:$0x7EA]  }
0x277: {  	[sflag:s12] =	ssyncset.done $0x0  }
0x278: {  	s22 =	rddreg [dreg:$0x19];
	[sflag:s12] =	ssyncadd.s32 $0xFFFFFF80  }
0x279: {  	[spmem:s22] =	stream.linear.scatter [tilespmem:s23], [sflag:$0x2], $0x80, $0x38;
	[tilespmem:$0x9398] =	vst v63  }
0x27a: {  	_ =	swait.ge [sflag:s12], $0x80  }
0x27b: {  	s26 =	sld [smem:$0x7EB]  }
0x27c: {  	[sflag:s12] =	ssyncset.done $0x0  }
0x27d: {  	s25 =	rddreg [dreg:$0x1a];
	[sflag:s12] =	ssyncadd.s32 $0xFFFFFF80  }
0x27e: {  	[spmem:s25] =	stream.linear.scatter [tilespmem:s26], [sflag:$0x2], $0x80, $0x38;
	[tilespmem:$0x9398] =	vst v63  }
0x27f: {  	_ =	swait.ge [sflag:s12], $0x80  }
0x280: {  	s29 =	sld [smem:$0x7EC]  }
0x281: {  	[sflag:s12] =	ssyncset.done $0x0  }
0x282: {  	s28 =	rddreg [dreg:$0x1b];
	[sflag:s12] =	ssyncadd.s32 $0xFFFFFF80  }
0x283: {  	[spmem:s28] =	stream.linear.scatter [tilespmem:s29], [sflag:$0x2], $0x80, $0x38;
	[tilespmem:$0x9398] =	vst v63  }
0x284: {  	_ =	swait.ge [sflag:s12], $0x80  }
0x285: {  	s31 =	sld [smem:$0x7ED]  }
0x286: {  	[sflag:s12] =	ssyncset.done $0x0  }
0x287: {  	s30 =	rddreg [dreg:$0x1c];
	[sflag:s12] =	ssyncadd.s32 $0xFFFFFF80  }
0x288: {  	[spmem:s30] =	stream.linear.scatter [tilespmem:s31], [sflag:$0x2], $0x80, $0x38;
	[tilespmem:$0x9398] =	vst v63  }
0x289: {  	_ =	swait.ge [sflag:s12], $0x80  }
0x28a: {  	s3 =	sld [smem:$0x7EE]  }
0x28b: {  	[sflag:s12] =	ssyncset.done $0x0  }
0x28c: {  	s2 =	rddreg [dreg:$0x1d];
	[sflag:s12] =	ssyncadd.s32 $0xFFFFFF80  }
0x28d: {  	[spmem:s2] =	stream.linear.scatter [tilespmem:s3], [sflag:$0x2], $0x80, $0x38;
	[tilespmem:$0x9398] =	vst v63  }
0x28e: {  	_ =	swait.ge [sflag:s12], $0x80  }
0x28f: {  	[sflag:s12] =	ssyncset.done $0x0  }
0x290: {  	s5 =	simm.s32 $0x6100;
	s4 =	rddreg [dreg:$0x1e];
	[sflag:s12] =	ssyncadd.s32 $0xFFFFFF80  }
0x291: {  	[spmem:s4] =	stream.linear.scatter [tilespmem:s5], [sflag:$0x2], $0x80, $0x38;
	[tilespmem:$0x9398] =	vst v63  }
0x292: {  	_ =	swait.ge [sflag:s12], $0x80  }
0x293: {  	s8 =	sld [smem:$0x7EF]  }
0x294: {  	[sflag:s12] =	ssyncset.done $0x0  }
0x295: {  	s7 =	rddreg [dreg:$0x1f];
	[sflag:s12] =	ssyncadd.s32 $0xFFFFFF80  }
0x296: {  	[spmem:s7] =	stream.linear.scatter [tilespmem:s8], [sflag:$0x2], $0x80, $0x38;
	[tilespmem:$0x9398] =	vst v63  }
0x297: {  	_ =	swait.ge [sflag:s12], $0x80  }
0x298: {  	s9 =	sld [smem:$0x7B5]  }
0x299: {  	s10 =	sld [smem:$0x7F1]  }
0x29a: {  	[sflag:s12] =	ssyncset.done $0x0  }
0x29b: {  	[sflag:s12] =	ssyncadd.s32 $0xFFFFFF80  }
0x29c: {  	[spmem:s9] =	stream.linear.scatter [tilespmem:s10], [sflag:$0x2], $0x80, $0x38;
	[tilespmem:$0x9398] =	vst v63  }
0x29d: {  	_ =	swait.ge [sflag:s12], $0x80  }
0x29e: {  	s11 =	sld [smem:$0x7B6]  }
0x29f: {  	s14 =	sld [smem:$0x7F3]  }
0x2a0: {  	[sflag:s12] =	ssyncset.done $0x0  }
0x2a1: {  	[sflag:s12] =	ssyncadd.s32 $0xFFFFFF80  }
0x2a2: {  	[spmem:s11] =	stream.linear.scatter [tilespmem:s14], [sflag:$0x2], $0x80, $0x38;
	[tilespmem:$0x9398] =	vst v63  }
0x2a3: {  	_ =	swait.ge [sflag:s12], $0x80  }
0x2a4: {  	s15 =	sld [smem:$0x7B7]  }
0x2a5: {  	s16 =	sld [smem:$0x7F6]  }
0x2a6: {  	[sflag:s12] =	ssyncset.done $0x0  }
0x2a7: {  	[sflag:s12] =	ssyncadd.s32 $0xFFFFFF80  }
0x2a8: {  	[spmem:s15] =	stream.linear.scatter [tilespmem:s16], [sflag:$0x2], $0x80, $0x38;
	[tilespmem:$0x9398] =	vst v63  }
0x2a9: {  	_ =	swait.ge [sflag:s12], $0x80  }
0x2aa: {  	s17 =	sld [smem:$0x7B8]  }
0x2ab: {  	s18 =	sld [smem:$0x7F7]  }
0x2ac: {  	[sflag:s12] =	ssyncset.done $0x0  }
0x2ad: {  	[sflag:s12] =	ssyncadd.s32 $0xFFFFFF80  }
0x2ae: {  	[spmem:s17] =	stream.linear.scatter [tilespmem:s18], [sflag:$0x2], $0x80, $0x38;
	[tilespmem:$0x9398] =	vst v63  }
0x2af: {  	_ =	swait.ge [sflag:s12], $0x80  }
0x2b0: {  	s19 =	sld [smem:$0x7B9]  }
0x2b1: {  	s20 =	sld [smem:$0x7F8]  }
0x2b2: {  	[sflag:s12] =	ssyncset.done $0x0  }
0x2b3: {  	[sflag:s12] =	ssyncadd.s32 $0xFFFFFF80  }
0x2b4: {  	[spmem:s19] =	stream.linear.scatter [tilespmem:s20], [sflag:$0x2], $0x80, $0x38;
	[tilespmem:$0x9398] =	vst v63  }
0x2b5: {  	_ =	swait.ge [sflag:s12], $0x80  }
0x2b6: {  	s21 =	sld [smem:$0x7BB]  }
0x2b7: {  	s22 =	sld [smem:$0x7F9]  }
0x2b8: {  	[sflag:s12] =	ssyncset.done $0x0  }
0x2b9: {  	[sflag:s12] =	ssyncadd.s32 $0xFFFFFF80  }
0x2ba: {  	[spmem:s21] =	stream.linear.scatter [tilespmem:s22], [sflag:$0x2], $0x80, $0x38;
	[tilespmem:$0x9398] =	vst v63  }
0x2bb: {  	_ =	swait.ge [sflag:s12], $0x80  }
0x2bc: {  	[sflag:s12] =	ssyncset.done $0x0  }
0x2bd: {  	[sflag:s12] =	ssyncadd.s32 $0xFFFFFF80  }
0x2be: {  	v2 =	vld [tilespmem:$0x0]  }
0x2bf: {  	v3 =	vld [tilespmem:$0x10];
	_ =	sdelay $0x2  }
0x2c0: {  	s23 =	sld [smem:$0x7FA]  }
0x2c1: {  	s25 =	sld [smem:$0x7FB];
	v2 =	vand.u32 $0x7F, v2  }
0x2c2: {  	s26 =	sld [smem:$0x7FC];
	v3 =	vand.u32 $0x7F, v3;
	v2 =	vor.u32 v2, v0  }
0x2c3: {  	[tilespmem:$0x80] =	vst v2;
	v2 =	vor.u32 v3, v1  }
0x2c4: {  	s28 =	rddreg [dreg:$0x2];
	[tilespmem:$0x90] =	vst v2  }
0x2c5: {  	[tilespmem:s26], [sflag:$0x1] =	stream.indirect.gather [spmem:s28], $0x1, s25, s23, $0xb8;
	[tilespmem:$0x9398] =	vst v63  }
0x2c6: {  	_ =	swait.ge [sflag:s13], $0x20  }
0x2c7: {  	[sflag:s13] =	ssyncset.done $0x0  }
0x2c8: {  	[sflag:s13] =	ssyncadd.s32 $0xFFFFFFE0  }
0x2c9: {  	v2 =	vld [tilespmem:$0x9100]  }
0x2ca: {  	v3 =	vld [tilespmem:$0x9110];
	_ =	sdelay $0x4  }
0x2cb: {  	v2 =	vadd.f32 v3, v2  }
0x2cc: {  	s29 =	sld [smem:$0x7BC]  }
0x2cd: {  	s30 =	sld [smem:$0x7FD];
	v2 =	vmul.f32 $-9.765625000e-04, v2;
	_ =	sdelay $0x1  }
0x2ce: {  	[tilespmem:$0x9180] =	vst v2  }
0x2cf: {  	[spmem:s29] =	stream.linear.scatter [tilespmem:s30], [sflag:$0x2], $0x10, $0x38;
	[tilespmem:$0x9398] =	vst v63  }
0x2d0: {  	_ =	swait.ge [sflag:s12], $0x10  }
0x2d1: {  	[sflag:s12] =	ssyncset.done $0x0  }
0x2d2: {  	[sflag:s12] =	ssyncadd.s32 $0xFFFFFFF0  }
0x2d3: {  	[bflag:$0x0] =	sbarrier.arrive $0xFFFF  }
0x2d4: {  	s0 =	simm.s32 @!p0 $0x9280;
	s1 =	rddreg [dreg:$0x3]  }
0x2d5: {  	[tilespmem:s0], [sflag:$0x2] =	stream.linear.gather @!p0 [spmem:s1], $0x100, $0x38;
	[tilespmem:$0x9398] =	vst v63  }
0x2d6: {  	s0 =	simm.s32 @!p0 $0x2  }
0x2d7: {  	_ =	swait.ge @!p0 [sflag:s0], $0x100  }
0x2d8: {  	[sflag:s0] =	ssyncset.done @!p0 $0x0  }
0x2d9: {  	[sflag:s0] =	ssyncadd.s32 @!p0 $0xFFFFFF00  }
0x2da: {  	v2 =	vld @!p0 [tilespmem:$0x9280]  }
0x2db: {  	v3 =	vld @!p0 [tilespmem:$0x9290];
	_ =	sdelay $0x1  }
0x2dc: {  	v4 =	vld @!p0 [tilespmem:$0x92A0];
	_ =	sdelay $0x1  }
0x2dd: {  	v5 =	vld @!p0 [tilespmem:$0x92B0]  }
0x2de: {  	v2 =	vadd.f32 @!p0 v3, v2  }
0x2df: {  	v3 =	vld @!p0 [tilespmem:$0x92C0]  }
0x2e0: {  	v2 =	vadd.f32 @!p0 v4, v2  }
0x2e1: {  	v4 =	vld @!p0 [tilespmem:$0x92D0]  }
0x2e2: {  	v2 =	vadd.f32 @!p0 v5, v2  }
0x2e3: {  	v5 =	vld @!p0 [tilespmem:$0x92E0]  }
0x2e4: {  	v2 =	vadd.f32 @!p0 v3, v2  }
0x2e5: {  	v3 =	vld @!p0 [tilespmem:$0x92F0]  }
0x2e6: {  	v2 =	vadd.f32 @!p0 v4, v2  }
0x2e7: {  	v4 =	vld @!p0 [tilespmem:$0x9300]  }
0x2e8: {  	v2 =	vadd.f32 @!p0 v5, v2  }
0x2e9: {  	v5 =	vld @!p0 [tilespmem:$0x9310]  }
0x2ea: {  	v2 =	vadd.f32 @!p0 v3, v2  }
0x2eb: {  	v3 =	vld @!p0 [tilespmem:$0x9320]  }
0x2ec: {  	v2 =	vadd.f32 @!p0 v4, v2  }
0x2ed: {  	v4 =	vld @!p0 [tilespmem:$0x9330]  }
0x2ee: {  	v2 =	vadd.f32 @!p0 v5, v2  }
0x2ef: {  	v5 =	vld @!p0 [tilespmem:$0x9340]  }
0x2f0: {  	v2 =	vadd.f32 @!p0 v3, v2  }
0x2f1: {  	v3 =	vld @!p0 [tilespmem:$0x9350]  }
0x2f2: {  	v2 =	vadd.f32 @!p0 v4, v2  }
0x2f3: {  	v4 =	vld @!p0 [tilespmem:$0x9360]  }
0x2f4: {  	v2 =	vadd.f32 @!p0 v5, v2  }
0x2f5: {  	v5 =	vld @!p0 [tilespmem:$0x9370]  }
0x2f6: {  	v2 =	vadd.f32 @!p0 v3, v2;
	v3 =	vimm.f32 @!p0 $0.0e+00  }
0x2f7: {  	s1 =	simm.s32 @!p0 $0x9200;
	s2 =	rddreg [dreg:$0x4];
	[tilespmem:$0x9200] =	vst @!p0 v3  }
0x2f8: {  	v3 =	vimm.s32 @!p0 $0x0;
	v2 =	vadd.f32 @!p0 v4, v2;
	[spmem:s2] =	stream.linear.scatter @!p0 [tilespmem:s1], [sflag:$0x2], $0x80, $0x38;
	[tilespmem:$0x9398] =	vst v63  }
0x2f9: {  	_ =	swait.ge @!p0 [sflag:s0], $0x80  }
0x2fa: {  	v2 =	vadd.f32 @!p0 v5, v2;
	[sflag:s0] =	ssyncset.done @!p0 $0x0  }
0x2fb: {  	[sflag:s0] =	ssyncadd.s32 @!p0 $0xFFFFFF80  }
0x2fc: {  	[tilespmem:$0x9200] =	vst @!p0 v2  }
0x2fd: {  	[spmem:s2] =	stream.indirect_vreg.scatter.add.f32 @!p0 [tilespmem:s1], [sflag:$0x2], $0x1, v3, vm0, $0xb8;
	[tilespmem:$0x9398] =	vst v63  }
0x2fe: {  	_ =	swait.ge @!p0 [sflag:s0], $0x10  }
0x2ff: {  	[sflag:s0] =	ssyncset.done @!p0 $0x0  }
0x300: {  	[sflag:s0] =	ssyncadd.s32 @!p0 $0xFFFFFFF0  }
0x301: {  	[tilespmem:s1], [sflag:$0x2] =	stream.linear.gather @!p0 [spmem:s2], $0x80, $0x38;
	[tilespmem:$0x9398] =	vst v63  }
0x302: {  	_ =	swait.ge @!p0 [sflag:s0], $0x80  }
0x303: {  	s2 =	sld [smem:$0x7BD]  }
0x304: {  	[sflag:s0] =	ssyncset.done @!p0 $0x0;
	s31 =	sld [smem:$0x7B4]  }
0x305: {  	s3 =	simm.s32 @!p0 $0x0;
	[sflag:s0] =	ssyncadd.s32 @!p0 $0xFFFFFF80  }
0x306: {  	[hbm4b:s2+s3] =	stream.linear.scatter @!p0 [tilespmem:s1], [sflag:$0x2], $0x80, $0x38;
	[tilespmem:$0x9398] =	vst v63  }
0x307: {  	s3 =	sadd.s32 $0xFFFFFFFF, s31  }
0x308: {  	p1 =	sne.s32 s3, $0x0  }
.Ltmp0:
0x309: {  	_ = 	snop;
	(pc) =	sbr.rel @p1 .LBB2_1-.Ltmp0, $4  }
0x30a: {  	_ = 	snop  }
0x30b: {  	_ =	swait.ge @!p0 [sflag:s0], $0x80  }
0x30c: {  	[sflag:s0] =	ssyncset.done @!p0 $0x0  }
0x30d: {  	[sflag:s0] =	ssyncadd.s32 @!p0 $0xFFFFFF80  }
0x30e: {  	_ =	sfence.sel $0x180000  }
0x30f: {  	[bflag:$0x0] =	sbarrier.arrive $0xFFFF  }
0x310: {  	_ =	strace $0x90000047  }
0x311: {  	[bflag:$0x2] =	sbarrier.arrive $0xFFFF  }
0x312: {  	s0 =	rddreg [dreg:$0x5]  }
0x313: {  	s0 =	sadd.s32 @!p0 $0x100000, s0  }
0x314: {  	[sflag:s0] =	ssyncadd.tile.s32 @!p0 $0x1;
	_ =	shalt  }
.Lfunc_end2:
_tile_overlayer_lowered:
.L_overlay_start_2:
0x315: {  	(tag) =	ssettag $0x2  }
0x316: {  	s0 =	rddreg [dreg:$0x0];
	s2 =	stileid.u32  }
0x317: {  	s1 =	rddreg [dreg:$0x1];
	p0 =	sne.s32 s2, $0x0  }
0x318: {  	s3 =	rddreg [dreg:$0x2];
	[bflag:$0x3] =	sbarrier.arrive $0xFFFF;
	s2 =	simm.s32 @!p0 $0x1C02  }
0x319: {  	[timem:s3], [sflag:s2] =	dma.local @!p0 [hbm:s0], s1  }
0x31a: {  	s0 =	simm.s32 @!p0 $0x2  }
0x31b: {  	_ =	swait.ge @!p0 [sflag:s0], s1  }
0x31c: {  	s1 =	ssub.s32 @!p0 $0x0, s1;
	[sflag:s0] =	ssyncset.done @!p0 $0x0  }
0x31d: {  	[sflag:s0] =	ssyncadd.s32 @!p0 s1  }
0x31e: {  	[bflag:$0x3] =	sbarrier.arrive $0xFFFF  }
0x31f: {  	_ =	shalt  }

</sc_bundles>
